<compile_context>
chip_gen: v7x
topology: tpu7x:2x2x1
jax: 0.10.2.dev20260603
libtpu: 0.0.44.dev20260713+nightly
codegen_flags: <defaults>
</compile_context>

<pallas_src>
import functools

import jax
import jax.numpy as jnp
from jax import lax
from jax.experimental import pallas as pl
from jax.experimental.pallas import tpu as pltpu
from jax.experimental.pallas import tpu_sc as plsc

S, H, I, E, K = 2048, 1024, 1024, 64, 2
NA = S * K
TB = 64
NT = NA // TB + E
NPAD = (NT + 1) * TB
CH = 512

NC, NS = 2, 16
NW = NC * NS
L = 16
K2_C, K2_W = 4, 32
K4_C, K4_W = 4, 16


def _router_body(x_ref, rw_ref, logits_ref, pos_ref, w_ref, sp_ref):
    x = x_ref[...]
    logits = jnp.dot(x, rw_ref[...], preferred_element_type=jnp.float32)
    logits_ref[...] = logits

    iota_e = lax.broadcasted_iota(jnp.int32, (CH, E), 1)
    r_i = lax.broadcasted_iota(jnp.int32, (CH, CH), 0)
    c_i = lax.broadcasted_iota(jnp.int32, (CH, CH), 1)
    tril = (r_i > c_i).astype(jnp.float32)

    e1s, e2s, w1s, w2s = [], [], [], []
    for c in range(S // CH):
        lg = logits[c * CH:(c + 1) * CH, :]
        mx = jnp.max(lg, axis=1, keepdims=True)
        ex = jnp.exp(lg - mx)
        p = ex / jnp.sum(ex, axis=1, keepdims=True)
        m1 = jnp.max(p, axis=1, keepdims=True)
        e1 = jnp.min(jnp.where(p == m1, iota_e, E), axis=1, keepdims=True)
        p2 = jnp.where(iota_e == e1, -1.0, p)
        m2 = jnp.max(p2, axis=1, keepdims=True)
        e2 = jnp.min(jnp.where(p2 == m2, iota_e, E), axis=1, keepdims=True)
        sw = m1 + m2
        e1s.append(e1); e2s.append(e2)
        w1s.append(m1 / sw); w2s.append(m2 / sw)

    carry = jnp.zeros((1, E), jnp.float32)
    onehots, ranks = [], []
    for es in (e1s, e2s):
        for c in range(S // CH):
            a = (iota_e == es[c]).astype(jnp.float32)
            rk_full = jnp.dot(tril, a, preferred_element_type=jnp.float32) + carry
            ranks.append(jnp.sum(rk_full * a, axis=1, keepdims=True))
            onehots.append(a)
            carry = carry + jnp.sum(a, axis=0, keepdims=True)

    counts_i = carry.astype(jnp.int32)
    tiles = (((counts_i + (TB - 1)) // TB)).astype(jnp.float32)
    tiles_ext = jnp.concatenate([tiles, jnp.zeros((1, 128 - E), jnp.float32)],
                                axis=1)
    u_r = lax.broadcasted_iota(jnp.int32, (128, 128), 0)
    u_c = lax.broadcasted_iota(jnp.int32, (128, 128), 1)
    upper = (u_r < u_c).astype(jnp.float32)
    toff = jnp.dot(tiles_ext, upper, preferred_element_type=jnp.float32)
    offsets = toff * float(TB)
    tends = toff[:, :E] + tiles
    n_tiles = jnp.sum(tiles, axis=1, keepdims=True)

    jj = lax.broadcasted_iota(jnp.int32, (128, E), 0).astype(jnp.float32)
    texp = jnp.sum((tends <= jj).astype(jnp.float32), axis=1, keepdims=True)
    texp = jnp.minimum(texp, float(E - 1))
    jcol = lax.broadcasted_iota(jnp.int32, (128, 1), 0).astype(jnp.float32)
    trow = jnp.where(jcol < n_tiles, jcol, float(NT))
    sp_ref[:, 0:1] = texp.astype(jnp.int32)
    sp_ref[:, 1:2] = trow.astype(jnp.int32)

    idx = 0
    off_row = offsets[:, :E]
    for slot in range(K):
        for c in range(S // CH):
            a = onehots[idx]
            base = jnp.sum(a * off_row, axis=1, keepdims=True)
            posv = (base + ranks[idx]).astype(jnp.int32)
            pos_ref[pl.ds(c * CH, CH), pl.ds(slot, 1)] = posv
            wv = w1s[c] if slot == 0 else w2s[c]
            w_ref[pl.ds(c * CH, CH), pl.ds(slot, 1)] = wv
            idx += 1


def _routing_call(x2d, router_w):
    return pl.pallas_call(
        _router_body,
        out_shape=[
            jax.ShapeDtypeStruct((S, E), jnp.float32),
            jax.ShapeDtypeStruct((S, K), jnp.int32),
            jax.ShapeDtypeStruct((S, K), jnp.float32),
            jax.ShapeDtypeStruct((128, 2), jnp.int32),
        ],
    )(x2d, router_w)


def _dispatch_body(x_hbm, sidx_hbm, xs_hbm, sidx_v, buf0, buf1, gsem, ssem):
    wid = lax.axis_index("s") * NC + lax.axis_index("c")
    pltpu.sync_copy(sidx_hbm.at[wid], sidx_v)
    base = wid * (K2_C * K2_W)
    bufs = (buf0, buf1)

    def gather(c):
        src = (base + c * K2_W) % S
        return pltpu.async_copy(x_hbm.at[pl.ds(src, K2_W)], bufs[c % 2], gsem)

    gcp = gather(0)
    scp = None
    for c in range(K2_C):
        gcp.wait()
        if scp is not None:
            scp.wait()
        gcp = gather(c + 1) if c + 1 < K2_C else None
        scp = pltpu.async_copy(bufs[c % 2], xs_hbm.at[sidx_v.at[c]], ssem)
    scp.wait()


def _dispatch_call(x2d, sidx):
    mesh = plsc.VectorSubcoreMesh(core_axis_name="c", subcore_axis_name="s")
    f = functools.partial(
        pl.kernel,
        mesh=mesh,
        out_type=jax.ShapeDtypeStruct((NPAD, H), jnp.float32),
        scratch_types=[
            pltpu.VMEM((K2_C, K2_W), jnp.int32),
            pltpu.VMEM((K2_W, H), jnp.float32),
            pltpu.VMEM((K2_W, H), jnp.float32),
            pltpu.SemaphoreType.DMA,
            pltpu.SemaphoreType.DMA,
        ],
    )(_dispatch_body)
    return f(x2d, sidx)


def _expert_body(sp_ref, xs_ref, wg_ref, wi_ref, wo_ref, ys_ref):
    xt = xs_ref[...].astype(jnp.bfloat16)
    g = jnp.dot(xt, wg_ref[0].astype(jnp.bfloat16),
                preferred_element_type=jnp.float32)
    g = g * jax.nn.sigmoid(g)
    it = jnp.dot(xt, wi_ref[0].astype(jnp.bfloat16),
                 preferred_element_type=jnp.float32)
    ys_ref[...] = jnp.dot((g * it).astype(jnp.bfloat16),
                          wo_ref[0].astype(jnp.bfloat16),
                          preferred_element_type=jnp.float32)


def _expert_call(sp, xs, w_gate, w_inter, w_out):
    grid_spec = pltpu.PrefetchScalarGridSpec(
        num_scalar_prefetch=1,
        grid=(NT,),
        in_specs=[
            pl.BlockSpec((TB, H), lambda j, sp: (sp[j, 1], 0)),
            pl.BlockSpec((1, H, I), lambda j, sp: (sp[j, 0], 0, 0)),
            pl.BlockSpec((1, H, I), lambda j, sp: (sp[j, 0], 0, 0)),
            pl.BlockSpec((1, I, H), lambda j, sp: (sp[j, 0], 0, 0)),
        ],
        out_specs=pl.BlockSpec((TB, H), lambda j, sp: (sp[j, 1], 0)),
    )
    return pl.pallas_call(
        _expert_body,
        grid_spec=grid_spec,
        out_shape=jax.ShapeDtypeStruct((NPAD, H), jnp.float32),
        compiler_params=pltpu.CompilerParams(
            vmem_limit_bytes=100 * 1024 * 1024,
        ),
    )(sp, xs, w_gate, w_inter, w_out)


def _combine_body(ys_hbm, pa_hbm, pb_hbm, w1_hbm, w2_hbm, out_hbm,
                  pa_v, pb_v, w1_v, w2_v, b1a, b1b, b2a, b2b, oba, obb,
                  gsem1, gsem2, osem1, osem2):
    wid = lax.axis_index("s") * NC + lax.axis_index("c")
    pltpu.sync_copy(pa_hbm.at[wid], pa_v)
    pltpu.sync_copy(pb_hbm.at[wid], pb_v)
    pltpu.sync_copy(w1_hbm.at[wid], w1_v)
    pltpu.sync_copy(w2_hbm.at[wid], w2_v)
    b1s, b2s, obs = (b1a, b1b), (b2a, b2b), (oba, obb)
    osems = (osem1, osem2)

    def gathers(c):
        return (pltpu.async_copy(ys_hbm.at[pa_v.at[c]], b1s[c % 2], gsem1),
                pltpu.async_copy(ys_hbm.at[pb_v.at[c]], b2s[c % 2], gsem2))

    gcp = gathers(0)
    ocp = [None, None]
    for c in range(K4_C):
        gcp[0].wait()
        gcp[1].wait()
        gcp = gathers(c + 1) if c + 1 < K4_C else gcp
        if ocp[c % 2] is not None:
            ocp[c % 2].wait()
        b1, b2, ob = b1s[c % 2], b2s[c % 2], obs[c % 2]
        for r in range(K4_W):
            w1vec = w1_v[c, r, :]
            w2vec = w2_v[c, r, :]

            @pl.loop(0, H // L)
            def _(j):
                sl = pl.ds(pl.multiple_of(j * L, L), L)
                ob[r, sl] = b1[r, sl] * w1vec + b2[r, sl] * w2vec

        ocp[c % 2] = pltpu.async_copy(
            ob, out_hbm.at[pl.ds(wid * (K4_C * K4_W) + c * K4_W, K4_W)],
            osems[c % 2])
    ocp[0].wait()
    ocp[1].wait()


def _combine_call(ys, pa, pb, w1b, w2b):
    mesh = plsc.VectorSubcoreMesh(core_axis_name="c", subcore_axis_name="s")
    f = functools.partial(
        pl.kernel,
        mesh=mesh,
        out_type=jax.ShapeDtypeStruct((S, H), jnp.float32),
        scratch_types=[
            pltpu.VMEM((K4_C, K4_W), jnp.int32),
            pltpu.VMEM((K4_C, K4_W), jnp.int32),
            pltpu.VMEM((K4_C, K4_W, L), jnp.float32),
            pltpu.VMEM((K4_C, K4_W, L), jnp.float32),
            pltpu.VMEM((K4_W, H), jnp.float32),
            pltpu.VMEM((K4_W, H), jnp.float32),
            pltpu.VMEM((K4_W, H), jnp.float32),
            pltpu.VMEM((K4_W, H), jnp.float32),
            pltpu.VMEM((K4_W, H), jnp.float32),
            pltpu.VMEM((K4_W, H), jnp.float32),
            pltpu.SemaphoreType.DMA,
            pltpu.SemaphoreType.DMA,
            pltpu.SemaphoreType.DMA,
            pltpu.SemaphoreType.DMA,
        ],
    )(_combine_body)
    return f(ys, pa, pb, w1b, w2b)


def kernel(hidden_states, router_w, w_gate, w_inter, w_out):
    b, s, h = hidden_states.shape
    x2d = hidden_states.reshape(s * b, h)

    logits, posw, ww, sp = _routing_call(x2d, router_w)

    sidx = jnp.concatenate([posw[:, 0], posw[:, 1]]).reshape(NW, K2_C, K2_W)
    xs = _dispatch_call(x2d, sidx)

    ys = _expert_call(sp, xs, w_gate, w_inter, w_out)

    pa = posw[:, 0].reshape(NW, K4_C, K4_W)
    pb = posw[:, 1].reshape(NW, K4_C, K4_W)
    w1b = jnp.broadcast_to(ww[:, 0:1], (S, L)).reshape(NW, K4_C, K4_W, L)
    w2b = jnp.broadcast_to(ww[:, 1:2], (S, L)).reshape(NW, K4_C, K4_W, L)
    final2d = _combine_call(ys, pa, pb, w1b, w2b)

    return final2d.reshape(b, s, h), logits

# --- scband reference (transcript-rebuilt; emitter-appended) ---
"""Pipeline reference for scband-mixtral-sparse-moe-block-24446953849472 (READ-ONLY COPY).

The authoritative reference and input builder live on the scoring server;
editing this copy changes nothing except your own understanding.
"""

import jax, jax.numpy as jnp
import numpy as np

B, S, H, I, E, K = 1, 2048, 1024, 1024, 64, 2

def setup_inputs(seed: int = 0) -> dict:
    key = jax.random.key(seed)
    ks = jax.random.split(key, 5)
    hidden_states = jax.random.normal(ks[0], (B, S, H), dtype=jnp.float32)
    router_w = jax.random.normal(ks[1], (H, E), dtype=jnp.float32) * 0.02
    w_gate = jax.random.normal(ks[2], (E, H, I), dtype=jnp.float32) * 0.02
    w_inter = jax.random.normal(ks[3], (E, H, I), dtype=jnp.float32) * 0.02
    w_out = jax.random.normal(ks[4], (E, I, H), dtype=jnp.float32) * 0.02
    return {"hidden_states": hidden_states, "router_w": router_w, "w_gate": w_gate, "w_inter": w_inter, "w_out": w_out}

def reference(hidden_states, router_w, w_gate, w_inter, w_out):
    b, s, h = hidden_states.shape
    x2d = hidden_states.reshape(-1, h)
    # router (sparse_feedforward_gate_dense, no bias)
    router_logits = x2d @ router_w
    routing_weights_full = jax.nn.softmax(router_logits, axis=1)
    top_w, selected_experts = jax.lax.top_k(routing_weights_full, K)
    top_w = top_w / jnp.sum(top_w, axis=-1, keepdims=True)
    final = jnp.zeros((b * s, h), dtype=hidden_states.dtype)
    num_experts = w_gate.shape[0]
    for e in range(num_experts):
        weight_e = jnp.sum(jnp.where(selected_experts == e, top_w, 0.0), axis=-1)[:, None]
        # MixtralMoeMLP: gate = silu(gate_dense(x)); x = inter_dense(x); out = out_dense(x * gate)
        gate = jax.nn.silu(x2d @ w_gate[e])
        inter = x2d @ w_inter[e]
        expert_out = (inter * gate) @ w_out[e]
        final = final + expert_out * weight_e
    return final.reshape(b, s, h), router_logits

if __name__ == "__main__":
    import jax
    _d = setup_inputs()
    print(jax.jit(kernel)(*tuple(_d.values())))

</pallas_src>

<mosaic_0001>
#map = affine_map<(d0, d1) -> (0, 0)>
#map1 = affine_map<(d0, d1) -> (0, 0, 0)>
module attributes {stable_mosaic.version = 14 : i64} {
  func.func @_dispatch_body(%arg0: i32, %arg1: i32, %arg2: memref<2048x1024xf32, #tpu.memory_space<hbm>>, %arg3: memref<32x4x32xi32, #tpu.memory_space<hbm>>, %arg4: memref<8256x1024xf32, #tpu.memory_space<hbm>>, %arg5: memref<4x32xi32, #tpu.memory_space<vmem>>, %arg6: memref<32x1024xf32, #tpu.memory_space<vmem>>, %arg7: memref<32x1024xf32, #tpu.memory_space<vmem>>, %arg8: memref<!tpu.dma_semaphore, #tpu.memory_space<semaphore_mem>>, %arg9: memref<!tpu.dma_semaphore, #tpu.memory_space<semaphore_mem>>) attributes {dimension_semantics = [#tpu.dimension_semantics<core_parallel>, #tpu.dimension_semantics<subcore_parallel>], iteration_bounds = array<i64: 2, 16>, scalar_prefetch = 0 : i64, scratch_operands = 5 : i64, tpu.core_type = #tpu.core_type<sc_vector_subcore>, window_params = [{transform_indices = #map}, {transform_indices = #map1}, {transform_indices = #map}]} {
    %mul3A = arith.constant 2 : i32
    %mul3A_0 = arith.muli %arg1, %mul3A : i32
    %add3A = arith.addi %mul3A_0, %arg0 : i32
    "tpu.region"() ({
      %run_scoped3A = tpu.sem_alloc : memref<!tpu.dma_semaphore, #tpu.memory_space<semaphore_mem>>
      %dma_start3A_154 = arith.constant 0 : i32
      %dma_start3A_155 = arith.constant 0 : i32
      %dma_start3A_156 = tpu.memref_slice %arg3[%add3A, %dma_start3A_154, %dma_start3A_155] : memref<32x4x32xi32, #tpu.memory_space<hbm>> -> memref<1x4x32xi32, #tpu.memory_space<hbm>>
      %dma_start3A_157 = tpu.memref_squeeze %dma_start3A_156 : memref<1x4x32xi32, #tpu.memory_space<hbm>> -> memref<4x32xi32, #tpu.memory_space<hbm>>
      %dma_start3A_158 = arith.constant 0 : i32
      %dma_start3A_159 = arith.constant 0 : i32
      %dma_start3A_160 = tpu.memref_slice %arg3[%add3A, %dma_start3A_158, %dma_start3A_159] : memref<32x4x32xi32, #tpu.memory_space<hbm>> -> memref<1x4x32xi32, #tpu.memory_space<hbm>>
      %dma_start3A_161 = tpu.memref_squeeze %dma_start3A_160 : memref<1x4x32xi32, #tpu.memory_space<hbm>> -> memref<4x32xi32, #tpu.memory_space<hbm>>
      tpu.enqueue_dma source(%dma_start3A_161 : memref<4x32xi32, #tpu.memory_space<hbm>>) target(%arg5 : memref<4x32xi32, #tpu.memory_space<vmem>>) target_semaphore(%run_scoped3A : memref<!tpu.dma_semaphore, #tpu.memory_space<semaphore_mem>>)
      %dma_wait3A_162 = arith.constant 0 : i32
      %dma_wait3A_163 = arith.constant 0 : i32
      %dma_wait3A_164 = tpu.memref_slice %arg3[%add3A, %dma_wait3A_162, %dma_wait3A_163] : memref<32x4x32xi32, #tpu.memory_space<hbm>> -> memref<1x4x32xi32, #tpu.memory_space<hbm>>
      %dma_wait3A_165 = tpu.memref_squeeze %dma_wait3A_164 : memref<1x4x32xi32, #tpu.memory_space<hbm>> -> memref<4x32xi32, #tpu.memory_space<hbm>>
      %dma_wait3A_166 = arith.constant 0 : i32
      %dma_wait3A_167 = arith.constant 0 : i32
      %dma_wait3A_168 = tpu.memref_slice %arg3[%add3A, %dma_wait3A_166, %dma_wait3A_167] : memref<32x4x32xi32, #tpu.memory_space<hbm>> -> memref<1x4x32xi32, #tpu.memory_space<hbm>>
      %dma_wait3A_169 = tpu.memref_squeeze %dma_wait3A_168 : memref<1x4x32xi32, #tpu.memory_space<hbm>> -> memref<4x32xi32, #tpu.memory_space<hbm>>
      tpu.wait_dma2 semaphore(%run_scoped3A : memref<!tpu.dma_semaphore, #tpu.memory_space<semaphore_mem>>) src(%dma_wait3A_169 : memref<4x32xi32, #tpu.memory_space<hbm>>) dst(%arg5 : memref<4x32xi32, #tpu.memory_space<vmem>>)
      tpu.yield
    }) : () -> ()
    %mul3A_1 = arith.constant 128 : i32
    %mul3A_2 = arith.muli %add3A, %mul3A_1 : i32
    %add3A_3 = arith.constant 0 : i32
    %add3A_4 = arith.addi %mul3A_2, %add3A_3 : i32
    %jit3A = arith.constant 2048 : i32
    %eq3A = arith.constant 0 : i32
    %eq3A_5 = arith.cmpi eq, %jit3A, %eq3A : i32
    %jit3A_6 = arith.constant 1 : i32
    %select_n3A = arith.select %eq3A_5, %jit3A_6, %jit3A : i32
    %rem3A = arith.remsi %add3A_4, %select_n3A : i32
    %ne3A = arith.constant 0 : i32
    %ne3A_7 = arith.cmpi ne, %rem3A, %ne3A : i32
    %lt3A = arith.constant 0 : i32
    %lt3A_8 = arith.cmpi slt, %rem3A, %lt3A : i32
    %lt3A_9 = arith.constant 0 : i32
    %lt3A_10 = arith.cmpi slt, %select_n3A, %lt3A_9 : i32
    %ne3A_11 = arith.xori %lt3A_8, %lt3A_10 : i1
    %and3A = arith.andi %ne3A_11, %ne3A_7 : i1
    %add3A_12 = arith.addi %rem3A, %select_n3A : i32
    %select_n3A_13 = arith.select %and3A, %add3A_12, %rem3A : i32
    %dma_start3A = arith.constant 0 : i32
    %dma_start3A_14 = tpu.memref_slice %arg2[%select_n3A_13, %dma_start3A] : memref<2048x1024xf32, #tpu.memory_space<hbm>> -> memref<32x1024xf32, #tpu.memory_space<hbm>>
    %dma_start3A_15 = arith.constant 0 : i32
    %dma_start3A_16 = tpu.memref_slice %arg2[%select_n3A_13, %dma_start3A_15] : memref<2048x1024xf32, #tpu.memory_space<hbm>> -> memref<32x1024xf32, #tpu.memory_space<hbm>>
    tpu.enqueue_dma source(%dma_start3A_16 : memref<32x1024xf32, #tpu.memory_space<hbm>>) target(%arg6 : memref<32x1024xf32, #tpu.memory_space<vmem>>) target_semaphore(%arg8 : memref<!tpu.dma_semaphore, #tpu.memory_space<semaphore_mem>>)
    %dma_wait3A = arith.constant 0 : i32
    %dma_wait3A_17 = tpu.memref_slice %arg2[%select_n3A_13, %dma_wait3A] : memref<2048x1024xf32, #tpu.memory_space<hbm>> -> memref<32x1024xf32, #tpu.memory_space<hbm>>
    %dma_wait3A_18 = arith.constant 0 : i32
    %dma_wait3A_19 = tpu.memref_slice %arg2[%select_n3A_13, %dma_wait3A_18] : memref<2048x1024xf32, #tpu.memory_space<hbm>> -> memref<32x1024xf32, #tpu.memory_space<hbm>>
    tpu.wait_dma2 semaphore(%arg8 : memref<!tpu.dma_semaphore, #tpu.memory_space<semaphore_mem>>) src(%dma_wait3A_19 : memref<32x1024xf32, #tpu.memory_space<hbm>>) dst(%arg6 : memref<32x1024xf32, #tpu.memory_space<vmem>>)
    %add3A_20 = arith.constant 32 : i32
    %add3A_21 = arith.addi %mul3A_2, %add3A_20 : i32
    %jit3A_22 = arith.constant 2048 : i32
    %eq3A_23 = arith.constant 0 : i32
    %eq3A_24 = arith.cmpi eq, %jit3A_22, %eq3A_23 : i32
    %jit3A_25 = arith.constant 1 : i32
    %select_n3A_26 = arith.select %eq3A_24, %jit3A_25, %jit3A_22 : i32
    %rem3A_27 = arith.remsi %add3A_21, %select_n3A_26 : i32
    %ne3A_28 = arith.constant 0 : i32
    %ne3A_29 = arith.cmpi ne, %rem3A_27, %ne3A_28 : i32
    %lt3A_30 = arith.constant 0 : i32
    %lt3A_31 = arith.cmpi slt, %rem3A_27, %lt3A_30 : i32
    %lt3A_32 = arith.constant 0 : i32
    %lt3A_33 = arith.cmpi slt, %select_n3A_26, %lt3A_32 : i32
    %ne3A_34 = arith.xori %lt3A_31, %lt3A_33 : i1
    %and3A_35 = arith.andi %ne3A_34, %ne3A_29 : i1
    %add3A_36 = arith.addi %rem3A_27, %select_n3A_26 : i32
    %select_n3A_37 = arith.select %and3A_35, %add3A_36, %rem3A_27 : i32
    %dma_start3A_38 = arith.constant 0 : i32
    %dma_start3A_39 = tpu.memref_slice %arg2[%select_n3A_37, %dma_start3A_38] : memref<2048x1024xf32, #tpu.memory_space<hbm>> -> memref<32x1024xf32, #tpu.memory_space<hbm>>
    %dma_start3A_40 = arith.constant 0 : i32
    %dma_start3A_41 = tpu.memref_slice %arg2[%select_n3A_37, %dma_start3A_40] : memref<2048x1024xf32, #tpu.memory_space<hbm>> -> memref<32x1024xf32, #tpu.memory_space<hbm>>
    tpu.enqueue_dma source(%dma_start3A_41 : memref<32x1024xf32, #tpu.memory_space<hbm>>) target(%arg7 : memref<32x1024xf32, #tpu.memory_space<vmem>>) target_semaphore(%arg8 : memref<!tpu.dma_semaphore, #tpu.memory_space<semaphore_mem>>)
    %dma_start3A_42 = arith.constant 0 : i32
    %dma_start3A_43 = arith.constant 0 : i32
    %dma_start3A_44 = tpu.memref_slice %arg5[%dma_start3A_42, %dma_start3A_43] : memref<4x32xi32, #tpu.memory_space<vmem>> -> memref<1x32xi32, #tpu.memory_space<vmem>>
    %dma_start3A_45 = tpu.memref_squeeze %dma_start3A_44 : memref<1x32xi32, #tpu.memory_space<vmem>> -> memref<32xi32, #tpu.memory_space<vmem>>
    %dma_start3A_46 = arith.constant 0 : i32
    %dma_start3A_47 = arith.constant 0 : i32
    %dma_start3A_48 = tpu.memref_slice %arg4[%dma_start3A_46, %dma_start3A_47] : memref<8256x1024xf32, #tpu.memory_space<hbm>> -> memref<8256x1024xf32, #tpu.memory_space<hbm>>
    tpu.enqueue_indirect_dma source(%arg6 : memref<32x1024xf32, #tpu.memory_space<vmem>>) target(%dma_start3A_48 : memref<8256x1024xf32, #tpu.memory_space<hbm>>) offsets(%dma_start3A_45 : memref<32xi32, #tpu.memory_space<vmem>>) semaphore(%arg9 : memref<!tpu.dma_semaphore, #tpu.memory_space<semaphore_mem>>)
    %dma_wait3A_49 = arith.constant 0 : i32
    %dma_wait3A_50 = tpu.memref_slice %arg2[%select_n3A_37, %dma_wait3A_49] : memref<2048x1024xf32, #tpu.memory_space<hbm>> -> memref<32x1024xf32, #tpu.memory_space<hbm>>
    %dma_wait3A_51 = arith.constant 0 : i32
    %dma_wait3A_52 = tpu.memref_slice %arg2[%select_n3A_37, %dma_wait3A_51] : memref<2048x1024xf32, #tpu.memory_space<hbm>> -> memref<32x1024xf32, #tpu.memory_space<hbm>>
    tpu.wait_dma2 semaphore(%arg8 : memref<!tpu.dma_semaphore, #tpu.memory_space<semaphore_mem>>) src(%dma_wait3A_52 : memref<32x1024xf32, #tpu.memory_space<hbm>>) dst(%arg7 : memref<32x1024xf32, #tpu.memory_space<vmem>>)
    %dma_wait3A_53 = arith.constant 0 : i32
    %dma_wait3A_54 = arith.constant 0 : i32
    %dma_wait3A_55 = tpu.memref_slice %arg5[%dma_wait3A_53, %dma_wait3A_54] : memref<4x32xi32, #tpu.memory_space<vmem>> -> memref<1x32xi32, #tpu.memory_space<vmem>>
    %dma_wait3A_56 = tpu.memref_squeeze %dma_wait3A_55 : memref<1x32xi32, #tpu.memory_space<vmem>> -> memref<32xi32, #tpu.memory_space<vmem>>
    %dma_wait3A_57 = arith.constant 0 : i32
    %dma_wait3A_58 = arith.constant 0 : i32
    %dma_wait3A_59 = tpu.memref_slice %arg4[%dma_wait3A_57, %dma_wait3A_58] : memref<8256x1024xf32, #tpu.memory_space<hbm>> -> memref<8256x1024xf32, #tpu.memory_space<hbm>>
    tpu.wait_indirect_dma semaphore(%arg9 : memref<!tpu.dma_semaphore, #tpu.memory_space<semaphore_mem>>) src(%arg6 : memref<32x1024xf32, #tpu.memory_space<vmem>>) dst(%dma_wait3A_59 : memref<8256x1024xf32, #tpu.memory_space<hbm>>)
    %add3A_60 = arith.constant 64 : i32
    %add3A_61 = arith.addi %mul3A_2, %add3A_60 : i32
    %jit3A_62 = arith.constant 2048 : i32
    %eq3A_63 = arith.constant 0 : i32
    %eq3A_64 = arith.cmpi eq, %jit3A_62, %eq3A_63 : i32
    %jit3A_65 = arith.constant 1 : i32
    %select_n3A_66 = arith.select %eq3A_64, %jit3A_65, %jit3A_62 : i32
    %rem3A_67 = arith.remsi %add3A_61, %select_n3A_66 : i32
    %ne3A_68 = arith.constant 0 : i32
    %ne3A_69 = arith.cmpi ne, %rem3A_67, %ne3A_68 : i32
    %lt3A_70 = arith.constant 0 : i32
    %lt3A_71 = arith.cmpi slt, %rem3A_67, %lt3A_70 : i32
    %lt3A_72 = arith.constant 0 : i32
    %lt3A_73 = arith.cmpi slt, %select_n3A_66, %lt3A_72 : i32
    %ne3A_74 = arith.xori %lt3A_71, %lt3A_73 : i1
    %and3A_75 = arith.andi %ne3A_74, %ne3A_69 : i1
    %add3A_76 = arith.addi %rem3A_67, %select_n3A_66 : i32
    %select_n3A_77 = arith.select %and3A_75, %add3A_76, %rem3A_67 : i32
    %dma_start3A_78 = arith.constant 0 : i32
    %dma_start3A_79 = tpu.memref_slice %arg2[%select_n3A_77, %dma_start3A_78] : memref<2048x1024xf32, #tpu.memory_space<hbm>> -> memref<32x1024xf32, #tpu.memory_space<hbm>>
    %dma_start3A_80 = arith.constant 0 : i32
    %dma_start3A_81 = tpu.memref_slice %arg2[%select_n3A_77, %dma_start3A_80] : memref<2048x1024xf32, #tpu.memory_space<hbm>> -> memref<32x1024xf32, #tpu.memory_space<hbm>>
    tpu.enqueue_dma source(%dma_start3A_81 : memref<32x1024xf32, #tpu.memory_space<hbm>>) target(%arg6 : memref<32x1024xf32, #tpu.memory_space<vmem>>) target_semaphore(%arg8 : memref<!tpu.dma_semaphore, #tpu.memory_space<semaphore_mem>>)
    %dma_start3A_82 = arith.constant 1 : i32
    %dma_start3A_83 = arith.constant 0 : i32
    %dma_start3A_84 = tpu.memref_slice %arg5[%dma_start3A_82, %dma_start3A_83] : memref<4x32xi32, #tpu.memory_space<vmem>> -> memref<1x32xi32, #tpu.memory_space<vmem>>
    %dma_start3A_85 = tpu.memref_squeeze %dma_start3A_84 : memref<1x32xi32, #tpu.memory_space<vmem>> -> memref<32xi32, #tpu.memory_space<vmem>>
    %dma_start3A_86 = arith.constant 0 : i32
    %dma_start3A_87 = arith.constant 0 : i32
    %dma_start3A_88 = tpu.memref_slice %arg4[%dma_start3A_86, %dma_start3A_87] : memref<8256x1024xf32, #tpu.memory_space<hbm>> -> memref<8256x1024xf32, #tpu.memory_space<hbm>>
    tpu.enqueue_indirect_dma source(%arg7 : memref<32x1024xf32, #tpu.memory_space<vmem>>) target(%dma_start3A_88 : memref<8256x1024xf32, #tpu.memory_space<hbm>>) offsets(%dma_start3A_85 : memref<32xi32, #tpu.memory_space<vmem>>) semaphore(%arg9 : memref<!tpu.dma_semaphore, #tpu.memory_space<semaphore_mem>>)
    %dma_wait3A_89 = arith.constant 0 : i32
    %dma_wait3A_90 = tpu.memref_slice %arg2[%select_n3A_77, %dma_wait3A_89] : memref<2048x1024xf32, #tpu.memory_space<hbm>> -> memref<32x1024xf32, #tpu.memory_space<hbm>>
    %dma_wait3A_91 = arith.constant 0 : i32
    %dma_wait3A_92 = tpu.memref_slice %arg2[%select_n3A_77, %dma_wait3A_91] : memref<2048x1024xf32, #tpu.memory_space<hbm>> -> memref<32x1024xf32, #tpu.memory_space<hbm>>
    tpu.wait_dma2 semaphore(%arg8 : memref<!tpu.dma_semaphore, #tpu.memory_space<semaphore_mem>>) src(%dma_wait3A_92 : memref<32x1024xf32, #tpu.memory_space<hbm>>) dst(%arg6 : memref<32x1024xf32, #tpu.memory_space<vmem>>)
    %dma_wait3A_93 = arith.constant 1 : i32
    %dma_wait3A_94 = arith.constant 0 : i32
    %dma_wait3A_95 = tpu.memref_slice %arg5[%dma_wait3A_93, %dma_wait3A_94] : memref<4x32xi32, #tpu.memory_space<vmem>> -> memref<1x32xi32, #tpu.memory_space<vmem>>
    %dma_wait3A_96 = tpu.memref_squeeze %dma_wait3A_95 : memref<1x32xi32, #tpu.memory_space<vmem>> -> memref<32xi32, #tpu.memory_space<vmem>>
    %dma_wait3A_97 = arith.constant 0 : i32
    %dma_wait3A_98 = arith.constant 0 : i32
    %dma_wait3A_99 = tpu.memref_slice %arg4[%dma_wait3A_97, %dma_wait3A_98] : memref<8256x1024xf32, #tpu.memory_space<hbm>> -> memref<8256x1024xf32, #tpu.memory_space<hbm>>
    tpu.wait_indirect_dma semaphore(%arg9 : memref<!tpu.dma_semaphore, #tpu.memory_space<semaphore_mem>>) src(%arg7 : memref<32x1024xf32, #tpu.memory_space<vmem>>) dst(%dma_wait3A_99 : memref<8256x1024xf32, #tpu.memory_space<hbm>>)
    %add3A_100 = arith.constant 96 : i32
    %add3A_101 = arith.addi %mul3A_2, %add3A_100 : i32
    %jit3A_102 = arith.constant 2048 : i32
    %eq3A_103 = arith.constant 0 : i32
    %eq3A_104 = arith.cmpi eq, %jit3A_102, %eq3A_103 : i32
    %jit3A_105 = arith.constant 1 : i32
    %select_n3A_106 = arith.select %eq3A_104, %jit3A_105, %jit3A_102 : i32
    %rem3A_107 = arith.remsi %add3A_101, %select_n3A_106 : i32
    %ne3A_108 = arith.constant 0 : i32
    %ne3A_109 = arith.cmpi ne, %rem3A_107, %ne3A_108 : i32
    %lt3A_110 = arith.constant 0 : i32
    %lt3A_111 = arith.cmpi slt, %rem3A_107, %lt3A_110 : i32
    %lt3A_112 = arith.constant 0 : i32
    %lt3A_113 = arith.cmpi slt, %select_n3A_106, %lt3A_112 : i32
    %ne3A_114 = arith.xori %lt3A_111, %lt3A_113 : i1
    %and3A_115 = arith.andi %ne3A_114, %ne3A_109 : i1
    %add3A_116 = arith.addi %rem3A_107, %select_n3A_106 : i32
    %select_n3A_117 = arith.select %and3A_115, %add3A_116, %rem3A_107 : i32
    %dma_start3A_118 = arith.constant 0 : i32
    %dma_start3A_119 = tpu.memref_slice %arg2[%select_n3A_117, %dma_start3A_118] : memref<2048x1024xf32, #tpu.memory_space<hbm>> -> memref<32x1024xf32, #tpu.memory_space<hbm>>
    %dma_start3A_120 = arith.constant 0 : i32
    %dma_start3A_121 = tpu.memref_slice %arg2[%select_n3A_117, %dma_start3A_120] : memref<2048x1024xf32, #tpu.memory_space<hbm>> -> memref<32x1024xf32, #tpu.memory_space<hbm>>
    tpu.enqueue_dma source(%dma_start3A_121 : memref<32x1024xf32, #tpu.memory_space<hbm>>) target(%arg7 : memref<32x1024xf32, #tpu.memory_space<vmem>>) target_semaphore(%arg8 : memref<!tpu.dma_semaphore, #tpu.memory_space<semaphore_mem>>)
    %dma_start3A_122 = arith.constant 2 : i32
    %dma_start3A_123 = arith.constant 0 : i32
    %dma_start3A_124 = tpu.memref_slice %arg5[%dma_start3A_122, %dma_start3A_123] : memref<4x32xi32, #tpu.memory_space<vmem>> -> memref<1x32xi32, #tpu.memory_space<vmem>>
    %dma_start3A_125 = tpu.memref_squeeze %dma_start3A_124 : memref<1x32xi32, #tpu.memory_space<vmem>> -> memref<32xi32, #tpu.memory_space<vmem>>
    %dma_start3A_126 = arith.constant 0 : i32
    %dma_start3A_127 = arith.constant 0 : i32
    %dma_start3A_128 = tpu.memref_slice %arg4[%dma_start3A_126, %dma_start3A_127] : memref<8256x1024xf32, #tpu.memory_space<hbm>> -> memref<8256x1024xf32, #tpu.memory_space<hbm>>
    tpu.enqueue_indirect_dma source(%arg6 : memref<32x1024xf32, #tpu.memory_space<vmem>>) target(%dma_start3A_128 : memref<8256x1024xf32, #tpu.memory_space<hbm>>) offsets(%dma_start3A_125 : memref<32xi32, #tpu.memory_space<vmem>>) semaphore(%arg9 : memref<!tpu.dma_semaphore, #tpu.memory_space<semaphore_mem>>)
    %dma_wait3A_129 = arith.constant 0 : i32
    %dma_wait3A_130 = tpu.memref_slice %arg2[%select_n3A_117, %dma_wait3A_129] : memref<2048x1024xf32, #tpu.memory_space<hbm>> -> memref<32x1024xf32, #tpu.memory_space<hbm>>
    %dma_wait3A_131 = arith.constant 0 : i32
    %dma_wait3A_132 = tpu.memref_slice %arg2[%select_n3A_117, %dma_wait3A_131] : memref<2048x1024xf32, #tpu.memory_space<hbm>> -> memref<32x1024xf32, #tpu.memory_space<hbm>>
    tpu.wait_dma2 semaphore(%arg8 : memref<!tpu.dma_semaphore, #tpu.memory_space<semaphore_mem>>) src(%dma_wait3A_132 : memref<32x1024xf32, #tpu.memory_space<hbm>>) dst(%arg7 : memref<32x1024xf32, #tpu.memory_space<vmem>>)
    %dma_wait3A_133 = arith.constant 2 : i32
    %dma_wait3A_134 = arith.constant 0 : i32
    %dma_wait3A_135 = tpu.memref_slice %arg5[%dma_wait3A_133, %dma_wait3A_134] : memref<4x32xi32, #tpu.memory_space<vmem>> -> memref<1x32xi32, #tpu.memory_space<vmem>>
    %dma_wait3A_136 = tpu.memref_squeeze %dma_wait3A_135 : memref<1x32xi32, #tpu.memory_space<vmem>> -> memref<32xi32, #tpu.memory_space<vmem>>
    %dma_wait3A_137 = arith.constant 0 : i32
    %dma_wait3A_138 = arith.constant 0 : i32
    %dma_wait3A_139 = tpu.memref_slice %arg4[%dma_wait3A_137, %dma_wait3A_138] : memref<8256x1024xf32, #tpu.memory_space<hbm>> -> memref<8256x1024xf32, #tpu.memory_space<hbm>>
    tpu.wait_indirect_dma semaphore(%arg9 : memref<!tpu.dma_semaphore, #tpu.memory_space<semaphore_mem>>) src(%arg6 : memref<32x1024xf32, #tpu.memory_space<vmem>>) dst(%dma_wait3A_139 : memref<8256x1024xf32, #tpu.memory_space<hbm>>)
    %dma_start3A_140 = arith.constant 3 : i32
    %dma_start3A_141 = arith.constant 0 : i32
    %dma_start3A_142 = tpu.memref_slice %arg5[%dma_start3A_140, %dma_start3A_141] : memref<4x32xi32, #tpu.memory_space<vmem>> -> memref<1x32xi32, #tpu.memory_space<vmem>>
    %dma_start3A_143 = tpu.memref_squeeze %dma_start3A_142 : memref<1x32xi32, #tpu.memory_space<vmem>> -> memref<32xi32, #tpu.memory_space<vmem>>
    %dma_start3A_144 = arith.constant 0 : i32
    %dma_start3A_145 = arith.constant 0 : i32
    %dma_start3A_146 = tpu.memref_slice %arg4[%dma_start3A_144, %dma_start3A_145] : memref<8256x1024xf32, #tpu.memory_space<hbm>> -> memref<8256x1024xf32, #tpu.memory_space<hbm>>
    tpu.enqueue_indirect_dma source(%arg7 : memref<32x1024xf32, #tpu.memory_space<vmem>>) target(%dma_start3A_146 : memref<8256x1024xf32, #tpu.memory_space<hbm>>) offsets(%dma_start3A_143 : memref<32xi32, #tpu.memory_space<vmem>>) semaphore(%arg9 : memref<!tpu.dma_semaphore, #tpu.memory_space<semaphore_mem>>)
    %dma_wait3A_147 = arith.constant 3 : i32
    %dma_wait3A_148 = arith.constant 0 : i32
    %dma_wait3A_149 = tpu.memref_slice %arg5[%dma_wait3A_147, %dma_wait3A_148] : memref<4x32xi32, #tpu.memory_space<vmem>> -> memref<1x32xi32, #tpu.memory_space<vmem>>
    %dma_wait3A_150 = tpu.memref_squeeze %dma_wait3A_149 : memref<1x32xi32, #tpu.memory_space<vmem>> -> memref<32xi32, #tpu.memory_space<vmem>>
    %dma_wait3A_151 = arith.constant 0 : i32
    %dma_wait3A_152 = arith.constant 0 : i32
    %dma_wait3A_153 = tpu.memref_slice %arg4[%dma_wait3A_151, %dma_wait3A_152] : memref<8256x1024xf32, #tpu.memory_space<hbm>> -> memref<8256x1024xf32, #tpu.memory_space<hbm>>
    tpu.wait_indirect_dma semaphore(%arg9 : memref<!tpu.dma_semaphore, #tpu.memory_space<semaphore_mem>>) src(%arg7 : memref<32x1024xf32, #tpu.memory_space<vmem>>) dst(%dma_wait3A_153 : memref<8256x1024xf32, #tpu.memory_space<hbm>>)
    return
  }
}

#map = affine_map<(d0, d1) -> (0, 0)>
#map1 = affine_map<(d0, d1) -> (0, 0, 0)>
#map2 = affine_map<(d0, d1) -> (0, 0, 0, 0)>
module attributes {stable_mosaic.version = 14 : i64} {
  func.func @_combine_body(%arg0: i32, %arg1: i32, %arg2: memref<8256x1024xf32, #tpu.memory_space<hbm>>, %arg3: memref<32x4x16xi32, #tpu.memory_space<hbm>>, %arg4: memref<32x4x16xi32, #tpu.memory_space<hbm>>, %arg5: memref<32x4x16x16xf32, #tpu.memory_space<hbm>>, %arg6: memref<32x4x16x16xf32, #tpu.memory_space<hbm>>, %arg7: memref<2048x1024xf32, #tpu.memory_space<hbm>>, %arg8: memref<4x16xi32, #tpu.memory_space<vmem>>, %arg9: memref<4x16xi32, #tpu.memory_space<vmem>>, %arg10: memref<4x16x16xf32, #tpu.memory_space<vmem>>, %arg11: memref<4x16x16xf32, #tpu.memory_space<vmem>>, %arg12: memref<16x1024xf32, #tpu.memory_space<vmem>>, %arg13: memref<16x1024xf32, #tpu.memory_space<vmem>>, %arg14: memref<16x1024xf32, #tpu.memory_space<vmem>>, %arg15: memref<16x1024xf32, #tpu.memory_space<vmem>>, %arg16: memref<16x1024xf32, #tpu.memory_space<vmem>>, %arg17: memref<16x1024xf32, #tpu.memory_space<vmem>>, %arg18: memref<!tpu.dma_semaphore, #tpu.memory_space<semaphore_mem>>, %arg19: memref<!tpu.dma_semaphore, #tpu.memory_space<semaphore_mem>>, %arg20: memref<!tpu.dma_semaphore, #tpu.memory_space<semaphore_mem>>, %arg21: memref<!tpu.dma_semaphore, #tpu.memory_space<semaphore_mem>>) attributes {dimension_semantics = [#tpu.dimension_semantics<core_parallel>, #tpu.dimension_semantics<subcore_parallel>], iteration_bounds = array<i64: 2, 16>, scalar_prefetch = 0 : i64, scratch_operands = 14 : i64, tpu.core_type = #tpu.core_type<sc_vector_subcore>, window_params = [{transform_indices = #map}, {transform_indices = #map1}, {transform_indices = #map1}, {transform_indices = #map2}, {transform_indices = #map2}, {transform_indices = #map}]} {
    %mul3A = arith.constant 2 : i32
    %mul3A_0 = arith.muli %arg1, %mul3A : i32
    %add3A = arith.addi %mul3A_0, %arg0 : i32
    "tpu.region"() ({
      %run_scoped3A = tpu.sem_alloc : memref<!tpu.dma_semaphore, #tpu.memory_space<semaphore_mem>>
      %dma_start3A_1373 = arith.constant 0 : i32
      %dma_start3A_1374 = arith.constant 0 : i32
      %dma_start3A_1375 = tpu.memref_slice %arg3[%add3A, %dma_start3A_1373, %dma_start3A_1374] : memref<32x4x16xi32, #tpu.memory_space<hbm>> -> memref<1x4x16xi32, #tpu.memory_space<hbm>>
      %dma_start3A_1376 = tpu.memref_squeeze %dma_start3A_1375 : memref<1x4x16xi32, #tpu.memory_space<hbm>> -> memref<4x16xi32, #tpu.memory_space<hbm>>
      %dma_start3A_1377 = arith.constant 0 : i32
      %dma_start3A_1378 = arith.constant 0 : i32
      %dma_start3A_1379 = tpu.memref_slice %arg3[%add3A, %dma_start3A_1377, %dma_start3A_1378] : memref<32x4x16xi32, #tpu.memory_space<hbm>> -> memref<1x4x16xi32, #tpu.memory_space<hbm>>
      %dma_start3A_1380 = tpu.memref_squeeze %dma_start3A_1379 : memref<1x4x16xi32, #tpu.memory_space<hbm>> -> memref<4x16xi32, #tpu.memory_space<hbm>>
      tpu.enqueue_dma source(%dma_start3A_1380 : memref<4x16xi32, #tpu.memory_space<hbm>>) target(%arg8 : memref<4x16xi32, #tpu.memory_space<vmem>>) target_semaphore(%run_scoped3A : memref<!tpu.dma_semaphore, #tpu.memory_space<semaphore_mem>>)
      %dma_wait3A_1381 = arith.constant 0 : i32
      %dma_wait3A_1382 = arith.constant 0 : i32
      %dma_wait3A_1383 = tpu.memref_slice %arg3[%add3A, %dma_wait3A_1381, %dma_wait3A_1382] : memref<32x4x16xi32, #tpu.memory_space<hbm>> -> memref<1x4x16xi32, #tpu.memory_space<hbm>>
      %dma_wait3A_1384 = tpu.memref_squeeze %dma_wait3A_1383 : memref<1x4x16xi32, #tpu.memory_space<hbm>> -> memref<4x16xi32, #tpu.memory_space<hbm>>
      %dma_wait3A_1385 = arith.constant 0 : i32
      %dma_wait3A_1386 = arith.constant 0 : i32
      %dma_wait3A_1387 = tpu.memref_slice %arg3[%add3A, %dma_wait3A_1385, %dma_wait3A_1386] : memref<32x4x16xi32, #tpu.memory_space<hbm>> -> memref<1x4x16xi32, #tpu.memory_space<hbm>>
      %dma_wait3A_1388 = tpu.memref_squeeze %dma_wait3A_1387 : memref<1x4x16xi32, #tpu.memory_space<hbm>> -> memref<4x16xi32, #tpu.memory_space<hbm>>
      tpu.wait_dma2 semaphore(%run_scoped3A : memref<!tpu.dma_semaphore, #tpu.memory_space<semaphore_mem>>) src(%dma_wait3A_1388 : memref<4x16xi32, #tpu.memory_space<hbm>>) dst(%arg8 : memref<4x16xi32, #tpu.memory_space<vmem>>)
      tpu.yield
    }) : () -> ()
    "tpu.region"() ({
      %run_scoped3A = tpu.sem_alloc : memref<!tpu.dma_semaphore, #tpu.memory_space<semaphore_mem>>
      %dma_start3A_1373 = arith.constant 0 : i32
      %dma_start3A_1374 = arith.constant 0 : i32
      %dma_start3A_1375 = tpu.memref_slice %arg4[%add3A, %dma_start3A_1373, %dma_start3A_1374] : memref<32x4x16xi32, #tpu.memory_space<hbm>> -> memref<1x4x16xi32, #tpu.memory_space<hbm>>
      %dma_start3A_1376 = tpu.memref_squeeze %dma_start3A_1375 : memref<1x4x16xi32, #tpu.memory_space<hbm>> -> memref<4x16xi32, #tpu.memory_space<hbm>>
      %dma_start3A_1377 = arith.constant 0 : i32
      %dma_start3A_1378 = arith.constant 0 : i32
      %dma_start3A_1379 = tpu.memref_slice %arg4[%add3A, %dma_start3A_1377, %dma_start3A_1378] : memref<32x4x16xi32, #tpu.memory_space<hbm>> -> memref<1x4x16xi32, #tpu.memory_space<hbm>>
      %dma_start3A_1380 = tpu.memref_squeeze %dma_start3A_1379 : memref<1x4x16xi32, #tpu.memory_space<hbm>> -> memref<4x16xi32, #tpu.memory_space<hbm>>
      tpu.enqueue_dma source(%dma_start3A_1380 : memref<4x16xi32, #tpu.memory_space<hbm>>) target(%arg9 : memref<4x16xi32, #tpu.memory_space<vmem>>) target_semaphore(%run_scoped3A : memref<!tpu.dma_semaphore, #tpu.memory_space<semaphore_mem>>)
      %dma_wait3A_1381 = arith.constant 0 : i32
      %dma_wait3A_1382 = arith.constant 0 : i32
      %dma_wait3A_1383 = tpu.memref_slice %arg4[%add3A, %dma_wait3A_1381, %dma_wait3A_1382] : memref<32x4x16xi32, #tpu.memory_space<hbm>> -> memref<1x4x16xi32, #tpu.memory_space<hbm>>
      %dma_wait3A_1384 = tpu.memref_squeeze %dma_wait3A_1383 : memref<1x4x16xi32, #tpu.memory_space<hbm>> -> memref<4x16xi32, #tpu.memory_space<hbm>>
      %dma_wait3A_1385 = arith.constant 0 : i32
      %dma_wait3A_1386 = arith.constant 0 : i32
      %dma_wait3A_1387 = tpu.memref_slice %arg4[%add3A, %dma_wait3A_1385, %dma_wait3A_1386] : memref<32x4x16xi32, #tpu.memory_space<hbm>> -> memref<1x4x16xi32, #tpu.memory_space<hbm>>
      %dma_wait3A_1388 = tpu.memref_squeeze %dma_wait3A_1387 : memref<1x4x16xi32, #tpu.memory_space<hbm>> -> memref<4x16xi32, #tpu.memory_space<hbm>>
      tpu.wait_dma2 semaphore(%run_scoped3A : memref<!tpu.dma_semaphore, #tpu.memory_space<semaphore_mem>>) src(%dma_wait3A_1388 : memref<4x16xi32, #tpu.memory_space<hbm>>) dst(%arg9 : memref<4x16xi32, #tpu.memory_space<vmem>>)
      tpu.yield
    }) : () -> ()
    "tpu.region"() ({
      %run_scoped3A = tpu.sem_alloc : memref<!tpu.dma_semaphore, #tpu.memory_space<semaphore_mem>>
      %dma_start3A_1373 = arith.constant 0 : i32
      %dma_start3A_1374 = arith.constant 0 : i32
      %dma_start3A_1375 = arith.constant 0 : i32
      %dma_start3A_1376 = tpu.memref_slice %arg5[%add3A, %dma_start3A_1373, %dma_start3A_1374, %dma_start3A_1375] : memref<32x4x16x16xf32, #tpu.memory_space<hbm>> -> memref<1x4x16x16xf32, #tpu.memory_space<hbm>>
      %dma_start3A_1377 = tpu.memref_squeeze %dma_start3A_1376 : memref<1x4x16x16xf32, #tpu.memory_space<hbm>> -> memref<4x16x16xf32, #tpu.memory_space<hbm>>
      %dma_start3A_1378 = arith.constant 0 : i32
      %dma_start3A_1379 = arith.constant 0 : i32
      %dma_start3A_1380 = arith.constant 0 : i32
      %dma_start3A_1381 = tpu.memref_slice %arg5[%add3A, %dma_start3A_1378, %dma_start3A_1379, %dma_start3A_1380] : memref<32x4x16x16xf32, #tpu.memory_space<hbm>> -> memref<1x4x16x16xf32, #tpu.memory_space<hbm>>
      %dma_start3A_1382 = tpu.memref_squeeze %dma_start3A_1381 : memref<1x4x16x16xf32, #tpu.memory_space<hbm>> -> memref<4x16x16xf32, #tpu.memory_space<hbm>>
      tpu.enqueue_dma source(%dma_start3A_1382 : memref<4x16x16xf32, #tpu.memory_space<hbm>>) target(%arg10 : memref<4x16x16xf32, #tpu.memory_space<vmem>>) target_semaphore(%run_scoped3A : memref<!tpu.dma_semaphore, #tpu.memory_space<semaphore_mem>>)
      %dma_wait3A_1383 = arith.constant 0 : i32
      %dma_wait3A_1384 = arith.constant 0 : i32
      %dma_wait3A_1385 = arith.constant 0 : i32
      %dma_wait3A_1386 = tpu.memref_slice %arg5[%add3A, %dma_wait3A_1383, %dma_wait3A_1384, %dma_wait3A_1385] : memref<32x4x16x16xf32, #tpu.memory_space<hbm>> -> memref<1x4x16x16xf32, #tpu.memory_space<hbm>>
      %dma_wait3A_1387 = tpu.memref_squeeze %dma_wait3A_1386 : memref<1x4x16x16xf32, #tpu.memory_space<hbm>> -> memref<4x16x16xf32, #tpu.memory_space<hbm>>
      %dma_wait3A_1388 = arith.constant 0 : i32
      %dma_wait3A_1389 = arith.constant 0 : i32
      %dma_wait3A_1390 = arith.constant 0 : i32
      %dma_wait3A_1391 = tpu.memref_slice %arg5[%add3A, %dma_wait3A_1388, %dma_wait3A_1389, %dma_wait3A_1390] : memref<32x4x16x16xf32, #tpu.memory_space<hbm>> -> memref<1x4x16x16xf32, #tpu.memory_space<hbm>>
      %dma_wait3A_1392 = tpu.memref_squeeze %dma_wait3A_1391 : memref<1x4x16x16xf32, #tpu.memory_space<hbm>> -> memref<4x16x16xf32, #tpu.memory_space<hbm>>
      tpu.wait_dma2 semaphore(%run_scoped3A : memref<!tpu.dma_semaphore, #tpu.memory_space<semaphore_mem>>) src(%dma_wait3A_1392 : memref<4x16x16xf32, #tpu.memory_space<hbm>>) dst(%arg10 : memref<4x16x16xf32, #tpu.memory_space<vmem>>)
      tpu.yield
    }) : () -> ()
    "tpu.region"() ({
      %run_scoped3A = tpu.sem_alloc : memref<!tpu.dma_semaphore, #tpu.memory_space<semaphore_mem>>
      %dma_start3A_1373 = arith.constant 0 : i32
      %dma_start3A_1374 = arith.constant 0 : i32
      %dma_start3A_1375 = arith.constant 0 : i32
      %dma_start3A_1376 = tpu.memref_slice %arg6[%add3A, %dma_start3A_1373, %dma_start3A_1374, %dma_start3A_1375] : memref<32x4x16x16xf32, #tpu.memory_space<hbm>> -> memref<1x4x16x16xf32, #tpu.memory_space<hbm>>
      %dma_start3A_1377 = tpu.memref_squeeze %dma_start3A_1376 : memref<1x4x16x16xf32, #tpu.memory_space<hbm>> -> memref<4x16x16xf32, #tpu.memory_space<hbm>>
      %dma_start3A_1378 = arith.constant 0 : i32
      %dma_start3A_1379 = arith.constant 0 : i32
      %dma_start3A_1380 = arith.constant 0 : i32
      %dma_start3A_1381 = tpu.memref_slice %arg6[%add3A, %dma_start3A_1378, %dma_start3A_1379, %dma_start3A_1380] : memref<32x4x16x16xf32, #tpu.memory_space<hbm>> -> memref<1x4x16x16xf32, #tpu.memory_space<hbm>>
      %dma_start3A_1382 = tpu.memref_squeeze %dma_start3A_1381 : memref<1x4x16x16xf32, #tpu.memory_space<hbm>> -> memref<4x16x16xf32, #tpu.memory_space<hbm>>
      tpu.enqueue_dma source(%dma_start3A_1382 : memref<4x16x16xf32, #tpu.memory_space<hbm>>) target(%arg11 : memref<4x16x16xf32, #tpu.memory_space<vmem>>) target_semaphore(%run_scoped3A : memref<!tpu.dma_semaphore, #tpu.memory_space<semaphore_mem>>)
      %dma_wait3A_1383 = arith.constant 0 : i32
      %dma_wait3A_1384 = arith.constant 0 : i32
      %dma_wait3A_1385 = arith.constant 0 : i32
      %dma_wait3A_1386 = tpu.memref_slice %arg6[%add3A, %dma_wait3A_1383, %dma_wait3A_1384, %dma_wait3A_1385] : memref<32x4x16x16xf32, #tpu.memory_space<hbm>> -> memref<1x4x16x16xf32, #tpu.memory_space<hbm>>
      %dma_wait3A_1387 = tpu.memref_squeeze %dma_wait3A_1386 : memref<1x4x16x16xf32, #tpu.memory_space<hbm>> -> memref<4x16x16xf32, #tpu.memory_space<hbm>>
      %dma_wait3A_1388 = arith.constant 0 : i32
      %dma_wait3A_1389 = arith.constant 0 : i32
      %dma_wait3A_1390 = arith.constant 0 : i32
      %dma_wait3A_1391 = tpu.memref_slice %arg6[%add3A, %dma_wait3A_1388, %dma_wait3A_1389, %dma_wait3A_1390] : memref<32x4x16x16xf32, #tpu.memory_space<hbm>> -> memref<1x4x16x16xf32, #tpu.memory_space<hbm>>
      %dma_wait3A_1392 = tpu.memref_squeeze %dma_wait3A_1391 : memref<1x4x16x16xf32, #tpu.memory_space<hbm>> -> memref<4x16x16xf32, #tpu.memory_space<hbm>>
      tpu.wait_dma2 semaphore(%run_scoped3A : memref<!tpu.dma_semaphore, #tpu.memory_space<semaphore_mem>>) src(%dma_wait3A_1392 : memref<4x16x16xf32, #tpu.memory_space<hbm>>) dst(%arg11 : memref<4x16x16xf32, #tpu.memory_space<vmem>>)
      tpu.yield
    }) : () -> ()
    %dma_start3A = arith.constant 0 : i32
    %dma_start3A_1 = arith.constant 0 : i32
    %dma_start3A_2 = tpu.memref_slice %arg8[%dma_start3A, %dma_start3A_1] : memref<4x16xi32, #tpu.memory_space<vmem>> -> memref<1x16xi32, #tpu.memory_space<vmem>>
    %dma_start3A_3 = tpu.memref_squeeze %dma_start3A_2 : memref<1x16xi32, #tpu.memory_space<vmem>> -> memref<16xi32, #tpu.memory_space<vmem>>
    %dma_start3A_4 = arith.constant 0 : i32
    %dma_start3A_5 = arith.constant 0 : i32
    %dma_start3A_6 = tpu.memref_slice %arg2[%dma_start3A_4, %dma_start3A_5] : memref<8256x1024xf32, #tpu.memory_space<hbm>> -> memref<8256x1024xf32, #tpu.memory_space<hbm>>
    tpu.enqueue_indirect_dma source(%dma_start3A_6 : memref<8256x1024xf32, #tpu.memory_space<hbm>>) target(%arg12 : memref<16x1024xf32, #tpu.memory_space<vmem>>) offsets(%dma_start3A_3 : memref<16xi32, #tpu.memory_space<vmem>>) semaphore(%arg18 : memref<!tpu.dma_semaphore, #tpu.memory_space<semaphore_mem>>)
    %dma_start3A_7 = arith.constant 0 : i32
    %dma_start3A_8 = arith.constant 0 : i32
    %dma_start3A_9 = tpu.memref_slice %arg9[%dma_start3A_7, %dma_start3A_8] : memref<4x16xi32, #tpu.memory_space<vmem>> -> memref<1x16xi32, #tpu.memory_space<vmem>>
    %dma_start3A_10 = tpu.memref_squeeze %dma_start3A_9 : memref<1x16xi32, #tpu.memory_space<vmem>> -> memref<16xi32, #tpu.memory_space<vmem>>
    %dma_start3A_11 = arith.constant 0 : i32
    %dma_start3A_12 = arith.constant 0 : i32
    %dma_start3A_13 = tpu.memref_slice %arg2[%dma_start3A_11, %dma_start3A_12] : memref<8256x1024xf32, #tpu.memory_space<hbm>> -> memref<8256x1024xf32, #tpu.memory_space<hbm>>
    tpu.enqueue_indirect_dma source(%dma_start3A_13 : memref<8256x1024xf32, #tpu.memory_space<hbm>>) target(%arg14 : memref<16x1024xf32, #tpu.memory_space<vmem>>) offsets(%dma_start3A_10 : memref<16xi32, #tpu.memory_space<vmem>>) semaphore(%arg19 : memref<!tpu.dma_semaphore, #tpu.memory_space<semaphore_mem>>)
    %dma_wait3A = arith.constant 0 : i32
    %dma_wait3A_14 = arith.constant 0 : i32
    %dma_wait3A_15 = tpu.memref_slice %arg8[%dma_wait3A, %dma_wait3A_14] : memref<4x16xi32, #tpu.memory_space<vmem>> -> memref<1x16xi32, #tpu.memory_space<vmem>>
    %dma_wait3A_16 = tpu.memref_squeeze %dma_wait3A_15 : memref<1x16xi32, #tpu.memory_space<vmem>> -> memref<16xi32, #tpu.memory_space<vmem>>
    %dma_wait3A_17 = arith.constant 0 : i32
    %dma_wait3A_18 = arith.constant 0 : i32
    %dma_wait3A_19 = tpu.memref_slice %arg2[%dma_wait3A_17, %dma_wait3A_18] : memref<8256x1024xf32, #tpu.memory_space<hbm>> -> memref<8256x1024xf32, #tpu.memory_space<hbm>>
    tpu.wait_indirect_dma semaphore(%arg18 : memref<!tpu.dma_semaphore, #tpu.memory_space<semaphore_mem>>) src(%dma_wait3A_19 : memref<8256x1024xf32, #tpu.memory_space<hbm>>) dst(%arg12 : memref<16x1024xf32, #tpu.memory_space<vmem>>)
    %dma_wait3A_20 = arith.constant 0 : i32
    %dma_wait3A_21 = arith.constant 0 : i32
    %dma_wait3A_22 = tpu.memref_slice %arg9[%dma_wait3A_20, %dma_wait3A_21] : memref<4x16xi32, #tpu.memory_space<vmem>> -> memref<1x16xi32, #tpu.memory_space<vmem>>
    %dma_wait3A_23 = tpu.memref_squeeze %dma_wait3A_22 : memref<1x16xi32, #tpu.memory_space<vmem>> -> memref<16xi32, #tpu.memory_space<vmem>>
    %dma_wait3A_24 = arith.constant 0 : i32
    %dma_wait3A_25 = arith.constant 0 : i32
    %dma_wait3A_26 = tpu.memref_slice %arg2[%dma_wait3A_24, %dma_wait3A_25] : memref<8256x1024xf32, #tpu.memory_space<hbm>> -> memref<8256x1024xf32, #tpu.memory_space<hbm>>
    tpu.wait_indirect_dma semaphore(%arg19 : memref<!tpu.dma_semaphore, #tpu.memory_space<semaphore_mem>>) src(%dma_wait3A_26 : memref<8256x1024xf32, #tpu.memory_space<hbm>>) dst(%arg14 : memref<16x1024xf32, #tpu.memory_space<vmem>>)
    %dma_start3A_27 = arith.constant 1 : i32
    %dma_start3A_28 = arith.constant 0 : i32
    %dma_start3A_29 = tpu.memref_slice %arg8[%dma_start3A_27, %dma_start3A_28] : memref<4x16xi32, #tpu.memory_space<vmem>> -> memref<1x16xi32, #tpu.memory_space<vmem>>
    %dma_start3A_30 = tpu.memref_squeeze %dma_start3A_29 : memref<1x16xi32, #tpu.memory_space<vmem>> -> memref<16xi32, #tpu.memory_space<vmem>>
    %dma_start3A_31 = arith.constant 0 : i32
    %dma_start3A_32 = arith.constant 0 : i32
    %dma_start3A_33 = tpu.memref_slice %arg2[%dma_start3A_31, %dma_start3A_32] : memref<8256x1024xf32, #tpu.memory_space<hbm>> -> memref<8256x1024xf32, #tpu.memory_space<hbm>>
    tpu.enqueue_indirect_dma source(%dma_start3A_33 : memref<8256x1024xf32, #tpu.memory_space<hbm>>) target(%arg13 : memref<16x1024xf32, #tpu.memory_space<vmem>>) offsets(%dma_start3A_30 : memref<16xi32, #tpu.memory_space<vmem>>) semaphore(%arg18 : memref<!tpu.dma_semaphore, #tpu.memory_space<semaphore_mem>>)
    %dma_start3A_34 = arith.constant 1 : i32
    %dma_start3A_35 = arith.constant 0 : i32
    %dma_start3A_36 = tpu.memref_slice %arg9[%dma_start3A_34, %dma_start3A_35] : memref<4x16xi32, #tpu.memory_space<vmem>> -> memref<1x16xi32, #tpu.memory_space<vmem>>
    %dma_start3A_37 = tpu.memref_squeeze %dma_start3A_36 : memref<1x16xi32, #tpu.memory_space<vmem>> -> memref<16xi32, #tpu.memory_space<vmem>>
    %dma_start3A_38 = arith.constant 0 : i32
    %dma_start3A_39 = arith.constant 0 : i32
    %dma_start3A_40 = tpu.memref_slice %arg2[%dma_start3A_38, %dma_start3A_39] : memref<8256x1024xf32, #tpu.memory_space<hbm>> -> memref<8256x1024xf32, #tpu.memory_space<hbm>>
    tpu.enqueue_indirect_dma source(%dma_start3A_40 : memref<8256x1024xf32, #tpu.memory_space<hbm>>) target(%arg15 : memref<16x1024xf32, #tpu.memory_space<vmem>>) offsets(%dma_start3A_37 : memref<16xi32, #tpu.memory_space<vmem>>) semaphore(%arg19 : memref<!tpu.dma_semaphore, #tpu.memory_space<semaphore_mem>>)
    %get3A = arith.constant 0 : i32
    %get3A_41 = arith.constant 0 : i32
    %get3A_42 = arith.index_cast %get3A : i32 to index
    %get3A_43 = arith.index_cast %get3A_41 : i32 to index
    %get3A_44 = arith.constant 0 : index
    %get3A_45 = tpu.vector_load %arg10[%get3A_42, %get3A_43, %get3A_44] {strides = array<i32>} : memref<4x16x16xf32, #tpu.memory_space<vmem>>, vector<1x1x16xf32>,
    %get3A_46 = vector.shape_cast %get3A_45 : vector<1x1x16xf32> to vector<16xf32>
    %get3A_47 = arith.constant 0 : i32
    %get3A_48 = arith.constant 0 : i32
    %get3A_49 = arith.index_cast %get3A_47 : i32 to index
    %get3A_50 = arith.index_cast %get3A_48 : i32 to index
    %get3A_51 = arith.constant 0 : index
    %get3A_52 = tpu.vector_load %arg11[%get3A_49, %get3A_50, %get3A_51] {strides = array<i32>} : memref<4x16x16xf32, #tpu.memory_space<vmem>>, vector<1x1x16xf32>,
    %get3A_53 = vector.shape_cast %get3A_52 : vector<1x1x16xf32> to vector<16xf32>
    %scan3A = arith.constant 0 : i32
    %scan3A_54 = arith.constant 64 : i32
    %scan3A_55 = arith.addi %scan3A, %scan3A_54 : i32
    %scan3A_56 = arith.constant 1 : i32
    scf.for %scan3A_1373 = %scan3A to %scan3A_55 step %scan3A_56  : i32 {
      %mul3A_1374 = arith.constant 1 : i32
      %mul3A_1375 = arith.muli %scan3A_1373, %mul3A_1374 : i32
      %add3A_1376 = arith.constant 0 : i32
      %add3A_1377 = arith.addi %add3A_1376, %mul3A_1375 : i32
      %mul3A_1378 = arith.constant 16 : i32
      %mul3A_1379 = arith.muli %add3A_1377, %mul3A_1378 : i32
      %multiple_of3A = tpu.assume_multiple %mul3A_1379, 16 : i32
      %get3A_1380 = arith.constant 0 : i32
      %get3A_1381 = arith.index_cast %get3A_1380 : i32 to index
      %get3A_1382 = arith.index_cast %multiple_of3A : i32 to index
      %get3A_1383 = tpu.vector_load %arg12[%get3A_1381, %get3A_1382] {strides = array<i32>} : memref<16x1024xf32, #tpu.memory_space<vmem>>, vector<1x16xf32>,
      %get3A_1384 = vector.shape_cast %get3A_1383 : vector<1x16xf32> to vector<16xf32>
      %mul3A_1385 = arith.mulf %get3A_1384, %get3A_46 : vector<16xf32>
      %get3A_1386 = arith.constant 0 : i32
      %get3A_1387 = arith.index_cast %get3A_1386 : i32 to index
      %get3A_1388 = arith.index_cast %multiple_of3A : i32 to index
      %get3A_1389 = tpu.vector_load %arg14[%get3A_1387, %get3A_1388] {strides = array<i32>} : memref<16x1024xf32, #tpu.memory_space<vmem>>, vector<1x16xf32>,
      %get3A_1390 = vector.shape_cast %get3A_1389 : vector<1x16xf32> to vector<16xf32>
      %mul3A_1391 = arith.mulf %get3A_1390, %get3A_53 : vector<16xf32>
      %add3A_1392 = arith.addf %mul3A_1385, %mul3A_1391 : vector<16xf32>
      %swap3A = arith.constant 0 : i32
      %swap3A_1393 = arith.index_cast %swap3A : i32 to index
      %swap3A_1394 = arith.index_cast %multiple_of3A : i32 to index
      %swap3A_1395 = tpu.vector_load %arg16[%swap3A_1393, %swap3A_1394] {strides = array<i32>} : memref<16x1024xf32, #tpu.memory_space<vmem>>, vector<1x16xf32>,
      %swap3A_1396 = vector.shape_cast %swap3A_1395 : vector<1x16xf32> to vector<16xf32>
      %swap3A_1397 = vector.shape_cast %add3A_1392 : vector<16xf32> to vector<1x16xf32>
      tpu.vector_store %arg16[%swap3A_1393, %swap3A_1394], %swap3A_1397 {strides = array<i32>} : memref<16x1024xf32, #tpu.memory_space<vmem>>, vector<1x16xf32>,
    }
    %scan3A_57 = arith.constant 64 : i32
    %get3A_58 = arith.constant 0 : i32
    %get3A_59 = arith.constant 1 : i32
    %get3A_60 = arith.index_cast %get3A_58 : i32 to index
    %get3A_61 = arith.index_cast %get3A_59 : i32 to index
    %get3A_62 = arith.constant 0 : index
    %get3A_63 = tpu.vector_load %arg10[%get3A_60, %get3A_61, %get3A_62] {strides = array<i32>} : memref<4x16x16xf32, #tpu.memory_space<vmem>>, vector<1x1x16xf32>,
    %get3A_64 = vector.shape_cast %get3A_63 : vector<1x1x16xf32> to vector<16xf32>
    %get3A_65 = arith.constant 0 : i32
    %get3A_66 = arith.constant 1 : i32
    %get3A_67 = arith.index_cast %get3A_65 : i32 to index
    %get3A_68 = arith.index_cast %get3A_66 : i32 to index
    %get3A_69 = arith.constant 0 : index
    %get3A_70 = tpu.vector_load %arg11[%get3A_67, %get3A_68, %get3A_69] {strides = array<i32>} : memref<4x16x16xf32, #tpu.memory_space<vmem>>, vector<1x1x16xf32>,
    %get3A_71 = vector.shape_cast %get3A_70 : vector<1x1x16xf32> to vector<16xf32>
    %scan3A_72 = arith.constant 0 : i32
    %scan3A_73 = arith.constant 64 : i32
    %scan3A_74 = arith.addi %scan3A_72, %scan3A_73 : i32
    %scan3A_75 = arith.constant 1 : i32
    scf.for %scan3A_1373 = %scan3A_72 to %scan3A_74 step %scan3A_75  : i32 {
      %mul3A_1374 = arith.constant 1 : i32
      %mul3A_1375 = arith.muli %scan3A_1373, %mul3A_1374 : i32
      %add3A_1376 = arith.constant 0 : i32
      %add3A_1377 = arith.addi %add3A_1376, %mul3A_1375 : i32
      %mul3A_1378 = arith.constant 16 : i32
      %mul3A_1379 = arith.muli %add3A_1377, %mul3A_1378 : i32
      %multiple_of3A = tpu.assume_multiple %mul3A_1379, 16 : i32
      %get3A_1380 = arith.constant 1 : i32
      %get3A_1381 = arith.index_cast %get3A_1380 : i32 to index
      %get3A_1382 = arith.index_cast %multiple_of3A : i32 to index
      %get3A_1383 = tpu.vector_load %arg12[%get3A_1381, %get3A_1382] {strides = array<i32>} : memref<16x1024xf32, #tpu.memory_space<vmem>>, vector<1x16xf32>,
      %get3A_1384 = vector.shape_cast %get3A_1383 : vector<1x16xf32> to vector<16xf32>
      %mul3A_1385 = arith.mulf %get3A_1384, %get3A_64 : vector<16xf32>
      %get3A_1386 = arith.constant 1 : i32
      %get3A_1387 = arith.index_cast %get3A_1386 : i32 to index
      %get3A_1388 = arith.index_cast %multiple_of3A : i32 to index
      %get3A_1389 = tpu.vector_load %arg14[%get3A_1387, %get3A_1388] {strides = array<i32>} : memref<16x1024xf32, #tpu.memory_space<vmem>>, vector<1x16xf32>,
      %get3A_1390 = vector.shape_cast %get3A_1389 : vector<1x16xf32> to vector<16xf32>
      %mul3A_1391 = arith.mulf %get3A_1390, %get3A_71 : vector<16xf32>
      %add3A_1392 = arith.addf %mul3A_1385, %mul3A_1391 : vector<16xf32>
      %swap3A = arith.constant 1 : i32
      %swap3A_1393 = arith.index_cast %swap3A : i32 to index
      %swap3A_1394 = arith.index_cast %multiple_of3A : i32 to index
      %swap3A_1395 = tpu.vector_load %arg16[%swap3A_1393, %swap3A_1394] {strides = array<i32>} : memref<16x1024xf32, #tpu.memory_space<vmem>>, vector<1x16xf32>,
      %swap3A_1396 = vector.shape_cast %swap3A_1395 : vector<1x16xf32> to vector<16xf32>
      %swap3A_1397 = vector.shape_cast %add3A_1392 : vector<16xf32> to vector<1x16xf32>
      tpu.vector_store %arg16[%swap3A_1393, %swap3A_1394], %swap3A_1397 {strides = array<i32>} : memref<16x1024xf32, #tpu.memory_space<vmem>>, vector<1x16xf32>,
    }
    %scan3A_76 = arith.constant 64 : i32
    %get3A_77 = arith.constant 0 : i32
    %get3A_78 = arith.constant 2 : i32
    %get3A_79 = arith.index_cast %get3A_77 : i32 to index
    %get3A_80 = arith.index_cast %get3A_78 : i32 to index
    %get3A_81 = arith.constant 0 : index
    %get3A_82 = tpu.vector_load %arg10[%get3A_79, %get3A_80, %get3A_81] {strides = array<i32>} : memref<4x16x16xf32, #tpu.memory_space<vmem>>, vector<1x1x16xf32>,
    %get3A_83 = vector.shape_cast %get3A_82 : vector<1x1x16xf32> to vector<16xf32>
    %get3A_84 = arith.constant 0 : i32
    %get3A_85 = arith.constant 2 : i32
    %get3A_86 = arith.index_cast %get3A_84 : i32 to index
    %get3A_87 = arith.index_cast %get3A_85 : i32 to index
    %get3A_88 = arith.constant 0 : index
    %get3A_89 = tpu.vector_load %arg11[%get3A_86, %get3A_87, %get3A_88] {strides = array<i32>} : memref<4x16x16xf32, #tpu.memory_space<vmem>>, vector<1x1x16xf32>,
    %get3A_90 = vector.shape_cast %get3A_89 : vector<1x1x16xf32> to vector<16xf32>
    %scan3A_91 = arith.constant 0 : i32
    %scan3A_92 = arith.constant 64 : i32
    %scan3A_93 = arith.addi %scan3A_91, %scan3A_92 : i32
    %scan3A_94 = arith.constant 1 : i32
    scf.for %scan3A_1373 = %scan3A_91 to %scan3A_93 step %scan3A_94  : i32 {
      %mul3A_1374 = arith.constant 1 : i32
      %mul3A_1375 = arith.muli %scan3A_1373, %mul3A_1374 : i32
      %add3A_1376 = arith.constant 0 : i32
      %add3A_1377 = arith.addi %add3A_1376, %mul3A_1375 : i32
      %mul3A_1378 = arith.constant 16 : i32
      %mul3A_1379 = arith.muli %add3A_1377, %mul3A_1378 : i32
      %multiple_of3A = tpu.assume_multiple %mul3A_1379, 16 : i32
      %get3A_1380 = arith.constant 2 : i32
      %get3A_1381 = arith.index_cast %get3A_1380 : i32 to index
      %get3A_1382 = arith.index_cast %multiple_of3A : i32 to index
      %get3A_1383 = tpu.vector_load %arg12[%get3A_1381, %get3A_1382] {strides = array<i32>} : memref<16x1024xf32, #tpu.memory_space<vmem>>, vector<1x16xf32>,
      %get3A_1384 = vector.shape_cast %get3A_1383 : vector<1x16xf32> to vector<16xf32>
      %mul3A_1385 = arith.mulf %get3A_1384, %get3A_83 : vector<16xf32>
      %get3A_1386 = arith.constant 2 : i32
      %get3A_1387 = arith.index_cast %get3A_1386 : i32 to index
      %get3A_1388 = arith.index_cast %multiple_of3A : i32 to index
      %get3A_1389 = tpu.vector_load %arg14[%get3A_1387, %get3A_1388] {strides = array<i32>} : memref<16x1024xf32, #tpu.memory_space<vmem>>, vector<1x16xf32>,
      %get3A_1390 = vector.shape_cast %get3A_1389 : vector<1x16xf32> to vector<16xf32>
      %mul3A_1391 = arith.mulf %get3A_1390, %get3A_90 : vector<16xf32>
      %add3A_1392 = arith.addf %mul3A_1385, %mul3A_1391 : vector<16xf32>
      %swap3A = arith.constant 2 : i32
      %swap3A_1393 = arith.index_cast %swap3A : i32 to index
      %swap3A_1394 = arith.index_cast %multiple_of3A : i32 to index
      %swap3A_1395 = tpu.vector_load %arg16[%swap3A_1393, %swap3A_1394] {strides = array<i32>} : memref<16x1024xf32, #tpu.memory_space<vmem>>, vector<1x16xf32>,
      %swap3A_1396 = vector.shape_cast %swap3A_1395 : vector<1x16xf32> to vector<16xf32>
      %swap3A_1397 = vector.shape_cast %add3A_1392 : vector<16xf32> to vector<1x16xf32>
      tpu.vector_store %arg16[%swap3A_1393, %swap3A_1394], %swap3A_1397 {strides = array<i32>} : memref<16x1024xf32, #tpu.memory_space<vmem>>, vector<1x16xf32>,
    }
    %scan3A_95 = arith.constant 64 : i32
    %get3A_96 = arith.constant 0 : i32
    %get3A_97 = arith.constant 3 : i32
    %get3A_98 = arith.index_cast %get3A_96 : i32 to index
    %get3A_99 = arith.index_cast %get3A_97 : i32 to index
    %get3A_100 = arith.constant 0 : index
    %get3A_101 = tpu.vector_load %arg10[%get3A_98, %get3A_99, %get3A_100] {strides = array<i32>} : memref<4x16x16xf32, #tpu.memory_space<vmem>>, vector<1x1x16xf32>,
    %get3A_102 = vector.shape_cast %get3A_101 : vector<1x1x16xf32> to vector<16xf32>
    %get3A_103 = arith.constant 0 : i32
    %get3A_104 = arith.constant 3 : i32
    %get3A_105 = arith.index_cast %get3A_103 : i32 to index
    %get3A_106 = arith.index_cast %get3A_104 : i32 to index
    %get3A_107 = arith.constant 0 : index
    %get3A_108 = tpu.vector_load %arg11[%get3A_105, %get3A_106, %get3A_107] {strides = array<i32>} : memref<4x16x16xf32, #tpu.memory_space<vmem>>, vector<1x1x16xf32>,
    %get3A_109 = vector.shape_cast %get3A_108 : vector<1x1x16xf32> to vector<16xf32>
    %scan3A_110 = arith.constant 0 : i32
    %scan3A_111 = arith.constant 64 : i32
    %scan3A_112 = arith.addi %scan3A_110, %scan3A_111 : i32
    %scan3A_113 = arith.constant 1 : i32
    scf.for %scan3A_1373 = %scan3A_110 to %scan3A_112 step %scan3A_113  : i32 {
      %mul3A_1374 = arith.constant 1 : i32
      %mul3A_1375 = arith.muli %scan3A_1373, %mul3A_1374 : i32
      %add3A_1376 = arith.constant 0 : i32
      %add3A_1377 = arith.addi %add3A_1376, %mul3A_1375 : i32
      %mul3A_1378 = arith.constant 16 : i32
      %mul3A_1379 = arith.muli %add3A_1377, %mul3A_1378 : i32
      %multiple_of3A = tpu.assume_multiple %mul3A_1379, 16 : i32
      %get3A_1380 = arith.constant 3 : i32
      %get3A_1381 = arith.index_cast %get3A_1380 : i32 to index
      %get3A_1382 = arith.index_cast %multiple_of3A : i32 to index
      %get3A_1383 = tpu.vector_load %arg12[%get3A_1381, %get3A_1382] {strides = array<i32>} : memref<16x1024xf32, #tpu.memory_space<vmem>>, vector<1x16xf32>,
      %get3A_1384 = vector.shape_cast %get3A_1383 : vector<1x16xf32> to vector<16xf32>
      %mul3A_1385 = arith.mulf %get3A_1384, %get3A_102 : vector<16xf32>
      %get3A_1386 = arith.constant 3 : i32
      %get3A_1387 = arith.index_cast %get3A_1386 : i32 to index
      %get3A_1388 = arith.index_cast %multiple_of3A : i32 to index
      %get3A_1389 = tpu.vector_load %arg14[%get3A_1387, %get3A_1388] {strides = array<i32>} : memref<16x1024xf32, #tpu.memory_space<vmem>>, vector<1x16xf32>,
      %get3A_1390 = vector.shape_cast %get3A_1389 : vector<1x16xf32> to vector<16xf32>
      %mul3A_1391 = arith.mulf %get3A_1390, %get3A_109 : vector<16xf32>
      %add3A_1392 = arith.addf %mul3A_1385, %mul3A_1391 : vector<16xf32>
      %swap3A = arith.constant 3 : i32
      %swap3A_1393 = arith.index_cast %swap3A : i32 to index
      %swap3A_1394 = arith.index_cast %multiple_of3A : i32 to index
      %swap3A_1395 = tpu.vector_load %arg16[%swap3A_1393, %swap3A_1394] {strides = array<i32>} : memref<16x1024xf32, #tpu.memory_space<vmem>>, vector<1x16xf32>,
      %swap3A_1396 = vector.shape_cast %swap3A_1395 : vector<1x16xf32> to vector<16xf32>
      %swap3A_1397 = vector.shape_cast %add3A_1392 : vector<16xf32> to vector<1x16xf32>
      tpu.vector_store %arg16[%swap3A_1393, %swap3A_1394], %swap3A_1397 {strides = array<i32>} : memref<16x1024xf32, #tpu.memory_space<vmem>>, vector<1x16xf32>,
    }
    %scan3A_114 = arith.constant 64 : i32
    %get3A_115 = arith.constant 0 : i32
    %get3A_116 = arith.constant 4 : i32
    %get3A_117 = arith.index_cast %get3A_115 : i32 to index
    %get3A_118 = arith.index_cast %get3A_116 : i32 to index
    %get3A_119 = arith.constant 0 : index
    %get3A_120 = tpu.vector_load %arg10[%get3A_117, %get3A_118, %get3A_119] {strides = array<i32>} : memref<4x16x16xf32, #tpu.memory_space<vmem>>, vector<1x1x16xf32>,
    %get3A_121 = vector.shape_cast %get3A_120 : vector<1x1x16xf32> to vector<16xf32>
    %get3A_122 = arith.constant 0 : i32
    %get3A_123 = arith.constant 4 : i32
    %get3A_124 = arith.index_cast %get3A_122 : i32 to index
    %get3A_125 = arith.index_cast %get3A_123 : i32 to index
    %get3A_126 = arith.constant 0 : index
    %get3A_127 = tpu.vector_load %arg11[%get3A_124, %get3A_125, %get3A_126] {strides = array<i32>} : memref<4x16x16xf32, #tpu.memory_space<vmem>>, vector<1x1x16xf32>,
    %get3A_128 = vector.shape_cast %get3A_127 : vector<1x1x16xf32> to vector<16xf32>
    %scan3A_129 = arith.constant 0 : i32
    %scan3A_130 = arith.constant 64 : i32
    %scan3A_131 = arith.addi %scan3A_129, %scan3A_130 : i32
    %scan3A_132 = arith.constant 1 : i32
    scf.for %scan3A_1373 = %scan3A_129 to %scan3A_131 step %scan3A_132  : i32 {
      %mul3A_1374 = arith.constant 1 : i32
      %mul3A_1375 = arith.muli %scan3A_1373, %mul3A_1374 : i32
      %add3A_1376 = arith.constant 0 : i32
      %add3A_1377 = arith.addi %add3A_1376, %mul3A_1375 : i32
      %mul3A_1378 = arith.constant 16 : i32
      %mul3A_1379 = arith.muli %add3A_1377, %mul3A_1378 : i32
      %multiple_of3A = tpu.assume_multiple %mul3A_1379, 16 : i32
      %get3A_1380 = arith.constant 4 : i32
      %get3A_1381 = arith.index_cast %get3A_1380 : i32 to index
      %get3A_1382 = arith.index_cast %multiple_of3A : i32 to index
      %get3A_1383 = tpu.vector_load %arg12[%get3A_1381, %get3A_1382] {strides = array<i32>} : memref<16x1024xf32, #tpu.memory_space<vmem>>, vector<1x16xf32>,
      %get3A_1384 = vector.shape_cast %get3A_1383 : vector<1x16xf32> to vector<16xf32>
      %mul3A_1385 = arith.mulf %get3A_1384, %get3A_121 : vector<16xf32>
      %get3A_1386 = arith.constant 4 : i32
      %get3A_1387 = arith.index_cast %get3A_1386 : i32 to index
      %get3A_1388 = arith.index_cast %multiple_of3A : i32 to index
      %get3A_1389 = tpu.vector_load %arg14[%get3A_1387, %get3A_1388] {strides = array<i32>} : memref<16x1024xf32, #tpu.memory_space<vmem>>, vector<1x16xf32>,
      %get3A_1390 = vector.shape_cast %get3A_1389 : vector<1x16xf32> to vector<16xf32>
      %mul3A_1391 = arith.mulf %get3A_1390, %get3A_128 : vector<16xf32>
      %add3A_1392 = arith.addf %mul3A_1385, %mul3A_1391 : vector<16xf32>
      %swap3A = arith.constant 4 : i32
      %swap3A_1393 = arith.index_cast %swap3A : i32 to index
      %swap3A_1394 = arith.index_cast %multiple_of3A : i32 to index
      %swap3A_1395 = tpu.vector_load %arg16[%swap3A_1393, %swap3A_1394] {strides = array<i32>} : memref<16x1024xf32, #tpu.memory_space<vmem>>, vector<1x16xf32>,
      %swap3A_1396 = vector.shape_cast %swap3A_1395 : vector<1x16xf32> to vector<16xf32>
      %swap3A_1397 = vector.shape_cast %add3A_1392 : vector<16xf32> to vector<1x16xf32>
      tpu.vector_store %arg16[%swap3A_1393, %swap3A_1394], %swap3A_1397 {strides = array<i32>} : memref<16x1024xf32, #tpu.memory_space<vmem>>, vector<1x16xf32>,
    }
    %scan3A_133 = arith.constant 64 : i32
    %get3A_134 = arith.constant 0 : i32
    %get3A_135 = arith.constant 5 : i32
    %get3A_136 = arith.index_cast %get3A_134 : i32 to index
    %get3A_137 = arith.index_cast %get3A_135 : i32 to index
    %get3A_138 = arith.constant 0 : index
    %get3A_139 = tpu.vector_load %arg10[%get3A_136, %get3A_137, %get3A_138] {strides = array<i32>} : memref<4x16x16xf32, #tpu.memory_space<vmem>>, vector<1x1x16xf32>,
    %get3A_140 = vector.shape_cast %get3A_139 : vector<1x1x16xf32> to vector<16xf32>
    %get3A_141 = arith.constant 0 : i32
    %get3A_142 = arith.constant 5 : i32
    %get3A_143 = arith.index_cast %get3A_141 : i32 to index
    %get3A_144 = arith.index_cast %get3A_142 : i32 to index
    %get3A_145 = arith.constant 0 : index
    %get3A_146 = tpu.vector_load %arg11[%get3A_143, %get3A_144, %get3A_145] {strides = array<i32>} : memref<4x16x16xf32, #tpu.memory_space<vmem>>, vector<1x1x16xf32>,
    %get3A_147 = vector.shape_cast %get3A_146 : vector<1x1x16xf32> to vector<16xf32>
    %scan3A_148 = arith.constant 0 : i32
    %scan3A_149 = arith.constant 64 : i32
    %scan3A_150 = arith.addi %scan3A_148, %scan3A_149 : i32
    %scan3A_151 = arith.constant 1 : i32
    scf.for %scan3A_1373 = %scan3A_148 to %scan3A_150 step %scan3A_151  : i32 {
      %mul3A_1374 = arith.constant 1 : i32
      %mul3A_1375 = arith.muli %scan3A_1373, %mul3A_1374 : i32
      %add3A_1376 = arith.constant 0 : i32
      %add3A_1377 = arith.addi %add3A_1376, %mul3A_1375 : i32
      %mul3A_1378 = arith.constant 16 : i32
      %mul3A_1379 = arith.muli %add3A_1377, %mul3A_1378 : i32
      %multiple_of3A = tpu.assume_multiple %mul3A_1379, 16 : i32
      %get3A_1380 = arith.constant 5 : i32
      %get3A_1381 = arith.index_cast %get3A_1380 : i32 to index
      %get3A_1382 = arith.index_cast %multiple_of3A : i32 to index
      %get3A_1383 = tpu.vector_load %arg12[%get3A_1381, %get3A_1382] {strides = array<i32>} : memref<16x1024xf32, #tpu.memory_space<vmem>>, vector<1x16xf32>,
      %get3A_1384 = vector.shape_cast %get3A_1383 : vector<1x16xf32> to vector<16xf32>
      %mul3A_1385 = arith.mulf %get3A_1384, %get3A_140 : vector<16xf32>
      %get3A_1386 = arith.constant 5 : i32
      %get3A_1387 = arith.index_cast %get3A_1386 : i32 to index
      %get3A_1388 = arith.index_cast %multiple_of3A : i32 to index
      %get3A_1389 = tpu.vector_load %arg14[%get3A_1387, %get3A_1388] {strides = array<i32>} : memref<16x1024xf32, #tpu.memory_space<vmem>>, vector<1x16xf32>,
      %get3A_1390 = vector.shape_cast %get3A_1389 : vector<1x16xf32> to vector<16xf32>
      %mul3A_1391 = arith.mulf %get3A_1390, %get3A_147 : vector<16xf32>
      %add3A_1392 = arith.addf %mul3A_1385, %mul3A_1391 : vector<16xf32>
      %swap3A = arith.constant 5 : i32
      %swap3A_1393 = arith.index_cast %swap3A : i32 to index
      %swap3A_1394 = arith.index_cast %multiple_of3A : i32 to index
      %swap3A_1395 = tpu.vector_load %arg16[%swap3A_1393, %swap3A_1394] {strides = array<i32>} : memref<16x1024xf32, #tpu.memory_space<vmem>>, vector<1x16xf32>,
      %swap3A_1396 = vector.shape_cast %swap3A_1395 : vector<1x16xf32> to vector<16xf32>
      %swap3A_1397 = vector.shape_cast %add3A_1392 : vector<16xf32> to vector<1x16xf32>
      tpu.vector_store %arg16[%swap3A_1393, %swap3A_1394], %swap3A_1397 {strides = array<i32>} : memref<16x1024xf32, #tpu.memory_space<vmem>>, vector<1x16xf32>,
    }
    %scan3A_152 = arith.constant 64 : i32
    %get3A_153 = arith.constant 0 : i32
    %get3A_154 = arith.constant 6 : i32
    %get3A_155 = arith.index_cast %get3A_153 : i32 to index
    %get3A_156 = arith.index_cast %get3A_154 : i32 to index
    %get3A_157 = arith.constant 0 : index
    %get3A_158 = tpu.vector_load %arg10[%get3A_155, %get3A_156, %get3A_157] {strides = array<i32>} : memref<4x16x16xf32, #tpu.memory_space<vmem>>, vector<1x1x16xf32>,
    %get3A_159 = vector.shape_cast %get3A_158 : vector<1x1x16xf32> to vector<16xf32>
    %get3A_160 = arith.constant 0 : i32
    %get3A_161 = arith.constant 6 : i32
    %get3A_162 = arith.index_cast %get3A_160 : i32 to index
    %get3A_163 = arith.index_cast %get3A_161 : i32 to index
    %get3A_164 = arith.constant 0 : index
    %get3A_165 = tpu.vector_load %arg11[%get3A_162, %get3A_163, %get3A_164] {strides = array<i32>} : memref<4x16x16xf32, #tpu.memory_space<vmem>>, vector<1x1x16xf32>,
    %get3A_166 = vector.shape_cast %get3A_165 : vector<1x1x16xf32> to vector<16xf32>
    %scan3A_167 = arith.constant 0 : i32
    %scan3A_168 = arith.constant 64 : i32
    %scan3A_169 = arith.addi %scan3A_167, %scan3A_168 : i32
    %scan3A_170 = arith.constant 1 : i32
    scf.for %scan3A_1373 = %scan3A_167 to %scan3A_169 step %scan3A_170  : i32 {
      %mul3A_1374 = arith.constant 1 : i32
      %mul3A_1375 = arith.muli %scan3A_1373, %mul3A_1374 : i32
      %add3A_1376 = arith.constant 0 : i32
      %add3A_1377 = arith.addi %add3A_1376, %mul3A_1375 : i32
      %mul3A_1378 = arith.constant 16 : i32
      %mul3A_1379 = arith.muli %add3A_1377, %mul3A_1378 : i32
      %multiple_of3A = tpu.assume_multiple %mul3A_1379, 16 : i32
      %get3A_1380 = arith.constant 6 : i32
      %get3A_1381 = arith.index_cast %get3A_1380 : i32 to index
      %get3A_1382 = arith.index_cast %multiple_of3A : i32 to index
      %get3A_1383 = tpu.vector_load %arg12[%get3A_1381, %get3A_1382] {strides = array<i32>} : memref<16x1024xf32, #tpu.memory_space<vmem>>, vector<1x16xf32>,
      %get3A_1384 = vector.shape_cast %get3A_1383 : vector<1x16xf32> to vector<16xf32>
      %mul3A_1385 = arith.mulf %get3A_1384, %get3A_159 : vector<16xf32>
      %get3A_1386 = arith.constant 6 : i32
      %get3A_1387 = arith.index_cast %get3A_1386 : i32 to index
      %get3A_1388 = arith.index_cast %multiple_of3A : i32 to index
      %get3A_1389 = tpu.vector_load %arg14[%get3A_1387, %get3A_1388] {strides = array<i32>} : memref<16x1024xf32, #tpu.memory_space<vmem>>, vector<1x16xf32>,
      %get3A_1390 = vector.shape_cast %get3A_1389 : vector<1x16xf32> to vector<16xf32>
      %mul3A_1391 = arith.mulf %get3A_1390, %get3A_166 : vector<16xf32>
      %add3A_1392 = arith.addf %mul3A_1385, %mul3A_1391 : vector<16xf32>
      %swap3A = arith.constant 6 : i32
      %swap3A_1393 = arith.index_cast %swap3A : i32 to index
      %swap3A_1394 = arith.index_cast %multiple_of3A : i32 to index
      %swap3A_1395 = tpu.vector_load %arg16[%swap3A_1393, %swap3A_1394] {strides = array<i32>} : memref<16x1024xf32, #tpu.memory_space<vmem>>, vector<1x16xf32>,
      %swap3A_1396 = vector.shape_cast %swap3A_1395 : vector<1x16xf32> to vector<16xf32>
      %swap3A_1397 = vector.shape_cast %add3A_1392 : vector<16xf32> to vector<1x16xf32>
      tpu.vector_store %arg16[%swap3A_1393, %swap3A_1394], %swap3A_1397 {strides = array<i32>} : memref<16x1024xf32, #tpu.memory_space<vmem>>, vector<1x16xf32>,
    }
    %scan3A_171 = arith.constant 64 : i32
    %get3A_172 = arith.constant 0 : i32
    %get3A_173 = arith.constant 7 : i32
    %get3A_174 = arith.index_cast %get3A_172 : i32 to index
    %get3A_175 = arith.index_cast %get3A_173 : i32 to index
    %get3A_176 = arith.constant 0 : index
    %get3A_177 = tpu.vector_load %arg10[%get3A_174, %get3A_175, %get3A_176] {strides = array<i32>} : memref<4x16x16xf32, #tpu.memory_space<vmem>>, vector<1x1x16xf32>,
    %get3A_178 = vector.shape_cast %get3A_177 : vector<1x1x16xf32> to vector<16xf32>
    %get3A_179 = arith.constant 0 : i32
    %get3A_180 = arith.constant 7 : i32
    %get3A_181 = arith.index_cast %get3A_179 : i32 to index
    %get3A_182 = arith.index_cast %get3A_180 : i32 to index
    %get3A_183 = arith.constant 0 : index
    %get3A_184 = tpu.vector_load %arg11[%get3A_181, %get3A_182, %get3A_183] {strides = array<i32>} : memref<4x16x16xf32, #tpu.memory_space<vmem>>, vector<1x1x16xf32>,
    %get3A_185 = vector.shape_cast %get3A_184 : vector<1x1x16xf32> to vector<16xf32>
    %scan3A_186 = arith.constant 0 : i32
    %scan3A_187 = arith.constant 64 : i32
    %scan3A_188 = arith.addi %scan3A_186, %scan3A_187 : i32
    %scan3A_189 = arith.constant 1 : i32
    scf.for %scan3A_1373 = %scan3A_186 to %scan3A_188 step %scan3A_189  : i32 {
      %mul3A_1374 = arith.constant 1 : i32
      %mul3A_1375 = arith.muli %scan3A_1373, %mul3A_1374 : i32
      %add3A_1376 = arith.constant 0 : i32
      %add3A_1377 = arith.addi %add3A_1376, %mul3A_1375 : i32
      %mul3A_1378 = arith.constant 16 : i32
      %mul3A_1379 = arith.muli %add3A_1377, %mul3A_1378 : i32
      %multiple_of3A = tpu.assume_multiple %mul3A_1379, 16 : i32
      %get3A_1380 = arith.constant 7 : i32
      %get3A_1381 = arith.index_cast %get3A_1380 : i32 to index
      %get3A_1382 = arith.index_cast %multiple_of3A : i32 to index
      %get3A_1383 = tpu.vector_load %arg12[%get3A_1381, %get3A_1382] {strides = array<i32>} : memref<16x1024xf32, #tpu.memory_space<vmem>>, vector<1x16xf32>,
      %get3A_1384 = vector.shape_cast %get3A_1383 : vector<1x16xf32> to vector<16xf32>
      %mul3A_1385 = arith.mulf %get3A_1384, %get3A_178 : vector<16xf32>
      %get3A_1386 = arith.constant 7 : i32
      %get3A_1387 = arith.index_cast %get3A_1386 : i32 to index
      %get3A_1388 = arith.index_cast %multiple_of3A : i32 to index
      %get3A_1389 = tpu.vector_load %arg14[%get3A_1387, %get3A_1388] {strides = array<i32>} : memref<16x1024xf32, #tpu.memory_space<vmem>>, vector<1x16xf32>,
      %get3A_1390 = vector.shape_cast %get3A_1389 : vector<1x16xf32> to vector<16xf32>
      %mul3A_1391 = arith.mulf %get3A_1390, %get3A_185 : vector<16xf32>
      %add3A_1392 = arith.addf %mul3A_1385, %mul3A_1391 : vector<16xf32>
      %swap3A = arith.constant 7 : i32
      %swap3A_1393 = arith.index_cast %swap3A : i32 to index
      %swap3A_1394 = arith.index_cast %multiple_of3A : i32 to index
      %swap3A_1395 = tpu.vector_load %arg16[%swap3A_1393, %swap3A_1394] {strides = array<i32>} : memref<16x1024xf32, #tpu.memory_space<vmem>>, vector<1x16xf32>,
      %swap3A_1396 = vector.shape_cast %swap3A_1395 : vector<1x16xf32> to vector<16xf32>
      %swap3A_1397 = vector.shape_cast %add3A_1392 : vector<16xf32> to vector<1x16xf32>
      tpu.vector_store %arg16[%swap3A_1393, %swap3A_1394], %swap3A_1397 {strides = array<i32>} : memref<16x1024xf32, #tpu.memory_space<vmem>>, vector<1x16xf32>,
    }
    %scan3A_190 = arith.constant 64 : i32
    %get3A_191 = arith.constant 0 : i32
    %get3A_192 = arith.constant 8 : i32
    %get3A_193 = arith.index_cast %get3A_191 : i32 to index
    %get3A_194 = arith.index_cast %get3A_192 : i32 to index
    %get3A_195 = arith.constant 0 : index
    %get3A_196 = tpu.vector_load %arg10[%get3A_193, %get3A_194, %get3A_195] {strides = array<i32>} : memref<4x16x16xf32, #tpu.memory_space<vmem>>, vector<1x1x16xf32>,
    %get3A_197 = vector.shape_cast %get3A_196 : vector<1x1x16xf32> to vector<16xf32>
    %get3A_198 = arith.constant 0 : i32
    %get3A_199 = arith.constant 8 : i32
    %get3A_200 = arith.index_cast %get3A_198 : i32 to index
    %get3A_201 = arith.index_cast %get3A_199 : i32 to index
    %get3A_202 = arith.constant 0 : index
    %get3A_203 = tpu.vector_load %arg11[%get3A_200, %get3A_201, %get3A_202] {strides = array<i32>} : memref<4x16x16xf32, #tpu.memory_space<vmem>>, vector<1x1x16xf32>,
    %get3A_204 = vector.shape_cast %get3A_203 : vector<1x1x16xf32> to vector<16xf32>
    %scan3A_205 = arith.constant 0 : i32
    %scan3A_206 = arith.constant 64 : i32
    %scan3A_207 = arith.addi %scan3A_205, %scan3A_206 : i32
    %scan3A_208 = arith.constant 1 : i32
    scf.for %scan3A_1373 = %scan3A_205 to %scan3A_207 step %scan3A_208  : i32 {
      %mul3A_1374 = arith.constant 1 : i32
      %mul3A_1375 = arith.muli %scan3A_1373, %mul3A_1374 : i32
      %add3A_1376 = arith.constant 0 : i32
      %add3A_1377 = arith.addi %add3A_1376, %mul3A_1375 : i32
      %mul3A_1378 = arith.constant 16 : i32
      %mul3A_1379 = arith.muli %add3A_1377, %mul3A_1378 : i32
      %multiple_of3A = tpu.assume_multiple %mul3A_1379, 16 : i32
      %get3A_1380 = arith.constant 8 : i32
      %get3A_1381 = arith.index_cast %get3A_1380 : i32 to index
      %get3A_1382 = arith.index_cast %multiple_of3A : i32 to index
      %get3A_1383 = tpu.vector_load %arg12[%get3A_1381, %get3A_1382] {strides = array<i32>} : memref<16x1024xf32, #tpu.memory_space<vmem>>, vector<1x16xf32>,
      %get3A_1384 = vector.shape_cast %get3A_1383 : vector<1x16xf32> to vector<16xf32>
      %mul3A_1385 = arith.mulf %get3A_1384, %get3A_197 : vector<16xf32>
      %get3A_1386 = arith.constant 8 : i32
      %get3A_1387 = arith.index_cast %get3A_1386 : i32 to index
      %get3A_1388 = arith.index_cast %multiple_of3A : i32 to index
      %get3A_1389 = tpu.vector_load %arg14[%get3A_1387, %get3A_1388] {strides = array<i32>} : memref<16x1024xf32, #tpu.memory_space<vmem>>, vector<1x16xf32>,
      %get3A_1390 = vector.shape_cast %get3A_1389 : vector<1x16xf32> to vector<16xf32>
      %mul3A_1391 = arith.mulf %get3A_1390, %get3A_204 : vector<16xf32>
      %add3A_1392 = arith.addf %mul3A_1385, %mul3A_1391 : vector<16xf32>
      %swap3A = arith.constant 8 : i32
      %swap3A_1393 = arith.index_cast %swap3A : i32 to index
      %swap3A_1394 = arith.index_cast %multiple_of3A : i32 to index
      %swap3A_1395 = tpu.vector_load %arg16[%swap3A_1393, %swap3A_1394] {strides = array<i32>} : memref<16x1024xf32, #tpu.memory_space<vmem>>, vector<1x16xf32>,
      %swap3A_1396 = vector.shape_cast %swap3A_1395 : vector<1x16xf32> to vector<16xf32>
      %swap3A_1397 = vector.shape_cast %add3A_1392 : vector<16xf32> to vector<1x16xf32>
      tpu.vector_store %arg16[%swap3A_1393, %swap3A_1394], %swap3A_1397 {strides = array<i32>} : memref<16x1024xf32, #tpu.memory_space<vmem>>, vector<1x16xf32>,
    }
    %scan3A_209 = arith.constant 64 : i32
    %get3A_210 = arith.constant 0 : i32
    %get3A_211 = arith.constant 9 : i32
    %get3A_212 = arith.index_cast %get3A_210 : i32 to index
    %get3A_213 = arith.index_cast %get3A_211 : i32 to index
    %get3A_214 = arith.constant 0 : index
    %get3A_215 = tpu.vector_load %arg10[%get3A_212, %get3A_213, %get3A_214] {strides = array<i32>} : memref<4x16x16xf32, #tpu.memory_space<vmem>>, vector<1x1x16xf32>,
    %get3A_216 = vector.shape_cast %get3A_215 : vector<1x1x16xf32> to vector<16xf32>
    %get3A_217 = arith.constant 0 : i32
    %get3A_218 = arith.constant 9 : i32
    %get3A_219 = arith.index_cast %get3A_217 : i32 to index
    %get3A_220 = arith.index_cast %get3A_218 : i32 to index
    %get3A_221 = arith.constant 0 : index
    %get3A_222 = tpu.vector_load %arg11[%get3A_219, %get3A_220, %get3A_221] {strides = array<i32>} : memref<4x16x16xf32, #tpu.memory_space<vmem>>, vector<1x1x16xf32>,
    %get3A_223 = vector.shape_cast %get3A_222 : vector<1x1x16xf32> to vector<16xf32>
    %scan3A_224 = arith.constant 0 : i32
    %scan3A_225 = arith.constant 64 : i32
    %scan3A_226 = arith.addi %scan3A_224, %scan3A_225 : i32
    %scan3A_227 = arith.constant 1 : i32
    scf.for %scan3A_1373 = %scan3A_224 to %scan3A_226 step %scan3A_227  : i32 {
      %mul3A_1374 = arith.constant 1 : i32
      %mul3A_1375 = arith.muli %scan3A_1373, %mul3A_1374 : i32
      %add3A_1376 = arith.constant 0 : i32
      %add3A_1377 = arith.addi %add3A_1376, %mul3A_1375 : i32
      %mul3A_1378 = arith.constant 16 : i32
      %mul3A_1379 = arith.muli %add3A_1377, %mul3A_1378 : i32
      %multiple_of3A = tpu.assume_multiple %mul3A_1379, 16 : i32
      %get3A_1380 = arith.constant 9 : i32
      %get3A_1381 = arith.index_cast %get3A_1380 : i32 to index
      %get3A_1382 = arith.index_cast %multiple_of3A : i32 to index
      %get3A_1383 = tpu.vector_load %arg12[%get3A_1381, %get3A_1382] {strides = array<i32>} : memref<16x1024xf32, #tpu.memory_space<vmem>>, vector<1x16xf32>,
      %get3A_1384 = vector.shape_cast %get3A_1383 : vector<1x16xf32> to vector<16xf32>
      %mul3A_1385 = arith.mulf %get3A_1384, %get3A_216 : vector<16xf32>
      %get3A_1386 = arith.constant 9 : i32
      %get3A_1387 = arith.index_cast %get3A_1386 : i32 to index
      %get3A_1388 = arith.index_cast %multiple_of3A : i32 to index
      %get3A_1389 = tpu.vector_load %arg14[%get3A_1387, %get3A_1388] {strides = array<i32>} : memref<16x1024xf32, #tpu.memory_space<vmem>>, vector<1x16xf32>,
      %get3A_1390 = vector.shape_cast %get3A_1389 : vector<1x16xf32> to vector<16xf32>
      %mul3A_1391 = arith.mulf %get3A_1390, %get3A_223 : vector<16xf32>
      %add3A_1392 = arith.addf %mul3A_1385, %mul3A_1391 : vector<16xf32>
      %swap3A = arith.constant 9 : i32
      %swap3A_1393 = arith.index_cast %swap3A : i32 to index
      %swap3A_1394 = arith.index_cast %multiple_of3A : i32 to index
      %swap3A_1395 = tpu.vector_load %arg16[%swap3A_1393, %swap3A_1394] {strides = array<i32>} : memref<16x1024xf32, #tpu.memory_space<vmem>>, vector<1x16xf32>,
      %swap3A_1396 = vector.shape_cast %swap3A_1395 : vector<1x16xf32> to vector<16xf32>
      %swap3A_1397 = vector.shape_cast %add3A_1392 : vector<16xf32> to vector<1x16xf32>
      tpu.vector_store %arg16[%swap3A_1393, %swap3A_1394], %swap3A_1397 {strides = array<i32>} : memref<16x1024xf32, #tpu.memory_space<vmem>>, vector<1x16xf32>,
    }
    %scan3A_228 = arith.constant 64 : i32
    %get3A_229 = arith.constant 0 : i32
    %get3A_230 = arith.constant 10 : i32
    %get3A_231 = arith.index_cast %get3A_229 : i32 to index
    %get3A_232 = arith.index_cast %get3A_230 : i32 to index
    %get3A_233 = arith.constant 0 : index
    %get3A_234 = tpu.vector_load %arg10[%get3A_231, %get3A_232, %get3A_233] {strides = array<i32>} : memref<4x16x16xf32, #tpu.memory_space<vmem>>, vector<1x1x16xf32>,
    %get3A_235 = vector.shape_cast %get3A_234 : vector<1x1x16xf32> to vector<16xf32>
    %get3A_236 = arith.constant 0 : i32
    %get3A_237 = arith.constant 10 : i32
    %get3A_238 = arith.index_cast %get3A_236 : i32 to index
    %get3A_239 = arith.index_cast %get3A_237 : i32 to index
    %get3A_240 = arith.constant 0 : index
    %get3A_241 = tpu.vector_load %arg11[%get3A_238, %get3A_239, %get3A_240] {strides = array<i32>} : memref<4x16x16xf32, #tpu.memory_space<vmem>>, vector<1x1x16xf32>,
    %get3A_242 = vector.shape_cast %get3A_241 : vector<1x1x16xf32> to vector<16xf32>
    %scan3A_243 = arith.constant 0 : i32
    %scan3A_244 = arith.constant 64 : i32
    %scan3A_245 = arith.addi %scan3A_243, %scan3A_244 : i32
    %scan3A_246 = arith.constant 1 : i32
    scf.for %scan3A_1373 = %scan3A_243 to %scan3A_245 step %scan3A_246  : i32 {
      %mul3A_1374 = arith.constant 1 : i32
      %mul3A_1375 = arith.muli %scan3A_1373, %mul3A_1374 : i32
      %add3A_1376 = arith.constant 0 : i32
      %add3A_1377 = arith.addi %add3A_1376, %mul3A_1375 : i32
      %mul3A_1378 = arith.constant 16 : i32
      %mul3A_1379 = arith.muli %add3A_1377, %mul3A_1378 : i32
      %multiple_of3A = tpu.assume_multiple %mul3A_1379, 16 : i32
      %get3A_1380 = arith.constant 10 : i32
      %get3A_1381 = arith.index_cast %get3A_1380 : i32 to index
      %get3A_1382 = arith.index_cast %multiple_of3A : i32 to index
      %get3A_1383 = tpu.vector_load %arg12[%get3A_1381, %get3A_1382] {strides = array<i32>} : memref<16x1024xf32, #tpu.memory_space<vmem>>, vector<1x16xf32>,
      %get3A_1384 = vector.shape_cast %get3A_1383 : vector<1x16xf32> to vector<16xf32>
      %mul3A_1385 = arith.mulf %get3A_1384, %get3A_235 : vector<16xf32>
      %get3A_1386 = arith.constant 10 : i32
      %get3A_1387 = arith.index_cast %get3A_1386 : i32 to index
      %get3A_1388 = arith.index_cast %multiple_of3A : i32 to index
      %get3A_1389 = tpu.vector_load %arg14[%get3A_1387, %get3A_1388] {strides = array<i32>} : memref<16x1024xf32, #tpu.memory_space<vmem>>, vector<1x16xf32>,
      %get3A_1390 = vector.shape_cast %get3A_1389 : vector<1x16xf32> to vector<16xf32>
      %mul3A_1391 = arith.mulf %get3A_1390, %get3A_242 : vector<16xf32>
      %add3A_1392 = arith.addf %mul3A_1385, %mul3A_1391 : vector<16xf32>
      %swap3A = arith.constant 10 : i32
      %swap3A_1393 = arith.index_cast %swap3A : i32 to index
      %swap3A_1394 = arith.index_cast %multiple_of3A : i32 to index
      %swap3A_1395 = tpu.vector_load %arg16[%swap3A_1393, %swap3A_1394] {strides = array<i32>} : memref<16x1024xf32, #tpu.memory_space<vmem>>, vector<1x16xf32>,
      %swap3A_1396 = vector.shape_cast %swap3A_1395 : vector<1x16xf32> to vector<16xf32>
      %swap3A_1397 = vector.shape_cast %add3A_1392 : vector<16xf32> to vector<1x16xf32>
      tpu.vector_store %arg16[%swap3A_1393, %swap3A_1394], %swap3A_1397 {strides = array<i32>} : memref<16x1024xf32, #tpu.memory_space<vmem>>, vector<1x16xf32>,
    }
    %scan3A_247 = arith.constant 64 : i32
    %get3A_248 = arith.constant 0 : i32
    %get3A_249 = arith.constant 11 : i32
    %get3A_250 = arith.index_cast %get3A_248 : i32 to index
    %get3A_251 = arith.index_cast %get3A_249 : i32 to index
    %get3A_252 = arith.constant 0 : index
    %get3A_253 = tpu.vector_load %arg10[%get3A_250, %get3A_251, %get3A_252] {strides = array<i32>} : memref<4x16x16xf32, #tpu.memory_space<vmem>>, vector<1x1x16xf32>,
    %get3A_254 = vector.shape_cast %get3A_253 : vector<1x1x16xf32> to vector<16xf32>
    %get3A_255 = arith.constant 0 : i32
    %get3A_256 = arith.constant 11 : i32
    %get3A_257 = arith.index_cast %get3A_255 : i32 to index
    %get3A_258 = arith.index_cast %get3A_256 : i32 to index
    %get3A_259 = arith.constant 0 : index
    %get3A_260 = tpu.vector_load %arg11[%get3A_257, %get3A_258, %get3A_259] {strides = array<i32>} : memref<4x16x16xf32, #tpu.memory_space<vmem>>, vector<1x1x16xf32>,
    %get3A_261 = vector.shape_cast %get3A_260 : vector<1x1x16xf32> to vector<16xf32>
    %scan3A_262 = arith.constant 0 : i32
    %scan3A_263 = arith.constant 64 : i32
    %scan3A_264 = arith.addi %scan3A_262, %scan3A_263 : i32
    %scan3A_265 = arith.constant 1 : i32
    scf.for %scan3A_1373 = %scan3A_262 to %scan3A_264 step %scan3A_265  : i32 {
      %mul3A_1374 = arith.constant 1 : i32
      %mul3A_1375 = arith.muli %scan3A_1373, %mul3A_1374 : i32
      %add3A_1376 = arith.constant 0 : i32
      %add3A_1377 = arith.addi %add3A_1376, %mul3A_1375 : i32
      %mul3A_1378 = arith.constant 16 : i32
      %mul3A_1379 = arith.muli %add3A_1377, %mul3A_1378 : i32
      %multiple_of3A = tpu.assume_multiple %mul3A_1379, 16 : i32
      %get3A_1380 = arith.constant 11 : i32
      %get3A_1381 = arith.index_cast %get3A_1380 : i32 to index
      %get3A_1382 = arith.index_cast %multiple_of3A : i32 to index
      %get3A_1383 = tpu.vector_load %arg12[%get3A_1381, %get3A_1382] {strides = array<i32>} : memref<16x1024xf32, #tpu.memory_space<vmem>>, vector<1x16xf32>,
      %get3A_1384 = vector.shape_cast %get3A_1383 : vector<1x16xf32> to vector<16xf32>
      %mul3A_1385 = arith.mulf %get3A_1384, %get3A_254 : vector<16xf32>
      %get3A_1386 = arith.constant 11 : i32
      %get3A_1387 = arith.index_cast %get3A_1386 : i32 to index
      %get3A_1388 = arith.index_cast %multiple_of3A : i32 to index
      %get3A_1389 = tpu.vector_load %arg14[%get3A_1387, %get3A_1388] {strides = array<i32>} : memref<16x1024xf32, #tpu.memory_space<vmem>>, vector<1x16xf32>,
      %get3A_1390 = vector.shape_cast %get3A_1389 : vector<1x16xf32> to vector<16xf32>
      %mul3A_1391 = arith.mulf %get3A_1390, %get3A_261 : vector<16xf32>
      %add3A_1392 = arith.addf %mul3A_1385, %mul3A_1391 : vector<16xf32>
      %swap3A = arith.constant 11 : i32
      %swap3A_1393 = arith.index_cast %swap3A : i32 to index
      %swap3A_1394 = arith.index_cast %multiple_of3A : i32 to index
      %swap3A_1395 = tpu.vector_load %arg16[%swap3A_1393, %swap3A_1394] {strides = array<i32>} : memref<16x1024xf32, #tpu.memory_space<vmem>>, vector<1x16xf32>,
      %swap3A_1396 = vector.shape_cast %swap3A_1395 : vector<1x16xf32> to vector<16xf32>
      %swap3A_1397 = vector.shape_cast %add3A_1392 : vector<16xf32> to vector<1x16xf32>
      tpu.vector_store %arg16[%swap3A_1393, %swap3A_1394], %swap3A_1397 {strides = array<i32>} : memref<16x1024xf32, #tpu.memory_space<vmem>>, vector<1x16xf32>,
    }
    %scan3A_266 = arith.constant 64 : i32
    %get3A_267 = arith.constant 0 : i32
    %get3A_268 = arith.constant 12 : i32
    %get3A_269 = arith.index_cast %get3A_267 : i32 to index
    %get3A_270 = arith.index_cast %get3A_268 : i32 to index
    %get3A_271 = arith.constant 0 : index
    %get3A_272 = tpu.vector_load %arg10[%get3A_269, %get3A_270, %get3A_271] {strides = array<i32>} : memref<4x16x16xf32, #tpu.memory_space<vmem>>, vector<1x1x16xf32>,
    %get3A_273 = vector.shape_cast %get3A_272 : vector<1x1x16xf32> to vector<16xf32>
    %get3A_274 = arith.constant 0 : i32
    %get3A_275 = arith.constant 12 : i32
    %get3A_276 = arith.index_cast %get3A_274 : i32 to index
    %get3A_277 = arith.index_cast %get3A_275 : i32 to index
    %get3A_278 = arith.constant 0 : index
    %get3A_279 = tpu.vector_load %arg11[%get3A_276, %get3A_277, %get3A_278] {strides = array<i32>} : memref<4x16x16xf32, #tpu.memory_space<vmem>>, vector<1x1x16xf32>,
    %get3A_280 = vector.shape_cast %get3A_279 : vector<1x1x16xf32> to vector<16xf32>
    %scan3A_281 = arith.constant 0 : i32
    %scan3A_282 = arith.constant 64 : i32
    %scan3A_283 = arith.addi %scan3A_281, %scan3A_282 : i32
    %scan3A_284 = arith.constant 1 : i32
    scf.for %scan3A_1373 = %scan3A_281 to %scan3A_283 step %scan3A_284  : i32 {
      %mul3A_1374 = arith.constant 1 : i32
      %mul3A_1375 = arith.muli %scan3A_1373, %mul3A_1374 : i32
      %add3A_1376 = arith.constant 0 : i32
      %add3A_1377 = arith.addi %add3A_1376, %mul3A_1375 : i32
      %mul3A_1378 = arith.constant 16 : i32
      %mul3A_1379 = arith.muli %add3A_1377, %mul3A_1378 : i32
      %multiple_of3A = tpu.assume_multiple %mul3A_1379, 16 : i32
      %get3A_1380 = arith.constant 12 : i32
      %get3A_1381 = arith.index_cast %get3A_1380 : i32 to index
      %get3A_1382 = arith.index_cast %multiple_of3A : i32 to index
      %get3A_1383 = tpu.vector_load %arg12[%get3A_1381, %get3A_1382] {strides = array<i32>} : memref<16x1024xf32, #tpu.memory_space<vmem>>, vector<1x16xf32>,
      %get3A_1384 = vector.shape_cast %get3A_1383 : vector<1x16xf32> to vector<16xf32>
      %mul3A_1385 = arith.mulf %get3A_1384, %get3A_273 : vector<16xf32>
      %get3A_1386 = arith.constant 12 : i32
      %get3A_1387 = arith.index_cast %get3A_1386 : i32 to index
      %get3A_1388 = arith.index_cast %multiple_of3A : i32 to index
      %get3A_1389 = tpu.vector_load %arg14[%get3A_1387, %get3A_1388] {strides = array<i32>} : memref<16x1024xf32, #tpu.memory_space<vmem>>, vector<1x16xf32>,
      %get3A_1390 = vector.shape_cast %get3A_1389 : vector<1x16xf32> to vector<16xf32>
      %mul3A_1391 = arith.mulf %get3A_1390, %get3A_280 : vector<16xf32>
      %add3A_1392 = arith.addf %mul3A_1385, %mul3A_1391 : vector<16xf32>
      %swap3A = arith.constant 12 : i32
      %swap3A_1393 = arith.index_cast %swap3A : i32 to index
      %swap3A_1394 = arith.index_cast %multiple_of3A : i32 to index
      %swap3A_1395 = tpu.vector_load %arg16[%swap3A_1393, %swap3A_1394] {strides = array<i32>} : memref<16x1024xf32, #tpu.memory_space<vmem>>, vector<1x16xf32>,
      %swap3A_1396 = vector.shape_cast %swap3A_1395 : vector<1x16xf32> to vector<16xf32>
      %swap3A_1397 = vector.shape_cast %add3A_1392 : vector<16xf32> to vector<1x16xf32>
      tpu.vector_store %arg16[%swap3A_1393, %swap3A_1394], %swap3A_1397 {strides = array<i32>} : memref<16x1024xf32, #tpu.memory_space<vmem>>, vector<1x16xf32>,
    }
    %scan3A_285 = arith.constant 64 : i32
    %get3A_286 = arith.constant 0 : i32
    %get3A_287 = arith.constant 13 : i32
    %get3A_288 = arith.index_cast %get3A_286 : i32 to index
    %get3A_289 = arith.index_cast %get3A_287 : i32 to index
    %get3A_290 = arith.constant 0 : index
    %get3A_291 = tpu.vector_load %arg10[%get3A_288, %get3A_289, %get3A_290] {strides = array<i32>} : memref<4x16x16xf32, #tpu.memory_space<vmem>>, vector<1x1x16xf32>,
    %get3A_292 = vector.shape_cast %get3A_291 : vector<1x1x16xf32> to vector<16xf32>
    %get3A_293 = arith.constant 0 : i32
    %get3A_294 = arith.constant 13 : i32
    %get3A_295 = arith.index_cast %get3A_293 : i32 to index
    %get3A_296 = arith.index_cast %get3A_294 : i32 to index
    %get3A_297 = arith.constant 0 : index
    %get3A_298 = tpu.vector_load %arg11[%get3A_295, %get3A_296, %get3A_297] {strides = array<i32>} : memref<4x16x16xf32, #tpu.memory_space<vmem>>, vector<1x1x16xf32>,
    %get3A_299 = vector.shape_cast %get3A_298 : vector<1x1x16xf32> to vector<16xf32>
    %scan3A_300 = arith.constant 0 : i32
    %scan3A_301 = arith.constant 64 : i32
    %scan3A_302 = arith.addi %scan3A_300, %scan3A_301 : i32
    %scan3A_303 = arith.constant 1 : i32
    scf.for %scan3A_1373 = %scan3A_300 to %scan3A_302 step %scan3A_303  : i32 {
      %mul3A_1374 = arith.constant 1 : i32
      %mul3A_1375 = arith.muli %scan3A_1373, %mul3A_1374 : i32
      %add3A_1376 = arith.constant 0 : i32
      %add3A_1377 = arith.addi %add3A_1376, %mul3A_1375 : i32
      %mul3A_1378 = arith.constant 16 : i32
      %mul3A_1379 = arith.muli %add3A_1377, %mul3A_1378 : i32
      %multiple_of3A = tpu.assume_multiple %mul3A_1379, 16 : i32
      %get3A_1380 = arith.constant 13 : i32
      %get3A_1381 = arith.index_cast %get3A_1380 : i32 to index
      %get3A_1382 = arith.index_cast %multiple_of3A : i32 to index
      %get3A_1383 = tpu.vector_load %arg12[%get3A_1381, %get3A_1382] {strides = array<i32>} : memref<16x1024xf32, #tpu.memory_space<vmem>>, vector<1x16xf32>,
      %get3A_1384 = vector.shape_cast %get3A_1383 : vector<1x16xf32> to vector<16xf32>
      %mul3A_1385 = arith.mulf %get3A_1384, %get3A_292 : vector<16xf32>
      %get3A_1386 = arith.constant 13 : i32
      %get3A_1387 = arith.index_cast %get3A_1386 : i32 to index
      %get3A_1388 = arith.index_cast %multiple_of3A : i32 to index
      %get3A_1389 = tpu.vector_load %arg14[%get3A_1387, %get3A_1388] {strides = array<i32>} : memref<16x1024xf32, #tpu.memory_space<vmem>>, vector<1x16xf32>,
      %get3A_1390 = vector.shape_cast %get3A_1389 : vector<1x16xf32> to vector<16xf32>
      %mul3A_1391 = arith.mulf %get3A_1390, %get3A_299 : vector<16xf32>
      %add3A_1392 = arith.addf %mul3A_1385, %mul3A_1391 : vector<16xf32>
      %swap3A = arith.constant 13 : i32
      %swap3A_1393 = arith.index_cast %swap3A : i32 to index
      %swap3A_1394 = arith.index_cast %multiple_of3A : i32 to index
      %swap3A_1395 = tpu.vector_load %arg16[%swap3A_1393, %swap3A_1394] {strides = array<i32>} : memref<16x1024xf32, #tpu.memory_space<vmem>>, vector<1x16xf32>,
      %swap3A_1396 = vector.shape_cast %swap3A_1395 : vector<1x16xf32> to vector<16xf32>
      %swap3A_1397 = vector.shape_cast %add3A_1392 : vector<16xf32> to vector<1x16xf32>
      tpu.vector_store %arg16[%swap3A_1393, %swap3A_1394], %swap3A_1397 {strides = array<i32>} : memref<16x1024xf32, #tpu.memory_space<vmem>>, vector<1x16xf32>,
    }
    %scan3A_304 = arith.constant 64 : i32
    %get3A_305 = arith.constant 0 : i32
    %get3A_306 = arith.constant 14 : i32
    %get3A_307 = arith.index_cast %get3A_305 : i32 to index
    %get3A_308 = arith.index_cast %get3A_306 : i32 to index
    %get3A_309 = arith.constant 0 : index
    %get3A_310 = tpu.vector_load %arg10[%get3A_307, %get3A_308, %get3A_309] {strides = array<i32>} : memref<4x16x16xf32, #tpu.memory_space<vmem>>, vector<1x1x16xf32>,
    %get3A_311 = vector.shape_cast %get3A_310 : vector<1x1x16xf32> to vector<16xf32>
    %get3A_312 = arith.constant 0 : i32
    %get3A_313 = arith.constant 14 : i32
    %get3A_314 = arith.index_cast %get3A_312 : i32 to index
    %get3A_315 = arith.index_cast %get3A_313 : i32 to index
    %get3A_316 = arith.constant 0 : index
    %get3A_317 = tpu.vector_load %arg11[%get3A_314, %get3A_315, %get3A_316] {strides = array<i32>} : memref<4x16x16xf32, #tpu.memory_space<vmem>>, vector<1x1x16xf32>,
    %get3A_318 = vector.shape_cast %get3A_317 : vector<1x1x16xf32> to vector<16xf32>
    %scan3A_319 = arith.constant 0 : i32
    %scan3A_320 = arith.constant 64 : i32
    %scan3A_321 = arith.addi %scan3A_319, %scan3A_320 : i32
    %scan3A_322 = arith.constant 1 : i32
    scf.for %scan3A_1373 = %scan3A_319 to %scan3A_321 step %scan3A_322  : i32 {
      %mul3A_1374 = arith.constant 1 : i32
      %mul3A_1375 = arith.muli %scan3A_1373, %mul3A_1374 : i32
      %add3A_1376 = arith.constant 0 : i32
      %add3A_1377 = arith.addi %add3A_1376, %mul3A_1375 : i32
      %mul3A_1378 = arith.constant 16 : i32
      %mul3A_1379 = arith.muli %add3A_1377, %mul3A_1378 : i32
      %multiple_of3A = tpu.assume_multiple %mul3A_1379, 16 : i32
      %get3A_1380 = arith.constant 14 : i32
      %get3A_1381 = arith.index_cast %get3A_1380 : i32 to index
      %get3A_1382 = arith.index_cast %multiple_of3A : i32 to index
      %get3A_1383 = tpu.vector_load %arg12[%get3A_1381, %get3A_1382] {strides = array<i32>} : memref<16x1024xf32, #tpu.memory_space<vmem>>, vector<1x16xf32>,
      %get3A_1384 = vector.shape_cast %get3A_1383 : vector<1x16xf32> to vector<16xf32>
      %mul3A_1385 = arith.mulf %get3A_1384, %get3A_311 : vector<16xf32>
      %get3A_1386 = arith.constant 14 : i32
      %get3A_1387 = arith.index_cast %get3A_1386 : i32 to index
      %get3A_1388 = arith.index_cast %multiple_of3A : i32 to index
      %get3A_1389 = tpu.vector_load %arg14[%get3A_1387, %get3A_1388] {strides = array<i32>} : memref<16x1024xf32, #tpu.memory_space<vmem>>, vector<1x16xf32>,
      %get3A_1390 = vector.shape_cast %get3A_1389 : vector<1x16xf32> to vector<16xf32>
      %mul3A_1391 = arith.mulf %get3A_1390, %get3A_318 : vector<16xf32>
      %add3A_1392 = arith.addf %mul3A_1385, %mul3A_1391 : vector<16xf32>
      %swap3A = arith.constant 14 : i32
      %swap3A_1393 = arith.index_cast %swap3A : i32 to index
      %swap3A_1394 = arith.index_cast %multiple_of3A : i32 to index
      %swap3A_1395 = tpu.vector_load %arg16[%swap3A_1393, %swap3A_1394] {strides = array<i32>} : memref<16x1024xf32, #tpu.memory_space<vmem>>, vector<1x16xf32>,
      %swap3A_1396 = vector.shape_cast %swap3A_1395 : vector<1x16xf32> to vector<16xf32>
      %swap3A_1397 = vector.shape_cast %add3A_1392 : vector<16xf32> to vector<1x16xf32>
      tpu.vector_store %arg16[%swap3A_1393, %swap3A_1394], %swap3A_1397 {strides = array<i32>} : memref<16x1024xf32, #tpu.memory_space<vmem>>, vector<1x16xf32>,
    }
    %scan3A_323 = arith.constant 64 : i32
    %get3A_324 = arith.constant 0 : i32
    %get3A_325 = arith.constant 15 : i32
    %get3A_326 = arith.index_cast %get3A_324 : i32 to index
    %get3A_327 = arith.index_cast %get3A_325 : i32 to index
    %get3A_328 = arith.constant 0 : index
    %get3A_329 = tpu.vector_load %arg10[%get3A_326, %get3A_327, %get3A_328] {strides = array<i32>} : memref<4x16x16xf32, #tpu.memory_space<vmem>>, vector<1x1x16xf32>,
    %get3A_330 = vector.shape_cast %get3A_329 : vector<1x1x16xf32> to vector<16xf32>
    %get3A_331 = arith.constant 0 : i32
    %get3A_332 = arith.constant 15 : i32
    %get3A_333 = arith.index_cast %get3A_331 : i32 to index
    %get3A_334 = arith.index_cast %get3A_332 : i32 to index
    %get3A_335 = arith.constant 0 : index
    %get3A_336 = tpu.vector_load %arg11[%get3A_333, %get3A_334, %get3A_335] {strides = array<i32>} : memref<4x16x16xf32, #tpu.memory_space<vmem>>, vector<1x1x16xf32>,
    %get3A_337 = vector.shape_cast %get3A_336 : vector<1x1x16xf32> to vector<16xf32>
    %scan3A_338 = arith.constant 0 : i32
    %scan3A_339 = arith.constant 64 : i32
    %scan3A_340 = arith.addi %scan3A_338, %scan3A_339 : i32
    %scan3A_341 = arith.constant 1 : i32
    scf.for %scan3A_1373 = %scan3A_338 to %scan3A_340 step %scan3A_341  : i32 {
      %mul3A_1374 = arith.constant 1 : i32
      %mul3A_1375 = arith.muli %scan3A_1373, %mul3A_1374 : i32
      %add3A_1376 = arith.constant 0 : i32
      %add3A_1377 = arith.addi %add3A_1376, %mul3A_1375 : i32
      %mul3A_1378 = arith.constant 16 : i32
      %mul3A_1379 = arith.muli %add3A_1377, %mul3A_1378 : i32
      %multiple_of3A = tpu.assume_multiple %mul3A_1379, 16 : i32
      %get3A_1380 = arith.constant 15 : i32
      %get3A_1381 = arith.index_cast %get3A_1380 : i32 to index
      %get3A_1382 = arith.index_cast %multiple_of3A : i32 to index
      %get3A_1383 = tpu.vector_load %arg12[%get3A_1381, %get3A_1382] {strides = array<i32>} : memref<16x1024xf32, #tpu.memory_space<vmem>>, vector<1x16xf32>,
      %get3A_1384 = vector.shape_cast %get3A_1383 : vector<1x16xf32> to vector<16xf32>
      %mul3A_1385 = arith.mulf %get3A_1384, %get3A_330 : vector<16xf32>
      %get3A_1386 = arith.constant 15 : i32
      %get3A_1387 = arith.index_cast %get3A_1386 : i32 to index
      %get3A_1388 = arith.index_cast %multiple_of3A : i32 to index
      %get3A_1389 = tpu.vector_load %arg14[%get3A_1387, %get3A_1388] {strides = array<i32>} : memref<16x1024xf32, #tpu.memory_space<vmem>>, vector<1x16xf32>,
      %get3A_1390 = vector.shape_cast %get3A_1389 : vector<1x16xf32> to vector<16xf32>
      %mul3A_1391 = arith.mulf %get3A_1390, %get3A_337 : vector<16xf32>
      %add3A_1392 = arith.addf %mul3A_1385, %mul3A_1391 : vector<16xf32>
      %swap3A = arith.constant 15 : i32
      %swap3A_1393 = arith.index_cast %swap3A : i32 to index
      %swap3A_1394 = arith.index_cast %multiple_of3A : i32 to index
      %swap3A_1395 = tpu.vector_load %arg16[%swap3A_1393, %swap3A_1394] {strides = array<i32>} : memref<16x1024xf32, #tpu.memory_space<vmem>>, vector<1x16xf32>,
      %swap3A_1396 = vector.shape_cast %swap3A_1395 : vector<1x16xf32> to vector<16xf32>
      %swap3A_1397 = vector.shape_cast %add3A_1392 : vector<16xf32> to vector<1x16xf32>
      tpu.vector_store %arg16[%swap3A_1393, %swap3A_1394], %swap3A_1397 {strides = array<i32>} : memref<16x1024xf32, #tpu.memory_space<vmem>>, vector<1x16xf32>,
    }
    %scan3A_342 = arith.constant 64 : i32
    %mul3A_343 = arith.constant 64 : i32
    %mul3A_344 = arith.muli %add3A, %mul3A_343 : i32
    %add3A_345 = arith.constant 0 : i32
    %add3A_346 = arith.addi %mul3A_344, %add3A_345 : i32
    %dma_start3A_347 = arith.constant 0 : i32
    %dma_start3A_348 = tpu.memref_slice %arg7[%add3A_346, %dma_start3A_347] : memref<2048x1024xf32, #tpu.memory_space<hbm>> -> memref<16x1024xf32, #tpu.memory_space<hbm>>
    %dma_start3A_349 = arith.constant 0 : i32
    %dma_start3A_350 = tpu.memref_slice %arg7[%add3A_346, %dma_start3A_349] : memref<2048x1024xf32, #tpu.memory_space<hbm>> -> memref<16x1024xf32, #tpu.memory_space<hbm>>
    tpu.enqueue_dma source(%arg16 : memref<16x1024xf32, #tpu.memory_space<vmem>>) target(%dma_start3A_350 : memref<16x1024xf32, #tpu.memory_space<hbm>>) target_semaphore(%arg20 : memref<!tpu.dma_semaphore, #tpu.memory_space<semaphore_mem>>)
    %dma_wait3A_351 = arith.constant 1 : i32
    %dma_wait3A_352 = arith.constant 0 : i32
    %dma_wait3A_353 = tpu.memref_slice %arg8[%dma_wait3A_351, %dma_wait3A_352] : memref<4x16xi32, #tpu.memory_space<vmem>> -> memref<1x16xi32, #tpu.memory_space<vmem>>
    %dma_wait3A_354 = tpu.memref_squeeze %dma_wait3A_353 : memref<1x16xi32, #tpu.memory_space<vmem>> -> memref<16xi32, #tpu.memory_space<vmem>>
    %dma_wait3A_355 = arith.constant 0 : i32
    %dma_wait3A_356 = arith.constant 0 : i32
    %dma_wait3A_357 = tpu.memref_slice %arg2[%dma_wait3A_355, %dma_wait3A_356] : memref<8256x1024xf32, #tpu.memory_space<hbm>> -> memref<8256x1024xf32, #tpu.memory_space<hbm>>
    tpu.wait_indirect_dma semaphore(%arg18 : memref<!tpu.dma_semaphore, #tpu.memory_space<semaphore_mem>>) src(%dma_wait3A_357 : memref<8256x1024xf32, #tpu.memory_space<hbm>>) dst(%arg13 : memref<16x1024xf32, #tpu.memory_space<vmem>>)
    %dma_wait3A_358 = arith.constant 1 : i32
    %dma_wait3A_359 = arith.constant 0 : i32
    %dma_wait3A_360 = tpu.memref_slice %arg9[%dma_wait3A_358, %dma_wait3A_359] : memref<4x16xi32, #tpu.memory_space<vmem>> -> memref<1x16xi32, #tpu.memory_space<vmem>>
    %dma_wait3A_361 = tpu.memref_squeeze %dma_wait3A_360 : memref<1x16xi32, #tpu.memory_space<vmem>> -> memref<16xi32, #tpu.memory_space<vmem>>
    %dma_wait3A_362 = arith.constant 0 : i32
    %dma_wait3A_363 = arith.constant 0 : i32
    %dma_wait3A_364 = tpu.memref_slice %arg2[%dma_wait3A_362, %dma_wait3A_363] : memref<8256x1024xf32, #tpu.memory_space<hbm>> -> memref<8256x1024xf32, #tpu.memory_space<hbm>>
    tpu.wait_indirect_dma semaphore(%arg19 : memref<!tpu.dma_semaphore, #tpu.memory_space<semaphore_mem>>) src(%dma_wait3A_364 : memref<8256x1024xf32, #tpu.memory_space<hbm>>) dst(%arg15 : memref<16x1024xf32, #tpu.memory_space<vmem>>)
    %dma_start3A_365 = arith.constant 2 : i32
    %dma_start3A_366 = arith.constant 0 : i32
    %dma_start3A_367 = tpu.memref_slice %arg8[%dma_start3A_365, %dma_start3A_366] : memref<4x16xi32, #tpu.memory_space<vmem>> -> memref<1x16xi32, #tpu.memory_space<vmem>>
    %dma_start3A_368 = tpu.memref_squeeze %dma_start3A_367 : memref<1x16xi32, #tpu.memory_space<vmem>> -> memref<16xi32, #tpu.memory_space<vmem>>
    %dma_start3A_369 = arith.constant 0 : i32
    %dma_start3A_370 = arith.constant 0 : i32
    %dma_start3A_371 = tpu.memref_slice %arg2[%dma_start3A_369, %dma_start3A_370] : memref<8256x1024xf32, #tpu.memory_space<hbm>> -> memref<8256x1024xf32, #tpu.memory_space<hbm>>
    tpu.enqueue_indirect_dma source(%dma_start3A_371 : memref<8256x1024xf32, #tpu.memory_space<hbm>>) target(%arg12 : memref<16x1024xf32, #tpu.memory_space<vmem>>) offsets(%dma_start3A_368 : memref<16xi32, #tpu.memory_space<vmem>>) semaphore(%arg18 : memref<!tpu.dma_semaphore, #tpu.memory_space<semaphore_mem>>)
    %dma_start3A_372 = arith.constant 2 : i32
    %dma_start3A_373 = arith.constant 0 : i32
    %dma_start3A_374 = tpu.memref_slice %arg9[%dma_start3A_372, %dma_start3A_373] : memref<4x16xi32, #tpu.memory_space<vmem>> -> memref<1x16xi32, #tpu.memory_space<vmem>>
    %dma_start3A_375 = tpu.memref_squeeze %dma_start3A_374 : memref<1x16xi32, #tpu.memory_space<vmem>> -> memref<16xi32, #tpu.memory_space<vmem>>
    %dma_start3A_376 = arith.constant 0 : i32
    %dma_start3A_377 = arith.constant 0 : i32
    %dma_start3A_378 = tpu.memref_slice %arg2[%dma_start3A_376, %dma_start3A_377] : memref<8256x1024xf32, #tpu.memory_space<hbm>> -> memref<8256x1024xf32, #tpu.memory_space<hbm>>
    tpu.enqueue_indirect_dma source(%dma_start3A_378 : memref<8256x1024xf32, #tpu.memory_space<hbm>>) target(%arg14 : memref<16x1024xf32, #tpu.memory_space<vmem>>) offsets(%dma_start3A_375 : memref<16xi32, #tpu.memory_space<vmem>>) semaphore(%arg19 : memref<!tpu.dma_semaphore, #tpu.memory_space<semaphore_mem>>)
    %get3A_379 = arith.constant 1 : i32
    %get3A_380 = arith.constant 0 : i32
    %get3A_381 = arith.index_cast %get3A_379 : i32 to index
    %get3A_382 = arith.index_cast %get3A_380 : i32 to index
    %get3A_383 = arith.constant 0 : index
    %get3A_384 = tpu.vector_load %arg10[%get3A_381, %get3A_382, %get3A_383] {strides = array<i32>} : memref<4x16x16xf32, #tpu.memory_space<vmem>>, vector<1x1x16xf32>,
    %get3A_385 = vector.shape_cast %get3A_384 : vector<1x1x16xf32> to vector<16xf32>
    %get3A_386 = arith.constant 1 : i32
    %get3A_387 = arith.constant 0 : i32
    %get3A_388 = arith.index_cast %get3A_386 : i32 to index
    %get3A_389 = arith.index_cast %get3A_387 : i32 to index
    %get3A_390 = arith.constant 0 : index
    %get3A_391 = tpu.vector_load %arg11[%get3A_388, %get3A_389, %get3A_390] {strides = array<i32>} : memref<4x16x16xf32, #tpu.memory_space<vmem>>, vector<1x1x16xf32>,
    %get3A_392 = vector.shape_cast %get3A_391 : vector<1x1x16xf32> to vector<16xf32>
    %scan3A_393 = arith.constant 0 : i32
    %scan3A_394 = arith.constant 64 : i32
    %scan3A_395 = arith.addi %scan3A_393, %scan3A_394 : i32
    %scan3A_396 = arith.constant 1 : i32
    scf.for %scan3A_1373 = %scan3A_393 to %scan3A_395 step %scan3A_396  : i32 {
      %mul3A_1374 = arith.constant 1 : i32
      %mul3A_1375 = arith.muli %scan3A_1373, %mul3A_1374 : i32
      %add3A_1376 = arith.constant 0 : i32
      %add3A_1377 = arith.addi %add3A_1376, %mul3A_1375 : i32
      %mul3A_1378 = arith.constant 16 : i32
      %mul3A_1379 = arith.muli %add3A_1377, %mul3A_1378 : i32
      %multiple_of3A = tpu.assume_multiple %mul3A_1379, 16 : i32
      %get3A_1380 = arith.constant 0 : i32
      %get3A_1381 = arith.index_cast %get3A_1380 : i32 to index
      %get3A_1382 = arith.index_cast %multiple_of3A : i32 to index
      %get3A_1383 = tpu.vector_load %arg13[%get3A_1381, %get3A_1382] {strides = array<i32>} : memref<16x1024xf32, #tpu.memory_space<vmem>>, vector<1x16xf32>,
      %get3A_1384 = vector.shape_cast %get3A_1383 : vector<1x16xf32> to vector<16xf32>
      %mul3A_1385 = arith.mulf %get3A_1384, %get3A_385 : vector<16xf32>
      %get3A_1386 = arith.constant 0 : i32
      %get3A_1387 = arith.index_cast %get3A_1386 : i32 to index
      %get3A_1388 = arith.index_cast %multiple_of3A : i32 to index
      %get3A_1389 = tpu.vector_load %arg15[%get3A_1387, %get3A_1388] {strides = array<i32>} : memref<16x1024xf32, #tpu.memory_space<vmem>>, vector<1x16xf32>,
      %get3A_1390 = vector.shape_cast %get3A_1389 : vector<1x16xf32> to vector<16xf32>
      %mul3A_1391 = arith.mulf %get3A_1390, %get3A_392 : vector<16xf32>
      %add3A_1392 = arith.addf %mul3A_1385, %mul3A_1391 : vector<16xf32>
      %swap3A = arith.constant 0 : i32
      %swap3A_1393 = arith.index_cast %swap3A : i32 to index
      %swap3A_1394 = arith.index_cast %multiple_of3A : i32 to index
      %swap3A_1395 = tpu.vector_load %arg17[%swap3A_1393, %swap3A_1394] {strides = array<i32>} : memref<16x1024xf32, #tpu.memory_space<vmem>>, vector<1x16xf32>,
      %swap3A_1396 = vector.shape_cast %swap3A_1395 : vector<1x16xf32> to vector<16xf32>
      %swap3A_1397 = vector.shape_cast %add3A_1392 : vector<16xf32> to vector<1x16xf32>
      tpu.vector_store %arg17[%swap3A_1393, %swap3A_1394], %swap3A_1397 {strides = array<i32>} : memref<16x1024xf32, #tpu.memory_space<vmem>>, vector<1x16xf32>,
    }
    %scan3A_397 = arith.constant 64 : i32
    %get3A_398 = arith.constant 1 : i32
    %get3A_399 = arith.constant 1 : i32
    %get3A_400 = arith.index_cast %get3A_398 : i32 to index
    %get3A_401 = arith.index_cast %get3A_399 : i32 to index
    %get3A_402 = arith.constant 0 : index
    %get3A_403 = tpu.vector_load %arg10[%get3A_400, %get3A_401, %get3A_402] {strides = array<i32>} : memref<4x16x16xf32, #tpu.memory_space<vmem>>, vector<1x1x16xf32>,
    %get3A_404 = vector.shape_cast %get3A_403 : vector<1x1x16xf32> to vector<16xf32>
    %get3A_405 = arith.constant 1 : i32
    %get3A_406 = arith.constant 1 : i32
    %get3A_407 = arith.index_cast %get3A_405 : i32 to index
    %get3A_408 = arith.index_cast %get3A_406 : i32 to index
    %get3A_409 = arith.constant 0 : index
    %get3A_410 = tpu.vector_load %arg11[%get3A_407, %get3A_408, %get3A_409] {strides = array<i32>} : memref<4x16x16xf32, #tpu.memory_space<vmem>>, vector<1x1x16xf32>,
    %get3A_411 = vector.shape_cast %get3A_410 : vector<1x1x16xf32> to vector<16xf32>
    %scan3A_412 = arith.constant 0 : i32
    %scan3A_413 = arith.constant 64 : i32
    %scan3A_414 = arith.addi %scan3A_412, %scan3A_413 : i32
    %scan3A_415 = arith.constant 1 : i32
    scf.for %scan3A_1373 = %scan3A_412 to %scan3A_414 step %scan3A_415  : i32 {
      %mul3A_1374 = arith.constant 1 : i32
      %mul3A_1375 = arith.muli %scan3A_1373, %mul3A_1374 : i32
      %add3A_1376 = arith.constant 0 : i32
      %add3A_1377 = arith.addi %add3A_1376, %mul3A_1375 : i32
      %mul3A_1378 = arith.constant 16 : i32
      %mul3A_1379 = arith.muli %add3A_1377, %mul3A_1378 : i32
      %multiple_of3A = tpu.assume_multiple %mul3A_1379, 16 : i32
      %get3A_1380 = arith.constant 1 : i32
      %get3A_1381 = arith.index_cast %get3A_1380 : i32 to index
      %get3A_1382 = arith.index_cast %multiple_of3A : i32 to index
      %get3A_1383 = tpu.vector_load %arg13[%get3A_1381, %get3A_1382] {strides = array<i32>} : memref<16x1024xf32, #tpu.memory_space<vmem>>, vector<1x16xf32>,
      %get3A_1384 = vector.shape_cast %get3A_1383 : vector<1x16xf32> to vector<16xf32>
      %mul3A_1385 = arith.mulf %get3A_1384, %get3A_404 : vector<16xf32>
      %get3A_1386 = arith.constant 1 : i32
      %get3A_1387 = arith.index_cast %get3A_1386 : i32 to index
      %get3A_1388 = arith.index_cast %multiple_of3A : i32 to index
      %get3A_1389 = tpu.vector_load %arg15[%get3A_1387, %get3A_1388] {strides = array<i32>} : memref<16x1024xf32, #tpu.memory_space<vmem>>, vector<1x16xf32>,
      %get3A_1390 = vector.shape_cast %get3A_1389 : vector<1x16xf32> to vector<16xf32>
      %mul3A_1391 = arith.mulf %get3A_1390, %get3A_411 : vector<16xf32>
      %add3A_1392 = arith.addf %mul3A_1385, %mul3A_1391 : vector<16xf32>
      %swap3A = arith.constant 1 : i32
      %swap3A_1393 = arith.index_cast %swap3A : i32 to index
      %swap3A_1394 = arith.index_cast %multiple_of3A : i32 to index
      %swap3A_1395 = tpu.vector_load %arg17[%swap3A_1393, %swap3A_1394] {strides = array<i32>} : memref<16x1024xf32, #tpu.memory_space<vmem>>, vector<1x16xf32>,
      %swap3A_1396 = vector.shape_cast %swap3A_1395 : vector<1x16xf32> to vector<16xf32>
      %swap3A_1397 = vector.shape_cast %add3A_1392 : vector<16xf32> to vector<1x16xf32>
      tpu.vector_store %arg17[%swap3A_1393, %swap3A_1394], %swap3A_1397 {strides = array<i32>} : memref<16x1024xf32, #tpu.memory_space<vmem>>, vector<1x16xf32>,
    }
    %scan3A_416 = arith.constant 64 : i32
    %get3A_417 = arith.constant 1 : i32
    %get3A_418 = arith.constant 2 : i32
    %get3A_419 = arith.index_cast %get3A_417 : i32 to index
    %get3A_420 = arith.index_cast %get3A_418 : i32 to index
    %get3A_421 = arith.constant 0 : index
    %get3A_422 = tpu.vector_load %arg10[%get3A_419, %get3A_420, %get3A_421] {strides = array<i32>} : memref<4x16x16xf32, #tpu.memory_space<vmem>>, vector<1x1x16xf32>,
    %get3A_423 = vector.shape_cast %get3A_422 : vector<1x1x16xf32> to vector<16xf32>
    %get3A_424 = arith.constant 1 : i32
    %get3A_425 = arith.constant 2 : i32
    %get3A_426 = arith.index_cast %get3A_424 : i32 to index
    %get3A_427 = arith.index_cast %get3A_425 : i32 to index
    %get3A_428 = arith.constant 0 : index
    %get3A_429 = tpu.vector_load %arg11[%get3A_426, %get3A_427, %get3A_428] {strides = array<i32>} : memref<4x16x16xf32, #tpu.memory_space<vmem>>, vector<1x1x16xf32>,
    %get3A_430 = vector.shape_cast %get3A_429 : vector<1x1x16xf32> to vector<16xf32>
    %scan3A_431 = arith.constant 0 : i32
    %scan3A_432 = arith.constant 64 : i32
    %scan3A_433 = arith.addi %scan3A_431, %scan3A_432 : i32
    %scan3A_434 = arith.constant 1 : i32
    scf.for %scan3A_1373 = %scan3A_431 to %scan3A_433 step %scan3A_434  : i32 {
      %mul3A_1374 = arith.constant 1 : i32
      %mul3A_1375 = arith.muli %scan3A_1373, %mul3A_1374 : i32
      %add3A_1376 = arith.constant 0 : i32
      %add3A_1377 = arith.addi %add3A_1376, %mul3A_1375 : i32
      %mul3A_1378 = arith.constant 16 : i32
      %mul3A_1379 = arith.muli %add3A_1377, %mul3A_1378 : i32
      %multiple_of3A = tpu.assume_multiple %mul3A_1379, 16 : i32
      %get3A_1380 = arith.constant 2 : i32
      %get3A_1381 = arith.index_cast %get3A_1380 : i32 to index
      %get3A_1382 = arith.index_cast %multiple_of3A : i32 to index
      %get3A_1383 = tpu.vector_load %arg13[%get3A_1381, %get3A_1382] {strides = array<i32>} : memref<16x1024xf32, #tpu.memory_space<vmem>>, vector<1x16xf32>,
      %get3A_1384 = vector.shape_cast %get3A_1383 : vector<1x16xf32> to vector<16xf32>
      %mul3A_1385 = arith.mulf %get3A_1384, %get3A_423 : vector<16xf32>
      %get3A_1386 = arith.constant 2 : i32
      %get3A_1387 = arith.index_cast %get3A_1386 : i32 to index
      %get3A_1388 = arith.index_cast %multiple_of3A : i32 to index
      %get3A_1389 = tpu.vector_load %arg15[%get3A_1387, %get3A_1388] {strides = array<i32>} : memref<16x1024xf32, #tpu.memory_space<vmem>>, vector<1x16xf32>,
      %get3A_1390 = vector.shape_cast %get3A_1389 : vector<1x16xf32> to vector<16xf32>
      %mul3A_1391 = arith.mulf %get3A_1390, %get3A_430 : vector<16xf32>
      %add3A_1392 = arith.addf %mul3A_1385, %mul3A_1391 : vector<16xf32>
      %swap3A = arith.constant 2 : i32
      %swap3A_1393 = arith.index_cast %swap3A : i32 to index
      %swap3A_1394 = arith.index_cast %multiple_of3A : i32 to index
      %swap3A_1395 = tpu.vector_load %arg17[%swap3A_1393, %swap3A_1394] {strides = array<i32>} : memref<16x1024xf32, #tpu.memory_space<vmem>>, vector<1x16xf32>,
      %swap3A_1396 = vector.shape_cast %swap3A_1395 : vector<1x16xf32> to vector<16xf32>
      %swap3A_1397 = vector.shape_cast %add3A_1392 : vector<16xf32> to vector<1x16xf32>
      tpu.vector_store %arg17[%swap3A_1393, %swap3A_1394], %swap3A_1397 {strides = array<i32>} : memref<16x1024xf32, #tpu.memory_space<vmem>>, vector<1x16xf32>,
    }
    %scan3A_435 = arith.constant 64 : i32
    %get3A_436 = arith.constant 1 : i32
    %get3A_437 = arith.constant 3 : i32
    %get3A_438 = arith.index_cast %get3A_436 : i32 to index
    %get3A_439 = arith.index_cast %get3A_437 : i32 to index
    %get3A_440 = arith.constant 0 : index
    %get3A_441 = tpu.vector_load %arg10[%get3A_438, %get3A_439, %get3A_440] {strides = array<i32>} : memref<4x16x16xf32, #tpu.memory_space<vmem>>, vector<1x1x16xf32>,
    %get3A_442 = vector.shape_cast %get3A_441 : vector<1x1x16xf32> to vector<16xf32>
    %get3A_443 = arith.constant 1 : i32
    %get3A_444 = arith.constant 3 : i32
    %get3A_445 = arith.index_cast %get3A_443 : i32 to index
    %get3A_446 = arith.index_cast %get3A_444 : i32 to index
    %get3A_447 = arith.constant 0 : index
    %get3A_448 = tpu.vector_load %arg11[%get3A_445, %get3A_446, %get3A_447] {strides = array<i32>} : memref<4x16x16xf32, #tpu.memory_space<vmem>>, vector<1x1x16xf32>,
    %get3A_449 = vector.shape_cast %get3A_448 : vector<1x1x16xf32> to vector<16xf32>
    %scan3A_450 = arith.constant 0 : i32
    %scan3A_451 = arith.constant 64 : i32
    %scan3A_452 = arith.addi %scan3A_450, %scan3A_451 : i32
    %scan3A_453 = arith.constant 1 : i32
    scf.for %scan3A_1373 = %scan3A_450 to %scan3A_452 step %scan3A_453  : i32 {
      %mul3A_1374 = arith.constant 1 : i32
      %mul3A_1375 = arith.muli %scan3A_1373, %mul3A_1374 : i32
      %add3A_1376 = arith.constant 0 : i32
      %add3A_1377 = arith.addi %add3A_1376, %mul3A_1375 : i32
      %mul3A_1378 = arith.constant 16 : i32
      %mul3A_1379 = arith.muli %add3A_1377, %mul3A_1378 : i32
      %multiple_of3A = tpu.assume_multiple %mul3A_1379, 16 : i32
      %get3A_1380 = arith.constant 3 : i32
      %get3A_1381 = arith.index_cast %get3A_1380 : i32 to index
      %get3A_1382 = arith.index_cast %multiple_of3A : i32 to index
      %get3A_1383 = tpu.vector_load %arg13[%get3A_1381, %get3A_1382] {strides = array<i32>} : memref<16x1024xf32, #tpu.memory_space<vmem>>, vector<1x16xf32>,
      %get3A_1384 = vector.shape_cast %get3A_1383 : vector<1x16xf32> to vector<16xf32>
      %mul3A_1385 = arith.mulf %get3A_1384, %get3A_442 : vector<16xf32>
      %get3A_1386 = arith.constant 3 : i32
      %get3A_1387 = arith.index_cast %get3A_1386 : i32 to index
      %get3A_1388 = arith.index_cast %multiple_of3A : i32 to index
      %get3A_1389 = tpu.vector_load %arg15[%get3A_1387, %get3A_1388] {strides = array<i32>} : memref<16x1024xf32, #tpu.memory_space<vmem>>, vector<1x16xf32>,
      %get3A_1390 = vector.shape_cast %get3A_1389 : vector<1x16xf32> to vector<16xf32>
      %mul3A_1391 = arith.mulf %get3A_1390, %get3A_449 : vector<16xf32>
      %add3A_1392 = arith.addf %mul3A_1385, %mul3A_1391 : vector<16xf32>
      %swap3A = arith.constant 3 : i32
      %swap3A_1393 = arith.index_cast %swap3A : i32 to index
      %swap3A_1394 = arith.index_cast %multiple_of3A : i32 to index
      %swap3A_1395 = tpu.vector_load %arg17[%swap3A_1393, %swap3A_1394] {strides = array<i32>} : memref<16x1024xf32, #tpu.memory_space<vmem>>, vector<1x16xf32>,
      %swap3A_1396 = vector.shape_cast %swap3A_1395 : vector<1x16xf32> to vector<16xf32>
      %swap3A_1397 = vector.shape_cast %add3A_1392 : vector<16xf32> to vector<1x16xf32>
      tpu.vector_store %arg17[%swap3A_1393, %swap3A_1394], %swap3A_1397 {strides = array<i32>} : memref<16x1024xf32, #tpu.memory_space<vmem>>, vector<1x16xf32>,
    }
    %scan3A_454 = arith.constant 64 : i32
    %get3A_455 = arith.constant 1 : i32
    %get3A_456 = arith.constant 4 : i32
    %get3A_457 = arith.index_cast %get3A_455 : i32 to index
    %get3A_458 = arith.index_cast %get3A_456 : i32 to index
    %get3A_459 = arith.constant 0 : index
    %get3A_460 = tpu.vector_load %arg10[%get3A_457, %get3A_458, %get3A_459] {strides = array<i32>} : memref<4x16x16xf32, #tpu.memory_space<vmem>>, vector<1x1x16xf32>,
    %get3A_461 = vector.shape_cast %get3A_460 : vector<1x1x16xf32> to vector<16xf32>
    %get3A_462 = arith.constant 1 : i32
    %get3A_463 = arith.constant 4 : i32
    %get3A_464 = arith.index_cast %get3A_462 : i32 to index
    %get3A_465 = arith.index_cast %get3A_463 : i32 to index
    %get3A_466 = arith.constant 0 : index
    %get3A_467 = tpu.vector_load %arg11[%get3A_464, %get3A_465, %get3A_466] {strides = array<i32>} : memref<4x16x16xf32, #tpu.memory_space<vmem>>, vector<1x1x16xf32>,
    %get3A_468 = vector.shape_cast %get3A_467 : vector<1x1x16xf32> to vector<16xf32>
    %scan3A_469 = arith.constant 0 : i32
    %scan3A_470 = arith.constant 64 : i32
    %scan3A_471 = arith.addi %scan3A_469, %scan3A_470 : i32
    %scan3A_472 = arith.constant 1 : i32
    scf.for %scan3A_1373 = %scan3A_469 to %scan3A_471 step %scan3A_472  : i32 {
      %mul3A_1374 = arith.constant 1 : i32
      %mul3A_1375 = arith.muli %scan3A_1373, %mul3A_1374 : i32
      %add3A_1376 = arith.constant 0 : i32
      %add3A_1377 = arith.addi %add3A_1376, %mul3A_1375 : i32
      %mul3A_1378 = arith.constant 16 : i32
      %mul3A_1379 = arith.muli %add3A_1377, %mul3A_1378 : i32
      %multiple_of3A = tpu.assume_multiple %mul3A_1379, 16 : i32
      %get3A_1380 = arith.constant 4 : i32
      %get3A_1381 = arith.index_cast %get3A_1380 : i32 to index
      %get3A_1382 = arith.index_cast %multiple_of3A : i32 to index
      %get3A_1383 = tpu.vector_load %arg13[%get3A_1381, %get3A_1382] {strides = array<i32>} : memref<16x1024xf32, #tpu.memory_space<vmem>>, vector<1x16xf32>,
      %get3A_1384 = vector.shape_cast %get3A_1383 : vector<1x16xf32> to vector<16xf32>
      %mul3A_1385 = arith.mulf %get3A_1384, %get3A_461 : vector<16xf32>
      %get3A_1386 = arith.constant 4 : i32
      %get3A_1387 = arith.index_cast %get3A_1386 : i32 to index
      %get3A_1388 = arith.index_cast %multiple_of3A : i32 to index
      %get3A_1389 = tpu.vector_load %arg15[%get3A_1387, %get3A_1388] {strides = array<i32>} : memref<16x1024xf32, #tpu.memory_space<vmem>>, vector<1x16xf32>,
      %get3A_1390 = vector.shape_cast %get3A_1389 : vector<1x16xf32> to vector<16xf32>
      %mul3A_1391 = arith.mulf %get3A_1390, %get3A_468 : vector<16xf32>
      %add3A_1392 = arith.addf %mul3A_1385, %mul3A_1391 : vector<16xf32>
      %swap3A = arith.constant 4 : i32
      %swap3A_1393 = arith.index_cast %swap3A : i32 to index
      %swap3A_1394 = arith.index_cast %multiple_of3A : i32 to index
      %swap3A_1395 = tpu.vector_load %arg17[%swap3A_1393, %swap3A_1394] {strides = array<i32>} : memref<16x1024xf32, #tpu.memory_space<vmem>>, vector<1x16xf32>,
      %swap3A_1396 = vector.shape_cast %swap3A_1395 : vector<1x16xf32> to vector<16xf32>
      %swap3A_1397 = vector.shape_cast %add3A_1392 : vector<16xf32> to vector<1x16xf32>
      tpu.vector_store %arg17[%swap3A_1393, %swap3A_1394], %swap3A_1397 {strides = array<i32>} : memref<16x1024xf32, #tpu.memory_space<vmem>>, vector<1x16xf32>,
    }
    %scan3A_473 = arith.constant 64 : i32
    %get3A_474 = arith.constant 1 : i32
    %get3A_475 = arith.constant 5 : i32
    %get3A_476 = arith.index_cast %get3A_474 : i32 to index
    %get3A_477 = arith.index_cast %get3A_475 : i32 to index
    %get3A_478 = arith.constant 0 : index
    %get3A_479 = tpu.vector_load %arg10[%get3A_476, %get3A_477, %get3A_478] {strides = array<i32>} : memref<4x16x16xf32, #tpu.memory_space<vmem>>, vector<1x1x16xf32>,
    %get3A_480 = vector.shape_cast %get3A_479 : vector<1x1x16xf32> to vector<16xf32>
    %get3A_481 = arith.constant 1 : i32
    %get3A_482 = arith.constant 5 : i32
    %get3A_483 = arith.index_cast %get3A_481 : i32 to index
    %get3A_484 = arith.index_cast %get3A_482 : i32 to index
    %get3A_485 = arith.constant 0 : index
    %get3A_486 = tpu.vector_load %arg11[%get3A_483, %get3A_484, %get3A_485] {strides = array<i32>} : memref<4x16x16xf32, #tpu.memory_space<vmem>>, vector<1x1x16xf32>,
    %get3A_487 = vector.shape_cast %get3A_486 : vector<1x1x16xf32> to vector<16xf32>
    %scan3A_488 = arith.constant 0 : i32
    %scan3A_489 = arith.constant 64 : i32
    %scan3A_490 = arith.addi %scan3A_488, %scan3A_489 : i32
    %scan3A_491 = arith.constant 1 : i32
    scf.for %scan3A_1373 = %scan3A_488 to %scan3A_490 step %scan3A_491  : i32 {
      %mul3A_1374 = arith.constant 1 : i32
      %mul3A_1375 = arith.muli %scan3A_1373, %mul3A_1374 : i32
      %add3A_1376 = arith.constant 0 : i32
      %add3A_1377 = arith.addi %add3A_1376, %mul3A_1375 : i32
      %mul3A_1378 = arith.constant 16 : i32
      %mul3A_1379 = arith.muli %add3A_1377, %mul3A_1378 : i32
      %multiple_of3A = tpu.assume_multiple %mul3A_1379, 16 : i32
      %get3A_1380 = arith.constant 5 : i32
      %get3A_1381 = arith.index_cast %get3A_1380 : i32 to index
      %get3A_1382 = arith.index_cast %multiple_of3A : i32 to index
      %get3A_1383 = tpu.vector_load %arg13[%get3A_1381, %get3A_1382] {strides = array<i32>} : memref<16x1024xf32, #tpu.memory_space<vmem>>, vector<1x16xf32>,
      %get3A_1384 = vector.shape_cast %get3A_1383 : vector<1x16xf32> to vector<16xf32>
      %mul3A_1385 = arith.mulf %get3A_1384, %get3A_480 : vector<16xf32>
      %get3A_1386 = arith.constant 5 : i32
      %get3A_1387 = arith.index_cast %get3A_1386 : i32 to index
      %get3A_1388 = arith.index_cast %multiple_of3A : i32 to index
      %get3A_1389 = tpu.vector_load %arg15[%get3A_1387, %get3A_1388] {strides = array<i32>} : memref<16x1024xf32, #tpu.memory_space<vmem>>, vector<1x16xf32>,
      %get3A_1390 = vector.shape_cast %get3A_1389 : vector<1x16xf32> to vector<16xf32>
      %mul3A_1391 = arith.mulf %get3A_1390, %get3A_487 : vector<16xf32>
      %add3A_1392 = arith.addf %mul3A_1385, %mul3A_1391 : vector<16xf32>
      %swap3A = arith.constant 5 : i32
      %swap3A_1393 = arith.index_cast %swap3A : i32 to index
      %swap3A_1394 = arith.index_cast %multiple_of3A : i32 to index
      %swap3A_1395 = tpu.vector_load %arg17[%swap3A_1393, %swap3A_1394] {strides = array<i32>} : memref<16x1024xf32, #tpu.memory_space<vmem>>, vector<1x16xf32>,
      %swap3A_1396 = vector.shape_cast %swap3A_1395 : vector<1x16xf32> to vector<16xf32>
      %swap3A_1397 = vector.shape_cast %add3A_1392 : vector<16xf32> to vector<1x16xf32>
      tpu.vector_store %arg17[%swap3A_1393, %swap3A_1394], %swap3A_1397 {strides = array<i32>} : memref<16x1024xf32, #tpu.memory_space<vmem>>, vector<1x16xf32>,
    }
    %scan3A_492 = arith.constant 64 : i32
    %get3A_493 = arith.constant 1 : i32
    %get3A_494 = arith.constant 6 : i32
    %get3A_495 = arith.index_cast %get3A_493 : i32 to index
    %get3A_496 = arith.index_cast %get3A_494 : i32 to index
    %get3A_497 = arith.constant 0 : index
    %get3A_498 = tpu.vector_load %arg10[%get3A_495, %get3A_496, %get3A_497] {strides = array<i32>} : memref<4x16x16xf32, #tpu.memory_space<vmem>>, vector<1x1x16xf32>,
    %get3A_499 = vector.shape_cast %get3A_498 : vector<1x1x16xf32> to vector<16xf32>
    %get3A_500 = arith.constant 1 : i32
    %get3A_501 = arith.constant 6 : i32
    %get3A_502 = arith.index_cast %get3A_500 : i32 to index
    %get3A_503 = arith.index_cast %get3A_501 : i32 to index
    %get3A_504 = arith.constant 0 : index
    %get3A_505 = tpu.vector_load %arg11[%get3A_502, %get3A_503, %get3A_504] {strides = array<i32>} : memref<4x16x16xf32, #tpu.memory_space<vmem>>, vector<1x1x16xf32>,
    %get3A_506 = vector.shape_cast %get3A_505 : vector<1x1x16xf32> to vector<16xf32>
    %scan3A_507 = arith.constant 0 : i32
    %scan3A_508 = arith.constant 64 : i32
    %scan3A_509 = arith.addi %scan3A_507, %scan3A_508 : i32
    %scan3A_510 = arith.constant 1 : i32
    scf.for %scan3A_1373 = %scan3A_507 to %scan3A_509 step %scan3A_510  : i32 {
      %mul3A_1374 = arith.constant 1 : i32
      %mul3A_1375 = arith.muli %scan3A_1373, %mul3A_1374 : i32
      %add3A_1376 = arith.constant 0 : i32
      %add3A_1377 = arith.addi %add3A_1376, %mul3A_1375 : i32
      %mul3A_1378 = arith.constant 16 : i32
      %mul3A_1379 = arith.muli %add3A_1377, %mul3A_1378 : i32
      %multiple_of3A = tpu.assume_multiple %mul3A_1379, 16 : i32
      %get3A_1380 = arith.constant 6 : i32
      %get3A_1381 = arith.index_cast %get3A_1380 : i32 to index
      %get3A_1382 = arith.index_cast %multiple_of3A : i32 to index
      %get3A_1383 = tpu.vector_load %arg13[%get3A_1381, %get3A_1382] {strides = array<i32>} : memref<16x1024xf32, #tpu.memory_space<vmem>>, vector<1x16xf32>,
      %get3A_1384 = vector.shape_cast %get3A_1383 : vector<1x16xf32> to vector<16xf32>
      %mul3A_1385 = arith.mulf %get3A_1384, %get3A_499 : vector<16xf32>
      %get3A_1386 = arith.constant 6 : i32
      %get3A_1387 = arith.index_cast %get3A_1386 : i32 to index
      %get3A_1388 = arith.index_cast %multiple_of3A : i32 to index
      %get3A_1389 = tpu.vector_load %arg15[%get3A_1387, %get3A_1388] {strides = array<i32>} : memref<16x1024xf32, #tpu.memory_space<vmem>>, vector<1x16xf32>,
      %get3A_1390 = vector.shape_cast %get3A_1389 : vector<1x16xf32> to vector<16xf32>
      %mul3A_1391 = arith.mulf %get3A_1390, %get3A_506 : vector<16xf32>
      %add3A_1392 = arith.addf %mul3A_1385, %mul3A_1391 : vector<16xf32>
      %swap3A = arith.constant 6 : i32
      %swap3A_1393 = arith.index_cast %swap3A : i32 to index
      %swap3A_1394 = arith.index_cast %multiple_of3A : i32 to index
      %swap3A_1395 = tpu.vector_load %arg17[%swap3A_1393, %swap3A_1394] {strides = array<i32>} : memref<16x1024xf32, #tpu.memory_space<vmem>>, vector<1x16xf32>,
      %swap3A_1396 = vector.shape_cast %swap3A_1395 : vector<1x16xf32> to vector<16xf32>
      %swap3A_1397 = vector.shape_cast %add3A_1392 : vector<16xf32> to vector<1x16xf32>
      tpu.vector_store %arg17[%swap3A_1393, %swap3A_1394], %swap3A_1397 {strides = array<i32>} : memref<16x1024xf32, #tpu.memory_space<vmem>>, vector<1x16xf32>,
    }
    %scan3A_511 = arith.constant 64 : i32
    %get3A_512 = arith.constant 1 : i32
    %get3A_513 = arith.constant 7 : i32
    %get3A_514 = arith.index_cast %get3A_512 : i32 to index
    %get3A_515 = arith.index_cast %get3A_513 : i32 to index
    %get3A_516 = arith.constant 0 : index
    %get3A_517 = tpu.vector_load %arg10[%get3A_514, %get3A_515, %get3A_516] {strides = array<i32>} : memref<4x16x16xf32, #tpu.memory_space<vmem>>, vector<1x1x16xf32>,
    %get3A_518 = vector.shape_cast %get3A_517 : vector<1x1x16xf32> to vector<16xf32>
    %get3A_519 = arith.constant 1 : i32
    %get3A_520 = arith.constant 7 : i32
    %get3A_521 = arith.index_cast %get3A_519 : i32 to index
    %get3A_522 = arith.index_cast %get3A_520 : i32 to index
    %get3A_523 = arith.constant 0 : index
    %get3A_524 = tpu.vector_load %arg11[%get3A_521, %get3A_522, %get3A_523] {strides = array<i32>} : memref<4x16x16xf32, #tpu.memory_space<vmem>>, vector<1x1x16xf32>,
    %get3A_525 = vector.shape_cast %get3A_524 : vector<1x1x16xf32> to vector<16xf32>
    %scan3A_526 = arith.constant 0 : i32
    %scan3A_527 = arith.constant 64 : i32
    %scan3A_528 = arith.addi %scan3A_526, %scan3A_527 : i32
    %scan3A_529 = arith.constant 1 : i32
    scf.for %scan3A_1373 = %scan3A_526 to %scan3A_528 step %scan3A_529  : i32 {
      %mul3A_1374 = arith.constant 1 : i32
      %mul3A_1375 = arith.muli %scan3A_1373, %mul3A_1374 : i32
      %add3A_1376 = arith.constant 0 : i32
      %add3A_1377 = arith.addi %add3A_1376, %mul3A_1375 : i32
      %mul3A_1378 = arith.constant 16 : i32
      %mul3A_1379 = arith.muli %add3A_1377, %mul3A_1378 : i32
      %multiple_of3A = tpu.assume_multiple %mul3A_1379, 16 : i32
      %get3A_1380 = arith.constant 7 : i32
      %get3A_1381 = arith.index_cast %get3A_1380 : i32 to index
      %get3A_1382 = arith.index_cast %multiple_of3A : i32 to index
      %get3A_1383 = tpu.vector_load %arg13[%get3A_1381, %get3A_1382] {strides = array<i32>} : memref<16x1024xf32, #tpu.memory_space<vmem>>, vector<1x16xf32>,
      %get3A_1384 = vector.shape_cast %get3A_1383 : vector<1x16xf32> to vector<16xf32>
      %mul3A_1385 = arith.mulf %get3A_1384, %get3A_518 : vector<16xf32>
      %get3A_1386 = arith.constant 7 : i32
      %get3A_1387 = arith.index_cast %get3A_1386 : i32 to index
      %get3A_1388 = arith.index_cast %multiple_of3A : i32 to index
      %get3A_1389 = tpu.vector_load %arg15[%get3A_1387, %get3A_1388] {strides = array<i32>} : memref<16x1024xf32, #tpu.memory_space<vmem>>, vector<1x16xf32>,
      %get3A_1390 = vector.shape_cast %get3A_1389 : vector<1x16xf32> to vector<16xf32>
      %mul3A_1391 = arith.mulf %get3A_1390, %get3A_525 : vector<16xf32>
      %add3A_1392 = arith.addf %mul3A_1385, %mul3A_1391 : vector<16xf32>
      %swap3A = arith.constant 7 : i32
      %swap3A_1393 = arith.index_cast %swap3A : i32 to index
      %swap3A_1394 = arith.index_cast %multiple_of3A : i32 to index
      %swap3A_1395 = tpu.vector_load %arg17[%swap3A_1393, %swap3A_1394] {strides = array<i32>} : memref<16x1024xf32, #tpu.memory_space<vmem>>, vector<1x16xf32>,
      %swap3A_1396 = vector.shape_cast %swap3A_1395 : vector<1x16xf32> to vector<16xf32>
      %swap3A_1397 = vector.shape_cast %add3A_1392 : vector<16xf32> to vector<1x16xf32>
      tpu.vector_store %arg17[%swap3A_1393, %swap3A_1394], %swap3A_1397 {strides = array<i32>} : memref<16x1024xf32, #tpu.memory_space<vmem>>, vector<1x16xf32>,
    }
    %scan3A_530 = arith.constant 64 : i32
    %get3A_531 = arith.constant 1 : i32
    %get3A_532 = arith.constant 8 : i32
    %get3A_533 = arith.index_cast %get3A_531 : i32 to index
    %get3A_534 = arith.index_cast %get3A_532 : i32 to index
    %get3A_535 = arith.constant 0 : index
    %get3A_536 = tpu.vector_load %arg10[%get3A_533, %get3A_534, %get3A_535] {strides = array<i32>} : memref<4x16x16xf32, #tpu.memory_space<vmem>>, vector<1x1x16xf32>,
    %get3A_537 = vector.shape_cast %get3A_536 : vector<1x1x16xf32> to vector<16xf32>
    %get3A_538 = arith.constant 1 : i32
    %get3A_539 = arith.constant 8 : i32
    %get3A_540 = arith.index_cast %get3A_538 : i32 to index
    %get3A_541 = arith.index_cast %get3A_539 : i32 to index
    %get3A_542 = arith.constant 0 : index
    %get3A_543 = tpu.vector_load %arg11[%get3A_540, %get3A_541, %get3A_542] {strides = array<i32>} : memref<4x16x16xf32, #tpu.memory_space<vmem>>, vector<1x1x16xf32>,
    %get3A_544 = vector.shape_cast %get3A_543 : vector<1x1x16xf32> to vector<16xf32>
    %scan3A_545 = arith.constant 0 : i32
    %scan3A_546 = arith.constant 64 : i32
    %scan3A_547 = arith.addi %scan3A_545, %scan3A_546 : i32
    %scan3A_548 = arith.constant 1 : i32
    scf.for %scan3A_1373 = %scan3A_545 to %scan3A_547 step %scan3A_548  : i32 {
      %mul3A_1374 = arith.constant 1 : i32
      %mul3A_1375 = arith.muli %scan3A_1373, %mul3A_1374 : i32
      %add3A_1376 = arith.constant 0 : i32
      %add3A_1377 = arith.addi %add3A_1376, %mul3A_1375 : i32
      %mul3A_1378 = arith.constant 16 : i32
      %mul3A_1379 = arith.muli %add3A_1377, %mul3A_1378 : i32
      %multiple_of3A = tpu.assume_multiple %mul3A_1379, 16 : i32
      %get3A_1380 = arith.constant 8 : i32
      %get3A_1381 = arith.index_cast %get3A_1380 : i32 to index
      %get3A_1382 = arith.index_cast %multiple_of3A : i32 to index
      %get3A_1383 = tpu.vector_load %arg13[%get3A_1381, %get3A_1382] {strides = array<i32>} : memref<16x1024xf32, #tpu.memory_space<vmem>>, vector<1x16xf32>,
      %get3A_1384 = vector.shape_cast %get3A_1383 : vector<1x16xf32> to vector<16xf32>
      %mul3A_1385 = arith.mulf %get3A_1384, %get3A_537 : vector<16xf32>
      %get3A_1386 = arith.constant 8 : i32
      %get3A_1387 = arith.index_cast %get3A_1386 : i32 to index
      %get3A_1388 = arith.index_cast %multiple_of3A : i32 to index
      %get3A_1389 = tpu.vector_load %arg15[%get3A_1387, %get3A_1388] {strides = array<i32>} : memref<16x1024xf32, #tpu.memory_space<vmem>>, vector<1x16xf32>,
      %get3A_1390 = vector.shape_cast %get3A_1389 : vector<1x16xf32> to vector<16xf32>
      %mul3A_1391 = arith.mulf %get3A_1390, %get3A_544 : vector<16xf32>
      %add3A_1392 = arith.addf %mul3A_1385, %mul3A_1391 : vector<16xf32>
      %swap3A = arith.constant 8 : i32
      %swap3A_1393 = arith.index_cast %swap3A : i32 to index
      %swap3A_1394 = arith.index_cast %multiple_of3A : i32 to index
      %swap3A_1395 = tpu.vector_load %arg17[%swap3A_1393, %swap3A_1394] {strides = array<i32>} : memref<16x1024xf32, #tpu.memory_space<vmem>>, vector<1x16xf32>,
      %swap3A_1396 = vector.shape_cast %swap3A_1395 : vector<1x16xf32> to vector<16xf32>
      %swap3A_1397 = vector.shape_cast %add3A_1392 : vector<16xf32> to vector<1x16xf32>
      tpu.vector_store %arg17[%swap3A_1393, %swap3A_1394], %swap3A_1397 {strides = array<i32>} : memref<16x1024xf32, #tpu.memory_space<vmem>>, vector<1x16xf32>,
    }
    %scan3A_549 = arith.constant 64 : i32
    %get3A_550 = arith.constant 1 : i32
    %get3A_551 = arith.constant 9 : i32
    %get3A_552 = arith.index_cast %get3A_550 : i32 to index
    %get3A_553 = arith.index_cast %get3A_551 : i32 to index
    %get3A_554 = arith.constant 0 : index
    %get3A_555 = tpu.vector_load %arg10[%get3A_552, %get3A_553, %get3A_554] {strides = array<i32>} : memref<4x16x16xf32, #tpu.memory_space<vmem>>, vector<1x1x16xf32>,
    %get3A_556 = vector.shape_cast %get3A_555 : vector<1x1x16xf32> to vector<16xf32>
    %get3A_557 = arith.constant 1 : i32
    %get3A_558 = arith.constant 9 : i32
    %get3A_559 = arith.index_cast %get3A_557 : i32 to index
    %get3A_560 = arith.index_cast %get3A_558 : i32 to index
    %get3A_561 = arith.constant 0 : index
    %get3A_562 = tpu.vector_load %arg11[%get3A_559, %get3A_560, %get3A_561] {strides = array<i32>} : memref<4x16x16xf32, #tpu.memory_space<vmem>>, vector<1x1x16xf32>,
    %get3A_563 = vector.shape_cast %get3A_562 : vector<1x1x16xf32> to vector<16xf32>
    %scan3A_564 = arith.constant 0 : i32
    %scan3A_565 = arith.constant 64 : i32
    %scan3A_566 = arith.addi %scan3A_564, %scan3A_565 : i32
    %scan3A_567 = arith.constant 1 : i32
    scf.for %scan3A_1373 = %scan3A_564 to %scan3A_566 step %scan3A_567  : i32 {
      %mul3A_1374 = arith.constant 1 : i32
      %mul3A_1375 = arith.muli %scan3A_1373, %mul3A_1374 : i32
      %add3A_1376 = arith.constant 0 : i32
      %add3A_1377 = arith.addi %add3A_1376, %mul3A_1375 : i32
      %mul3A_1378 = arith.constant 16 : i32
      %mul3A_1379 = arith.muli %add3A_1377, %mul3A_1378 : i32
      %multiple_of3A = tpu.assume_multiple %mul3A_1379, 16 : i32
      %get3A_1380 = arith.constant 9 : i32
      %get3A_1381 = arith.index_cast %get3A_1380 : i32 to index
      %get3A_1382 = arith.index_cast %multiple_of3A : i32 to index
      %get3A_1383 = tpu.vector_load %arg13[%get3A_1381, %get3A_1382] {strides = array<i32>} : memref<16x1024xf32, #tpu.memory_space<vmem>>, vector<1x16xf32>,
      %get3A_1384 = vector.shape_cast %get3A_1383 : vector<1x16xf32> to vector<16xf32>
      %mul3A_1385 = arith.mulf %get3A_1384, %get3A_556 : vector<16xf32>
      %get3A_1386 = arith.constant 9 : i32
      %get3A_1387 = arith.index_cast %get3A_1386 : i32 to index
      %get3A_1388 = arith.index_cast %multiple_of3A : i32 to index
      %get3A_1389 = tpu.vector_load %arg15[%get3A_1387, %get3A_1388] {strides = array<i32>} : memref<16x1024xf32, #tpu.memory_space<vmem>>, vector<1x16xf32>,
      %get3A_1390 = vector.shape_cast %get3A_1389 : vector<1x16xf32> to vector<16xf32>
      %mul3A_1391 = arith.mulf %get3A_1390, %get3A_563 : vector<16xf32>
      %add3A_1392 = arith.addf %mul3A_1385, %mul3A_1391 : vector<16xf32>
      %swap3A = arith.constant 9 : i32
      %swap3A_1393 = arith.index_cast %swap3A : i32 to index
      %swap3A_1394 = arith.index_cast %multiple_of3A : i32 to index
      %swap3A_1395 = tpu.vector_load %arg17[%swap3A_1393, %swap3A_1394] {strides = array<i32>} : memref<16x1024xf32, #tpu.memory_space<vmem>>, vector<1x16xf32>,
      %swap3A_1396 = vector.shape_cast %swap3A_1395 : vector<1x16xf32> to vector<16xf32>
      %swap3A_1397 = vector.shape_cast %add3A_1392 : vector<16xf32> to vector<1x16xf32>
      tpu.vector_store %arg17[%swap3A_1393, %swap3A_1394], %swap3A_1397 {strides = array<i32>} : memref<16x1024xf32, #tpu.memory_space<vmem>>, vector<1x16xf32>,
    }
    %scan3A_568 = arith.constant 64 : i32
    %get3A_569 = arith.constant 1 : i32
    %get3A_570 = arith.constant 10 : i32
    %get3A_571 = arith.index_cast %get3A_569 : i32 to index
    %get3A_572 = arith.index_cast %get3A_570 : i32 to index
    %get3A_573 = arith.constant 0 : index
    %get3A_574 = tpu.vector_load %arg10[%get3A_571, %get3A_572, %get3A_573] {strides = array<i32>} : memref<4x16x16xf32, #tpu.memory_space<vmem>>, vector<1x1x16xf32>,
    %get3A_575 = vector.shape_cast %get3A_574 : vector<1x1x16xf32> to vector<16xf32>
    %get3A_576 = arith.constant 1 : i32
    %get3A_577 = arith.constant 10 : i32
    %get3A_578 = arith.index_cast %get3A_576 : i32 to index
    %get3A_579 = arith.index_cast %get3A_577 : i32 to index
    %get3A_580 = arith.constant 0 : index
    %get3A_581 = tpu.vector_load %arg11[%get3A_578, %get3A_579, %get3A_580] {strides = array<i32>} : memref<4x16x16xf32, #tpu.memory_space<vmem>>, vector<1x1x16xf32>,
    %get3A_582 = vector.shape_cast %get3A_581 : vector<1x1x16xf32> to vector<16xf32>
    %scan3A_583 = arith.constant 0 : i32
    %scan3A_584 = arith.constant 64 : i32
    %scan3A_585 = arith.addi %scan3A_583, %scan3A_584 : i32
    %scan3A_586 = arith.constant 1 : i32
    scf.for %scan3A_1373 = %scan3A_583 to %scan3A_585 step %scan3A_586  : i32 {
      %mul3A_1374 = arith.constant 1 : i32
      %mul3A_1375 = arith.muli %scan3A_1373, %mul3A_1374 : i32
      %add3A_1376 = arith.constant 0 : i32
      %add3A_1377 = arith.addi %add3A_1376, %mul3A_1375 : i32
      %mul3A_1378 = arith.constant 16 : i32
      %mul3A_1379 = arith.muli %add3A_1377, %mul3A_1378 : i32
      %multiple_of3A = tpu.assume_multiple %mul3A_1379, 16 : i32
      %get3A_1380 = arith.constant 10 : i32
      %get3A_1381 = arith.index_cast %get3A_1380 : i32 to index
      %get3A_1382 = arith.index_cast %multiple_of3A : i32 to index
      %get3A_1383 = tpu.vector_load %arg13[%get3A_1381, %get3A_1382] {strides = array<i32>} : memref<16x1024xf32, #tpu.memory_space<vmem>>, vector<1x16xf32>,
      %get3A_1384 = vector.shape_cast %get3A_1383 : vector<1x16xf32> to vector<16xf32>
      %mul3A_1385 = arith.mulf %get3A_1384, %get3A_575 : vector<16xf32>
      %get3A_1386 = arith.constant 10 : i32
      %get3A_1387 = arith.index_cast %get3A_1386 : i32 to index
      %get3A_1388 = arith.index_cast %multiple_of3A : i32 to index
      %get3A_1389 = tpu.vector_load %arg15[%get3A_1387, %get3A_1388] {strides = array<i32>} : memref<16x1024xf32, #tpu.memory_space<vmem>>, vector<1x16xf32>,
      %get3A_1390 = vector.shape_cast %get3A_1389 : vector<1x16xf32> to vector<16xf32>
      %mul3A_1391 = arith.mulf %get3A_1390, %get3A_582 : vector<16xf32>
      %add3A_1392 = arith.addf %mul3A_1385, %mul3A_1391 : vector<16xf32>
      %swap3A = arith.constant 10 : i32
      %swap3A_1393 = arith.index_cast %swap3A : i32 to index
      %swap3A_1394 = arith.index_cast %multiple_of3A : i32 to index
      %swap3A_1395 = tpu.vector_load %arg17[%swap3A_1393, %swap3A_1394] {strides = array<i32>} : memref<16x1024xf32, #tpu.memory_space<vmem>>, vector<1x16xf32>,
      %swap3A_1396 = vector.shape_cast %swap3A_1395 : vector<1x16xf32> to vector<16xf32>
      %swap3A_1397 = vector.shape_cast %add3A_1392 : vector<16xf32> to vector<1x16xf32>
      tpu.vector_store %arg17[%swap3A_1393, %swap3A_1394], %swap3A_1397 {strides = array<i32>} : memref<16x1024xf32, #tpu.memory_space<vmem>>, vector<1x16xf32>,
    }
    %scan3A_587 = arith.constant 64 : i32
    %get3A_588 = arith.constant 1 : i32
    %get3A_589 = arith.constant 11 : i32
    %get3A_590 = arith.index_cast %get3A_588 : i32 to index
    %get3A_591 = arith.index_cast %get3A_589 : i32 to index
    %get3A_592 = arith.constant 0 : index
    %get3A_593 = tpu.vector_load %arg10[%get3A_590, %get3A_591, %get3A_592] {strides = array<i32>} : memref<4x16x16xf32, #tpu.memory_space<vmem>>, vector<1x1x16xf32>,
    %get3A_594 = vector.shape_cast %get3A_593 : vector<1x1x16xf32> to vector<16xf32>
    %get3A_595 = arith.constant 1 : i32
    %get3A_596 = arith.constant 11 : i32
    %get3A_597 = arith.index_cast %get3A_595 : i32 to index
    %get3A_598 = arith.index_cast %get3A_596 : i32 to index
    %get3A_599 = arith.constant 0 : index
    %get3A_600 = tpu.vector_load %arg11[%get3A_597, %get3A_598, %get3A_599] {strides = array<i32>} : memref<4x16x16xf32, #tpu.memory_space<vmem>>, vector<1x1x16xf32>,
    %get3A_601 = vector.shape_cast %get3A_600 : vector<1x1x16xf32> to vector<16xf32>
    %scan3A_602 = arith.constant 0 : i32
    %scan3A_603 = arith.constant 64 : i32
    %scan3A_604 = arith.addi %scan3A_602, %scan3A_603 : i32
    %scan3A_605 = arith.constant 1 : i32
    scf.for %scan3A_1373 = %scan3A_602 to %scan3A_604 step %scan3A_605  : i32 {
      %mul3A_1374 = arith.constant 1 : i32
      %mul3A_1375 = arith.muli %scan3A_1373, %mul3A_1374 : i32
      %add3A_1376 = arith.constant 0 : i32
      %add3A_1377 = arith.addi %add3A_1376, %mul3A_1375 : i32
      %mul3A_1378 = arith.constant 16 : i32
      %mul3A_1379 = arith.muli %add3A_1377, %mul3A_1378 : i32
      %multiple_of3A = tpu.assume_multiple %mul3A_1379, 16 : i32
      %get3A_1380 = arith.constant 11 : i32
      %get3A_1381 = arith.index_cast %get3A_1380 : i32 to index
      %get3A_1382 = arith.index_cast %multiple_of3A : i32 to index
      %get3A_1383 = tpu.vector_load %arg13[%get3A_1381, %get3A_1382] {strides = array<i32>} : memref<16x1024xf32, #tpu.memory_space<vmem>>, vector<1x16xf32>,
      %get3A_1384 = vector.shape_cast %get3A_1383 : vector<1x16xf32> to vector<16xf32>
      %mul3A_1385 = arith.mulf %get3A_1384, %get3A_594 : vector<16xf32>
      %get3A_1386 = arith.constant 11 : i32
      %get3A_1387 = arith.index_cast %get3A_1386 : i32 to index
      %get3A_1388 = arith.index_cast %multiple_of3A : i32 to index
      %get3A_1389 = tpu.vector_load %arg15[%get3A_1387, %get3A_1388] {strides = array<i32>} : memref<16x1024xf32, #tpu.memory_space<vmem>>, vector<1x16xf32>,
      %get3A_1390 = vector.shape_cast %get3A_1389 : vector<1x16xf32> to vector<16xf32>
      %mul3A_1391 = arith.mulf %get3A_1390, %get3A_601 : vector<16xf32>
      %add3A_1392 = arith.addf %mul3A_1385, %mul3A_1391 : vector<16xf32>
      %swap3A = arith.constant 11 : i32
      %swap3A_1393 = arith.index_cast %swap3A : i32 to index
      %swap3A_1394 = arith.index_cast %multiple_of3A : i32 to index
      %swap3A_1395 = tpu.vector_load %arg17[%swap3A_1393, %swap3A_1394] {strides = array<i32>} : memref<16x1024xf32, #tpu.memory_space<vmem>>, vector<1x16xf32>,
      %swap3A_1396 = vector.shape_cast %swap3A_1395 : vector<1x16xf32> to vector<16xf32>
      %swap3A_1397 = vector.shape_cast %add3A_1392 : vector<16xf32> to vector<1x16xf32>
      tpu.vector_store %arg17[%swap3A_1393, %swap3A_1394], %swap3A_1397 {strides = array<i32>} : memref<16x1024xf32, #tpu.memory_space<vmem>>, vector<1x16xf32>,
    }
    %scan3A_606 = arith.constant 64 : i32
    %get3A_607 = arith.constant 1 : i32
    %get3A_608 = arith.constant 12 : i32
    %get3A_609 = arith.index_cast %get3A_607 : i32 to index
    %get3A_610 = arith.index_cast %get3A_608 : i32 to index
    %get3A_611 = arith.constant 0 : index
    %get3A_612 = tpu.vector_load %arg10[%get3A_609, %get3A_610, %get3A_611] {strides = array<i32>} : memref<4x16x16xf32, #tpu.memory_space<vmem>>, vector<1x1x16xf32>,
    %get3A_613 = vector.shape_cast %get3A_612 : vector<1x1x16xf32> to vector<16xf32>
    %get3A_614 = arith.constant 1 : i32
    %get3A_615 = arith.constant 12 : i32
    %get3A_616 = arith.index_cast %get3A_614 : i32 to index
    %get3A_617 = arith.index_cast %get3A_615 : i32 to index
    %get3A_618 = arith.constant 0 : index
    %get3A_619 = tpu.vector_load %arg11[%get3A_616, %get3A_617, %get3A_618] {strides = array<i32>} : memref<4x16x16xf32, #tpu.memory_space<vmem>>, vector<1x1x16xf32>,
    %get3A_620 = vector.shape_cast %get3A_619 : vector<1x1x16xf32> to vector<16xf32>
    %scan3A_621 = arith.constant 0 : i32
    %scan3A_622 = arith.constant 64 : i32
    %scan3A_623 = arith.addi %scan3A_621, %scan3A_622 : i32
    %scan3A_624 = arith.constant 1 : i32
    scf.for %scan3A_1373 = %scan3A_621 to %scan3A_623 step %scan3A_624  : i32 {
      %mul3A_1374 = arith.constant 1 : i32
      %mul3A_1375 = arith.muli %scan3A_1373, %mul3A_1374 : i32
      %add3A_1376 = arith.constant 0 : i32
      %add3A_1377 = arith.addi %add3A_1376, %mul3A_1375 : i32
      %mul3A_1378 = arith.constant 16 : i32
      %mul3A_1379 = arith.muli %add3A_1377, %mul3A_1378 : i32
      %multiple_of3A = tpu.assume_multiple %mul3A_1379, 16 : i32
      %get3A_1380 = arith.constant 12 : i32
      %get3A_1381 = arith.index_cast %get3A_1380 : i32 to index
      %get3A_1382 = arith.index_cast %multiple_of3A : i32 to index
      %get3A_1383 = tpu.vector_load %arg13[%get3A_1381, %get3A_1382] {strides = array<i32>} : memref<16x1024xf32, #tpu.memory_space<vmem>>, vector<1x16xf32>,
      %get3A_1384 = vector.shape_cast %get3A_1383 : vector<1x16xf32> to vector<16xf32>
      %mul3A_1385 = arith.mulf %get3A_1384, %get3A_613 : vector<16xf32>
      %get3A_1386 = arith.constant 12 : i32
      %get3A_1387 = arith.index_cast %get3A_1386 : i32 to index
      %get3A_1388 = arith.index_cast %multiple_of3A : i32 to index
      %get3A_1389 = tpu.vector_load %arg15[%get3A_1387, %get3A_1388] {strides = array<i32>} : memref<16x1024xf32, #tpu.memory_space<vmem>>, vector<1x16xf32>,
      %get3A_1390 = vector.shape_cast %get3A_1389 : vector<1x16xf32> to vector<16xf32>
      %mul3A_1391 = arith.mulf %get3A_1390, %get3A_620 : vector<16xf32>
      %add3A_1392 = arith.addf %mul3A_1385, %mul3A_1391 : vector<16xf32>
      %swap3A = arith.constant 12 : i32
      %swap3A_1393 = arith.index_cast %swap3A : i32 to index
      %swap3A_1394 = arith.index_cast %multiple_of3A : i32 to index
      %swap3A_1395 = tpu.vector_load %arg17[%swap3A_1393, %swap3A_1394] {strides = array<i32>} : memref<16x1024xf32, #tpu.memory_space<vmem>>, vector<1x16xf32>,
      %swap3A_1396 = vector.shape_cast %swap3A_1395 : vector<1x16xf32> to vector<16xf32>
      %swap3A_1397 = vector.shape_cast %add3A_1392 : vector<16xf32> to vector<1x16xf32>
      tpu.vector_store %arg17[%swap3A_1393, %swap3A_1394], %swap3A_1397 {strides = array<i32>} : memref<16x1024xf32, #tpu.memory_space<vmem>>, vector<1x16xf32>,
    }
    %scan3A_625 = arith.constant 64 : i32
    %get3A_626 = arith.constant 1 : i32
    %get3A_627 = arith.constant 13 : i32
    %get3A_628 = arith.index_cast %get3A_626 : i32 to index
    %get3A_629 = arith.index_cast %get3A_627 : i32 to index
    %get3A_630 = arith.constant 0 : index
    %get3A_631 = tpu.vector_load %arg10[%get3A_628, %get3A_629, %get3A_630] {strides = array<i32>} : memref<4x16x16xf32, #tpu.memory_space<vmem>>, vector<1x1x16xf32>,
    %get3A_632 = vector.shape_cast %get3A_631 : vector<1x1x16xf32> to vector<16xf32>
    %get3A_633 = arith.constant 1 : i32
    %get3A_634 = arith.constant 13 : i32
    %get3A_635 = arith.index_cast %get3A_633 : i32 to index
    %get3A_636 = arith.index_cast %get3A_634 : i32 to index
    %get3A_637 = arith.constant 0 : index
    %get3A_638 = tpu.vector_load %arg11[%get3A_635, %get3A_636, %get3A_637] {strides = array<i32>} : memref<4x16x16xf32, #tpu.memory_space<vmem>>, vector<1x1x16xf32>,
    %get3A_639 = vector.shape_cast %get3A_638 : vector<1x1x16xf32> to vector<16xf32>
    %scan3A_640 = arith.constant 0 : i32
    %scan3A_641 = arith.constant 64 : i32
    %scan3A_642 = arith.addi %scan3A_640, %scan3A_641 : i32
    %scan3A_643 = arith.constant 1 : i32
    scf.for %scan3A_1373 = %scan3A_640 to %scan3A_642 step %scan3A_643  : i32 {
      %mul3A_1374 = arith.constant 1 : i32
      %mul3A_1375 = arith.muli %scan3A_1373, %mul3A_1374 : i32
      %add3A_1376 = arith.constant 0 : i32
      %add3A_1377 = arith.addi %add3A_1376, %mul3A_1375 : i32
      %mul3A_1378 = arith.constant 16 : i32
      %mul3A_1379 = arith.muli %add3A_1377, %mul3A_1378 : i32
      %multiple_of3A = tpu.assume_multiple %mul3A_1379, 16 : i32
      %get3A_1380 = arith.constant 13 : i32
      %get3A_1381 = arith.index_cast %get3A_1380 : i32 to index
      %get3A_1382 = arith.index_cast %multiple_of3A : i32 to index
      %get3A_1383 = tpu.vector_load %arg13[%get3A_1381, %get3A_1382] {strides = array<i32>} : memref<16x1024xf32, #tpu.memory_space<vmem>>, vector<1x16xf32>,
      %get3A_1384 = vector.shape_cast %get3A_1383 : vector<1x16xf32> to vector<16xf32>
      %mul3A_1385 = arith.mulf %get3A_1384, %get3A_632 : vector<16xf32>
      %get3A_1386 = arith.constant 13 : i32
      %get3A_1387 = arith.index_cast %get3A_1386 : i32 to index
      %get3A_1388 = arith.index_cast %multiple_of3A : i32 to index
      %get3A_1389 = tpu.vector_load %arg15[%get3A_1387, %get3A_1388] {strides = array<i32>} : memref<16x1024xf32, #tpu.memory_space<vmem>>, vector<1x16xf32>,
      %get3A_1390 = vector.shape_cast %get3A_1389 : vector<1x16xf32> to vector<16xf32>
      %mul3A_1391 = arith.mulf %get3A_1390, %get3A_639 : vector<16xf32>
      %add3A_1392 = arith.addf %mul3A_1385, %mul3A_1391 : vector<16xf32>
      %swap3A = arith.constant 13 : i32
      %swap3A_1393 = arith.index_cast %swap3A : i32 to index
      %swap3A_1394 = arith.index_cast %multiple_of3A : i32 to index
      %swap3A_1395 = tpu.vector_load %arg17[%swap3A_1393, %swap3A_1394] {strides = array<i32>} : memref<16x1024xf32, #tpu.memory_space<vmem>>, vector<1x16xf32>,
      %swap3A_1396 = vector.shape_cast %swap3A_1395 : vector<1x16xf32> to vector<16xf32>
      %swap3A_1397 = vector.shape_cast %add3A_1392 : vector<16xf32> to vector<1x16xf32>
      tpu.vector_store %arg17[%swap3A_1393, %swap3A_1394], %swap3A_1397 {strides = array<i32>} : memref<16x1024xf32, #tpu.memory_space<vmem>>, vector<1x16xf32>,
    }
    %scan3A_644 = arith.constant 64 : i32
    %get3A_645 = arith.constant 1 : i32
    %get3A_646 = arith.constant 14 : i32
    %get3A_647 = arith.index_cast %get3A_645 : i32 to index
    %get3A_648 = arith.index_cast %get3A_646 : i32 to index
    %get3A_649 = arith.constant 0 : index
    %get3A_650 = tpu.vector_load %arg10[%get3A_647, %get3A_648, %get3A_649] {strides = array<i32>} : memref<4x16x16xf32, #tpu.memory_space<vmem>>, vector<1x1x16xf32>,
    %get3A_651 = vector.shape_cast %get3A_650 : vector<1x1x16xf32> to vector<16xf32>
    %get3A_652 = arith.constant 1 : i32
    %get3A_653 = arith.constant 14 : i32
    %get3A_654 = arith.index_cast %get3A_652 : i32 to index
    %get3A_655 = arith.index_cast %get3A_653 : i32 to index
    %get3A_656 = arith.constant 0 : index
    %get3A_657 = tpu.vector_load %arg11[%get3A_654, %get3A_655, %get3A_656] {strides = array<i32>} : memref<4x16x16xf32, #tpu.memory_space<vmem>>, vector<1x1x16xf32>,
    %get3A_658 = vector.shape_cast %get3A_657 : vector<1x1x16xf32> to vector<16xf32>
    %scan3A_659 = arith.constant 0 : i32
    %scan3A_660 = arith.constant 64 : i32
    %scan3A_661 = arith.addi %scan3A_659, %scan3A_660 : i32
    %scan3A_662 = arith.constant 1 : i32
    scf.for %scan3A_1373 = %scan3A_659 to %scan3A_661 step %scan3A_662  : i32 {
      %mul3A_1374 = arith.constant 1 : i32
      %mul3A_1375 = arith.muli %scan3A_1373, %mul3A_1374 : i32
      %add3A_1376 = arith.constant 0 : i32
      %add3A_1377 = arith.addi %add3A_1376, %mul3A_1375 : i32
      %mul3A_1378 = arith.constant 16 : i32
      %mul3A_1379 = arith.muli %add3A_1377, %mul3A_1378 : i32
      %multiple_of3A = tpu.assume_multiple %mul3A_1379, 16 : i32
      %get3A_1380 = arith.constant 14 : i32
      %get3A_1381 = arith.index_cast %get3A_1380 : i32 to index
      %get3A_1382 = arith.index_cast %multiple_of3A : i32 to index
      %get3A_1383 = tpu.vector_load %arg13[%get3A_1381, %get3A_1382] {strides = array<i32>} : memref<16x1024xf32, #tpu.memory_space<vmem>>, vector<1x16xf32>,
      %get3A_1384 = vector.shape_cast %get3A_1383 : vector<1x16xf32> to vector<16xf32>
      %mul3A_1385 = arith.mulf %get3A_1384, %get3A_651 : vector<16xf32>
      %get3A_1386 = arith.constant 14 : i32
      %get3A_1387 = arith.index_cast %get3A_1386 : i32 to index
      %get3A_1388 = arith.index_cast %multiple_of3A : i32 to index
      %get3A_1389 = tpu.vector_load %arg15[%get3A_1387, %get3A_1388] {strides = array<i32>} : memref<16x1024xf32, #tpu.memory_space<vmem>>, vector<1x16xf32>,
      %get3A_1390 = vector.shape_cast %get3A_1389 : vector<1x16xf32> to vector<16xf32>
      %mul3A_1391 = arith.mulf %get3A_1390, %get3A_658 : vector<16xf32>
      %add3A_1392 = arith.addf %mul3A_1385, %mul3A_1391 : vector<16xf32>
      %swap3A = arith.constant 14 : i32
      %swap3A_1393 = arith.index_cast %swap3A : i32 to index
      %swap3A_1394 = arith.index_cast %multiple_of3A : i32 to index
      %swap3A_1395 = tpu.vector_load %arg17[%swap3A_1393, %swap3A_1394] {strides = array<i32>} : memref<16x1024xf32, #tpu.memory_space<vmem>>, vector<1x16xf32>,
      %swap3A_1396 = vector.shape_cast %swap3A_1395 : vector<1x16xf32> to vector<16xf32>
      %swap3A_1397 = vector.shape_cast %add3A_1392 : vector<16xf32> to vector<1x16xf32>
      tpu.vector_store %arg17[%swap3A_1393, %swap3A_1394], %swap3A_1397 {strides = array<i32>} : memref<16x1024xf32, #tpu.memory_space<vmem>>, vector<1x16xf32>,
    }
    %scan3A_663 = arith.constant 64 : i32
    %get3A_664 = arith.constant 1 : i32
    %get3A_665 = arith.constant 15 : i32
    %get3A_666 = arith.index_cast %get3A_664 : i32 to index
    %get3A_667 = arith.index_cast %get3A_665 : i32 to index
    %get3A_668 = arith.constant 0 : index
    %get3A_669 = tpu.vector_load %arg10[%get3A_666, %get3A_667, %get3A_668] {strides = array<i32>} : memref<4x16x16xf32, #tpu.memory_space<vmem>>, vector<1x1x16xf32>,
    %get3A_670 = vector.shape_cast %get3A_669 : vector<1x1x16xf32> to vector<16xf32>
    %get3A_671 = arith.constant 1 : i32
    %get3A_672 = arith.constant 15 : i32
    %get3A_673 = arith.index_cast %get3A_671 : i32 to index
    %get3A_674 = arith.index_cast %get3A_672 : i32 to index
    %get3A_675 = arith.constant 0 : index
    %get3A_676 = tpu.vector_load %arg11[%get3A_673, %get3A_674, %get3A_675] {strides = array<i32>} : memref<4x16x16xf32, #tpu.memory_space<vmem>>, vector<1x1x16xf32>,
    %get3A_677 = vector.shape_cast %get3A_676 : vector<1x1x16xf32> to vector<16xf32>
    %scan3A_678 = arith.constant 0 : i32
    %scan3A_679 = arith.constant 64 : i32
    %scan3A_680 = arith.addi %scan3A_678, %scan3A_679 : i32
    %scan3A_681 = arith.constant 1 : i32
    scf.for %scan3A_1373 = %scan3A_678 to %scan3A_680 step %scan3A_681  : i32 {
      %mul3A_1374 = arith.constant 1 : i32
      %mul3A_1375 = arith.muli %scan3A_1373, %mul3A_1374 : i32
      %add3A_1376 = arith.constant 0 : i32
      %add3A_1377 = arith.addi %add3A_1376, %mul3A_1375 : i32
      %mul3A_1378 = arith.constant 16 : i32
      %mul3A_1379 = arith.muli %add3A_1377, %mul3A_1378 : i32
      %multiple_of3A = tpu.assume_multiple %mul3A_1379, 16 : i32
      %get3A_1380 = arith.constant 15 : i32
      %get3A_1381 = arith.index_cast %get3A_1380 : i32 to index
      %get3A_1382 = arith.index_cast %multiple_of3A : i32 to index
      %get3A_1383 = tpu.vector_load %arg13[%get3A_1381, %get3A_1382] {strides = array<i32>} : memref<16x1024xf32, #tpu.memory_space<vmem>>, vector<1x16xf32>,
      %get3A_1384 = vector.shape_cast %get3A_1383 : vector<1x16xf32> to vector<16xf32>
      %mul3A_1385 = arith.mulf %get3A_1384, %get3A_670 : vector<16xf32>
      %get3A_1386 = arith.constant 15 : i32
      %get3A_1387 = arith.index_cast %get3A_1386 : i32 to index
      %get3A_1388 = arith.index_cast %multiple_of3A : i32 to index
      %get3A_1389 = tpu.vector_load %arg15[%get3A_1387, %get3A_1388] {strides = array<i32>} : memref<16x1024xf32, #tpu.memory_space<vmem>>, vector<1x16xf32>,
      %get3A_1390 = vector.shape_cast %get3A_1389 : vector<1x16xf32> to vector<16xf32>
      %mul3A_1391 = arith.mulf %get3A_1390, %get3A_677 : vector<16xf32>
      %add3A_1392 = arith.addf %mul3A_1385, %mul3A_1391 : vector<16xf32>
      %swap3A = arith.constant 15 : i32
      %swap3A_1393 = arith.index_cast %swap3A : i32 to index
      %swap3A_1394 = arith.index_cast %multiple_of3A : i32 to index
      %swap3A_1395 = tpu.vector_load %arg17[%swap3A_1393, %swap3A_1394] {strides = array<i32>} : memref<16x1024xf32, #tpu.memory_space<vmem>>, vector<1x16xf32>,
      %swap3A_1396 = vector.shape_cast %swap3A_1395 : vector<1x16xf32> to vector<16xf32>
      %swap3A_1397 = vector.shape_cast %add3A_1392 : vector<16xf32> to vector<1x16xf32>
      tpu.vector_store %arg17[%swap3A_1393, %swap3A_1394], %swap3A_1397 {strides = array<i32>} : memref<16x1024xf32, #tpu.memory_space<vmem>>, vector<1x16xf32>,
    }
    %scan3A_682 = arith.constant 64 : i32
    %mul3A_683 = arith.constant 64 : i32
    %mul3A_684 = arith.muli %add3A, %mul3A_683 : i32
    %add3A_685 = arith.constant 16 : i32
    %add3A_686 = arith.addi %mul3A_684, %add3A_685 : i32
    %dma_start3A_687 = arith.constant 0 : i32
    %dma_start3A_688 = tpu.memref_slice %arg7[%add3A_686, %dma_start3A_687] : memref<2048x1024xf32, #tpu.memory_space<hbm>> -> memref<16x1024xf32, #tpu.memory_space<hbm>>
    %dma_start3A_689 = arith.constant 0 : i32
    %dma_start3A_690 = tpu.memref_slice %arg7[%add3A_686, %dma_start3A_689] : memref<2048x1024xf32, #tpu.memory_space<hbm>> -> memref<16x1024xf32, #tpu.memory_space<hbm>>
    tpu.enqueue_dma source(%arg17 : memref<16x1024xf32, #tpu.memory_space<vmem>>) target(%dma_start3A_690 : memref<16x1024xf32, #tpu.memory_space<hbm>>) target_semaphore(%arg21 : memref<!tpu.dma_semaphore, #tpu.memory_space<semaphore_mem>>)
    %dma_wait3A_691 = arith.constant 2 : i32
    %dma_wait3A_692 = arith.constant 0 : i32
    %dma_wait3A_693 = tpu.memref_slice %arg8[%dma_wait3A_691, %dma_wait3A_692] : memref<4x16xi32, #tpu.memory_space<vmem>> -> memref<1x16xi32, #tpu.memory_space<vmem>>
    %dma_wait3A_694 = tpu.memref_squeeze %dma_wait3A_693 : memref<1x16xi32, #tpu.memory_space<vmem>> -> memref<16xi32, #tpu.memory_space<vmem>>
    %dma_wait3A_695 = arith.constant 0 : i32
    %dma_wait3A_696 = arith.constant 0 : i32
    %dma_wait3A_697 = tpu.memref_slice %arg2[%dma_wait3A_695, %dma_wait3A_696] : memref<8256x1024xf32, #tpu.memory_space<hbm>> -> memref<8256x1024xf32, #tpu.memory_space<hbm>>
    tpu.wait_indirect_dma semaphore(%arg18 : memref<!tpu.dma_semaphore, #tpu.memory_space<semaphore_mem>>) src(%dma_wait3A_697 : memref<8256x1024xf32, #tpu.memory_space<hbm>>) dst(%arg12 : memref<16x1024xf32, #tpu.memory_space<vmem>>)
    %dma_wait3A_698 = arith.constant 2 : i32
    %dma_wait3A_699 = arith.constant 0 : i32
    %dma_wait3A_700 = tpu.memref_slice %arg9[%dma_wait3A_698, %dma_wait3A_699] : memref<4x16xi32, #tpu.memory_space<vmem>> -> memref<1x16xi32, #tpu.memory_space<vmem>>
    %dma_wait3A_701 = tpu.memref_squeeze %dma_wait3A_700 : memref<1x16xi32, #tpu.memory_space<vmem>> -> memref<16xi32, #tpu.memory_space<vmem>>
    %dma_wait3A_702 = arith.constant 0 : i32
    %dma_wait3A_703 = arith.constant 0 : i32
    %dma_wait3A_704 = tpu.memref_slice %arg2[%dma_wait3A_702, %dma_wait3A_703] : memref<8256x1024xf32, #tpu.memory_space<hbm>> -> memref<8256x1024xf32, #tpu.memory_space<hbm>>
    tpu.wait_indirect_dma semaphore(%arg19 : memref<!tpu.dma_semaphore, #tpu.memory_space<semaphore_mem>>) src(%dma_wait3A_704 : memref<8256x1024xf32, #tpu.memory_space<hbm>>) dst(%arg14 : memref<16x1024xf32, #tpu.memory_space<vmem>>)
    %dma_start3A_705 = arith.constant 3 : i32
    %dma_start3A_706 = arith.constant 0 : i32
    %dma_start3A_707 = tpu.memref_slice %arg8[%dma_start3A_705, %dma_start3A_706] : memref<4x16xi32, #tpu.memory_space<vmem>> -> memref<1x16xi32, #tpu.memory_space<vmem>>
    %dma_start3A_708 = tpu.memref_squeeze %dma_start3A_707 : memref<1x16xi32, #tpu.memory_space<vmem>> -> memref<16xi32, #tpu.memory_space<vmem>>
    %dma_start3A_709 = arith.constant 0 : i32
    %dma_start3A_710 = arith.constant 0 : i32
    %dma_start3A_711 = tpu.memref_slice %arg2[%dma_start3A_709, %dma_start3A_710] : memref<8256x1024xf32, #tpu.memory_space<hbm>> -> memref<8256x1024xf32, #tpu.memory_space<hbm>>
    tpu.enqueue_indirect_dma source(%dma_start3A_711 : memref<8256x1024xf32, #tpu.memory_space<hbm>>) target(%arg13 : memref<16x1024xf32, #tpu.memory_space<vmem>>) offsets(%dma_start3A_708 : memref<16xi32, #tpu.memory_space<vmem>>) semaphore(%arg18 : memref<!tpu.dma_semaphore, #tpu.memory_space<semaphore_mem>>)
    %dma_start3A_712 = arith.constant 3 : i32
    %dma_start3A_713 = arith.constant 0 : i32
    %dma_start3A_714 = tpu.memref_slice %arg9[%dma_start3A_712, %dma_start3A_713] : memref<4x16xi32, #tpu.memory_space<vmem>> -> memref<1x16xi32, #tpu.memory_space<vmem>>
    %dma_start3A_715 = tpu.memref_squeeze %dma_start3A_714 : memref<1x16xi32, #tpu.memory_space<vmem>> -> memref<16xi32, #tpu.memory_space<vmem>>
    %dma_start3A_716 = arith.constant 0 : i32
    %dma_start3A_717 = arith.constant 0 : i32
    %dma_start3A_718 = tpu.memref_slice %arg2[%dma_start3A_716, %dma_start3A_717] : memref<8256x1024xf32, #tpu.memory_space<hbm>> -> memref<8256x1024xf32, #tpu.memory_space<hbm>>
    tpu.enqueue_indirect_dma source(%dma_start3A_718 : memref<8256x1024xf32, #tpu.memory_space<hbm>>) target(%arg15 : memref<16x1024xf32, #tpu.memory_space<vmem>>) offsets(%dma_start3A_715 : memref<16xi32, #tpu.memory_space<vmem>>) semaphore(%arg19 : memref<!tpu.dma_semaphore, #tpu.memory_space<semaphore_mem>>)
    %dma_wait3A_719 = arith.constant 0 : i32
    %dma_wait3A_720 = tpu.memref_slice %arg7[%add3A_346, %dma_wait3A_719] : memref<2048x1024xf32, #tpu.memory_space<hbm>> -> memref<16x1024xf32, #tpu.memory_space<hbm>>
    %dma_wait3A_721 = arith.constant 0 : i32
    %dma_wait3A_722 = tpu.memref_slice %arg7[%add3A_346, %dma_wait3A_721] : memref<2048x1024xf32, #tpu.memory_space<hbm>> -> memref<16x1024xf32, #tpu.memory_space<hbm>>
    tpu.wait_dma2 semaphore(%arg20 : memref<!tpu.dma_semaphore, #tpu.memory_space<semaphore_mem>>) src(%arg16 : memref<16x1024xf32, #tpu.memory_space<vmem>>) dst(%dma_wait3A_722 : memref<16x1024xf32, #tpu.memory_space<hbm>>)
    %get3A_723 = arith.constant 2 : i32
    %get3A_724 = arith.constant 0 : i32
    %get3A_725 = arith.index_cast %get3A_723 : i32 to index
    %get3A_726 = arith.index_cast %get3A_724 : i32 to index
    %get3A_727 = arith.constant 0 : index
    %get3A_728 = tpu.vector_load %arg10[%get3A_725, %get3A_726, %get3A_727] {strides = array<i32>} : memref<4x16x16xf32, #tpu.memory_space<vmem>>, vector<1x1x16xf32>,
    %get3A_729 = vector.shape_cast %get3A_728 : vector<1x1x16xf32> to vector<16xf32>
    %get3A_730 = arith.constant 2 : i32
    %get3A_731 = arith.constant 0 : i32
    %get3A_732 = arith.index_cast %get3A_730 : i32 to index
    %get3A_733 = arith.index_cast %get3A_731 : i32 to index
    %get3A_734 = arith.constant 0 : index
    %get3A_735 = tpu.vector_load %arg11[%get3A_732, %get3A_733, %get3A_734] {strides = array<i32>} : memref<4x16x16xf32, #tpu.memory_space<vmem>>, vector<1x1x16xf32>,
    %get3A_736 = vector.shape_cast %get3A_735 : vector<1x1x16xf32> to vector<16xf32>
    %scan3A_737 = arith.constant 0 : i32
    %scan3A_738 = arith.constant 64 : i32
    %scan3A_739 = arith.addi %scan3A_737, %scan3A_738 : i32
    %scan3A_740 = arith.constant 1 : i32
    scf.for %scan3A_1373 = %scan3A_737 to %scan3A_739 step %scan3A_740  : i32 {
      %mul3A_1374 = arith.constant 1 : i32
      %mul3A_1375 = arith.muli %scan3A_1373, %mul3A_1374 : i32
      %add3A_1376 = arith.constant 0 : i32
      %add3A_1377 = arith.addi %add3A_1376, %mul3A_1375 : i32
      %mul3A_1378 = arith.constant 16 : i32
      %mul3A_1379 = arith.muli %add3A_1377, %mul3A_1378 : i32
      %multiple_of3A = tpu.assume_multiple %mul3A_1379, 16 : i32
      %get3A_1380 = arith.constant 0 : i32
      %get3A_1381 = arith.index_cast %get3A_1380 : i32 to index
      %get3A_1382 = arith.index_cast %multiple_of3A : i32 to index
      %get3A_1383 = tpu.vector_load %arg12[%get3A_1381, %get3A_1382] {strides = array<i32>} : memref<16x1024xf32, #tpu.memory_space<vmem>>, vector<1x16xf32>,
      %get3A_1384 = vector.shape_cast %get3A_1383 : vector<1x16xf32> to vector<16xf32>
      %mul3A_1385 = arith.mulf %get3A_1384, %get3A_729 : vector<16xf32>
      %get3A_1386 = arith.constant 0 : i32
      %get3A_1387 = arith.index_cast %get3A_1386 : i32 to index
      %get3A_1388 = arith.index_cast %multiple_of3A : i32 to index
      %get3A_1389 = tpu.vector_load %arg14[%get3A_1387, %get3A_1388] {strides = array<i32>} : memref<16x1024xf32, #tpu.memory_space<vmem>>, vector<1x16xf32>,
      %get3A_1390 = vector.shape_cast %get3A_1389 : vector<1x16xf32> to vector<16xf32>
      %mul3A_1391 = arith.mulf %get3A_1390, %get3A_736 : vector<16xf32>
      %add3A_1392 = arith.addf %mul3A_1385, %mul3A_1391 : vector<16xf32>
      %swap3A = arith.constant 0 : i32
      %swap3A_1393 = arith.index_cast %swap3A : i32 to index
      %swap3A_1394 = arith.index_cast %multiple_of3A : i32 to index
      %swap3A_1395 = tpu.vector_load %arg16[%swap3A_1393, %swap3A_1394] {strides = array<i32>} : memref<16x1024xf32, #tpu.memory_space<vmem>>, vector<1x16xf32>,
      %swap3A_1396 = vector.shape_cast %swap3A_1395 : vector<1x16xf32> to vector<16xf32>
      %swap3A_1397 = vector.shape_cast %add3A_1392 : vector<16xf32> to vector<1x16xf32>
      tpu.vector_store %arg16[%swap3A_1393, %swap3A_1394], %swap3A_1397 {strides = array<i32>} : memref<16x1024xf32, #tpu.memory_space<vmem>>, vector<1x16xf32>,
    }
    %scan3A_741 = arith.constant 64 : i32
    %get3A_742 = arith.constant 2 : i32
    %get3A_743 = arith.constant 1 : i32
    %get3A_744 = arith.index_cast %get3A_742 : i32 to index
    %get3A_745 = arith.index_cast %get3A_743 : i32 to index
    %get3A_746 = arith.constant 0 : index
    %get3A_747 = tpu.vector_load %arg10[%get3A_744, %get3A_745, %get3A_746] {strides = array<i32>} : memref<4x16x16xf32, #tpu.memory_space<vmem>>, vector<1x1x16xf32>,
    %get3A_748 = vector.shape_cast %get3A_747 : vector<1x1x16xf32> to vector<16xf32>
    %get3A_749 = arith.constant 2 : i32
    %get3A_750 = arith.constant 1 : i32
    %get3A_751 = arith.index_cast %get3A_749 : i32 to index
    %get3A_752 = arith.index_cast %get3A_750 : i32 to index
    %get3A_753 = arith.constant 0 : index
    %get3A_754 = tpu.vector_load %arg11[%get3A_751, %get3A_752, %get3A_753] {strides = array<i32>} : memref<4x16x16xf32, #tpu.memory_space<vmem>>, vector<1x1x16xf32>,
    %get3A_755 = vector.shape_cast %get3A_754 : vector<1x1x16xf32> to vector<16xf32>
    %scan3A_756 = arith.constant 0 : i32
    %scan3A_757 = arith.constant 64 : i32
    %scan3A_758 = arith.addi %scan3A_756, %scan3A_757 : i32
    %scan3A_759 = arith.constant 1 : i32
    scf.for %scan3A_1373 = %scan3A_756 to %scan3A_758 step %scan3A_759  : i32 {
      %mul3A_1374 = arith.constant 1 : i32
      %mul3A_1375 = arith.muli %scan3A_1373, %mul3A_1374 : i32
      %add3A_1376 = arith.constant 0 : i32
      %add3A_1377 = arith.addi %add3A_1376, %mul3A_1375 : i32
      %mul3A_1378 = arith.constant 16 : i32
      %mul3A_1379 = arith.muli %add3A_1377, %mul3A_1378 : i32
      %multiple_of3A = tpu.assume_multiple %mul3A_1379, 16 : i32
      %get3A_1380 = arith.constant 1 : i32
      %get3A_1381 = arith.index_cast %get3A_1380 : i32 to index
      %get3A_1382 = arith.index_cast %multiple_of3A : i32 to index
      %get3A_1383 = tpu.vector_load %arg12[%get3A_1381, %get3A_1382] {strides = array<i32>} : memref<16x1024xf32, #tpu.memory_space<vmem>>, vector<1x16xf32>,
      %get3A_1384 = vector.shape_cast %get3A_1383 : vector<1x16xf32> to vector<16xf32>
      %mul3A_1385 = arith.mulf %get3A_1384, %get3A_748 : vector<16xf32>
      %get3A_1386 = arith.constant 1 : i32
      %get3A_1387 = arith.index_cast %get3A_1386 : i32 to index
      %get3A_1388 = arith.index_cast %multiple_of3A : i32 to index
      %get3A_1389 = tpu.vector_load %arg14[%get3A_1387, %get3A_1388] {strides = array<i32>} : memref<16x1024xf32, #tpu.memory_space<vmem>>, vector<1x16xf32>,
      %get3A_1390 = vector.shape_cast %get3A_1389 : vector<1x16xf32> to vector<16xf32>
      %mul3A_1391 = arith.mulf %get3A_1390, %get3A_755 : vector<16xf32>
      %add3A_1392 = arith.addf %mul3A_1385, %mul3A_1391 : vector<16xf32>
      %swap3A = arith.constant 1 : i32
      %swap3A_1393 = arith.index_cast %swap3A : i32 to index
      %swap3A_1394 = arith.index_cast %multiple_of3A : i32 to index
      %swap3A_1395 = tpu.vector_load %arg16[%swap3A_1393, %swap3A_1394] {strides = array<i32>} : memref<16x1024xf32, #tpu.memory_space<vmem>>, vector<1x16xf32>,
      %swap3A_1396 = vector.shape_cast %swap3A_1395 : vector<1x16xf32> to vector<16xf32>
      %swap3A_1397 = vector.shape_cast %add3A_1392 : vector<16xf32> to vector<1x16xf32>
      tpu.vector_store %arg16[%swap3A_1393, %swap3A_1394], %swap3A_1397 {strides = array<i32>} : memref<16x1024xf32, #tpu.memory_space<vmem>>, vector<1x16xf32>,
    }
    %scan3A_760 = arith.constant 64 : i32
    %get3A_761 = arith.constant 2 : i32
    %get3A_762 = arith.constant 2 : i32
    %get3A_763 = arith.index_cast %get3A_761 : i32 to index
    %get3A_764 = arith.index_cast %get3A_762 : i32 to index
    %get3A_765 = arith.constant 0 : index
    %get3A_766 = tpu.vector_load %arg10[%get3A_763, %get3A_764, %get3A_765] {strides = array<i32>} : memref<4x16x16xf32, #tpu.memory_space<vmem>>, vector<1x1x16xf32>,
    %get3A_767 = vector.shape_cast %get3A_766 : vector<1x1x16xf32> to vector<16xf32>
    %get3A_768 = arith.constant 2 : i32
    %get3A_769 = arith.constant 2 : i32
    %get3A_770 = arith.index_cast %get3A_768 : i32 to index
    %get3A_771 = arith.index_cast %get3A_769 : i32 to index
    %get3A_772 = arith.constant 0 : index
    %get3A_773 = tpu.vector_load %arg11[%get3A_770, %get3A_771, %get3A_772] {strides = array<i32>} : memref<4x16x16xf32, #tpu.memory_space<vmem>>, vector<1x1x16xf32>,
    %get3A_774 = vector.shape_cast %get3A_773 : vector<1x1x16xf32> to vector<16xf32>
    %scan3A_775 = arith.constant 0 : i32
    %scan3A_776 = arith.constant 64 : i32
    %scan3A_777 = arith.addi %scan3A_775, %scan3A_776 : i32
    %scan3A_778 = arith.constant 1 : i32
    scf.for %scan3A_1373 = %scan3A_775 to %scan3A_777 step %scan3A_778  : i32 {
      %mul3A_1374 = arith.constant 1 : i32
      %mul3A_1375 = arith.muli %scan3A_1373, %mul3A_1374 : i32
      %add3A_1376 = arith.constant 0 : i32
      %add3A_1377 = arith.addi %add3A_1376, %mul3A_1375 : i32
      %mul3A_1378 = arith.constant 16 : i32
      %mul3A_1379 = arith.muli %add3A_1377, %mul3A_1378 : i32
      %multiple_of3A = tpu.assume_multiple %mul3A_1379, 16 : i32
      %get3A_1380 = arith.constant 2 : i32
      %get3A_1381 = arith.index_cast %get3A_1380 : i32 to index
      %get3A_1382 = arith.index_cast %multiple_of3A : i32 to index
      %get3A_1383 = tpu.vector_load %arg12[%get3A_1381, %get3A_1382] {strides = array<i32>} : memref<16x1024xf32, #tpu.memory_space<vmem>>, vector<1x16xf32>,
      %get3A_1384 = vector.shape_cast %get3A_1383 : vector<1x16xf32> to vector<16xf32>
      %mul3A_1385 = arith.mulf %get3A_1384, %get3A_767 : vector<16xf32>
      %get3A_1386 = arith.constant 2 : i32
      %get3A_1387 = arith.index_cast %get3A_1386 : i32 to index
      %get3A_1388 = arith.index_cast %multiple_of3A : i32 to index
      %get3A_1389 = tpu.vector_load %arg14[%get3A_1387, %get3A_1388] {strides = array<i32>} : memref<16x1024xf32, #tpu.memory_space<vmem>>, vector<1x16xf32>,
      %get3A_1390 = vector.shape_cast %get3A_1389 : vector<1x16xf32> to vector<16xf32>
      %mul3A_1391 = arith.mulf %get3A_1390, %get3A_774 : vector<16xf32>
      %add3A_1392 = arith.addf %mul3A_1385, %mul3A_1391 : vector<16xf32>
      %swap3A = arith.constant 2 : i32
      %swap3A_1393 = arith.index_cast %swap3A : i32 to index
      %swap3A_1394 = arith.index_cast %multiple_of3A : i32 to index
      %swap3A_1395 = tpu.vector_load %arg16[%swap3A_1393, %swap3A_1394] {strides = array<i32>} : memref<16x1024xf32, #tpu.memory_space<vmem>>, vector<1x16xf32>,
      %swap3A_1396 = vector.shape_cast %swap3A_1395 : vector<1x16xf32> to vector<16xf32>
      %swap3A_1397 = vector.shape_cast %add3A_1392 : vector<16xf32> to vector<1x16xf32>
      tpu.vector_store %arg16[%swap3A_1393, %swap3A_1394], %swap3A_1397 {strides = array<i32>} : memref<16x1024xf32, #tpu.memory_space<vmem>>, vector<1x16xf32>,
    }
    %scan3A_779 = arith.constant 64 : i32
    %get3A_780 = arith.constant 2 : i32
    %get3A_781 = arith.constant 3 : i32
    %get3A_782 = arith.index_cast %get3A_780 : i32 to index
    %get3A_783 = arith.index_cast %get3A_781 : i32 to index
    %get3A_784 = arith.constant 0 : index
    %get3A_785 = tpu.vector_load %arg10[%get3A_782, %get3A_783, %get3A_784] {strides = array<i32>} : memref<4x16x16xf32, #tpu.memory_space<vmem>>, vector<1x1x16xf32>,
    %get3A_786 = vector.shape_cast %get3A_785 : vector<1x1x16xf32> to vector<16xf32>
    %get3A_787 = arith.constant 2 : i32
    %get3A_788 = arith.constant 3 : i32
    %get3A_789 = arith.index_cast %get3A_787 : i32 to index
    %get3A_790 = arith.index_cast %get3A_788 : i32 to index
    %get3A_791 = arith.constant 0 : index
    %get3A_792 = tpu.vector_load %arg11[%get3A_789, %get3A_790, %get3A_791] {strides = array<i32>} : memref<4x16x16xf32, #tpu.memory_space<vmem>>, vector<1x1x16xf32>,
    %get3A_793 = vector.shape_cast %get3A_792 : vector<1x1x16xf32> to vector<16xf32>
    %scan3A_794 = arith.constant 0 : i32
    %scan3A_795 = arith.constant 64 : i32
    %scan3A_796 = arith.addi %scan3A_794, %scan3A_795 : i32
    %scan3A_797 = arith.constant 1 : i32
    scf.for %scan3A_1373 = %scan3A_794 to %scan3A_796 step %scan3A_797  : i32 {
      %mul3A_1374 = arith.constant 1 : i32
      %mul3A_1375 = arith.muli %scan3A_1373, %mul3A_1374 : i32
      %add3A_1376 = arith.constant 0 : i32
      %add3A_1377 = arith.addi %add3A_1376, %mul3A_1375 : i32
      %mul3A_1378 = arith.constant 16 : i32
      %mul3A_1379 = arith.muli %add3A_1377, %mul3A_1378 : i32
      %multiple_of3A = tpu.assume_multiple %mul3A_1379, 16 : i32
      %get3A_1380 = arith.constant 3 : i32
      %get3A_1381 = arith.index_cast %get3A_1380 : i32 to index
      %get3A_1382 = arith.index_cast %multiple_of3A : i32 to index
      %get3A_1383 = tpu.vector_load %arg12[%get3A_1381, %get3A_1382] {strides = array<i32>} : memref<16x1024xf32, #tpu.memory_space<vmem>>, vector<1x16xf32>,
      %get3A_1384 = vector.shape_cast %get3A_1383 : vector<1x16xf32> to vector<16xf32>
      %mul3A_1385 = arith.mulf %get3A_1384, %get3A_786 : vector<16xf32>
      %get3A_1386 = arith.constant 3 : i32
      %get3A_1387 = arith.index_cast %get3A_1386 : i32 to index
      %get3A_1388 = arith.index_cast %multiple_of3A : i32 to index
      %get3A_1389 = tpu.vector_load %arg14[%get3A_1387, %get3A_1388] {strides = array<i32>} : memref<16x1024xf32, #tpu.memory_space<vmem>>, vector<1x16xf32>,
      %get3A_1390 = vector.shape_cast %get3A_1389 : vector<1x16xf32> to vector<16xf32>
      %mul3A_1391 = arith.mulf %get3A_1390, %get3A_793 : vector<16xf32>
      %add3A_1392 = arith.addf %mul3A_1385, %mul3A_1391 : vector<16xf32>
      %swap3A = arith.constant 3 : i32
      %swap3A_1393 = arith.index_cast %swap3A : i32 to index
      %swap3A_1394 = arith.index_cast %multiple_of3A : i32 to index
      %swap3A_1395 = tpu.vector_load %arg16[%swap3A_1393, %swap3A_1394] {strides = array<i32>} : memref<16x1024xf32, #tpu.memory_space<vmem>>, vector<1x16xf32>,
      %swap3A_1396 = vector.shape_cast %swap3A_1395 : vector<1x16xf32> to vector<16xf32>
      %swap3A_1397 = vector.shape_cast %add3A_1392 : vector<16xf32> to vector<1x16xf32>
      tpu.vector_store %arg16[%swap3A_1393, %swap3A_1394], %swap3A_1397 {strides = array<i32>} : memref<16x1024xf32, #tpu.memory_space<vmem>>, vector<1x16xf32>,
    }
    %scan3A_798 = arith.constant 64 : i32
    %get3A_799 = arith.constant 2 : i32
    %get3A_800 = arith.constant 4 : i32
    %get3A_801 = arith.index_cast %get3A_799 : i32 to index
    %get3A_802 = arith.index_cast %get3A_800 : i32 to index
    %get3A_803 = arith.constant 0 : index
    %get3A_804 = tpu.vector_load %arg10[%get3A_801, %get3A_802, %get3A_803] {strides = array<i32>} : memref<4x16x16xf32, #tpu.memory_space<vmem>>, vector<1x1x16xf32>,
    %get3A_805 = vector.shape_cast %get3A_804 : vector<1x1x16xf32> to vector<16xf32>
    %get3A_806 = arith.constant 2 : i32
    %get3A_807 = arith.constant 4 : i32
    %get3A_808 = arith.index_cast %get3A_806 : i32 to index
    %get3A_809 = arith.index_cast %get3A_807 : i32 to index
    %get3A_810 = arith.constant 0 : index
    %get3A_811 = tpu.vector_load %arg11[%get3A_808, %get3A_809, %get3A_810] {strides = array<i32>} : memref<4x16x16xf32, #tpu.memory_space<vmem>>, vector<1x1x16xf32>,
    %get3A_812 = vector.shape_cast %get3A_811 : vector<1x1x16xf32> to vector<16xf32>
    %scan3A_813 = arith.constant 0 : i32
    %scan3A_814 = arith.constant 64 : i32
    %scan3A_815 = arith.addi %scan3A_813, %scan3A_814 : i32
    %scan3A_816 = arith.constant 1 : i32
    scf.for %scan3A_1373 = %scan3A_813 to %scan3A_815 step %scan3A_816  : i32 {
      %mul3A_1374 = arith.constant 1 : i32
      %mul3A_1375 = arith.muli %scan3A_1373, %mul3A_1374 : i32
      %add3A_1376 = arith.constant 0 : i32
      %add3A_1377 = arith.addi %add3A_1376, %mul3A_1375 : i32
      %mul3A_1378 = arith.constant 16 : i32
      %mul3A_1379 = arith.muli %add3A_1377, %mul3A_1378 : i32
      %multiple_of3A = tpu.assume_multiple %mul3A_1379, 16 : i32
      %get3A_1380 = arith.constant 4 : i32
      %get3A_1381 = arith.index_cast %get3A_1380 : i32 to index
      %get3A_1382 = arith.index_cast %multiple_of3A : i32 to index
      %get3A_1383 = tpu.vector_load %arg12[%get3A_1381, %get3A_1382] {strides = array<i32>} : memref<16x1024xf32, #tpu.memory_space<vmem>>, vector<1x16xf32>,
      %get3A_1384 = vector.shape_cast %get3A_1383 : vector<1x16xf32> to vector<16xf32>
      %mul3A_1385 = arith.mulf %get3A_1384, %get3A_805 : vector<16xf32>
      %get3A_1386 = arith.constant 4 : i32
      %get3A_1387 = arith.index_cast %get3A_1386 : i32 to index
      %get3A_1388 = arith.index_cast %multiple_of3A : i32 to index
      %get3A_1389 = tpu.vector_load %arg14[%get3A_1387, %get3A_1388] {strides = array<i32>} : memref<16x1024xf32, #tpu.memory_space<vmem>>, vector<1x16xf32>,
      %get3A_1390 = vector.shape_cast %get3A_1389 : vector<1x16xf32> to vector<16xf32>
      %mul3A_1391 = arith.mulf %get3A_1390, %get3A_812 : vector<16xf32>
      %add3A_1392 = arith.addf %mul3A_1385, %mul3A_1391 : vector<16xf32>
      %swap3A = arith.constant 4 : i32
      %swap3A_1393 = arith.index_cast %swap3A : i32 to index
      %swap3A_1394 = arith.index_cast %multiple_of3A : i32 to index
      %swap3A_1395 = tpu.vector_load %arg16[%swap3A_1393, %swap3A_1394] {strides = array<i32>} : memref<16x1024xf32, #tpu.memory_space<vmem>>, vector<1x16xf32>,
      %swap3A_1396 = vector.shape_cast %swap3A_1395 : vector<1x16xf32> to vector<16xf32>
      %swap3A_1397 = vector.shape_cast %add3A_1392 : vector<16xf32> to vector<1x16xf32>
      tpu.vector_store %arg16[%swap3A_1393, %swap3A_1394], %swap3A_1397 {strides = array<i32>} : memref<16x1024xf32, #tpu.memory_space<vmem>>, vector<1x16xf32>,
    }
    %scan3A_817 = arith.constant 64 : i32
    %get3A_818 = arith.constant 2 : i32
    %get3A_819 = arith.constant 5 : i32
    %get3A_820 = arith.index_cast %get3A_818 : i32 to index
    %get3A_821 = arith.index_cast %get3A_819 : i32 to index
    %get3A_822 = arith.constant 0 : index
    %get3A_823 = tpu.vector_load %arg10[%get3A_820, %get3A_821, %get3A_822] {strides = array<i32>} : memref<4x16x16xf32, #tpu.memory_space<vmem>>, vector<1x1x16xf32>,
    %get3A_824 = vector.shape_cast %get3A_823 : vector<1x1x16xf32> to vector<16xf32>
    %get3A_825 = arith.constant 2 : i32
    %get3A_826 = arith.constant 5 : i32
    %get3A_827 = arith.index_cast %get3A_825 : i32 to index
    %get3A_828 = arith.index_cast %get3A_826 : i32 to index
    %get3A_829 = arith.constant 0 : index
    %get3A_830 = tpu.vector_load %arg11[%get3A_827, %get3A_828, %get3A_829] {strides = array<i32>} : memref<4x16x16xf32, #tpu.memory_space<vmem>>, vector<1x1x16xf32>,
    %get3A_831 = vector.shape_cast %get3A_830 : vector<1x1x16xf32> to vector<16xf32>
    %scan3A_832 = arith.constant 0 : i32
    %scan3A_833 = arith.constant 64 : i32
    %scan3A_834 = arith.addi %scan3A_832, %scan3A_833 : i32
    %scan3A_835 = arith.constant 1 : i32
    scf.for %scan3A_1373 = %scan3A_832 to %scan3A_834 step %scan3A_835  : i32 {
      %mul3A_1374 = arith.constant 1 : i32
      %mul3A_1375 = arith.muli %scan3A_1373, %mul3A_1374 : i32
      %add3A_1376 = arith.constant 0 : i32
      %add3A_1377 = arith.addi %add3A_1376, %mul3A_1375 : i32
      %mul3A_1378 = arith.constant 16 : i32
      %mul3A_1379 = arith.muli %add3A_1377, %mul3A_1378 : i32
      %multiple_of3A = tpu.assume_multiple %mul3A_1379, 16 : i32
      %get3A_1380 = arith.constant 5 : i32
      %get3A_1381 = arith.index_cast %get3A_1380 : i32 to index
      %get3A_1382 = arith.index_cast %multiple_of3A : i32 to index
      %get3A_1383 = tpu.vector_load %arg12[%get3A_1381, %get3A_1382] {strides = array<i32>} : memref<16x1024xf32, #tpu.memory_space<vmem>>, vector<1x16xf32>,
      %get3A_1384 = vector.shape_cast %get3A_1383 : vector<1x16xf32> to vector<16xf32>
      %mul3A_1385 = arith.mulf %get3A_1384, %get3A_824 : vector<16xf32>
      %get3A_1386 = arith.constant 5 : i32
      %get3A_1387 = arith.index_cast %get3A_1386 : i32 to index
      %get3A_1388 = arith.index_cast %multiple_of3A : i32 to index
      %get3A_1389 = tpu.vector_load %arg14[%get3A_1387, %get3A_1388] {strides = array<i32>} : memref<16x1024xf32, #tpu.memory_space<vmem>>, vector<1x16xf32>,
      %get3A_1390 = vector.shape_cast %get3A_1389 : vector<1x16xf32> to vector<16xf32>
      %mul3A_1391 = arith.mulf %get3A_1390, %get3A_831 : vector<16xf32>
      %add3A_1392 = arith.addf %mul3A_1385, %mul3A_1391 : vector<16xf32>
      %swap3A = arith.constant 5 : i32
      %swap3A_1393 = arith.index_cast %swap3A : i32 to index
      %swap3A_1394 = arith.index_cast %multiple_of3A : i32 to index
      %swap3A_1395 = tpu.vector_load %arg16[%swap3A_1393, %swap3A_1394] {strides = array<i32>} : memref<16x1024xf32, #tpu.memory_space<vmem>>, vector<1x16xf32>,
      %swap3A_1396 = vector.shape_cast %swap3A_1395 : vector<1x16xf32> to vector<16xf32>
      %swap3A_1397 = vector.shape_cast %add3A_1392 : vector<16xf32> to vector<1x16xf32>
      tpu.vector_store %arg16[%swap3A_1393, %swap3A_1394], %swap3A_1397 {strides = array<i32>} : memref<16x1024xf32, #tpu.memory_space<vmem>>, vector<1x16xf32>,
    }
    %scan3A_836 = arith.constant 64 : i32
    %get3A_837 = arith.constant 2 : i32
    %get3A_838 = arith.constant 6 : i32
    %get3A_839 = arith.index_cast %get3A_837 : i32 to index
    %get3A_840 = arith.index_cast %get3A_838 : i32 to index
    %get3A_841 = arith.constant 0 : index
    %get3A_842 = tpu.vector_load %arg10[%get3A_839, %get3A_840, %get3A_841] {strides = array<i32>} : memref<4x16x16xf32, #tpu.memory_space<vmem>>, vector<1x1x16xf32>,
    %get3A_843 = vector.shape_cast %get3A_842 : vector<1x1x16xf32> to vector<16xf32>
    %get3A_844 = arith.constant 2 : i32
    %get3A_845 = arith.constant 6 : i32
    %get3A_846 = arith.index_cast %get3A_844 : i32 to index
    %get3A_847 = arith.index_cast %get3A_845 : i32 to index
    %get3A_848 = arith.constant 0 : index
    %get3A_849 = tpu.vector_load %arg11[%get3A_846, %get3A_847, %get3A_848] {strides = array<i32>} : memref<4x16x16xf32, #tpu.memory_space<vmem>>, vector<1x1x16xf32>,
    %get3A_850 = vector.shape_cast %get3A_849 : vector<1x1x16xf32> to vector<16xf32>
    %scan3A_851 = arith.constant 0 : i32
    %scan3A_852 = arith.constant 64 : i32
    %scan3A_853 = arith.addi %scan3A_851, %scan3A_852 : i32
    %scan3A_854 = arith.constant 1 : i32
    scf.for %scan3A_1373 = %scan3A_851 to %scan3A_853 step %scan3A_854  : i32 {
      %mul3A_1374 = arith.constant 1 : i32
      %mul3A_1375 = arith.muli %scan3A_1373, %mul3A_1374 : i32
      %add3A_1376 = arith.constant 0 : i32
      %add3A_1377 = arith.addi %add3A_1376, %mul3A_1375 : i32
      %mul3A_1378 = arith.constant 16 : i32
      %mul3A_1379 = arith.muli %add3A_1377, %mul3A_1378 : i32
      %multiple_of3A = tpu.assume_multiple %mul3A_1379, 16 : i32
      %get3A_1380 = arith.constant 6 : i32
      %get3A_1381 = arith.index_cast %get3A_1380 : i32 to index
      %get3A_1382 = arith.index_cast %multiple_of3A : i32 to index
      %get3A_1383 = tpu.vector_load %arg12[%get3A_1381, %get3A_1382] {strides = array<i32>} : memref<16x1024xf32, #tpu.memory_space<vmem>>, vector<1x16xf32>,
      %get3A_1384 = vector.shape_cast %get3A_1383 : vector<1x16xf32> to vector<16xf32>
      %mul3A_1385 = arith.mulf %get3A_1384, %get3A_843 : vector<16xf32>
      %get3A_1386 = arith.constant 6 : i32
      %get3A_1387 = arith.index_cast %get3A_1386 : i32 to index
      %get3A_1388 = arith.index_cast %multiple_of3A : i32 to index
      %get3A_1389 = tpu.vector_load %arg14[%get3A_1387, %get3A_1388] {strides = array<i32>} : memref<16x1024xf32, #tpu.memory_space<vmem>>, vector<1x16xf32>,
      %get3A_1390 = vector.shape_cast %get3A_1389 : vector<1x16xf32> to vector<16xf32>
      %mul3A_1391 = arith.mulf %get3A_1390, %get3A_850 : vector<16xf32>
      %add3A_1392 = arith.addf %mul3A_1385, %mul3A_1391 : vector<16xf32>
      %swap3A = arith.constant 6 : i32
      %swap3A_1393 = arith.index_cast %swap3A : i32 to index
      %swap3A_1394 = arith.index_cast %multiple_of3A : i32 to index
      %swap3A_1395 = tpu.vector_load %arg16[%swap3A_1393, %swap3A_1394] {strides = array<i32>} : memref<16x1024xf32, #tpu.memory_space<vmem>>, vector<1x16xf32>,
      %swap3A_1396 = vector.shape_cast %swap3A_1395 : vector<1x16xf32> to vector<16xf32>
      %swap3A_1397 = vector.shape_cast %add3A_1392 : vector<16xf32> to vector<1x16xf32>
      tpu.vector_store %arg16[%swap3A_1393, %swap3A_1394], %swap3A_1397 {strides = array<i32>} : memref<16x1024xf32, #tpu.memory_space<vmem>>, vector<1x16xf32>,
    }
    %scan3A_855 = arith.constant 64 : i32
    %get3A_856 = arith.constant 2 : i32
    %get3A_857 = arith.constant 7 : i32
    %get3A_858 = arith.index_cast %get3A_856 : i32 to index
    %get3A_859 = arith.index_cast %get3A_857 : i32 to index
    %get3A_860 = arith.constant 0 : index
    %get3A_861 = tpu.vector_load %arg10[%get3A_858, %get3A_859, %get3A_860] {strides = array<i32>} : memref<4x16x16xf32, #tpu.memory_space<vmem>>, vector<1x1x16xf32>,
    %get3A_862 = vector.shape_cast %get3A_861 : vector<1x1x16xf32> to vector<16xf32>
    %get3A_863 = arith.constant 2 : i32
    %get3A_864 = arith.constant 7 : i32
    %get3A_865 = arith.index_cast %get3A_863 : i32 to index
    %get3A_866 = arith.index_cast %get3A_864 : i32 to index
    %get3A_867 = arith.constant 0 : index
    %get3A_868 = tpu.vector_load %arg11[%get3A_865, %get3A_866, %get3A_867] {strides = array<i32>} : memref<4x16x16xf32, #tpu.memory_space<vmem>>, vector<1x1x16xf32>,
    %get3A_869 = vector.shape_cast %get3A_868 : vector<1x1x16xf32> to vector<16xf32>
    %scan3A_870 = arith.constant 0 : i32
    %scan3A_871 = arith.constant 64 : i32
    %scan3A_872 = arith.addi %scan3A_870, %scan3A_871 : i32
    %scan3A_873 = arith.constant 1 : i32
    scf.for %scan3A_1373 = %scan3A_870 to %scan3A_872 step %scan3A_873  : i32 {
      %mul3A_1374 = arith.constant 1 : i32
      %mul3A_1375 = arith.muli %scan3A_1373, %mul3A_1374 : i32
      %add3A_1376 = arith.constant 0 : i32
      %add3A_1377 = arith.addi %add3A_1376, %mul3A_1375 : i32
      %mul3A_1378 = arith.constant 16 : i32
      %mul3A_1379 = arith.muli %add3A_1377, %mul3A_1378 : i32
      %multiple_of3A = tpu.assume_multiple %mul3A_1379, 16 : i32
      %get3A_1380 = arith.constant 7 : i32
      %get3A_1381 = arith.index_cast %get3A_1380 : i32 to index
      %get3A_1382 = arith.index_cast %multiple_of3A : i32 to index
      %get3A_1383 = tpu.vector_load %arg12[%get3A_1381, %get3A_1382] {strides = array<i32>} : memref<16x1024xf32, #tpu.memory_space<vmem>>, vector<1x16xf32>,
      %get3A_1384 = vector.shape_cast %get3A_1383 : vector<1x16xf32> to vector<16xf32>
      %mul3A_1385 = arith.mulf %get3A_1384, %get3A_862 : vector<16xf32>
      %get3A_1386 = arith.constant 7 : i32
      %get3A_1387 = arith.index_cast %get3A_1386 : i32 to index
      %get3A_1388 = arith.index_cast %multiple_of3A : i32 to index
      %get3A_1389 = tpu.vector_load %arg14[%get3A_1387, %get3A_1388] {strides = array<i32>} : memref<16x1024xf32, #tpu.memory_space<vmem>>, vector<1x16xf32>,
      %get3A_1390 = vector.shape_cast %get3A_1389 : vector<1x16xf32> to vector<16xf32>
      %mul3A_1391 = arith.mulf %get3A_1390, %get3A_869 : vector<16xf32>
      %add3A_1392 = arith.addf %mul3A_1385, %mul3A_1391 : vector<16xf32>
      %swap3A = arith.constant 7 : i32
      %swap3A_1393 = arith.index_cast %swap3A : i32 to index
      %swap3A_1394 = arith.index_cast %multiple_of3A : i32 to index
      %swap3A_1395 = tpu.vector_load %arg16[%swap3A_1393, %swap3A_1394] {strides = array<i32>} : memref<16x1024xf32, #tpu.memory_space<vmem>>, vector<1x16xf32>,
      %swap3A_1396 = vector.shape_cast %swap3A_1395 : vector<1x16xf32> to vector<16xf32>
      %swap3A_1397 = vector.shape_cast %add3A_1392 : vector<16xf32> to vector<1x16xf32>
      tpu.vector_store %arg16[%swap3A_1393, %swap3A_1394], %swap3A_1397 {strides = array<i32>} : memref<16x1024xf32, #tpu.memory_space<vmem>>, vector<1x16xf32>,
    }
    %scan3A_874 = arith.constant 64 : i32
    %get3A_875 = arith.constant 2 : i32
    %get3A_876 = arith.constant 8 : i32
    %get3A_877 = arith.index_cast %get3A_875 : i32 to index
    %get3A_878 = arith.index_cast %get3A_876 : i32 to index
    %get3A_879 = arith.constant 0 : index
    %get3A_880 = tpu.vector_load %arg10[%get3A_877, %get3A_878, %get3A_879] {strides = array<i32>} : memref<4x16x16xf32, #tpu.memory_space<vmem>>, vector<1x1x16xf32>,
    %get3A_881 = vector.shape_cast %get3A_880 : vector<1x1x16xf32> to vector<16xf32>
    %get3A_882 = arith.constant 2 : i32
    %get3A_883 = arith.constant 8 : i32
    %get3A_884 = arith.index_cast %get3A_882 : i32 to index
    %get3A_885 = arith.index_cast %get3A_883 : i32 to index
    %get3A_886 = arith.constant 0 : index
    %get3A_887 = tpu.vector_load %arg11[%get3A_884, %get3A_885, %get3A_886] {strides = array<i32>} : memref<4x16x16xf32, #tpu.memory_space<vmem>>, vector<1x1x16xf32>,
    %get3A_888 = vector.shape_cast %get3A_887 : vector<1x1x16xf32> to vector<16xf32>
    %scan3A_889 = arith.constant 0 : i32
    %scan3A_890 = arith.constant 64 : i32
    %scan3A_891 = arith.addi %scan3A_889, %scan3A_890 : i32
    %scan3A_892 = arith.constant 1 : i32
    scf.for %scan3A_1373 = %scan3A_889 to %scan3A_891 step %scan3A_892  : i32 {
      %mul3A_1374 = arith.constant 1 : i32
      %mul3A_1375 = arith.muli %scan3A_1373, %mul3A_1374 : i32
      %add3A_1376 = arith.constant 0 : i32
      %add3A_1377 = arith.addi %add3A_1376, %mul3A_1375 : i32
      %mul3A_1378 = arith.constant 16 : i32
      %mul3A_1379 = arith.muli %add3A_1377, %mul3A_1378 : i32
      %multiple_of3A = tpu.assume_multiple %mul3A_1379, 16 : i32
      %get3A_1380 = arith.constant 8 : i32
      %get3A_1381 = arith.index_cast %get3A_1380 : i32 to index
      %get3A_1382 = arith.index_cast %multiple_of3A : i32 to index
      %get3A_1383 = tpu.vector_load %arg12[%get3A_1381, %get3A_1382] {strides = array<i32>} : memref<16x1024xf32, #tpu.memory_space<vmem>>, vector<1x16xf32>,
      %get3A_1384 = vector.shape_cast %get3A_1383 : vector<1x16xf32> to vector<16xf32>
      %mul3A_1385 = arith.mulf %get3A_1384, %get3A_881 : vector<16xf32>
      %get3A_1386 = arith.constant 8 : i32
      %get3A_1387 = arith.index_cast %get3A_1386 : i32 to index
      %get3A_1388 = arith.index_cast %multiple_of3A : i32 to index
      %get3A_1389 = tpu.vector_load %arg14[%get3A_1387, %get3A_1388] {strides = array<i32>} : memref<16x1024xf32, #tpu.memory_space<vmem>>, vector<1x16xf32>,
      %get3A_1390 = vector.shape_cast %get3A_1389 : vector<1x16xf32> to vector<16xf32>
      %mul3A_1391 = arith.mulf %get3A_1390, %get3A_888 : vector<16xf32>
      %add3A_1392 = arith.addf %mul3A_1385, %mul3A_1391 : vector<16xf32>
      %swap3A = arith.constant 8 : i32
      %swap3A_1393 = arith.index_cast %swap3A : i32 to index
      %swap3A_1394 = arith.index_cast %multiple_of3A : i32 to index
      %swap3A_1395 = tpu.vector_load %arg16[%swap3A_1393, %swap3A_1394] {strides = array<i32>} : memref<16x1024xf32, #tpu.memory_space<vmem>>, vector<1x16xf32>,
      %swap3A_1396 = vector.shape_cast %swap3A_1395 : vector<1x16xf32> to vector<16xf32>
      %swap3A_1397 = vector.shape_cast %add3A_1392 : vector<16xf32> to vector<1x16xf32>
      tpu.vector_store %arg16[%swap3A_1393, %swap3A_1394], %swap3A_1397 {strides = array<i32>} : memref<16x1024xf32, #tpu.memory_space<vmem>>, vector<1x16xf32>,
    }
    %scan3A_893 = arith.constant 64 : i32
    %get3A_894 = arith.constant 2 : i32
    %get3A_895 = arith.constant 9 : i32
    %get3A_896 = arith.index_cast %get3A_894 : i32 to index
    %get3A_897 = arith.index_cast %get3A_895 : i32 to index
    %get3A_898 = arith.constant 0 : index
    %get3A_899 = tpu.vector_load %arg10[%get3A_896, %get3A_897, %get3A_898] {strides = array<i32>} : memref<4x16x16xf32, #tpu.memory_space<vmem>>, vector<1x1x16xf32>,
    %get3A_900 = vector.shape_cast %get3A_899 : vector<1x1x16xf32> to vector<16xf32>
    %get3A_901 = arith.constant 2 : i32
    %get3A_902 = arith.constant 9 : i32
    %get3A_903 = arith.index_cast %get3A_901 : i32 to index
    %get3A_904 = arith.index_cast %get3A_902 : i32 to index
    %get3A_905 = arith.constant 0 : index
    %get3A_906 = tpu.vector_load %arg11[%get3A_903, %get3A_904, %get3A_905] {strides = array<i32>} : memref<4x16x16xf32, #tpu.memory_space<vmem>>, vector<1x1x16xf32>,
    %get3A_907 = vector.shape_cast %get3A_906 : vector<1x1x16xf32> to vector<16xf32>
    %scan3A_908 = arith.constant 0 : i32
    %scan3A_909 = arith.constant 64 : i32
    %scan3A_910 = arith.addi %scan3A_908, %scan3A_909 : i32
    %scan3A_911 = arith.constant 1 : i32
    scf.for %scan3A_1373 = %scan3A_908 to %scan3A_910 step %scan3A_911  : i32 {
      %mul3A_1374 = arith.constant 1 : i32
      %mul3A_1375 = arith.muli %scan3A_1373, %mul3A_1374 : i32
      %add3A_1376 = arith.constant 0 : i32
      %add3A_1377 = arith.addi %add3A_1376, %mul3A_1375 : i32
      %mul3A_1378 = arith.constant 16 : i32
      %mul3A_1379 = arith.muli %add3A_1377, %mul3A_1378 : i32
      %multiple_of3A = tpu.assume_multiple %mul3A_1379, 16 : i32
      %get3A_1380 = arith.constant 9 : i32
      %get3A_1381 = arith.index_cast %get3A_1380 : i32 to index
      %get3A_1382 = arith.index_cast %multiple_of3A : i32 to index
      %get3A_1383 = tpu.vector_load %arg12[%get3A_1381, %get3A_1382] {strides = array<i32>} : memref<16x1024xf32, #tpu.memory_space<vmem>>, vector<1x16xf32>,
      %get3A_1384 = vector.shape_cast %get3A_1383 : vector<1x16xf32> to vector<16xf32>
      %mul3A_1385 = arith.mulf %get3A_1384, %get3A_900 : vector<16xf32>
      %get3A_1386 = arith.constant 9 : i32
      %get3A_1387 = arith.index_cast %get3A_1386 : i32 to index
      %get3A_1388 = arith.index_cast %multiple_of3A : i32 to index
      %get3A_1389 = tpu.vector_load %arg14[%get3A_1387, %get3A_1388] {strides = array<i32>} : memref<16x1024xf32, #tpu.memory_space<vmem>>, vector<1x16xf32>,
      %get3A_1390 = vector.shape_cast %get3A_1389 : vector<1x16xf32> to vector<16xf32>
      %mul3A_1391 = arith.mulf %get3A_1390, %get3A_907 : vector<16xf32>
      %add3A_1392 = arith.addf %mul3A_1385, %mul3A_1391 : vector<16xf32>
      %swap3A = arith.constant 9 : i32
      %swap3A_1393 = arith.index_cast %swap3A : i32 to index
      %swap3A_1394 = arith.index_cast %multiple_of3A : i32 to index
      %swap3A_1395 = tpu.vector_load %arg16[%swap3A_1393, %swap3A_1394] {strides = array<i32>} : memref<16x1024xf32, #tpu.memory_space<vmem>>, vector<1x16xf32>,
      %swap3A_1396 = vector.shape_cast %swap3A_1395 : vector<1x16xf32> to vector<16xf32>
      %swap3A_1397 = vector.shape_cast %add3A_1392 : vector<16xf32> to vector<1x16xf32>
      tpu.vector_store %arg16[%swap3A_1393, %swap3A_1394], %swap3A_1397 {strides = array<i32>} : memref<16x1024xf32, #tpu.memory_space<vmem>>, vector<1x16xf32>,
    }
    %scan3A_912 = arith.constant 64 : i32
    %get3A_913 = arith.constant 2 : i32
    %get3A_914 = arith.constant 10 : i32
    %get3A_915 = arith.index_cast %get3A_913 : i32 to index
    %get3A_916 = arith.index_cast %get3A_914 : i32 to index
    %get3A_917 = arith.constant 0 : index
    %get3A_918 = tpu.vector_load %arg10[%get3A_915, %get3A_916, %get3A_917] {strides = array<i32>} : memref<4x16x16xf32, #tpu.memory_space<vmem>>, vector<1x1x16xf32>,
    %get3A_919 = vector.shape_cast %get3A_918 : vector<1x1x16xf32> to vector<16xf32>
    %get3A_920 = arith.constant 2 : i32
    %get3A_921 = arith.constant 10 : i32
    %get3A_922 = arith.index_cast %get3A_920 : i32 to index
    %get3A_923 = arith.index_cast %get3A_921 : i32 to index
    %get3A_924 = arith.constant 0 : index
    %get3A_925 = tpu.vector_load %arg11[%get3A_922, %get3A_923, %get3A_924] {strides = array<i32>} : memref<4x16x16xf32, #tpu.memory_space<vmem>>, vector<1x1x16xf32>,
    %get3A_926 = vector.shape_cast %get3A_925 : vector<1x1x16xf32> to vector<16xf32>
    %scan3A_927 = arith.constant 0 : i32
    %scan3A_928 = arith.constant 64 : i32
    %scan3A_929 = arith.addi %scan3A_927, %scan3A_928 : i32
    %scan3A_930 = arith.constant 1 : i32
    scf.for %scan3A_1373 = %scan3A_927 to %scan3A_929 step %scan3A_930  : i32 {
      %mul3A_1374 = arith.constant 1 : i32
      %mul3A_1375 = arith.muli %scan3A_1373, %mul3A_1374 : i32
      %add3A_1376 = arith.constant 0 : i32
      %add3A_1377 = arith.addi %add3A_1376, %mul3A_1375 : i32
      %mul3A_1378 = arith.constant 16 : i32
      %mul3A_1379 = arith.muli %add3A_1377, %mul3A_1378 : i32
      %multiple_of3A = tpu.assume_multiple %mul3A_1379, 16 : i32
      %get3A_1380 = arith.constant 10 : i32
      %get3A_1381 = arith.index_cast %get3A_1380 : i32 to index
      %get3A_1382 = arith.index_cast %multiple_of3A : i32 to index
      %get3A_1383 = tpu.vector_load %arg12[%get3A_1381, %get3A_1382] {strides = array<i32>} : memref<16x1024xf32, #tpu.memory_space<vmem>>, vector<1x16xf32>,
      %get3A_1384 = vector.shape_cast %get3A_1383 : vector<1x16xf32> to vector<16xf32>
      %mul3A_1385 = arith.mulf %get3A_1384, %get3A_919 : vector<16xf32>
      %get3A_1386 = arith.constant 10 : i32
      %get3A_1387 = arith.index_cast %get3A_1386 : i32 to index
      %get3A_1388 = arith.index_cast %multiple_of3A : i32 to index
      %get3A_1389 = tpu.vector_load %arg14[%get3A_1387, %get3A_1388] {strides = array<i32>} : memref<16x1024xf32, #tpu.memory_space<vmem>>, vector<1x16xf32>,
      %get3A_1390 = vector.shape_cast %get3A_1389 : vector<1x16xf32> to vector<16xf32>
      %mul3A_1391 = arith.mulf %get3A_1390, %get3A_926 : vector<16xf32>
      %add3A_1392 = arith.addf %mul3A_1385, %mul3A_1391 : vector<16xf32>
      %swap3A = arith.constant 10 : i32
      %swap3A_1393 = arith.index_cast %swap3A : i32 to index
      %swap3A_1394 = arith.index_cast %multiple_of3A : i32 to index
      %swap3A_1395 = tpu.vector_load %arg16[%swap3A_1393, %swap3A_1394] {strides = array<i32>} : memref<16x1024xf32, #tpu.memory_space<vmem>>, vector<1x16xf32>,
      %swap3A_1396 = vector.shape_cast %swap3A_1395 : vector<1x16xf32> to vector<16xf32>
      %swap3A_1397 = vector.shape_cast %add3A_1392 : vector<16xf32> to vector<1x16xf32>
      tpu.vector_store %arg16[%swap3A_1393, %swap3A_1394], %swap3A_1397 {strides = array<i32>} : memref<16x1024xf32, #tpu.memory_space<vmem>>, vector<1x16xf32>,
    }
    %scan3A_931 = arith.constant 64 : i32
    %get3A_932 = arith.constant 2 : i32
    %get3A_933 = arith.constant 11 : i32
    %get3A_934 = arith.index_cast %get3A_932 : i32 to index
    %get3A_935 = arith.index_cast %get3A_933 : i32 to index
    %get3A_936 = arith.constant 0 : index
    %get3A_937 = tpu.vector_load %arg10[%get3A_934, %get3A_935, %get3A_936] {strides = array<i32>} : memref<4x16x16xf32, #tpu.memory_space<vmem>>, vector<1x1x16xf32>,
    %get3A_938 = vector.shape_cast %get3A_937 : vector<1x1x16xf32> to vector<16xf32>
    %get3A_939 = arith.constant 2 : i32
    %get3A_940 = arith.constant 11 : i32
    %get3A_941 = arith.index_cast %get3A_939 : i32 to index
    %get3A_942 = arith.index_cast %get3A_940 : i32 to index
    %get3A_943 = arith.constant 0 : index
    %get3A_944 = tpu.vector_load %arg11[%get3A_941, %get3A_942, %get3A_943] {strides = array<i32>} : memref<4x16x16xf32, #tpu.memory_space<vmem>>, vector<1x1x16xf32>,
    %get3A_945 = vector.shape_cast %get3A_944 : vector<1x1x16xf32> to vector<16xf32>
    %scan3A_946 = arith.constant 0 : i32
    %scan3A_947 = arith.constant 64 : i32
    %scan3A_948 = arith.addi %scan3A_946, %scan3A_947 : i32
    %scan3A_949 = arith.constant 1 : i32
    scf.for %scan3A_1373 = %scan3A_946 to %scan3A_948 step %scan3A_949  : i32 {
      %mul3A_1374 = arith.constant 1 : i32
      %mul3A_1375 = arith.muli %scan3A_1373, %mul3A_1374 : i32
      %add3A_1376 = arith.constant 0 : i32
      %add3A_1377 = arith.addi %add3A_1376, %mul3A_1375 : i32
      %mul3A_1378 = arith.constant 16 : i32
      %mul3A_1379 = arith.muli %add3A_1377, %mul3A_1378 : i32
      %multiple_of3A = tpu.assume_multiple %mul3A_1379, 16 : i32
      %get3A_1380 = arith.constant 11 : i32
      %get3A_1381 = arith.index_cast %get3A_1380 : i32 to index
      %get3A_1382 = arith.index_cast %multiple_of3A : i32 to index
      %get3A_1383 = tpu.vector_load %arg12[%get3A_1381, %get3A_1382] {strides = array<i32>} : memref<16x1024xf32, #tpu.memory_space<vmem>>, vector<1x16xf32>,
      %get3A_1384 = vector.shape_cast %get3A_1383 : vector<1x16xf32> to vector<16xf32>
      %mul3A_1385 = arith.mulf %get3A_1384, %get3A_938 : vector<16xf32>
      %get3A_1386 = arith.constant 11 : i32
      %get3A_1387 = arith.index_cast %get3A_1386 : i32 to index
      %get3A_1388 = arith.index_cast %multiple_of3A : i32 to index
      %get3A_1389 = tpu.vector_load %arg14[%get3A_1387, %get3A_1388] {strides = array<i32>} : memref<16x1024xf32, #tpu.memory_space<vmem>>, vector<1x16xf32>,
      %get3A_1390 = vector.shape_cast %get3A_1389 : vector<1x16xf32> to vector<16xf32>
      %mul3A_1391 = arith.mulf %get3A_1390, %get3A_945 : vector<16xf32>
      %add3A_1392 = arith.addf %mul3A_1385, %mul3A_1391 : vector<16xf32>
      %swap3A = arith.constant 11 : i32
      %swap3A_1393 = arith.index_cast %swap3A : i32 to index
      %swap3A_1394 = arith.index_cast %multiple_of3A : i32 to index
      %swap3A_1395 = tpu.vector_load %arg16[%swap3A_1393, %swap3A_1394] {strides = array<i32>} : memref<16x1024xf32, #tpu.memory_space<vmem>>, vector<1x16xf32>,
      %swap3A_1396 = vector.shape_cast %swap3A_1395 : vector<1x16xf32> to vector<16xf32>
      %swap3A_1397 = vector.shape_cast %add3A_1392 : vector<16xf32> to vector<1x16xf32>
      tpu.vector_store %arg16[%swap3A_1393, %swap3A_1394], %swap3A_1397 {strides = array<i32>} : memref<16x1024xf32, #tpu.memory_space<vmem>>, vector<1x16xf32>,
    }
    %scan3A_950 = arith.constant 64 : i32
    %get3A_951 = arith.constant 2 : i32
    %get3A_952 = arith.constant 12 : i32
    %get3A_953 = arith.index_cast %get3A_951 : i32 to index
    %get3A_954 = arith.index_cast %get3A_952 : i32 to index
    %get3A_955 = arith.constant 0 : index
    %get3A_956 = tpu.vector_load %arg10[%get3A_953, %get3A_954, %get3A_955] {strides = array<i32>} : memref<4x16x16xf32, #tpu.memory_space<vmem>>, vector<1x1x16xf32>,
    %get3A_957 = vector.shape_cast %get3A_956 : vector<1x1x16xf32> to vector<16xf32>
    %get3A_958 = arith.constant 2 : i32
    %get3A_959 = arith.constant 12 : i32
    %get3A_960 = arith.index_cast %get3A_958 : i32 to index
    %get3A_961 = arith.index_cast %get3A_959 : i32 to index
    %get3A_962 = arith.constant 0 : index
    %get3A_963 = tpu.vector_load %arg11[%get3A_960, %get3A_961, %get3A_962] {strides = array<i32>} : memref<4x16x16xf32, #tpu.memory_space<vmem>>, vector<1x1x16xf32>,
    %get3A_964 = vector.shape_cast %get3A_963 : vector<1x1x16xf32> to vector<16xf32>
    %scan3A_965 = arith.constant 0 : i32
    %scan3A_966 = arith.constant 64 : i32
    %scan3A_967 = arith.addi %scan3A_965, %scan3A_966 : i32
    %scan3A_968 = arith.constant 1 : i32
    scf.for %scan3A_1373 = %scan3A_965 to %scan3A_967 step %scan3A_968  : i32 {
      %mul3A_1374 = arith.constant 1 : i32
      %mul3A_1375 = arith.muli %scan3A_1373, %mul3A_1374 : i32
      %add3A_1376 = arith.constant 0 : i32
      %add3A_1377 = arith.addi %add3A_1376, %mul3A_1375 : i32
      %mul3A_1378 = arith.constant 16 : i32
      %mul3A_1379 = arith.muli %add3A_1377, %mul3A_1378 : i32
      %multiple_of3A = tpu.assume_multiple %mul3A_1379, 16 : i32
      %get3A_1380 = arith.constant 12 : i32
      %get3A_1381 = arith.index_cast %get3A_1380 : i32 to index
      %get3A_1382 = arith.index_cast %multiple_of3A : i32 to index
      %get3A_1383 = tpu.vector_load %arg12[%get3A_1381, %get3A_1382] {strides = array<i32>} : memref<16x1024xf32, #tpu.memory_space<vmem>>, vector<1x16xf32>,
      %get3A_1384 = vector.shape_cast %get3A_1383 : vector<1x16xf32> to vector<16xf32>
      %mul3A_1385 = arith.mulf %get3A_1384, %get3A_957 : vector<16xf32>
      %get3A_1386 = arith.constant 12 : i32
      %get3A_1387 = arith.index_cast %get3A_1386 : i32 to index
      %get3A_1388 = arith.index_cast %multiple_of3A : i32 to index
      %get3A_1389 = tpu.vector_load %arg14[%get3A_1387, %get3A_1388] {strides = array<i32>} : memref<16x1024xf32, #tpu.memory_space<vmem>>, vector<1x16xf32>,
      %get3A_1390 = vector.shape_cast %get3A_1389 : vector<1x16xf32> to vector<16xf32>
      %mul3A_1391 = arith.mulf %get3A_1390, %get3A_964 : vector<16xf32>
      %add3A_1392 = arith.addf %mul3A_1385, %mul3A_1391 : vector<16xf32>
      %swap3A = arith.constant 12 : i32
      %swap3A_1393 = arith.index_cast %swap3A : i32 to index
      %swap3A_1394 = arith.index_cast %multiple_of3A : i32 to index
      %swap3A_1395 = tpu.vector_load %arg16[%swap3A_1393, %swap3A_1394] {strides = array<i32>} : memref<16x1024xf32, #tpu.memory_space<vmem>>, vector<1x16xf32>,
      %swap3A_1396 = vector.shape_cast %swap3A_1395 : vector<1x16xf32> to vector<16xf32>
      %swap3A_1397 = vector.shape_cast %add3A_1392 : vector<16xf32> to vector<1x16xf32>
      tpu.vector_store %arg16[%swap3A_1393, %swap3A_1394], %swap3A_1397 {strides = array<i32>} : memref<16x1024xf32, #tpu.memory_space<vmem>>, vector<1x16xf32>,
    }
    %scan3A_969 = arith.constant 64 : i32
    %get3A_970 = arith.constant 2 : i32
    %get3A_971 = arith.constant 13 : i32
    %get3A_972 = arith.index_cast %get3A_970 : i32 to index
    %get3A_973 = arith.index_cast %get3A_971 : i32 to index
    %get3A_974 = arith.constant 0 : index
    %get3A_975 = tpu.vector_load %arg10[%get3A_972, %get3A_973, %get3A_974] {strides = array<i32>} : memref<4x16x16xf32, #tpu.memory_space<vmem>>, vector<1x1x16xf32>,
    %get3A_976 = vector.shape_cast %get3A_975 : vector<1x1x16xf32> to vector<16xf32>
    %get3A_977 = arith.constant 2 : i32
    %get3A_978 = arith.constant 13 : i32
    %get3A_979 = arith.index_cast %get3A_977 : i32 to index
    %get3A_980 = arith.index_cast %get3A_978 : i32 to index
    %get3A_981 = arith.constant 0 : index
    %get3A_982 = tpu.vector_load %arg11[%get3A_979, %get3A_980, %get3A_981] {strides = array<i32>} : memref<4x16x16xf32, #tpu.memory_space<vmem>>, vector<1x1x16xf32>,
    %get3A_983 = vector.shape_cast %get3A_982 : vector<1x1x16xf32> to vector<16xf32>
    %scan3A_984 = arith.constant 0 : i32
    %scan3A_985 = arith.constant 64 : i32
    %scan3A_986 = arith.addi %scan3A_984, %scan3A_985 : i32
    %scan3A_987 = arith.constant 1 : i32
    scf.for %scan3A_1373 = %scan3A_984 to %scan3A_986 step %scan3A_987  : i32 {
      %mul3A_1374 = arith.constant 1 : i32
      %mul3A_1375 = arith.muli %scan3A_1373, %mul3A_1374 : i32
      %add3A_1376 = arith.constant 0 : i32
      %add3A_1377 = arith.addi %add3A_1376, %mul3A_1375 : i32
      %mul3A_1378 = arith.constant 16 : i32
      %mul3A_1379 = arith.muli %add3A_1377, %mul3A_1378 : i32
      %multiple_of3A = tpu.assume_multiple %mul3A_1379, 16 : i32
      %get3A_1380 = arith.constant 13 : i32
      %get3A_1381 = arith.index_cast %get3A_1380 : i32 to index
      %get3A_1382 = arith.index_cast %multiple_of3A : i32 to index
      %get3A_1383 = tpu.vector_load %arg12[%get3A_1381, %get3A_1382] {strides = array<i32>} : memref<16x1024xf32, #tpu.memory_space<vmem>>, vector<1x16xf32>,
      %get3A_1384 = vector.shape_cast %get3A_1383 : vector<1x16xf32> to vector<16xf32>
      %mul3A_1385 = arith.mulf %get3A_1384, %get3A_976 : vector<16xf32>
      %get3A_1386 = arith.constant 13 : i32
      %get3A_1387 = arith.index_cast %get3A_1386 : i32 to index
      %get3A_1388 = arith.index_cast %multiple_of3A : i32 to index
      %get3A_1389 = tpu.vector_load %arg14[%get3A_1387, %get3A_1388] {strides = array<i32>} : memref<16x1024xf32, #tpu.memory_space<vmem>>, vector<1x16xf32>,
      %get3A_1390 = vector.shape_cast %get3A_1389 : vector<1x16xf32> to vector<16xf32>
      %mul3A_1391 = arith.mulf %get3A_1390, %get3A_983 : vector<16xf32>
      %add3A_1392 = arith.addf %mul3A_1385, %mul3A_1391 : vector<16xf32>
      %swap3A = arith.constant 13 : i32
      %swap3A_1393 = arith.index_cast %swap3A : i32 to index
      %swap3A_1394 = arith.index_cast %multiple_of3A : i32 to index
      %swap3A_1395 = tpu.vector_load %arg16[%swap3A_1393, %swap3A_1394] {strides = array<i32>} : memref<16x1024xf32, #tpu.memory_space<vmem>>, vector<1x16xf32>,
      %swap3A_1396 = vector.shape_cast %swap3A_1395 : vector<1x16xf32> to vector<16xf32>
      %swap3A_1397 = vector.shape_cast %add3A_1392 : vector<16xf32> to vector<1x16xf32>
      tpu.vector_store %arg16[%swap3A_1393, %swap3A_1394], %swap3A_1397 {strides = array<i32>} : memref<16x1024xf32, #tpu.memory_space<vmem>>, vector<1x16xf32>,
    }
    %scan3A_988 = arith.constant 64 : i32
    %get3A_989 = arith.constant 2 : i32
    %get3A_990 = arith.constant 14 : i32
    %get3A_991 = arith.index_cast %get3A_989 : i32 to index
    %get3A_992 = arith.index_cast %get3A_990 : i32 to index
    %get3A_993 = arith.constant 0 : index
    %get3A_994 = tpu.vector_load %arg10[%get3A_991, %get3A_992, %get3A_993] {strides = array<i32>} : memref<4x16x16xf32, #tpu.memory_space<vmem>>, vector<1x1x16xf32>,
    %get3A_995 = vector.shape_cast %get3A_994 : vector<1x1x16xf32> to vector<16xf32>
    %get3A_996 = arith.constant 2 : i32
    %get3A_997 = arith.constant 14 : i32
    %get3A_998 = arith.index_cast %get3A_996 : i32 to index
    %get3A_999 = arith.index_cast %get3A_997 : i32 to index
    %get3A_1000 = arith.constant 0 : index
    %get3A_1001 = tpu.vector_load %arg11[%get3A_998, %get3A_999, %get3A_1000] {strides = array<i32>} : memref<4x16x16xf32, #tpu.memory_space<vmem>>, vector<1x1x16xf32>,
    %get3A_1002 = vector.shape_cast %get3A_1001 : vector<1x1x16xf32> to vector<16xf32>
    %scan3A_1003 = arith.constant 0 : i32
    %scan3A_1004 = arith.constant 64 : i32
    %scan3A_1005 = arith.addi %scan3A_1003, %scan3A_1004 : i32
    %scan3A_1006 = arith.constant 1 : i32
    scf.for %scan3A_1373 = %scan3A_1003 to %scan3A_1005 step %scan3A_1006  : i32 {
      %mul3A_1374 = arith.constant 1 : i32
      %mul3A_1375 = arith.muli %scan3A_1373, %mul3A_1374 : i32
      %add3A_1376 = arith.constant 0 : i32
      %add3A_1377 = arith.addi %add3A_1376, %mul3A_1375 : i32
      %mul3A_1378 = arith.constant 16 : i32
      %mul3A_1379 = arith.muli %add3A_1377, %mul3A_1378 : i32
      %multiple_of3A = tpu.assume_multiple %mul3A_1379, 16 : i32
      %get3A_1380 = arith.constant 14 : i32
      %get3A_1381 = arith.index_cast %get3A_1380 : i32 to index
      %get3A_1382 = arith.index_cast %multiple_of3A : i32 to index
      %get3A_1383 = tpu.vector_load %arg12[%get3A_1381, %get3A_1382] {strides = array<i32>} : memref<16x1024xf32, #tpu.memory_space<vmem>>, vector<1x16xf32>,
      %get3A_1384 = vector.shape_cast %get3A_1383 : vector<1x16xf32> to vector<16xf32>
      %mul3A_1385 = arith.mulf %get3A_1384, %get3A_995 : vector<16xf32>
      %get3A_1386 = arith.constant 14 : i32
      %get3A_1387 = arith.index_cast %get3A_1386 : i32 to index
      %get3A_1388 = arith.index_cast %multiple_of3A : i32 to index
      %get3A_1389 = tpu.vector_load %arg14[%get3A_1387, %get3A_1388] {strides = array<i32>} : memref<16x1024xf32, #tpu.memory_space<vmem>>, vector<1x16xf32>,
      %get3A_1390 = vector.shape_cast %get3A_1389 : vector<1x16xf32> to vector<16xf32>
      %mul3A_1391 = arith.mulf %get3A_1390, %get3A_1002 : vector<16xf32>
      %add3A_1392 = arith.addf %mul3A_1385, %mul3A_1391 : vector<16xf32>
      %swap3A = arith.constant 14 : i32
      %swap3A_1393 = arith.index_cast %swap3A : i32 to index
      %swap3A_1394 = arith.index_cast %multiple_of3A : i32 to index
      %swap3A_1395 = tpu.vector_load %arg16[%swap3A_1393, %swap3A_1394] {strides = array<i32>} : memref<16x1024xf32, #tpu.memory_space<vmem>>, vector<1x16xf32>,
      %swap3A_1396 = vector.shape_cast %swap3A_1395 : vector<1x16xf32> to vector<16xf32>
      %swap3A_1397 = vector.shape_cast %add3A_1392 : vector<16xf32> to vector<1x16xf32>
      tpu.vector_store %arg16[%swap3A_1393, %swap3A_1394], %swap3A_1397 {strides = array<i32>} : memref<16x1024xf32, #tpu.memory_space<vmem>>, vector<1x16xf32>,
    }
    %scan3A_1007 = arith.constant 64 : i32
    %get3A_1008 = arith.constant 2 : i32
    %get3A_1009 = arith.constant 15 : i32
    %get3A_1010 = arith.index_cast %get3A_1008 : i32 to index
    %get3A_1011 = arith.index_cast %get3A_1009 : i32 to index
    %get3A_1012 = arith.constant 0 : index
    %get3A_1013 = tpu.vector_load %arg10[%get3A_1010, %get3A_1011, %get3A_1012] {strides = array<i32>} : memref<4x16x16xf32, #tpu.memory_space<vmem>>, vector<1x1x16xf32>,
    %get3A_1014 = vector.shape_cast %get3A_1013 : vector<1x1x16xf32> to vector<16xf32>
    %get3A_1015 = arith.constant 2 : i32
    %get3A_1016 = arith.constant 15 : i32
    %get3A_1017 = arith.index_cast %get3A_1015 : i32 to index
    %get3A_1018 = arith.index_cast %get3A_1016 : i32 to index
    %get3A_1019 = arith.constant 0 : index
    %get3A_1020 = tpu.vector_load %arg11[%get3A_1017, %get3A_1018, %get3A_1019] {strides = array<i32>} : memref<4x16x16xf32, #tpu.memory_space<vmem>>, vector<1x1x16xf32>,
    %get3A_1021 = vector.shape_cast %get3A_1020 : vector<1x1x16xf32> to vector<16xf32>
    %scan3A_1022 = arith.constant 0 : i32
    %scan3A_1023 = arith.constant 64 : i32
    %scan3A_1024 = arith.addi %scan3A_1022, %scan3A_1023 : i32
    %scan3A_1025 = arith.constant 1 : i32
    scf.for %scan3A_1373 = %scan3A_1022 to %scan3A_1024 step %scan3A_1025  : i32 {
      %mul3A_1374 = arith.constant 1 : i32
      %mul3A_1375 = arith.muli %scan3A_1373, %mul3A_1374 : i32
      %add3A_1376 = arith.constant 0 : i32
      %add3A_1377 = arith.addi %add3A_1376, %mul3A_1375 : i32
      %mul3A_1378 = arith.constant 16 : i32
      %mul3A_1379 = arith.muli %add3A_1377, %mul3A_1378 : i32
      %multiple_of3A = tpu.assume_multiple %mul3A_1379, 16 : i32
      %get3A_1380 = arith.constant 15 : i32
      %get3A_1381 = arith.index_cast %get3A_1380 : i32 to index
      %get3A_1382 = arith.index_cast %multiple_of3A : i32 to index
      %get3A_1383 = tpu.vector_load %arg12[%get3A_1381, %get3A_1382] {strides = array<i32>} : memref<16x1024xf32, #tpu.memory_space<vmem>>, vector<1x16xf32>,
      %get3A_1384 = vector.shape_cast %get3A_1383 : vector<1x16xf32> to vector<16xf32>
      %mul3A_1385 = arith.mulf %get3A_1384, %get3A_1014 : vector<16xf32>
      %get3A_1386 = arith.constant 15 : i32
      %get3A_1387 = arith.index_cast %get3A_1386 : i32 to index
      %get3A_1388 = arith.index_cast %multiple_of3A : i32 to index
      %get3A_1389 = tpu.vector_load %arg14[%get3A_1387, %get3A_1388] {strides = array<i32>} : memref<16x1024xf32, #tpu.memory_space<vmem>>, vector<1x16xf32>,
      %get3A_1390 = vector.shape_cast %get3A_1389 : vector<1x16xf32> to vector<16xf32>
      %mul3A_1391 = arith.mulf %get3A_1390, %get3A_1021 : vector<16xf32>
      %add3A_1392 = arith.addf %mul3A_1385, %mul3A_1391 : vector<16xf32>
      %swap3A = arith.constant 15 : i32
      %swap3A_1393 = arith.index_cast %swap3A : i32 to index
      %swap3A_1394 = arith.index_cast %multiple_of3A : i32 to index
      %swap3A_1395 = tpu.vector_load %arg16[%swap3A_1393, %swap3A_1394] {strides = array<i32>} : memref<16x1024xf32, #tpu.memory_space<vmem>>, vector<1x16xf32>,
      %swap3A_1396 = vector.shape_cast %swap3A_1395 : vector<1x16xf32> to vector<16xf32>
      %swap3A_1397 = vector.shape_cast %add3A_1392 : vector<16xf32> to vector<1x16xf32>
      tpu.vector_store %arg16[%swap3A_1393, %swap3A_1394], %swap3A_1397 {strides = array<i32>} : memref<16x1024xf32, #tpu.memory_space<vmem>>, vector<1x16xf32>,
    }
    %scan3A_1026 = arith.constant 64 : i32
    %mul3A_1027 = arith.constant 64 : i32
    %mul3A_1028 = arith.muli %add3A, %mul3A_1027 : i32
    %add3A_1029 = arith.constant 32 : i32
    %add3A_1030 = arith.addi %mul3A_1028, %add3A_1029 : i32
    %dma_start3A_1031 = arith.constant 0 : i32
    %dma_start3A_1032 = tpu.memref_slice %arg7[%add3A_1030, %dma_start3A_1031] : memref<2048x1024xf32, #tpu.memory_space<hbm>> -> memref<16x1024xf32, #tpu.memory_space<hbm>>
    %dma_start3A_1033 = arith.constant 0 : i32
    %dma_start3A_1034 = tpu.memref_slice %arg7[%add3A_1030, %dma_start3A_1033] : memref<2048x1024xf32, #tpu.memory_space<hbm>> -> memref<16x1024xf32, #tpu.memory_space<hbm>>
    tpu.enqueue_dma source(%arg16 : memref<16x1024xf32, #tpu.memory_space<vmem>>) target(%dma_start3A_1034 : memref<16x1024xf32, #tpu.memory_space<hbm>>) target_semaphore(%arg20 : memref<!tpu.dma_semaphore, #tpu.memory_space<semaphore_mem>>)
    %dma_wait3A_1035 = arith.constant 3 : i32
    %dma_wait3A_1036 = arith.constant 0 : i32
    %dma_wait3A_1037 = tpu.memref_slice %arg8[%dma_wait3A_1035, %dma_wait3A_1036] : memref<4x16xi32, #tpu.memory_space<vmem>> -> memref<1x16xi32, #tpu.memory_space<vmem>>
    %dma_wait3A_1038 = tpu.memref_squeeze %dma_wait3A_1037 : memref<1x16xi32, #tpu.memory_space<vmem>> -> memref<16xi32, #tpu.memory_space<vmem>>
    %dma_wait3A_1039 = arith.constant 0 : i32
    %dma_wait3A_1040 = arith.constant 0 : i32
    %dma_wait3A_1041 = tpu.memref_slice %arg2[%dma_wait3A_1039, %dma_wait3A_1040] : memref<8256x1024xf32, #tpu.memory_space<hbm>> -> memref<8256x1024xf32, #tpu.memory_space<hbm>>
    tpu.wait_indirect_dma semaphore(%arg18 : memref<!tpu.dma_semaphore, #tpu.memory_space<semaphore_mem>>) src(%dma_wait3A_1041 : memref<8256x1024xf32, #tpu.memory_space<hbm>>) dst(%arg13 : memref<16x1024xf32, #tpu.memory_space<vmem>>)
    %dma_wait3A_1042 = arith.constant 3 : i32
    %dma_wait3A_1043 = arith.constant 0 : i32
    %dma_wait3A_1044 = tpu.memref_slice %arg9[%dma_wait3A_1042, %dma_wait3A_1043] : memref<4x16xi32, #tpu.memory_space<vmem>> -> memref<1x16xi32, #tpu.memory_space<vmem>>
    %dma_wait3A_1045 = tpu.memref_squeeze %dma_wait3A_1044 : memref<1x16xi32, #tpu.memory_space<vmem>> -> memref<16xi32, #tpu.memory_space<vmem>>
    %dma_wait3A_1046 = arith.constant 0 : i32
    %dma_wait3A_1047 = arith.constant 0 : i32
    %dma_wait3A_1048 = tpu.memref_slice %arg2[%dma_wait3A_1046, %dma_wait3A_1047] : memref<8256x1024xf32, #tpu.memory_space<hbm>> -> memref<8256x1024xf32, #tpu.memory_space<hbm>>
    tpu.wait_indirect_dma semaphore(%arg19 : memref<!tpu.dma_semaphore, #tpu.memory_space<semaphore_mem>>) src(%dma_wait3A_1048 : memref<8256x1024xf32, #tpu.memory_space<hbm>>) dst(%arg15 : memref<16x1024xf32, #tpu.memory_space<vmem>>)
    %dma_wait3A_1049 = arith.constant 0 : i32
    %dma_wait3A_1050 = tpu.memref_slice %arg7[%add3A_686, %dma_wait3A_1049] : memref<2048x1024xf32, #tpu.memory_space<hbm>> -> memref<16x1024xf32, #tpu.memory_space<hbm>>
    %dma_wait3A_1051 = arith.constant 0 : i32
    %dma_wait3A_1052 = tpu.memref_slice %arg7[%add3A_686, %dma_wait3A_1051] : memref<2048x1024xf32, #tpu.memory_space<hbm>> -> memref<16x1024xf32, #tpu.memory_space<hbm>>
    tpu.wait_dma2 semaphore(%arg21 : memref<!tpu.dma_semaphore, #tpu.memory_space<semaphore_mem>>) src(%arg17 : memref<16x1024xf32, #tpu.memory_space<vmem>>) dst(%dma_wait3A_1052 : memref<16x1024xf32, #tpu.memory_space<hbm>>)
    %get3A_1053 = arith.constant 3 : i32
    %get3A_1054 = arith.constant 0 : i32
    %get3A_1055 = arith.index_cast %get3A_1053 : i32 to index
    %get3A_1056 = arith.index_cast %get3A_1054 : i32 to index
    %get3A_1057 = arith.constant 0 : index
    %get3A_1058 = tpu.vector_load %arg10[%get3A_1055, %get3A_1056, %get3A_1057] {strides = array<i32>} : memref<4x16x16xf32, #tpu.memory_space<vmem>>, vector<1x1x16xf32>,
    %get3A_1059 = vector.shape_cast %get3A_1058 : vector<1x1x16xf32> to vector<16xf32>
    %get3A_1060 = arith.constant 3 : i32
    %get3A_1061 = arith.constant 0 : i32
    %get3A_1062 = arith.index_cast %get3A_1060 : i32 to index
    %get3A_1063 = arith.index_cast %get3A_1061 : i32 to index
    %get3A_1064 = arith.constant 0 : index
    %get3A_1065 = tpu.vector_load %arg11[%get3A_1062, %get3A_1063, %get3A_1064] {strides = array<i32>} : memref<4x16x16xf32, #tpu.memory_space<vmem>>, vector<1x1x16xf32>,
    %get3A_1066 = vector.shape_cast %get3A_1065 : vector<1x1x16xf32> to vector<16xf32>
    %scan3A_1067 = arith.constant 0 : i32
    %scan3A_1068 = arith.constant 64 : i32
    %scan3A_1069 = arith.addi %scan3A_1067, %scan3A_1068 : i32
    %scan3A_1070 = arith.constant 1 : i32
    scf.for %scan3A_1373 = %scan3A_1067 to %scan3A_1069 step %scan3A_1070  : i32 {
      %mul3A_1374 = arith.constant 1 : i32
      %mul3A_1375 = arith.muli %scan3A_1373, %mul3A_1374 : i32
      %add3A_1376 = arith.constant 0 : i32
      %add3A_1377 = arith.addi %add3A_1376, %mul3A_1375 : i32
      %mul3A_1378 = arith.constant 16 : i32
      %mul3A_1379 = arith.muli %add3A_1377, %mul3A_1378 : i32
      %multiple_of3A = tpu.assume_multiple %mul3A_1379, 16 : i32
      %get3A_1380 = arith.constant 0 : i32
      %get3A_1381 = arith.index_cast %get3A_1380 : i32 to index
      %get3A_1382 = arith.index_cast %multiple_of3A : i32 to index
      %get3A_1383 = tpu.vector_load %arg13[%get3A_1381, %get3A_1382] {strides = array<i32>} : memref<16x1024xf32, #tpu.memory_space<vmem>>, vector<1x16xf32>,
      %get3A_1384 = vector.shape_cast %get3A_1383 : vector<1x16xf32> to vector<16xf32>
      %mul3A_1385 = arith.mulf %get3A_1384, %get3A_1059 : vector<16xf32>
      %get3A_1386 = arith.constant 0 : i32
      %get3A_1387 = arith.index_cast %get3A_1386 : i32 to index
      %get3A_1388 = arith.index_cast %multiple_of3A : i32 to index
      %get3A_1389 = tpu.vector_load %arg15[%get3A_1387, %get3A_1388] {strides = array<i32>} : memref<16x1024xf32, #tpu.memory_space<vmem>>, vector<1x16xf32>,
      %get3A_1390 = vector.shape_cast %get3A_1389 : vector<1x16xf32> to vector<16xf32>
      %mul3A_1391 = arith.mulf %get3A_1390, %get3A_1066 : vector<16xf32>
      %add3A_1392 = arith.addf %mul3A_1385, %mul3A_1391 : vector<16xf32>
      %swap3A = arith.constant 0 : i32
      %swap3A_1393 = arith.index_cast %swap3A : i32 to index
      %swap3A_1394 = arith.index_cast %multiple_of3A : i32 to index
      %swap3A_1395 = tpu.vector_load %arg17[%swap3A_1393, %swap3A_1394] {strides = array<i32>} : memref<16x1024xf32, #tpu.memory_space<vmem>>, vector<1x16xf32>,
      %swap3A_1396 = vector.shape_cast %swap3A_1395 : vector<1x16xf32> to vector<16xf32>
      %swap3A_1397 = vector.shape_cast %add3A_1392 : vector<16xf32> to vector<1x16xf32>
      tpu.vector_store %arg17[%swap3A_1393, %swap3A_1394], %swap3A_1397 {strides = array<i32>} : memref<16x1024xf32, #tpu.memory_space<vmem>>, vector<1x16xf32>,
    }
    %scan3A_1071 = arith.constant 64 : i32
    %get3A_1072 = arith.constant 3 : i32
    %get3A_1073 = arith.constant 1 : i32
    %get3A_1074 = arith.index_cast %get3A_1072 : i32 to index
    %get3A_1075 = arith.index_cast %get3A_1073 : i32 to index
    %get3A_1076 = arith.constant 0 : index
    %get3A_1077 = tpu.vector_load %arg10[%get3A_1074, %get3A_1075, %get3A_1076] {strides = array<i32>} : memref<4x16x16xf32, #tpu.memory_space<vmem>>, vector<1x1x16xf32>,
    %get3A_1078 = vector.shape_cast %get3A_1077 : vector<1x1x16xf32> to vector<16xf32>
    %get3A_1079 = arith.constant 3 : i32
    %get3A_1080 = arith.constant 1 : i32
    %get3A_1081 = arith.index_cast %get3A_1079 : i32 to index
    %get3A_1082 = arith.index_cast %get3A_1080 : i32 to index
    %get3A_1083 = arith.constant 0 : index
    %get3A_1084 = tpu.vector_load %arg11[%get3A_1081, %get3A_1082, %get3A_1083] {strides = array<i32>} : memref<4x16x16xf32, #tpu.memory_space<vmem>>, vector<1x1x16xf32>,
    %get3A_1085 = vector.shape_cast %get3A_1084 : vector<1x1x16xf32> to vector<16xf32>
    %scan3A_1086 = arith.constant 0 : i32
    %scan3A_1087 = arith.constant 64 : i32
    %scan3A_1088 = arith.addi %scan3A_1086, %scan3A_1087 : i32
    %scan3A_1089 = arith.constant 1 : i32
    scf.for %scan3A_1373 = %scan3A_1086 to %scan3A_1088 step %scan3A_1089  : i32 {
      %mul3A_1374 = arith.constant 1 : i32
      %mul3A_1375 = arith.muli %scan3A_1373, %mul3A_1374 : i32
      %add3A_1376 = arith.constant 0 : i32
      %add3A_1377 = arith.addi %add3A_1376, %mul3A_1375 : i32
      %mul3A_1378 = arith.constant 16 : i32
      %mul3A_1379 = arith.muli %add3A_1377, %mul3A_1378 : i32
      %multiple_of3A = tpu.assume_multiple %mul3A_1379, 16 : i32
      %get3A_1380 = arith.constant 1 : i32
      %get3A_1381 = arith.index_cast %get3A_1380 : i32 to index
      %get3A_1382 = arith.index_cast %multiple_of3A : i32 to index
      %get3A_1383 = tpu.vector_load %arg13[%get3A_1381, %get3A_1382] {strides = array<i32>} : memref<16x1024xf32, #tpu.memory_space<vmem>>, vector<1x16xf32>,
      %get3A_1384 = vector.shape_cast %get3A_1383 : vector<1x16xf32> to vector<16xf32>
      %mul3A_1385 = arith.mulf %get3A_1384, %get3A_1078 : vector<16xf32>
      %get3A_1386 = arith.constant 1 : i32
      %get3A_1387 = arith.index_cast %get3A_1386 : i32 to index
      %get3A_1388 = arith.index_cast %multiple_of3A : i32 to index
      %get3A_1389 = tpu.vector_load %arg15[%get3A_1387, %get3A_1388] {strides = array<i32>} : memref<16x1024xf32, #tpu.memory_space<vmem>>, vector<1x16xf32>,
      %get3A_1390 = vector.shape_cast %get3A_1389 : vector<1x16xf32> to vector<16xf32>
      %mul3A_1391 = arith.mulf %get3A_1390, %get3A_1085 : vector<16xf32>
      %add3A_1392 = arith.addf %mul3A_1385, %mul3A_1391 : vector<16xf32>
      %swap3A = arith.constant 1 : i32
      %swap3A_1393 = arith.index_cast %swap3A : i32 to index
      %swap3A_1394 = arith.index_cast %multiple_of3A : i32 to index
      %swap3A_1395 = tpu.vector_load %arg17[%swap3A_1393, %swap3A_1394] {strides = array<i32>} : memref<16x1024xf32, #tpu.memory_space<vmem>>, vector<1x16xf32>,
      %swap3A_1396 = vector.shape_cast %swap3A_1395 : vector<1x16xf32> to vector<16xf32>
      %swap3A_1397 = vector.shape_cast %add3A_1392 : vector<16xf32> to vector<1x16xf32>
      tpu.vector_store %arg17[%swap3A_1393, %swap3A_1394], %swap3A_1397 {strides = array<i32>} : memref<16x1024xf32, #tpu.memory_space<vmem>>, vector<1x16xf32>,
    }
    %scan3A_1090 = arith.constant 64 : i32
    %get3A_1091 = arith.constant 3 : i32
    %get3A_1092 = arith.constant 2 : i32
    %get3A_1093 = arith.index_cast %get3A_1091 : i32 to index
    %get3A_1094 = arith.index_cast %get3A_1092 : i32 to index
    %get3A_1095 = arith.constant 0 : index
    %get3A_1096 = tpu.vector_load %arg10[%get3A_1093, %get3A_1094, %get3A_1095] {strides = array<i32>} : memref<4x16x16xf32, #tpu.memory_space<vmem>>, vector<1x1x16xf32>,
    %get3A_1097 = vector.shape_cast %get3A_1096 : vector<1x1x16xf32> to vector<16xf32>
    %get3A_1098 = arith.constant 3 : i32
    %get3A_1099 = arith.constant 2 : i32
    %get3A_1100 = arith.index_cast %get3A_1098 : i32 to index
    %get3A_1101 = arith.index_cast %get3A_1099 : i32 to index
    %get3A_1102 = arith.constant 0 : index
    %get3A_1103 = tpu.vector_load %arg11[%get3A_1100, %get3A_1101, %get3A_1102] {strides = array<i32>} : memref<4x16x16xf32, #tpu.memory_space<vmem>>, vector<1x1x16xf32>,
    %get3A_1104 = vector.shape_cast %get3A_1103 : vector<1x1x16xf32> to vector<16xf32>
    %scan3A_1105 = arith.constant 0 : i32
    %scan3A_1106 = arith.constant 64 : i32
    %scan3A_1107 = arith.addi %scan3A_1105, %scan3A_1106 : i32
    %scan3A_1108 = arith.constant 1 : i32
    scf.for %scan3A_1373 = %scan3A_1105 to %scan3A_1107 step %scan3A_1108  : i32 {
      %mul3A_1374 = arith.constant 1 : i32
      %mul3A_1375 = arith.muli %scan3A_1373, %mul3A_1374 : i32
      %add3A_1376 = arith.constant 0 : i32
      %add3A_1377 = arith.addi %add3A_1376, %mul3A_1375 : i32
      %mul3A_1378 = arith.constant 16 : i32
      %mul3A_1379 = arith.muli %add3A_1377, %mul3A_1378 : i32
      %multiple_of3A = tpu.assume_multiple %mul3A_1379, 16 : i32
      %get3A_1380 = arith.constant 2 : i32
      %get3A_1381 = arith.index_cast %get3A_1380 : i32 to index
      %get3A_1382 = arith.index_cast %multiple_of3A : i32 to index
      %get3A_1383 = tpu.vector_load %arg13[%get3A_1381, %get3A_1382] {strides = array<i32>} : memref<16x1024xf32, #tpu.memory_space<vmem>>, vector<1x16xf32>,
      %get3A_1384 = vector.shape_cast %get3A_1383 : vector<1x16xf32> to vector<16xf32>
      %mul3A_1385 = arith.mulf %get3A_1384, %get3A_1097 : vector<16xf32>
      %get3A_1386 = arith.constant 2 : i32
      %get3A_1387 = arith.index_cast %get3A_1386 : i32 to index
      %get3A_1388 = arith.index_cast %multiple_of3A : i32 to index
      %get3A_1389 = tpu.vector_load %arg15[%get3A_1387, %get3A_1388] {strides = array<i32>} : memref<16x1024xf32, #tpu.memory_space<vmem>>, vector<1x16xf32>,
      %get3A_1390 = vector.shape_cast %get3A_1389 : vector<1x16xf32> to vector<16xf32>
      %mul3A_1391 = arith.mulf %get3A_1390, %get3A_1104 : vector<16xf32>
      %add3A_1392 = arith.addf %mul3A_1385, %mul3A_1391 : vector<16xf32>
      %swap3A = arith.constant 2 : i32
      %swap3A_1393 = arith.index_cast %swap3A : i32 to index
      %swap3A_1394 = arith.index_cast %multiple_of3A : i32 to index
      %swap3A_1395 = tpu.vector_load %arg17[%swap3A_1393, %swap3A_1394] {strides = array<i32>} : memref<16x1024xf32, #tpu.memory_space<vmem>>, vector<1x16xf32>,
      %swap3A_1396 = vector.shape_cast %swap3A_1395 : vector<1x16xf32> to vector<16xf32>
      %swap3A_1397 = vector.shape_cast %add3A_1392 : vector<16xf32> to vector<1x16xf32>
      tpu.vector_store %arg17[%swap3A_1393, %swap3A_1394], %swap3A_1397 {strides = array<i32>} : memref<16x1024xf32, #tpu.memory_space<vmem>>, vector<1x16xf32>,
    }
    %scan3A_1109 = arith.constant 64 : i32
    %get3A_1110 = arith.constant 3 : i32
    %get3A_1111 = arith.constant 3 : i32
    %get3A_1112 = arith.index_cast %get3A_1110 : i32 to index
    %get3A_1113 = arith.index_cast %get3A_1111 : i32 to index
    %get3A_1114 = arith.constant 0 : index
    %get3A_1115 = tpu.vector_load %arg10[%get3A_1112, %get3A_1113, %get3A_1114] {strides = array<i32>} : memref<4x16x16xf32, #tpu.memory_space<vmem>>, vector<1x1x16xf32>,
    %get3A_1116 = vector.shape_cast %get3A_1115 : vector<1x1x16xf32> to vector<16xf32>
    %get3A_1117 = arith.constant 3 : i32
    %get3A_1118 = arith.constant 3 : i32
    %get3A_1119 = arith.index_cast %get3A_1117 : i32 to index
    %get3A_1120 = arith.index_cast %get3A_1118 : i32 to index
    %get3A_1121 = arith.constant 0 : index
    %get3A_1122 = tpu.vector_load %arg11[%get3A_1119, %get3A_1120, %get3A_1121] {strides = array<i32>} : memref<4x16x16xf32, #tpu.memory_space<vmem>>, vector<1x1x16xf32>,
    %get3A_1123 = vector.shape_cast %get3A_1122 : vector<1x1x16xf32> to vector<16xf32>
    %scan3A_1124 = arith.constant 0 : i32
    %scan3A_1125 = arith.constant 64 : i32
    %scan3A_1126 = arith.addi %scan3A_1124, %scan3A_1125 : i32
    %scan3A_1127 = arith.constant 1 : i32
    scf.for %scan3A_1373 = %scan3A_1124 to %scan3A_1126 step %scan3A_1127  : i32 {
      %mul3A_1374 = arith.constant 1 : i32
      %mul3A_1375 = arith.muli %scan3A_1373, %mul3A_1374 : i32
      %add3A_1376 = arith.constant 0 : i32
      %add3A_1377 = arith.addi %add3A_1376, %mul3A_1375 : i32
      %mul3A_1378 = arith.constant 16 : i32
      %mul3A_1379 = arith.muli %add3A_1377, %mul3A_1378 : i32
      %multiple_of3A = tpu.assume_multiple %mul3A_1379, 16 : i32
      %get3A_1380 = arith.constant 3 : i32
      %get3A_1381 = arith.index_cast %get3A_1380 : i32 to index
      %get3A_1382 = arith.index_cast %multiple_of3A : i32 to index
      %get3A_1383 = tpu.vector_load %arg13[%get3A_1381, %get3A_1382] {strides = array<i32>} : memref<16x1024xf32, #tpu.memory_space<vmem>>, vector<1x16xf32>,
      %get3A_1384 = vector.shape_cast %get3A_1383 : vector<1x16xf32> to vector<16xf32>
      %mul3A_1385 = arith.mulf %get3A_1384, %get3A_1116 : vector<16xf32>
      %get3A_1386 = arith.constant 3 : i32
      %get3A_1387 = arith.index_cast %get3A_1386 : i32 to index
      %get3A_1388 = arith.index_cast %multiple_of3A : i32 to index
      %get3A_1389 = tpu.vector_load %arg15[%get3A_1387, %get3A_1388] {strides = array<i32>} : memref<16x1024xf32, #tpu.memory_space<vmem>>, vector<1x16xf32>,
      %get3A_1390 = vector.shape_cast %get3A_1389 : vector<1x16xf32> to vector<16xf32>
      %mul3A_1391 = arith.mulf %get3A_1390, %get3A_1123 : vector<16xf32>
      %add3A_1392 = arith.addf %mul3A_1385, %mul3A_1391 : vector<16xf32>
      %swap3A = arith.constant 3 : i32
      %swap3A_1393 = arith.index_cast %swap3A : i32 to index
      %swap3A_1394 = arith.index_cast %multiple_of3A : i32 to index
      %swap3A_1395 = tpu.vector_load %arg17[%swap3A_1393, %swap3A_1394] {strides = array<i32>} : memref<16x1024xf32, #tpu.memory_space<vmem>>, vector<1x16xf32>,
      %swap3A_1396 = vector.shape_cast %swap3A_1395 : vector<1x16xf32> to vector<16xf32>
      %swap3A_1397 = vector.shape_cast %add3A_1392 : vector<16xf32> to vector<1x16xf32>
      tpu.vector_store %arg17[%swap3A_1393, %swap3A_1394], %swap3A_1397 {strides = array<i32>} : memref<16x1024xf32, #tpu.memory_space<vmem>>, vector<1x16xf32>,
    }
    %scan3A_1128 = arith.constant 64 : i32
    %get3A_1129 = arith.constant 3 : i32
    %get3A_1130 = arith.constant 4 : i32
    %get3A_1131 = arith.index_cast %get3A_1129 : i32 to index
    %get3A_1132 = arith.index_cast %get3A_1130 : i32 to index
    %get3A_1133 = arith.constant 0 : index
    %get3A_1134 = tpu.vector_load %arg10[%get3A_1131, %get3A_1132, %get3A_1133] {strides = array<i32>} : memref<4x16x16xf32, #tpu.memory_space<vmem>>, vector<1x1x16xf32>,
    %get3A_1135 = vector.shape_cast %get3A_1134 : vector<1x1x16xf32> to vector<16xf32>
    %get3A_1136 = arith.constant 3 : i32
    %get3A_1137 = arith.constant 4 : i32
    %get3A_1138 = arith.index_cast %get3A_1136 : i32 to index
    %get3A_1139 = arith.index_cast %get3A_1137 : i32 to index
    %get3A_1140 = arith.constant 0 : index
    %get3A_1141 = tpu.vector_load %arg11[%get3A_1138, %get3A_1139, %get3A_1140] {strides = array<i32>} : memref<4x16x16xf32, #tpu.memory_space<vmem>>, vector<1x1x16xf32>,
    %get3A_1142 = vector.shape_cast %get3A_1141 : vector<1x1x16xf32> to vector<16xf32>
    %scan3A_1143 = arith.constant 0 : i32
    %scan3A_1144 = arith.constant 64 : i32
    %scan3A_1145 = arith.addi %scan3A_1143, %scan3A_1144 : i32
    %scan3A_1146 = arith.constant 1 : i32
    scf.for %scan3A_1373 = %scan3A_1143 to %scan3A_1145 step %scan3A_1146  : i32 {
      %mul3A_1374 = arith.constant 1 : i32
      %mul3A_1375 = arith.muli %scan3A_1373, %mul3A_1374 : i32
      %add3A_1376 = arith.constant 0 : i32
      %add3A_1377 = arith.addi %add3A_1376, %mul3A_1375 : i32
      %mul3A_1378 = arith.constant 16 : i32
      %mul3A_1379 = arith.muli %add3A_1377, %mul3A_1378 : i32
      %multiple_of3A = tpu.assume_multiple %mul3A_1379, 16 : i32
      %get3A_1380 = arith.constant 4 : i32
      %get3A_1381 = arith.index_cast %get3A_1380 : i32 to index
      %get3A_1382 = arith.index_cast %multiple_of3A : i32 to index
      %get3A_1383 = tpu.vector_load %arg13[%get3A_1381, %get3A_1382] {strides = array<i32>} : memref<16x1024xf32, #tpu.memory_space<vmem>>, vector<1x16xf32>,
      %get3A_1384 = vector.shape_cast %get3A_1383 : vector<1x16xf32> to vector<16xf32>
      %mul3A_1385 = arith.mulf %get3A_1384, %get3A_1135 : vector<16xf32>
      %get3A_1386 = arith.constant 4 : i32
      %get3A_1387 = arith.index_cast %get3A_1386 : i32 to index
      %get3A_1388 = arith.index_cast %multiple_of3A : i32 to index
      %get3A_1389 = tpu.vector_load %arg15[%get3A_1387, %get3A_1388] {strides = array<i32>} : memref<16x1024xf32, #tpu.memory_space<vmem>>, vector<1x16xf32>,
      %get3A_1390 = vector.shape_cast %get3A_1389 : vector<1x16xf32> to vector<16xf32>
      %mul3A_1391 = arith.mulf %get3A_1390, %get3A_1142 : vector<16xf32>
      %add3A_1392 = arith.addf %mul3A_1385, %mul3A_1391 : vector<16xf32>
      %swap3A = arith.constant 4 : i32
      %swap3A_1393 = arith.index_cast %swap3A : i32 to index
      %swap3A_1394 = arith.index_cast %multiple_of3A : i32 to index
      %swap3A_1395 = tpu.vector_load %arg17[%swap3A_1393, %swap3A_1394] {strides = array<i32>} : memref<16x1024xf32, #tpu.memory_space<vmem>>, vector<1x16xf32>,
      %swap3A_1396 = vector.shape_cast %swap3A_1395 : vector<1x16xf32> to vector<16xf32>
      %swap3A_1397 = vector.shape_cast %add3A_1392 : vector<16xf32> to vector<1x16xf32>
      tpu.vector_store %arg17[%swap3A_1393, %swap3A_1394], %swap3A_1397 {strides = array<i32>} : memref<16x1024xf32, #tpu.memory_space<vmem>>, vector<1x16xf32>,
    }
    %scan3A_1147 = arith.constant 64 : i32
    %get3A_1148 = arith.constant 3 : i32
    %get3A_1149 = arith.constant 5 : i32
    %get3A_1150 = arith.index_cast %get3A_1148 : i32 to index
    %get3A_1151 = arith.index_cast %get3A_1149 : i32 to index
    %get3A_1152 = arith.constant 0 : index
    %get3A_1153 = tpu.vector_load %arg10[%get3A_1150, %get3A_1151, %get3A_1152] {strides = array<i32>} : memref<4x16x16xf32, #tpu.memory_space<vmem>>, vector<1x1x16xf32>,
    %get3A_1154 = vector.shape_cast %get3A_1153 : vector<1x1x16xf32> to vector<16xf32>
    %get3A_1155 = arith.constant 3 : i32
    %get3A_1156 = arith.constant 5 : i32
    %get3A_1157 = arith.index_cast %get3A_1155 : i32 to index
    %get3A_1158 = arith.index_cast %get3A_1156 : i32 to index
    %get3A_1159 = arith.constant 0 : index
    %get3A_1160 = tpu.vector_load %arg11[%get3A_1157, %get3A_1158, %get3A_1159] {strides = array<i32>} : memref<4x16x16xf32, #tpu.memory_space<vmem>>, vector<1x1x16xf32>,
    %get3A_1161 = vector.shape_cast %get3A_1160 : vector<1x1x16xf32> to vector<16xf32>
    %scan3A_1162 = arith.constant 0 : i32
    %scan3A_1163 = arith.constant 64 : i32
    %scan3A_1164 = arith.addi %scan3A_1162, %scan3A_1163 : i32
    %scan3A_1165 = arith.constant 1 : i32
    scf.for %scan3A_1373 = %scan3A_1162 to %scan3A_1164 step %scan3A_1165  : i32 {
      %mul3A_1374 = arith.constant 1 : i32
      %mul3A_1375 = arith.muli %scan3A_1373, %mul3A_1374 : i32
      %add3A_1376 = arith.constant 0 : i32
      %add3A_1377 = arith.addi %add3A_1376, %mul3A_1375 : i32
      %mul3A_1378 = arith.constant 16 : i32
      %mul3A_1379 = arith.muli %add3A_1377, %mul3A_1378 : i32
      %multiple_of3A = tpu.assume_multiple %mul3A_1379, 16 : i32
      %get3A_1380 = arith.constant 5 : i32
      %get3A_1381 = arith.index_cast %get3A_1380 : i32 to index
      %get3A_1382 = arith.index_cast %multiple_of3A : i32 to index
      %get3A_1383 = tpu.vector_load %arg13[%get3A_1381, %get3A_1382] {strides = array<i32>} : memref<16x1024xf32, #tpu.memory_space<vmem>>, vector<1x16xf32>,
      %get3A_1384 = vector.shape_cast %get3A_1383 : vector<1x16xf32> to vector<16xf32>
      %mul3A_1385 = arith.mulf %get3A_1384, %get3A_1154 : vector<16xf32>
      %get3A_1386 = arith.constant 5 : i32
      %get3A_1387 = arith.index_cast %get3A_1386 : i32 to index
      %get3A_1388 = arith.index_cast %multiple_of3A : i32 to index
      %get3A_1389 = tpu.vector_load %arg15[%get3A_1387, %get3A_1388] {strides = array<i32>} : memref<16x1024xf32, #tpu.memory_space<vmem>>, vector<1x16xf32>,
      %get3A_1390 = vector.shape_cast %get3A_1389 : vector<1x16xf32> to vector<16xf32>
      %mul3A_1391 = arith.mulf %get3A_1390, %get3A_1161 : vector<16xf32>
      %add3A_1392 = arith.addf %mul3A_1385, %mul3A_1391 : vector<16xf32>
      %swap3A = arith.constant 5 : i32
      %swap3A_1393 = arith.index_cast %swap3A : i32 to index
      %swap3A_1394 = arith.index_cast %multiple_of3A : i32 to index
      %swap3A_1395 = tpu.vector_load %arg17[%swap3A_1393, %swap3A_1394] {strides = array<i32>} : memref<16x1024xf32, #tpu.memory_space<vmem>>, vector<1x16xf32>,
      %swap3A_1396 = vector.shape_cast %swap3A_1395 : vector<1x16xf32> to vector<16xf32>
      %swap3A_1397 = vector.shape_cast %add3A_1392 : vector<16xf32> to vector<1x16xf32>
      tpu.vector_store %arg17[%swap3A_1393, %swap3A_1394], %swap3A_1397 {strides = array<i32>} : memref<16x1024xf32, #tpu.memory_space<vmem>>, vector<1x16xf32>,
    }
    %scan3A_1166 = arith.constant 64 : i32
    %get3A_1167 = arith.constant 3 : i32
    %get3A_1168 = arith.constant 6 : i32
    %get3A_1169 = arith.index_cast %get3A_1167 : i32 to index
    %get3A_1170 = arith.index_cast %get3A_1168 : i32 to index
    %get3A_1171 = arith.constant 0 : index
    %get3A_1172 = tpu.vector_load %arg10[%get3A_1169, %get3A_1170, %get3A_1171] {strides = array<i32>} : memref<4x16x16xf32, #tpu.memory_space<vmem>>, vector<1x1x16xf32>,
    %get3A_1173 = vector.shape_cast %get3A_1172 : vector<1x1x16xf32> to vector<16xf32>
    %get3A_1174 = arith.constant 3 : i32
    %get3A_1175 = arith.constant 6 : i32
    %get3A_1176 = arith.index_cast %get3A_1174 : i32 to index
    %get3A_1177 = arith.index_cast %get3A_1175 : i32 to index
    %get3A_1178 = arith.constant 0 : index
    %get3A_1179 = tpu.vector_load %arg11[%get3A_1176, %get3A_1177, %get3A_1178] {strides = array<i32>} : memref<4x16x16xf32, #tpu.memory_space<vmem>>, vector<1x1x16xf32>,
    %get3A_1180 = vector.shape_cast %get3A_1179 : vector<1x1x16xf32> to vector<16xf32>
    %scan3A_1181 = arith.constant 0 : i32
    %scan3A_1182 = arith.constant 64 : i32
    %scan3A_1183 = arith.addi %scan3A_1181, %scan3A_1182 : i32
    %scan3A_1184 = arith.constant 1 : i32
    scf.for %scan3A_1373 = %scan3A_1181 to %scan3A_1183 step %scan3A_1184  : i32 {
      %mul3A_1374 = arith.constant 1 : i32
      %mul3A_1375 = arith.muli %scan3A_1373, %mul3A_1374 : i32
      %add3A_1376 = arith.constant 0 : i32
      %add3A_1377 = arith.addi %add3A_1376, %mul3A_1375 : i32
      %mul3A_1378 = arith.constant 16 : i32
      %mul3A_1379 = arith.muli %add3A_1377, %mul3A_1378 : i32
      %multiple_of3A = tpu.assume_multiple %mul3A_1379, 16 : i32
      %get3A_1380 = arith.constant 6 : i32
      %get3A_1381 = arith.index_cast %get3A_1380 : i32 to index
      %get3A_1382 = arith.index_cast %multiple_of3A : i32 to index
      %get3A_1383 = tpu.vector_load %arg13[%get3A_1381, %get3A_1382] {strides = array<i32>} : memref<16x1024xf32, #tpu.memory_space<vmem>>, vector<1x16xf32>,
      %get3A_1384 = vector.shape_cast %get3A_1383 : vector<1x16xf32> to vector<16xf32>
      %mul3A_1385 = arith.mulf %get3A_1384, %get3A_1173 : vector<16xf32>
      %get3A_1386 = arith.constant 6 : i32
      %get3A_1387 = arith.index_cast %get3A_1386 : i32 to index
      %get3A_1388 = arith.index_cast %multiple_of3A : i32 to index
      %get3A_1389 = tpu.vector_load %arg15[%get3A_1387, %get3A_1388] {strides = array<i32>} : memref<16x1024xf32, #tpu.memory_space<vmem>>, vector<1x16xf32>,
      %get3A_1390 = vector.shape_cast %get3A_1389 : vector<1x16xf32> to vector<16xf32>
      %mul3A_1391 = arith.mulf %get3A_1390, %get3A_1180 : vector<16xf32>
      %add3A_1392 = arith.addf %mul3A_1385, %mul3A_1391 : vector<16xf32>
      %swap3A = arith.constant 6 : i32
      %swap3A_1393 = arith.index_cast %swap3A : i32 to index
      %swap3A_1394 = arith.index_cast %multiple_of3A : i32 to index
      %swap3A_1395 = tpu.vector_load %arg17[%swap3A_1393, %swap3A_1394] {strides = array<i32>} : memref<16x1024xf32, #tpu.memory_space<vmem>>, vector<1x16xf32>,
      %swap3A_1396 = vector.shape_cast %swap3A_1395 : vector<1x16xf32> to vector<16xf32>
      %swap3A_1397 = vector.shape_cast %add3A_1392 : vector<16xf32> to vector<1x16xf32>
      tpu.vector_store %arg17[%swap3A_1393, %swap3A_1394], %swap3A_1397 {strides = array<i32>} : memref<16x1024xf32, #tpu.memory_space<vmem>>, vector<1x16xf32>,
    }
    %scan3A_1185 = arith.constant 64 : i32
    %get3A_1186 = arith.constant 3 : i32
    %get3A_1187 = arith.constant 7 : i32
    %get3A_1188 = arith.index_cast %get3A_1186 : i32 to index
    %get3A_1189 = arith.index_cast %get3A_1187 : i32 to index
    %get3A_1190 = arith.constant 0 : index
    %get3A_1191 = tpu.vector_load %arg10[%get3A_1188, %get3A_1189, %get3A_1190] {strides = array<i32>} : memref<4x16x16xf32, #tpu.memory_space<vmem>>, vector<1x1x16xf32>,
    %get3A_1192 = vector.shape_cast %get3A_1191 : vector<1x1x16xf32> to vector<16xf32>
    %get3A_1193 = arith.constant 3 : i32
    %get3A_1194 = arith.constant 7 : i32
    %get3A_1195 = arith.index_cast %get3A_1193 : i32 to index
    %get3A_1196 = arith.index_cast %get3A_1194 : i32 to index
    %get3A_1197 = arith.constant 0 : index
    %get3A_1198 = tpu.vector_load %arg11[%get3A_1195, %get3A_1196, %get3A_1197] {strides = array<i32>} : memref<4x16x16xf32, #tpu.memory_space<vmem>>, vector<1x1x16xf32>,
    %get3A_1199 = vector.shape_cast %get3A_1198 : vector<1x1x16xf32> to vector<16xf32>
    %scan3A_1200 = arith.constant 0 : i32
    %scan3A_1201 = arith.constant 64 : i32
    %scan3A_1202 = arith.addi %scan3A_1200, %scan3A_1201 : i32
    %scan3A_1203 = arith.constant 1 : i32
    scf.for %scan3A_1373 = %scan3A_1200 to %scan3A_1202 step %scan3A_1203  : i32 {
      %mul3A_1374 = arith.constant 1 : i32
      %mul3A_1375 = arith.muli %scan3A_1373, %mul3A_1374 : i32
      %add3A_1376 = arith.constant 0 : i32
      %add3A_1377 = arith.addi %add3A_1376, %mul3A_1375 : i32
      %mul3A_1378 = arith.constant 16 : i32
      %mul3A_1379 = arith.muli %add3A_1377, %mul3A_1378 : i32
      %multiple_of3A = tpu.assume_multiple %mul3A_1379, 16 : i32
      %get3A_1380 = arith.constant 7 : i32
      %get3A_1381 = arith.index_cast %get3A_1380 : i32 to index
      %get3A_1382 = arith.index_cast %multiple_of3A : i32 to index
      %get3A_1383 = tpu.vector_load %arg13[%get3A_1381, %get3A_1382] {strides = array<i32>} : memref<16x1024xf32, #tpu.memory_space<vmem>>, vector<1x16xf32>,
      %get3A_1384 = vector.shape_cast %get3A_1383 : vector<1x16xf32> to vector<16xf32>
      %mul3A_1385 = arith.mulf %get3A_1384, %get3A_1192 : vector<16xf32>
      %get3A_1386 = arith.constant 7 : i32
      %get3A_1387 = arith.index_cast %get3A_1386 : i32 to index
      %get3A_1388 = arith.index_cast %multiple_of3A : i32 to index
      %get3A_1389 = tpu.vector_load %arg15[%get3A_1387, %get3A_1388] {strides = array<i32>} : memref<16x1024xf32, #tpu.memory_space<vmem>>, vector<1x16xf32>,
      %get3A_1390 = vector.shape_cast %get3A_1389 : vector<1x16xf32> to vector<16xf32>
      %mul3A_1391 = arith.mulf %get3A_1390, %get3A_1199 : vector<16xf32>
      %add3A_1392 = arith.addf %mul3A_1385, %mul3A_1391 : vector<16xf32>
      %swap3A = arith.constant 7 : i32
      %swap3A_1393 = arith.index_cast %swap3A : i32 to index
      %swap3A_1394 = arith.index_cast %multiple_of3A : i32 to index
      %swap3A_1395 = tpu.vector_load %arg17[%swap3A_1393, %swap3A_1394] {strides = array<i32>} : memref<16x1024xf32, #tpu.memory_space<vmem>>, vector<1x16xf32>,
      %swap3A_1396 = vector.shape_cast %swap3A_1395 : vector<1x16xf32> to vector<16xf32>
      %swap3A_1397 = vector.shape_cast %add3A_1392 : vector<16xf32> to vector<1x16xf32>
      tpu.vector_store %arg17[%swap3A_1393, %swap3A_1394], %swap3A_1397 {strides = array<i32>} : memref<16x1024xf32, #tpu.memory_space<vmem>>, vector<1x16xf32>,
    }
    %scan3A_1204 = arith.constant 64 : i32
    %get3A_1205 = arith.constant 3 : i32
    %get3A_1206 = arith.constant 8 : i32
    %get3A_1207 = arith.index_cast %get3A_1205 : i32 to index
    %get3A_1208 = arith.index_cast %get3A_1206 : i32 to index
    %get3A_1209 = arith.constant 0 : index
    %get3A_1210 = tpu.vector_load %arg10[%get3A_1207, %get3A_1208, %get3A_1209] {strides = array<i32>} : memref<4x16x16xf32, #tpu.memory_space<vmem>>, vector<1x1x16xf32>,
    %get3A_1211 = vector.shape_cast %get3A_1210 : vector<1x1x16xf32> to vector<16xf32>
    %get3A_1212 = arith.constant 3 : i32
    %get3A_1213 = arith.constant 8 : i32
    %get3A_1214 = arith.index_cast %get3A_1212 : i32 to index
    %get3A_1215 = arith.index_cast %get3A_1213 : i32 to index
    %get3A_1216 = arith.constant 0 : index
    %get3A_1217 = tpu.vector_load %arg11[%get3A_1214, %get3A_1215, %get3A_1216] {strides = array<i32>} : memref<4x16x16xf32, #tpu.memory_space<vmem>>, vector<1x1x16xf32>,
    %get3A_1218 = vector.shape_cast %get3A_1217 : vector<1x1x16xf32> to vector<16xf32>
    %scan3A_1219 = arith.constant 0 : i32
    %scan3A_1220 = arith.constant 64 : i32
    %scan3A_1221 = arith.addi %scan3A_1219, %scan3A_1220 : i32
    %scan3A_1222 = arith.constant 1 : i32
    scf.for %scan3A_1373 = %scan3A_1219 to %scan3A_1221 step %scan3A_1222  : i32 {
      %mul3A_1374 = arith.constant 1 : i32
      %mul3A_1375 = arith.muli %scan3A_1373, %mul3A_1374 : i32
      %add3A_1376 = arith.constant 0 : i32
      %add3A_1377 = arith.addi %add3A_1376, %mul3A_1375 : i32
      %mul3A_1378 = arith.constant 16 : i32
      %mul3A_1379 = arith.muli %add3A_1377, %mul3A_1378 : i32
      %multiple_of3A = tpu.assume_multiple %mul3A_1379, 16 : i32
      %get3A_1380 = arith.constant 8 : i32
      %get3A_1381 = arith.index_cast %get3A_1380 : i32 to index
      %get3A_1382 = arith.index_cast %multiple_of3A : i32 to index
      %get3A_1383 = tpu.vector_load %arg13[%get3A_1381, %get3A_1382] {strides = array<i32>} : memref<16x1024xf32, #tpu.memory_space<vmem>>, vector<1x16xf32>,
      %get3A_1384 = vector.shape_cast %get3A_1383 : vector<1x16xf32> to vector<16xf32>
      %mul3A_1385 = arith.mulf %get3A_1384, %get3A_1211 : vector<16xf32>
      %get3A_1386 = arith.constant 8 : i32
      %get3A_1387 = arith.index_cast %get3A_1386 : i32 to index
      %get3A_1388 = arith.index_cast %multiple_of3A : i32 to index
      %get3A_1389 = tpu.vector_load %arg15[%get3A_1387, %get3A_1388] {strides = array<i32>} : memref<16x1024xf32, #tpu.memory_space<vmem>>, vector<1x16xf32>,
      %get3A_1390 = vector.shape_cast %get3A_1389 : vector<1x16xf32> to vector<16xf32>
      %mul3A_1391 = arith.mulf %get3A_1390, %get3A_1218 : vector<16xf32>
      %add3A_1392 = arith.addf %mul3A_1385, %mul3A_1391 : vector<16xf32>
      %swap3A = arith.constant 8 : i32
      %swap3A_1393 = arith.index_cast %swap3A : i32 to index
      %swap3A_1394 = arith.index_cast %multiple_of3A : i32 to index
      %swap3A_1395 = tpu.vector_load %arg17[%swap3A_1393, %swap3A_1394] {strides = array<i32>} : memref<16x1024xf32, #tpu.memory_space<vmem>>, vector<1x16xf32>,
      %swap3A_1396 = vector.shape_cast %swap3A_1395 : vector<1x16xf32> to vector<16xf32>
      %swap3A_1397 = vector.shape_cast %add3A_1392 : vector<16xf32> to vector<1x16xf32>
      tpu.vector_store %arg17[%swap3A_1393, %swap3A_1394], %swap3A_1397 {strides = array<i32>} : memref<16x1024xf32, #tpu.memory_space<vmem>>, vector<1x16xf32>,
    }
    %scan3A_1223 = arith.constant 64 : i32
    %get3A_1224 = arith.constant 3 : i32
    %get3A_1225 = arith.constant 9 : i32
    %get3A_1226 = arith.index_cast %get3A_1224 : i32 to index
    %get3A_1227 = arith.index_cast %get3A_1225 : i32 to index
    %get3A_1228 = arith.constant 0 : index
    %get3A_1229 = tpu.vector_load %arg10[%get3A_1226, %get3A_1227, %get3A_1228] {strides = array<i32>} : memref<4x16x16xf32, #tpu.memory_space<vmem>>, vector<1x1x16xf32>,
    %get3A_1230 = vector.shape_cast %get3A_1229 : vector<1x1x16xf32> to vector<16xf32>
    %get3A_1231 = arith.constant 3 : i32
    %get3A_1232 = arith.constant 9 : i32
    %get3A_1233 = arith.index_cast %get3A_1231 : i32 to index
    %get3A_1234 = arith.index_cast %get3A_1232 : i32 to index
    %get3A_1235 = arith.constant 0 : index
    %get3A_1236 = tpu.vector_load %arg11[%get3A_1233, %get3A_1234, %get3A_1235] {strides = array<i32>} : memref<4x16x16xf32, #tpu.memory_space<vmem>>, vector<1x1x16xf32>,
    %get3A_1237 = vector.shape_cast %get3A_1236 : vector<1x1x16xf32> to vector<16xf32>
    %scan3A_1238 = arith.constant 0 : i32
    %scan3A_1239 = arith.constant 64 : i32
    %scan3A_1240 = arith.addi %scan3A_1238, %scan3A_1239 : i32
    %scan3A_1241 = arith.constant 1 : i32
    scf.for %scan3A_1373 = %scan3A_1238 to %scan3A_1240 step %scan3A_1241  : i32 {
      %mul3A_1374 = arith.constant 1 : i32
      %mul3A_1375 = arith.muli %scan3A_1373, %mul3A_1374 : i32
      %add3A_1376 = arith.constant 0 : i32
      %add3A_1377 = arith.addi %add3A_1376, %mul3A_1375 : i32
      %mul3A_1378 = arith.constant 16 : i32
      %mul3A_1379 = arith.muli %add3A_1377, %mul3A_1378 : i32
      %multiple_of3A = tpu.assume_multiple %mul3A_1379, 16 : i32
      %get3A_1380 = arith.constant 9 : i32
      %get3A_1381 = arith.index_cast %get3A_1380 : i32 to index
      %get3A_1382 = arith.index_cast %multiple_of3A : i32 to index
      %get3A_1383 = tpu.vector_load %arg13[%get3A_1381, %get3A_1382] {strides = array<i32>} : memref<16x1024xf32, #tpu.memory_space<vmem>>, vector<1x16xf32>,
      %get3A_1384 = vector.shape_cast %get3A_1383 : vector<1x16xf32> to vector<16xf32>
      %mul3A_1385 = arith.mulf %get3A_1384, %get3A_1230 : vector<16xf32>
      %get3A_1386 = arith.constant 9 : i32
      %get3A_1387 = arith.index_cast %get3A_1386 : i32 to index
      %get3A_1388 = arith.index_cast %multiple_of3A : i32 to index
      %get3A_1389 = tpu.vector_load %arg15[%get3A_1387, %get3A_1388] {strides = array<i32>} : memref<16x1024xf32, #tpu.memory_space<vmem>>, vector<1x16xf32>,
      %get3A_1390 = vector.shape_cast %get3A_1389 : vector<1x16xf32> to vector<16xf32>
      %mul3A_1391 = arith.mulf %get3A_1390, %get3A_1237 : vector<16xf32>
      %add3A_1392 = arith.addf %mul3A_1385, %mul3A_1391 : vector<16xf32>
      %swap3A = arith.constant 9 : i32
      %swap3A_1393 = arith.index_cast %swap3A : i32 to index
      %swap3A_1394 = arith.index_cast %multiple_of3A : i32 to index
      %swap3A_1395 = tpu.vector_load %arg17[%swap3A_1393, %swap3A_1394] {strides = array<i32>} : memref<16x1024xf32, #tpu.memory_space<vmem>>, vector<1x16xf32>,
      %swap3A_1396 = vector.shape_cast %swap3A_1395 : vector<1x16xf32> to vector<16xf32>
      %swap3A_1397 = vector.shape_cast %add3A_1392 : vector<16xf32> to vector<1x16xf32>
      tpu.vector_store %arg17[%swap3A_1393, %swap3A_1394], %swap3A_1397 {strides = array<i32>} : memref<16x1024xf32, #tpu.memory_space<vmem>>, vector<1x16xf32>,
    }
    %scan3A_1242 = arith.constant 64 : i32
    %get3A_1243 = arith.constant 3 : i32
    %get3A_1244 = arith.constant 10 : i32
    %get3A_1245 = arith.index_cast %get3A_1243 : i32 to index
    %get3A_1246 = arith.index_cast %get3A_1244 : i32 to index
    %get3A_1247 = arith.constant 0 : index
    %get3A_1248 = tpu.vector_load %arg10[%get3A_1245, %get3A_1246, %get3A_1247] {strides = array<i32>} : memref<4x16x16xf32, #tpu.memory_space<vmem>>, vector<1x1x16xf32>,
    %get3A_1249 = vector.shape_cast %get3A_1248 : vector<1x1x16xf32> to vector<16xf32>
    %get3A_1250 = arith.constant 3 : i32
    %get3A_1251 = arith.constant 10 : i32
    %get3A_1252 = arith.index_cast %get3A_1250 : i32 to index
    %get3A_1253 = arith.index_cast %get3A_1251 : i32 to index
    %get3A_1254 = arith.constant 0 : index
    %get3A_1255 = tpu.vector_load %arg11[%get3A_1252, %get3A_1253, %get3A_1254] {strides = array<i32>} : memref<4x16x16xf32, #tpu.memory_space<vmem>>, vector<1x1x16xf32>,
    %get3A_1256 = vector.shape_cast %get3A_1255 : vector<1x1x16xf32> to vector<16xf32>
    %scan3A_1257 = arith.constant 0 : i32
    %scan3A_1258 = arith.constant 64 : i32
    %scan3A_1259 = arith.addi %scan3A_1257, %scan3A_1258 : i32
    %scan3A_1260 = arith.constant 1 : i32
    scf.for %scan3A_1373 = %scan3A_1257 to %scan3A_1259 step %scan3A_1260  : i32 {
      %mul3A_1374 = arith.constant 1 : i32
      %mul3A_1375 = arith.muli %scan3A_1373, %mul3A_1374 : i32
      %add3A_1376 = arith.constant 0 : i32
      %add3A_1377 = arith.addi %add3A_1376, %mul3A_1375 : i32
      %mul3A_1378 = arith.constant 16 : i32
      %mul3A_1379 = arith.muli %add3A_1377, %mul3A_1378 : i32
      %multiple_of3A = tpu.assume_multiple %mul3A_1379, 16 : i32
      %get3A_1380 = arith.constant 10 : i32
      %get3A_1381 = arith.index_cast %get3A_1380 : i32 to index
      %get3A_1382 = arith.index_cast %multiple_of3A : i32 to index
      %get3A_1383 = tpu.vector_load %arg13[%get3A_1381, %get3A_1382] {strides = array<i32>} : memref<16x1024xf32, #tpu.memory_space<vmem>>, vector<1x16xf32>,
      %get3A_1384 = vector.shape_cast %get3A_1383 : vector<1x16xf32> to vector<16xf32>
      %mul3A_1385 = arith.mulf %get3A_1384, %get3A_1249 : vector<16xf32>
      %get3A_1386 = arith.constant 10 : i32
      %get3A_1387 = arith.index_cast %get3A_1386 : i32 to index
      %get3A_1388 = arith.index_cast %multiple_of3A : i32 to index
      %get3A_1389 = tpu.vector_load %arg15[%get3A_1387, %get3A_1388] {strides = array<i32>} : memref<16x1024xf32, #tpu.memory_space<vmem>>, vector<1x16xf32>,
      %get3A_1390 = vector.shape_cast %get3A_1389 : vector<1x16xf32> to vector<16xf32>
      %mul3A_1391 = arith.mulf %get3A_1390, %get3A_1256 : vector<16xf32>
      %add3A_1392 = arith.addf %mul3A_1385, %mul3A_1391 : vector<16xf32>
      %swap3A = arith.constant 10 : i32
      %swap3A_1393 = arith.index_cast %swap3A : i32 to index
      %swap3A_1394 = arith.index_cast %multiple_of3A : i32 to index
      %swap3A_1395 = tpu.vector_load %arg17[%swap3A_1393, %swap3A_1394] {strides = array<i32>} : memref<16x1024xf32, #tpu.memory_space<vmem>>, vector<1x16xf32>,
      %swap3A_1396 = vector.shape_cast %swap3A_1395 : vector<1x16xf32> to vector<16xf32>
      %swap3A_1397 = vector.shape_cast %add3A_1392 : vector<16xf32> to vector<1x16xf32>
      tpu.vector_store %arg17[%swap3A_1393, %swap3A_1394], %swap3A_1397 {strides = array<i32>} : memref<16x1024xf32, #tpu.memory_space<vmem>>, vector<1x16xf32>,
    }
    %scan3A_1261 = arith.constant 64 : i32
    %get3A_1262 = arith.constant 3 : i32
    %get3A_1263 = arith.constant 11 : i32
    %get3A_1264 = arith.index_cast %get3A_1262 : i32 to index
    %get3A_1265 = arith.index_cast %get3A_1263 : i32 to index
    %get3A_1266 = arith.constant 0 : index
    %get3A_1267 = tpu.vector_load %arg10[%get3A_1264, %get3A_1265, %get3A_1266] {strides = array<i32>} : memref<4x16x16xf32, #tpu.memory_space<vmem>>, vector<1x1x16xf32>,
    %get3A_1268 = vector.shape_cast %get3A_1267 : vector<1x1x16xf32> to vector<16xf32>
    %get3A_1269 = arith.constant 3 : i32
    %get3A_1270 = arith.constant 11 : i32
    %get3A_1271 = arith.index_cast %get3A_1269 : i32 to index
    %get3A_1272 = arith.index_cast %get3A_1270 : i32 to index
    %get3A_1273 = arith.constant 0 : index
    %get3A_1274 = tpu.vector_load %arg11[%get3A_1271, %get3A_1272, %get3A_1273] {strides = array<i32>} : memref<4x16x16xf32, #tpu.memory_space<vmem>>, vector<1x1x16xf32>,
    %get3A_1275 = vector.shape_cast %get3A_1274 : vector<1x1x16xf32> to vector<16xf32>
    %scan3A_1276 = arith.constant 0 : i32
    %scan3A_1277 = arith.constant 64 : i32
    %scan3A_1278 = arith.addi %scan3A_1276, %scan3A_1277 : i32
    %scan3A_1279 = arith.constant 1 : i32
    scf.for %scan3A_1373 = %scan3A_1276 to %scan3A_1278 step %scan3A_1279  : i32 {
      %mul3A_1374 = arith.constant 1 : i32
      %mul3A_1375 = arith.muli %scan3A_1373, %mul3A_1374 : i32
      %add3A_1376 = arith.constant 0 : i32
      %add3A_1377 = arith.addi %add3A_1376, %mul3A_1375 : i32
      %mul3A_1378 = arith.constant 16 : i32
      %mul3A_1379 = arith.muli %add3A_1377, %mul3A_1378 : i32
      %multiple_of3A = tpu.assume_multiple %mul3A_1379, 16 : i32
      %get3A_1380 = arith.constant 11 : i32
      %get3A_1381 = arith.index_cast %get3A_1380 : i32 to index
      %get3A_1382 = arith.index_cast %multiple_of3A : i32 to index
      %get3A_1383 = tpu.vector_load %arg13[%get3A_1381, %get3A_1382] {strides = array<i32>} : memref<16x1024xf32, #tpu.memory_space<vmem>>, vector<1x16xf32>,
      %get3A_1384 = vector.shape_cast %get3A_1383 : vector<1x16xf32> to vector<16xf32>
      %mul3A_1385 = arith.mulf %get3A_1384, %get3A_1268 : vector<16xf32>
      %get3A_1386 = arith.constant 11 : i32
      %get3A_1387 = arith.index_cast %get3A_1386 : i32 to index
      %get3A_1388 = arith.index_cast %multiple_of3A : i32 to index
      %get3A_1389 = tpu.vector_load %arg15[%get3A_1387, %get3A_1388] {strides = array<i32>} : memref<16x1024xf32, #tpu.memory_space<vmem>>, vector<1x16xf32>,
      %get3A_1390 = vector.shape_cast %get3A_1389 : vector<1x16xf32> to vector<16xf32>
      %mul3A_1391 = arith.mulf %get3A_1390, %get3A_1275 : vector<16xf32>
      %add3A_1392 = arith.addf %mul3A_1385, %mul3A_1391 : vector<16xf32>
      %swap3A = arith.constant 11 : i32
      %swap3A_1393 = arith.index_cast %swap3A : i32 to index
      %swap3A_1394 = arith.index_cast %multiple_of3A : i32 to index
      %swap3A_1395 = tpu.vector_load %arg17[%swap3A_1393, %swap3A_1394] {strides = array<i32>} : memref<16x1024xf32, #tpu.memory_space<vmem>>, vector<1x16xf32>,
      %swap3A_1396 = vector.shape_cast %swap3A_1395 : vector<1x16xf32> to vector<16xf32>
      %swap3A_1397 = vector.shape_cast %add3A_1392 : vector<16xf32> to vector<1x16xf32>
      tpu.vector_store %arg17[%swap3A_1393, %swap3A_1394], %swap3A_1397 {strides = array<i32>} : memref<16x1024xf32, #tpu.memory_space<vmem>>, vector<1x16xf32>,
    }
    %scan3A_1280 = arith.constant 64 : i32
    %get3A_1281 = arith.constant 3 : i32
    %get3A_1282 = arith.constant 12 : i32
    %get3A_1283 = arith.index_cast %get3A_1281 : i32 to index
    %get3A_1284 = arith.index_cast %get3A_1282 : i32 to index
    %get3A_1285 = arith.constant 0 : index
    %get3A_1286 = tpu.vector_load %arg10[%get3A_1283, %get3A_1284, %get3A_1285] {strides = array<i32>} : memref<4x16x16xf32, #tpu.memory_space<vmem>>, vector<1x1x16xf32>,
    %get3A_1287 = vector.shape_cast %get3A_1286 : vector<1x1x16xf32> to vector<16xf32>
    %get3A_1288 = arith.constant 3 : i32
    %get3A_1289 = arith.constant 12 : i32
    %get3A_1290 = arith.index_cast %get3A_1288 : i32 to index
    %get3A_1291 = arith.index_cast %get3A_1289 : i32 to index
    %get3A_1292 = arith.constant 0 : index
    %get3A_1293 = tpu.vector_load %arg11[%get3A_1290, %get3A_1291, %get3A_1292] {strides = array<i32>} : memref<4x16x16xf32, #tpu.memory_space<vmem>>, vector<1x1x16xf32>,
    %get3A_1294 = vector.shape_cast %get3A_1293 : vector<1x1x16xf32> to vector<16xf32>
    %scan3A_1295 = arith.constant 0 : i32
    %scan3A_1296 = arith.constant 64 : i32
    %scan3A_1297 = arith.addi %scan3A_1295, %scan3A_1296 : i32
    %scan3A_1298 = arith.constant 1 : i32
    scf.for %scan3A_1373 = %scan3A_1295 to %scan3A_1297 step %scan3A_1298  : i32 {
      %mul3A_1374 = arith.constant 1 : i32
      %mul3A_1375 = arith.muli %scan3A_1373, %mul3A_1374 : i32
      %add3A_1376 = arith.constant 0 : i32
      %add3A_1377 = arith.addi %add3A_1376, %mul3A_1375 : i32
      %mul3A_1378 = arith.constant 16 : i32
      %mul3A_1379 = arith.muli %add3A_1377, %mul3A_1378 : i32
      %multiple_of3A = tpu.assume_multiple %mul3A_1379, 16 : i32
      %get3A_1380 = arith.constant 12 : i32
      %get3A_1381 = arith.index_cast %get3A_1380 : i32 to index
      %get3A_1382 = arith.index_cast %multiple_of3A : i32 to index
      %get3A_1383 = tpu.vector_load %arg13[%get3A_1381, %get3A_1382] {strides = array<i32>} : memref<16x1024xf32, #tpu.memory_space<vmem>>, vector<1x16xf32>,
      %get3A_1384 = vector.shape_cast %get3A_1383 : vector<1x16xf32> to vector<16xf32>
      %mul3A_1385 = arith.mulf %get3A_1384, %get3A_1287 : vector<16xf32>
      %get3A_1386 = arith.constant 12 : i32
      %get3A_1387 = arith.index_cast %get3A_1386 : i32 to index
      %get3A_1388 = arith.index_cast %multiple_of3A : i32 to index
      %get3A_1389 = tpu.vector_load %arg15[%get3A_1387, %get3A_1388] {strides = array<i32>} : memref<16x1024xf32, #tpu.memory_space<vmem>>, vector<1x16xf32>,
      %get3A_1390 = vector.shape_cast %get3A_1389 : vector<1x16xf32> to vector<16xf32>
      %mul3A_1391 = arith.mulf %get3A_1390, %get3A_1294 : vector<16xf32>
      %add3A_1392 = arith.addf %mul3A_1385, %mul3A_1391 : vector<16xf32>
      %swap3A = arith.constant 12 : i32
      %swap3A_1393 = arith.index_cast %swap3A : i32 to index
      %swap3A_1394 = arith.index_cast %multiple_of3A : i32 to index
      %swap3A_1395 = tpu.vector_load %arg17[%swap3A_1393, %swap3A_1394] {strides = array<i32>} : memref<16x1024xf32, #tpu.memory_space<vmem>>, vector<1x16xf32>,
      %swap3A_1396 = vector.shape_cast %swap3A_1395 : vector<1x16xf32> to vector<16xf32>
      %swap3A_1397 = vector.shape_cast %add3A_1392 : vector<16xf32> to vector<1x16xf32>
      tpu.vector_store %arg17[%swap3A_1393, %swap3A_1394], %swap3A_1397 {strides = array<i32>} : memref<16x1024xf32, #tpu.memory_space<vmem>>, vector<1x16xf32>,
    }
    %scan3A_1299 = arith.constant 64 : i32
    %get3A_1300 = arith.constant 3 : i32
    %get3A_1301 = arith.constant 13 : i32
    %get3A_1302 = arith.index_cast %get3A_1300 : i32 to index
    %get3A_1303 = arith.index_cast %get3A_1301 : i32 to index
    %get3A_1304 = arith.constant 0 : index
    %get3A_1305 = tpu.vector_load %arg10[%get3A_1302, %get3A_1303, %get3A_1304] {strides = array<i32>} : memref<4x16x16xf32, #tpu.memory_space<vmem>>, vector<1x1x16xf32>,
    %get3A_1306 = vector.shape_cast %get3A_1305 : vector<1x1x16xf32> to vector<16xf32>
    %get3A_1307 = arith.constant 3 : i32
    %get3A_1308 = arith.constant 13 : i32
    %get3A_1309 = arith.index_cast %get3A_1307 : i32 to index
    %get3A_1310 = arith.index_cast %get3A_1308 : i32 to index
    %get3A_1311 = arith.constant 0 : index
    %get3A_1312 = tpu.vector_load %arg11[%get3A_1309, %get3A_1310, %get3A_1311] {strides = array<i32>} : memref<4x16x16xf32, #tpu.memory_space<vmem>>, vector<1x1x16xf32>,
    %get3A_1313 = vector.shape_cast %get3A_1312 : vector<1x1x16xf32> to vector<16xf32>
    %scan3A_1314 = arith.constant 0 : i32
    %scan3A_1315 = arith.constant 64 : i32
    %scan3A_1316 = arith.addi %scan3A_1314, %scan3A_1315 : i32
    %scan3A_1317 = arith.constant 1 : i32
    scf.for %scan3A_1373 = %scan3A_1314 to %scan3A_1316 step %scan3A_1317  : i32 {
      %mul3A_1374 = arith.constant 1 : i32
      %mul3A_1375 = arith.muli %scan3A_1373, %mul3A_1374 : i32
      %add3A_1376 = arith.constant 0 : i32
      %add3A_1377 = arith.addi %add3A_1376, %mul3A_1375 : i32
      %mul3A_1378 = arith.constant 16 : i32
      %mul3A_1379 = arith.muli %add3A_1377, %mul3A_1378 : i32
      %multiple_of3A = tpu.assume_multiple %mul3A_1379, 16 : i32
      %get3A_1380 = arith.constant 13 : i32
      %get3A_1381 = arith.index_cast %get3A_1380 : i32 to index
      %get3A_1382 = arith.index_cast %multiple_of3A : i32 to index
      %get3A_1383 = tpu.vector_load %arg13[%get3A_1381, %get3A_1382] {strides = array<i32>} : memref<16x1024xf32, #tpu.memory_space<vmem>>, vector<1x16xf32>,
      %get3A_1384 = vector.shape_cast %get3A_1383 : vector<1x16xf32> to vector<16xf32>
      %mul3A_1385 = arith.mulf %get3A_1384, %get3A_1306 : vector<16xf32>
      %get3A_1386 = arith.constant 13 : i32
      %get3A_1387 = arith.index_cast %get3A_1386 : i32 to index
      %get3A_1388 = arith.index_cast %multiple_of3A : i32 to index
      %get3A_1389 = tpu.vector_load %arg15[%get3A_1387, %get3A_1388] {strides = array<i32>} : memref<16x1024xf32, #tpu.memory_space<vmem>>, vector<1x16xf32>,
      %get3A_1390 = vector.shape_cast %get3A_1389 : vector<1x16xf32> to vector<16xf32>
      %mul3A_1391 = arith.mulf %get3A_1390, %get3A_1313 : vector<16xf32>
      %add3A_1392 = arith.addf %mul3A_1385, %mul3A_1391 : vector<16xf32>
      %swap3A = arith.constant 13 : i32
      %swap3A_1393 = arith.index_cast %swap3A : i32 to index
      %swap3A_1394 = arith.index_cast %multiple_of3A : i32 to index
      %swap3A_1395 = tpu.vector_load %arg17[%swap3A_1393, %swap3A_1394] {strides = array<i32>} : memref<16x1024xf32, #tpu.memory_space<vmem>>, vector<1x16xf32>,
      %swap3A_1396 = vector.shape_cast %swap3A_1395 : vector<1x16xf32> to vector<16xf32>
      %swap3A_1397 = vector.shape_cast %add3A_1392 : vector<16xf32> to vector<1x16xf32>
      tpu.vector_store %arg17[%swap3A_1393, %swap3A_1394], %swap3A_1397 {strides = array<i32>} : memref<16x1024xf32, #tpu.memory_space<vmem>>, vector<1x16xf32>,
    }
    %scan3A_1318 = arith.constant 64 : i32
    %get3A_1319 = arith.constant 3 : i32
    %get3A_1320 = arith.constant 14 : i32
    %get3A_1321 = arith.index_cast %get3A_1319 : i32 to index
    %get3A_1322 = arith.index_cast %get3A_1320 : i32 to index
    %get3A_1323 = arith.constant 0 : index
    %get3A_1324 = tpu.vector_load %arg10[%get3A_1321, %get3A_1322, %get3A_1323] {strides = array<i32>} : memref<4x16x16xf32, #tpu.memory_space<vmem>>, vector<1x1x16xf32>,
    %get3A_1325 = vector.shape_cast %get3A_1324 : vector<1x1x16xf32> to vector<16xf32>
    %get3A_1326 = arith.constant 3 : i32
    %get3A_1327 = arith.constant 14 : i32
    %get3A_1328 = arith.index_cast %get3A_1326 : i32 to index
    %get3A_1329 = arith.index_cast %get3A_1327 : i32 to index
    %get3A_1330 = arith.constant 0 : index
    %get3A_1331 = tpu.vector_load %arg11[%get3A_1328, %get3A_1329, %get3A_1330] {strides = array<i32>} : memref<4x16x16xf32, #tpu.memory_space<vmem>>, vector<1x1x16xf32>,
    %get3A_1332 = vector.shape_cast %get3A_1331 : vector<1x1x16xf32> to vector<16xf32>
    %scan3A_1333 = arith.constant 0 : i32
    %scan3A_1334 = arith.constant 64 : i32
    %scan3A_1335 = arith.addi %scan3A_1333, %scan3A_1334 : i32
    %scan3A_1336 = arith.constant 1 : i32
    scf.for %scan3A_1373 = %scan3A_1333 to %scan3A_1335 step %scan3A_1336  : i32 {
      %mul3A_1374 = arith.constant 1 : i32
      %mul3A_1375 = arith.muli %scan3A_1373, %mul3A_1374 : i32
      %add3A_1376 = arith.constant 0 : i32
      %add3A_1377 = arith.addi %add3A_1376, %mul3A_1375 : i32
      %mul3A_1378 = arith.constant 16 : i32
      %mul3A_1379 = arith.muli %add3A_1377, %mul3A_1378 : i32
      %multiple_of3A = tpu.assume_multiple %mul3A_1379, 16 : i32
      %get3A_1380 = arith.constant 14 : i32
      %get3A_1381 = arith.index_cast %get3A_1380 : i32 to index
      %get3A_1382 = arith.index_cast %multiple_of3A : i32 to index
      %get3A_1383 = tpu.vector_load %arg13[%get3A_1381, %get3A_1382] {strides = array<i32>} : memref<16x1024xf32, #tpu.memory_space<vmem>>, vector<1x16xf32>,
      %get3A_1384 = vector.shape_cast %get3A_1383 : vector<1x16xf32> to vector<16xf32>
      %mul3A_1385 = arith.mulf %get3A_1384, %get3A_1325 : vector<16xf32>
      %get3A_1386 = arith.constant 14 : i32
      %get3A_1387 = arith.index_cast %get3A_1386 : i32 to index
      %get3A_1388 = arith.index_cast %multiple_of3A : i32 to index
      %get3A_1389 = tpu.vector_load %arg15[%get3A_1387, %get3A_1388] {strides = array<i32>} : memref<16x1024xf32, #tpu.memory_space<vmem>>, vector<1x16xf32>,
      %get3A_1390 = vector.shape_cast %get3A_1389 : vector<1x16xf32> to vector<16xf32>
      %mul3A_1391 = arith.mulf %get3A_1390, %get3A_1332 : vector<16xf32>
      %add3A_1392 = arith.addf %mul3A_1385, %mul3A_1391 : vector<16xf32>
      %swap3A = arith.constant 14 : i32
      %swap3A_1393 = arith.index_cast %swap3A : i32 to index
      %swap3A_1394 = arith.index_cast %multiple_of3A : i32 to index
      %swap3A_1395 = tpu.vector_load %arg17[%swap3A_1393, %swap3A_1394] {strides = array<i32>} : memref<16x1024xf32, #tpu.memory_space<vmem>>, vector<1x16xf32>,
      %swap3A_1396 = vector.shape_cast %swap3A_1395 : vector<1x16xf32> to vector<16xf32>
      %swap3A_1397 = vector.shape_cast %add3A_1392 : vector<16xf32> to vector<1x16xf32>
      tpu.vector_store %arg17[%swap3A_1393, %swap3A_1394], %swap3A_1397 {strides = array<i32>} : memref<16x1024xf32, #tpu.memory_space<vmem>>, vector<1x16xf32>,
    }
    %scan3A_1337 = arith.constant 64 : i32
    %get3A_1338 = arith.constant 3 : i32
    %get3A_1339 = arith.constant 15 : i32
    %get3A_1340 = arith.index_cast %get3A_1338 : i32 to index
    %get3A_1341 = arith.index_cast %get3A_1339 : i32 to index
    %get3A_1342 = arith.constant 0 : index
    %get3A_1343 = tpu.vector_load %arg10[%get3A_1340, %get3A_1341, %get3A_1342] {strides = array<i32>} : memref<4x16x16xf32, #tpu.memory_space<vmem>>, vector<1x1x16xf32>,
    %get3A_1344 = vector.shape_cast %get3A_1343 : vector<1x1x16xf32> to vector<16xf32>
    %get3A_1345 = arith.constant 3 : i32
    %get3A_1346 = arith.constant 15 : i32
    %get3A_1347 = arith.index_cast %get3A_1345 : i32 to index
    %get3A_1348 = arith.index_cast %get3A_1346 : i32 to index
    %get3A_1349 = arith.constant 0 : index
    %get3A_1350 = tpu.vector_load %arg11[%get3A_1347, %get3A_1348, %get3A_1349] {strides = array<i32>} : memref<4x16x16xf32, #tpu.memory_space<vmem>>, vector<1x1x16xf32>,
    %get3A_1351 = vector.shape_cast %get3A_1350 : vector<1x1x16xf32> to vector<16xf32>
    %scan3A_1352 = arith.constant 0 : i32
    %scan3A_1353 = arith.constant 64 : i32
    %scan3A_1354 = arith.addi %scan3A_1352, %scan3A_1353 : i32
    %scan3A_1355 = arith.constant 1 : i32
    scf.for %scan3A_1373 = %scan3A_1352 to %scan3A_1354 step %scan3A_1355  : i32 {
      %mul3A_1374 = arith.constant 1 : i32
      %mul3A_1375 = arith.muli %scan3A_1373, %mul3A_1374 : i32
      %add3A_1376 = arith.constant 0 : i32
      %add3A_1377 = arith.addi %add3A_1376, %mul3A_1375 : i32
      %mul3A_1378 = arith.constant 16 : i32
      %mul3A_1379 = arith.muli %add3A_1377, %mul3A_1378 : i32
      %multiple_of3A = tpu.assume_multiple %mul3A_1379, 16 : i32
      %get3A_1380 = arith.constant 15 : i32
      %get3A_1381 = arith.index_cast %get3A_1380 : i32 to index
      %get3A_1382 = arith.index_cast %multiple_of3A : i32 to index
      %get3A_1383 = tpu.vector_load %arg13[%get3A_1381, %get3A_1382] {strides = array<i32>} : memref<16x1024xf32, #tpu.memory_space<vmem>>, vector<1x16xf32>,
      %get3A_1384 = vector.shape_cast %get3A_1383 : vector<1x16xf32> to vector<16xf32>
      %mul3A_1385 = arith.mulf %get3A_1384, %get3A_1344 : vector<16xf32>
      %get3A_1386 = arith.constant 15 : i32
      %get3A_1387 = arith.index_cast %get3A_1386 : i32 to index
      %get3A_1388 = arith.index_cast %multiple_of3A : i32 to index
      %get3A_1389 = tpu.vector_load %arg15[%get3A_1387, %get3A_1388] {strides = array<i32>} : memref<16x1024xf32, #tpu.memory_space<vmem>>, vector<1x16xf32>,
      %get3A_1390 = vector.shape_cast %get3A_1389 : vector<1x16xf32> to vector<16xf32>
      %mul3A_1391 = arith.mulf %get3A_1390, %get3A_1351 : vector<16xf32>
      %add3A_1392 = arith.addf %mul3A_1385, %mul3A_1391 : vector<16xf32>
      %swap3A = arith.constant 15 : i32
      %swap3A_1393 = arith.index_cast %swap3A : i32 to index
      %swap3A_1394 = arith.index_cast %multiple_of3A : i32 to index
      %swap3A_1395 = tpu.vector_load %arg17[%swap3A_1393, %swap3A_1394] {strides = array<i32>} : memref<16x1024xf32, #tpu.memory_space<vmem>>, vector<1x16xf32>,
      %swap3A_1396 = vector.shape_cast %swap3A_1395 : vector<1x16xf32> to vector<16xf32>
      %swap3A_1397 = vector.shape_cast %add3A_1392 : vector<16xf32> to vector<1x16xf32>
      tpu.vector_store %arg17[%swap3A_1393, %swap3A_1394], %swap3A_1397 {strides = array<i32>} : memref<16x1024xf32, #tpu.memory_space<vmem>>, vector<1x16xf32>,
    }
    %scan3A_1356 = arith.constant 64 : i32
    %mul3A_1357 = arith.constant 64 : i32
    %mul3A_1358 = arith.muli %add3A, %mul3A_1357 : i32
    %add3A_1359 = arith.constant 48 : i32
    %add3A_1360 = arith.addi %mul3A_1358, %add3A_1359 : i32
    %dma_start3A_1361 = arith.constant 0 : i32
    %dma_start3A_1362 = tpu.memref_slice %arg7[%add3A_1360, %dma_start3A_1361] : memref<2048x1024xf32, #tpu.memory_space<hbm>> -> memref<16x1024xf32, #tpu.memory_space<hbm>>
    %dma_start3A_1363 = arith.constant 0 : i32
    %dma_start3A_1364 = tpu.memref_slice %arg7[%add3A_1360, %dma_start3A_1363] : memref<2048x1024xf32, #tpu.memory_space<hbm>> -> memref<16x1024xf32, #tpu.memory_space<hbm>>
    tpu.enqueue_dma source(%arg17 : memref<16x1024xf32, #tpu.memory_space<vmem>>) target(%dma_start3A_1364 : memref<16x1024xf32, #tpu.memory_space<hbm>>) target_semaphore(%arg21 : memref<!tpu.dma_semaphore, #tpu.memory_space<semaphore_mem>>)
    %dma_wait3A_1365 = arith.constant 0 : i32
    %dma_wait3A_1366 = tpu.memref_slice %arg7[%add3A_1030, %dma_wait3A_1365] : memref<2048x1024xf32, #tpu.memory_space<hbm>> -> memref<16x1024xf32, #tpu.memory_space<hbm>>
    %dma_wait3A_1367 = arith.constant 0 : i32
    %dma_wait3A_1368 = tpu.memref_slice %arg7[%add3A_1030, %dma_wait3A_1367] : memref<2048x1024xf32, #tpu.memory_space<hbm>> -> memref<16x1024xf32, #tpu.memory_space<hbm>>
    tpu.wait_dma2 semaphore(%arg20 : memref<!tpu.dma_semaphore, #tpu.memory_space<semaphore_mem>>) src(%arg16 : memref<16x1024xf32, #tpu.memory_space<vmem>>) dst(%dma_wait3A_1368 : memref<16x1024xf32, #tpu.memory_space<hbm>>)
    %dma_wait3A_1369 = arith.constant 0 : i32
    %dma_wait3A_1370 = tpu.memref_slice %arg7[%add3A_1360, %dma_wait3A_1369] : memref<2048x1024xf32, #tpu.memory_space<hbm>> -> memref<16x1024xf32, #tpu.memory_space<hbm>>
    %dma_wait3A_1371 = arith.constant 0 : i32
    %dma_wait3A_1372 = tpu.memref_slice %arg7[%add3A_1360, %dma_wait3A_1371] : memref<2048x1024xf32, #tpu.memory_space<hbm>> -> memref<16x1024xf32, #tpu.memory_space<hbm>>
    tpu.wait_dma2 semaphore(%arg21 : memref<!tpu.dma_semaphore, #tpu.memory_space<semaphore_mem>>) src(%arg17 : memref<16x1024xf32, #tpu.memory_space<vmem>>) dst(%dma_wait3A_1372 : memref<16x1024xf32, #tpu.memory_space<hbm>>)
    return
  }
}

module attributes {stable_mosaic.version = 14 : i64} {
  func.func @_router_body(%arg0: memref<2048x1024xf32, #tpu.memory_space<vmem>>, %arg1: memref<1024x64xf32, #tpu.memory_space<vmem>>, %arg2: memref<2048x64xf32, #tpu.memory_space<vmem>>, %arg3: memref<2048x2xi32, #tpu.memory_space<vmem>>, %arg4: memref<2048x2xf32, #tpu.memory_space<vmem>>, %arg5: memref<128x2xi32, #tpu.memory_space<vmem>>) attributes {dimension_semantics = [], scalar_prefetch = 0 : i64, scratch_operands = 0 : i64, tpu.core_type = #tpu.core_type<tc>} {
    %get3A = arith.constant 0 : index
    %get3A_0 = arith.constant 0 : index
    %get3A_1 = vector.load %arg0[%get3A, %get3A_0] : memref<2048x1024xf32, #tpu.memory_space<vmem>>, vector<2048x1024xf32>
    %get3A_2 = arith.constant 0 : index
    %get3A_3 = arith.constant 0 : index
    %get3A_4 = vector.load %arg1[%get3A_2, %get3A_3] : memref<1024x64xf32, #tpu.memory_space<vmem>>, vector<1024x64xf32>
    %dot_general3A = arith.constant dense<0.000000e+00> : vector<2048x64xf32>
    %dot_general3A_5 = tpu.matmul %get3A_1, %get3A_4, %dot_general3A {dimension_numbers = #tpu.dot_dimension_numbers<[1], [0], [0], [1], [0, 0, 1, 1], [], []>, transpose_lhs_hint = false} : vector<2048x1024xf32>, vector<1024x64xf32>, vector<2048x64xf32> -> vector<2048x64xf32>
    %swap3A = arith.constant 0 : index
    %swap3A_6 = arith.constant 0 : index
    %swap3A_7 = vector.load %arg2[%swap3A, %swap3A_6] : memref<2048x64xf32, #tpu.memory_space<vmem>>, vector<2048x64xf32>
    tpu.vector_store %arg2[%swap3A, %swap3A_6], %dot_general3A_5 {strides = array<i32>} : memref<2048x64xf32, #tpu.memory_space<vmem>>, vector<2048x64xf32>,
    %iota3A = tpu.iota {dimensions = array<i32: 1>} : vector<512x64xi32>
    %iota3A_8 = tpu.iota {dimensions = array<i32: 0>} : vector<512x512xi32>
    %iota3A_9 = tpu.iota {dimensions = array<i32: 1>} : vector<512x512xi32>
    %gt3A = arith.cmpi sgt, %iota3A_8, %iota3A_9 : vector<512x512xi32>
    %convert_element_type3A = arith.extui %gt3A : vector<512x512xi1> to vector<512x512xi32>
    %convert_element_type3A_10 = arith.sitofp %convert_element_type3A : vector<512x512xi32> to vector<512x512xf32>
    %slice3A = vector.extract_strided_slice %dot_general3A_5 {offsets = [0, 0], sizes = [512, 64], strides = [1, 1]} : vector<2048x64xf32> to vector<512x64xf32>
    %reduce_max3A = arith.constant dense<0xFF800000> : vector<512xf32>
    %reduce_max3A_11 = vector.multi_reduction <maximumf>, %slice3A, %reduce_max3A [1] : vector<512x64xf32> to vector<512xf32>
    %broadcast_in_dim3A = vector.shape_cast %reduce_max3A_11 : vector<512xf32> to vector<512x1xf32>
    %sub3A = vector.broadcast %broadcast_in_dim3A : vector<512x1xf32> to vector<512x64xf32>
    %sub3A_12 = arith.subf %slice3A, %sub3A : vector<512x64xf32>
    %exp3A = math.exp %sub3A_12 : vector<512x64xf32>
    %reduce_sum3A = arith.constant dense<0.000000e+00> : vector<512xf32>
    %reduce_sum3A_13 = vector.multi_reduction <add>, %exp3A, %reduce_sum3A [1] : vector<512x64xf32> to vector<512xf32>
    %broadcast_in_dim3A_14 = vector.shape_cast %reduce_sum3A_13 : vector<512xf32> to vector<512x1xf32>
    %div3A = vector.broadcast %broadcast_in_dim3A_14 : vector<512x1xf32> to vector<512x64xf32>
    %div3A_15 = arith.divf %exp3A, %div3A : vector<512x64xf32>
    %reduce_max3A_16 = arith.constant dense<0xFF800000> : vector<512xf32>
    %reduce_max3A_17 = vector.multi_reduction <maximumf>, %div3A_15, %reduce_max3A_16 [1] : vector<512x64xf32> to vector<512xf32>
    %broadcast_in_dim3A_18 = vector.shape_cast %reduce_max3A_17 : vector<512xf32> to vector<512x1xf32>
    %eq3A = vector.broadcast %broadcast_in_dim3A_18 : vector<512x1xf32> to vector<512x64xf32>
    %eq3A_19 = arith.cmpf oeq, %div3A_15, %eq3A : vector<512x64xf32>
    %jit3A = arith.constant 64 : i32
    %broadcast_in_dim3A_20 = vector.broadcast %jit3A : i32 to vector<512x64xi32>
    %select_n3A = arith.select %eq3A_19, %iota3A, %broadcast_in_dim3A_20 : vector<512x64xi1>, vector<512x64xi32>
    %reduce_min3A = arith.constant dense<2147483647> : vector<512xi32>
    %reduce_min3A_21 = vector.multi_reduction <minsi>, %select_n3A, %reduce_min3A [1] : vector<512x64xi32> to vector<512xi32>
    %broadcast_in_dim3A_22 = vector.shape_cast %reduce_min3A_21 : vector<512xi32> to vector<512x1xi32>
    %eq3A_23 = vector.broadcast %broadcast_in_dim3A_22 : vector<512x1xi32> to vector<512x64xi32>
    %eq3A_24 = arith.cmpi eq, %iota3A, %eq3A_23 : vector<512x64xi32>
    %jit3A_25 = arith.constant -1.000000e+00 : f32
    %broadcast_in_dim3A_26 = vector.broadcast %jit3A_25 : f32 to vector<512x64xf32>
    %select_n3A_27 = arith.select %eq3A_24, %broadcast_in_dim3A_26, %div3A_15 : vector<512x64xi1>, vector<512x64xf32>
    %reduce_max3A_28 = arith.constant dense<0xFF800000> : vector<512xf32>
    %reduce_max3A_29 = vector.multi_reduction <maximumf>, %select_n3A_27, %reduce_max3A_28 [1] : vector<512x64xf32> to vector<512xf32>
    %broadcast_in_dim3A_30 = vector.shape_cast %reduce_max3A_29 : vector<512xf32> to vector<512x1xf32>
    %eq3A_31 = vector.broadcast %broadcast_in_dim3A_30 : vector<512x1xf32> to vector<512x64xf32>
    %eq3A_32 = arith.cmpf oeq, %select_n3A_27, %eq3A_31 : vector<512x64xf32>
    %jit3A_33 = arith.constant 64 : i32
    %broadcast_in_dim3A_34 = vector.broadcast %jit3A_33 : i32 to vector<512x64xi32>
    %select_n3A_35 = arith.select %eq3A_32, %iota3A, %broadcast_in_dim3A_34 : vector<512x64xi1>, vector<512x64xi32>
    %reduce_min3A_36 = arith.constant dense<2147483647> : vector<512xi32>
    %reduce_min3A_37 = vector.multi_reduction <minsi>, %select_n3A_35, %reduce_min3A_36 [1] : vector<512x64xi32> to vector<512xi32>
    %broadcast_in_dim3A_38 = vector.shape_cast %reduce_min3A_37 : vector<512xi32> to vector<512x1xi32>
    %add3A = arith.addf %broadcast_in_dim3A_18, %broadcast_in_dim3A_30 : vector<512x1xf32>
    %div3A_39 = arith.divf %broadcast_in_dim3A_18, %add3A : vector<512x1xf32>
    %div3A_40 = arith.divf %broadcast_in_dim3A_30, %add3A : vector<512x1xf32>
    %slice3A_41 = vector.extract_strided_slice %dot_general3A_5 {offsets = [512, 0], sizes = [512, 64], strides = [1, 1]} : vector<2048x64xf32> to vector<512x64xf32>
    %reduce_max3A_42 = arith.constant dense<0xFF800000> : vector<512xf32>
    %reduce_max3A_43 = vector.multi_reduction <maximumf>, %slice3A_41, %reduce_max3A_42 [1] : vector<512x64xf32> to vector<512xf32>
    %broadcast_in_dim3A_44 = vector.shape_cast %reduce_max3A_43 : vector<512xf32> to vector<512x1xf32>
    %sub3A_45 = vector.broadcast %broadcast_in_dim3A_44 : vector<512x1xf32> to vector<512x64xf32>
    %sub3A_46 = arith.subf %slice3A_41, %sub3A_45 : vector<512x64xf32>
    %exp3A_47 = math.exp %sub3A_46 : vector<512x64xf32>
    %reduce_sum3A_48 = arith.constant dense<0.000000e+00> : vector<512xf32>
    %reduce_sum3A_49 = vector.multi_reduction <add>, %exp3A_47, %reduce_sum3A_48 [1] : vector<512x64xf32> to vector<512xf32>
    %broadcast_in_dim3A_50 = vector.shape_cast %reduce_sum3A_49 : vector<512xf32> to vector<512x1xf32>
    %div3A_51 = vector.broadcast %broadcast_in_dim3A_50 : vector<512x1xf32> to vector<512x64xf32>
    %div3A_52 = arith.divf %exp3A_47, %div3A_51 : vector<512x64xf32>
    %reduce_max3A_53 = arith.constant dense<0xFF800000> : vector<512xf32>
    %reduce_max3A_54 = vector.multi_reduction <maximumf>, %div3A_52, %reduce_max3A_53 [1] : vector<512x64xf32> to vector<512xf32>
    %broadcast_in_dim3A_55 = vector.shape_cast %reduce_max3A_54 : vector<512xf32> to vector<512x1xf32>
    %eq3A_56 = vector.broadcast %broadcast_in_dim3A_55 : vector<512x1xf32> to vector<512x64xf32>
    %eq3A_57 = arith.cmpf oeq, %div3A_52, %eq3A_56 : vector<512x64xf32>
    %jit3A_58 = arith.constant 64 : i32
    %broadcast_in_dim3A_59 = vector.broadcast %jit3A_58 : i32 to vector<512x64xi32>
    %select_n3A_60 = arith.select %eq3A_57, %iota3A, %broadcast_in_dim3A_59 : vector<512x64xi1>, vector<512x64xi32>
    %reduce_min3A_61 = arith.constant dense<2147483647> : vector<512xi32>
    %reduce_min3A_62 = vector.multi_reduction <minsi>, %select_n3A_60, %reduce_min3A_61 [1] : vector<512x64xi32> to vector<512xi32>
    %broadcast_in_dim3A_63 = vector.shape_cast %reduce_min3A_62 : vector<512xi32> to vector<512x1xi32>
    %eq3A_64 = vector.broadcast %broadcast_in_dim3A_63 : vector<512x1xi32> to vector<512x64xi32>
    %eq3A_65 = arith.cmpi eq, %iota3A, %eq3A_64 : vector<512x64xi32>
    %jit3A_66 = arith.constant -1.000000e+00 : f32
    %broadcast_in_dim3A_67 = vector.broadcast %jit3A_66 : f32 to vector<512x64xf32>
    %select_n3A_68 = arith.select %eq3A_65, %broadcast_in_dim3A_67, %div3A_52 : vector<512x64xi1>, vector<512x64xf32>
    %reduce_max3A_69 = arith.constant dense<0xFF800000> : vector<512xf32>
    %reduce_max3A_70 = vector.multi_reduction <maximumf>, %select_n3A_68, %reduce_max3A_69 [1] : vector<512x64xf32> to vector<512xf32>
    %broadcast_in_dim3A_71 = vector.shape_cast %reduce_max3A_70 : vector<512xf32> to vector<512x1xf32>
    %eq3A_72 = vector.broadcast %broadcast_in_dim3A_71 : vector<512x1xf32> to vector<512x64xf32>
    %eq3A_73 = arith.cmpf oeq, %select_n3A_68, %eq3A_72 : vector<512x64xf32>
    %jit3A_74 = arith.constant 64 : i32
    %broadcast_in_dim3A_75 = vector.broadcast %jit3A_74 : i32 to vector<512x64xi32>
    %select_n3A_76 = arith.select %eq3A_73, %iota3A, %broadcast_in_dim3A_75 : vector<512x64xi1>, vector<512x64xi32>
    %reduce_min3A_77 = arith.constant dense<2147483647> : vector<512xi32>
    %reduce_min3A_78 = vector.multi_reduction <minsi>, %select_n3A_76, %reduce_min3A_77 [1] : vector<512x64xi32> to vector<512xi32>
    %broadcast_in_dim3A_79 = vector.shape_cast %reduce_min3A_78 : vector<512xi32> to vector<512x1xi32>
    %add3A_80 = arith.addf %broadcast_in_dim3A_55, %broadcast_in_dim3A_71 : vector<512x1xf32>
    %div3A_81 = arith.divf %broadcast_in_dim3A_55, %add3A_80 : vector<512x1xf32>
    %div3A_82 = arith.divf %broadcast_in_dim3A_71, %add3A_80 : vector<512x1xf32>
    %slice3A_83 = vector.extract_strided_slice %dot_general3A_5 {offsets = [1024, 0], sizes = [512, 64], strides = [1, 1]} : vector<2048x64xf32> to vector<512x64xf32>
    %reduce_max3A_84 = arith.constant dense<0xFF800000> : vector<512xf32>
    %reduce_max3A_85 = vector.multi_reduction <maximumf>, %slice3A_83, %reduce_max3A_84 [1] : vector<512x64xf32> to vector<512xf32>
    %broadcast_in_dim3A_86 = vector.shape_cast %reduce_max3A_85 : vector<512xf32> to vector<512x1xf32>
    %sub3A_87 = vector.broadcast %broadcast_in_dim3A_86 : vector<512x1xf32> to vector<512x64xf32>
    %sub3A_88 = arith.subf %slice3A_83, %sub3A_87 : vector<512x64xf32>
    %exp3A_89 = math.exp %sub3A_88 : vector<512x64xf32>
    %reduce_sum3A_90 = arith.constant dense<0.000000e+00> : vector<512xf32>
    %reduce_sum3A_91 = vector.multi_reduction <add>, %exp3A_89, %reduce_sum3A_90 [1] : vector<512x64xf32> to vector<512xf32>
    %broadcast_in_dim3A_92 = vector.shape_cast %reduce_sum3A_91 : vector<512xf32> to vector<512x1xf32>
    %div3A_93 = vector.broadcast %broadcast_in_dim3A_92 : vector<512x1xf32> to vector<512x64xf32>
    %div3A_94 = arith.divf %exp3A_89, %div3A_93 : vector<512x64xf32>
    %reduce_max3A_95 = arith.constant dense<0xFF800000> : vector<512xf32>
    %reduce_max3A_96 = vector.multi_reduction <maximumf>, %div3A_94, %reduce_max3A_95 [1] : vector<512x64xf32> to vector<512xf32>
    %broadcast_in_dim3A_97 = vector.shape_cast %reduce_max3A_96 : vector<512xf32> to vector<512x1xf32>
    %eq3A_98 = vector.broadcast %broadcast_in_dim3A_97 : vector<512x1xf32> to vector<512x64xf32>
    %eq3A_99 = arith.cmpf oeq, %div3A_94, %eq3A_98 : vector<512x64xf32>
    %jit3A_100 = arith.constant 64 : i32
    %broadcast_in_dim3A_101 = vector.broadcast %jit3A_100 : i32 to vector<512x64xi32>
    %select_n3A_102 = arith.select %eq3A_99, %iota3A, %broadcast_in_dim3A_101 : vector<512x64xi1>, vector<512x64xi32>
    %reduce_min3A_103 = arith.constant dense<2147483647> : vector<512xi32>
    %reduce_min3A_104 = vector.multi_reduction <minsi>, %select_n3A_102, %reduce_min3A_103 [1] : vector<512x64xi32> to vector<512xi32>
    %broadcast_in_dim3A_105 = vector.shape_cast %reduce_min3A_104 : vector<512xi32> to vector<512x1xi32>
    %eq3A_106 = vector.broadcast %broadcast_in_dim3A_105 : vector<512x1xi32> to vector<512x64xi32>
    %eq3A_107 = arith.cmpi eq, %iota3A, %eq3A_106 : vector<512x64xi32>
    %jit3A_108 = arith.constant -1.000000e+00 : f32
    %broadcast_in_dim3A_109 = vector.broadcast %jit3A_108 : f32 to vector<512x64xf32>
    %select_n3A_110 = arith.select %eq3A_107, %broadcast_in_dim3A_109, %div3A_94 : vector<512x64xi1>, vector<512x64xf32>
    %reduce_max3A_111 = arith.constant dense<0xFF800000> : vector<512xf32>
    %reduce_max3A_112 = vector.multi_reduction <maximumf>, %select_n3A_110, %reduce_max3A_111 [1] : vector<512x64xf32> to vector<512xf32>
    %broadcast_in_dim3A_113 = vector.shape_cast %reduce_max3A_112 : vector<512xf32> to vector<512x1xf32>
    %eq3A_114 = vector.broadcast %broadcast_in_dim3A_113 : vector<512x1xf32> to vector<512x64xf32>
    %eq3A_115 = arith.cmpf oeq, %select_n3A_110, %eq3A_114 : vector<512x64xf32>
    %jit3A_116 = arith.constant 64 : i32
    %broadcast_in_dim3A_117 = vector.broadcast %jit3A_116 : i32 to vector<512x64xi32>
    %select_n3A_118 = arith.select %eq3A_115, %iota3A, %broadcast_in_dim3A_117 : vector<512x64xi1>, vector<512x64xi32>
    %reduce_min3A_119 = arith.constant dense<2147483647> : vector<512xi32>
    %reduce_min3A_120 = vector.multi_reduction <minsi>, %select_n3A_118, %reduce_min3A_119 [1] : vector<512x64xi32> to vector<512xi32>
    %broadcast_in_dim3A_121 = vector.shape_cast %reduce_min3A_120 : vector<512xi32> to vector<512x1xi32>
    %add3A_122 = arith.addf %broadcast_in_dim3A_97, %broadcast_in_dim3A_113 : vector<512x1xf32>
    %div3A_123 = arith.divf %broadcast_in_dim3A_97, %add3A_122 : vector<512x1xf32>
    %div3A_124 = arith.divf %broadcast_in_dim3A_113, %add3A_122 : vector<512x1xf32>
    %slice3A_125 = vector.extract_strided_slice %dot_general3A_5 {offsets = [1536, 0], sizes = [512, 64], strides = [1, 1]} : vector<2048x64xf32> to vector<512x64xf32>
    %reduce_max3A_126 = arith.constant dense<0xFF800000> : vector<512xf32>
    %reduce_max3A_127 = vector.multi_reduction <maximumf>, %slice3A_125, %reduce_max3A_126 [1] : vector<512x64xf32> to vector<512xf32>
    %broadcast_in_dim3A_128 = vector.shape_cast %reduce_max3A_127 : vector<512xf32> to vector<512x1xf32>
    %sub3A_129 = vector.broadcast %broadcast_in_dim3A_128 : vector<512x1xf32> to vector<512x64xf32>
    %sub3A_130 = arith.subf %slice3A_125, %sub3A_129 : vector<512x64xf32>
    %exp3A_131 = math.exp %sub3A_130 : vector<512x64xf32>
    %reduce_sum3A_132 = arith.constant dense<0.000000e+00> : vector<512xf32>
    %reduce_sum3A_133 = vector.multi_reduction <add>, %exp3A_131, %reduce_sum3A_132 [1] : vector<512x64xf32> to vector<512xf32>
    %broadcast_in_dim3A_134 = vector.shape_cast %reduce_sum3A_133 : vector<512xf32> to vector<512x1xf32>
    %div3A_135 = vector.broadcast %broadcast_in_dim3A_134 : vector<512x1xf32> to vector<512x64xf32>
    %div3A_136 = arith.divf %exp3A_131, %div3A_135 : vector<512x64xf32>
    %reduce_max3A_137 = arith.constant dense<0xFF800000> : vector<512xf32>
    %reduce_max3A_138 = vector.multi_reduction <maximumf>, %div3A_136, %reduce_max3A_137 [1] : vector<512x64xf32> to vector<512xf32>
    %broadcast_in_dim3A_139 = vector.shape_cast %reduce_max3A_138 : vector<512xf32> to vector<512x1xf32>
    %eq3A_140 = vector.broadcast %broadcast_in_dim3A_139 : vector<512x1xf32> to vector<512x64xf32>
    %eq3A_141 = arith.cmpf oeq, %div3A_136, %eq3A_140 : vector<512x64xf32>
    %jit3A_142 = arith.constant 64 : i32
    %broadcast_in_dim3A_143 = vector.broadcast %jit3A_142 : i32 to vector<512x64xi32>
    %select_n3A_144 = arith.select %eq3A_141, %iota3A, %broadcast_in_dim3A_143 : vector<512x64xi1>, vector<512x64xi32>
    %reduce_min3A_145 = arith.constant dense<2147483647> : vector<512xi32>
    %reduce_min3A_146 = vector.multi_reduction <minsi>, %select_n3A_144, %reduce_min3A_145 [1] : vector<512x64xi32> to vector<512xi32>
    %broadcast_in_dim3A_147 = vector.shape_cast %reduce_min3A_146 : vector<512xi32> to vector<512x1xi32>
    %eq3A_148 = vector.broadcast %broadcast_in_dim3A_147 : vector<512x1xi32> to vector<512x64xi32>
    %eq3A_149 = arith.cmpi eq, %iota3A, %eq3A_148 : vector<512x64xi32>
    %jit3A_150 = arith.constant -1.000000e+00 : f32
    %broadcast_in_dim3A_151 = vector.broadcast %jit3A_150 : f32 to vector<512x64xf32>
    %select_n3A_152 = arith.select %eq3A_149, %broadcast_in_dim3A_151, %div3A_136 : vector<512x64xi1>, vector<512x64xf32>
    %reduce_max3A_153 = arith.constant dense<0xFF800000> : vector<512xf32>
    %reduce_max3A_154 = vector.multi_reduction <maximumf>, %select_n3A_152, %reduce_max3A_153 [1] : vector<512x64xf32> to vector<512xf32>
    %broadcast_in_dim3A_155 = vector.shape_cast %reduce_max3A_154 : vector<512xf32> to vector<512x1xf32>
    %eq3A_156 = vector.broadcast %broadcast_in_dim3A_155 : vector<512x1xf32> to vector<512x64xf32>
    %eq3A_157 = arith.cmpf oeq, %select_n3A_152, %eq3A_156 : vector<512x64xf32>
    %jit3A_158 = arith.constant 64 : i32
    %broadcast_in_dim3A_159 = vector.broadcast %jit3A_158 : i32 to vector<512x64xi32>
    %select_n3A_160 = arith.select %eq3A_157, %iota3A, %broadcast_in_dim3A_159 : vector<512x64xi1>, vector<512x64xi32>
    %reduce_min3A_161 = arith.constant dense<2147483647> : vector<512xi32>
    %reduce_min3A_162 = vector.multi_reduction <minsi>, %select_n3A_160, %reduce_min3A_161 [1] : vector<512x64xi32> to vector<512xi32>
    %broadcast_in_dim3A_163 = vector.shape_cast %reduce_min3A_162 : vector<512xi32> to vector<512x1xi32>
    %add3A_164 = arith.addf %broadcast_in_dim3A_139, %broadcast_in_dim3A_155 : vector<512x1xf32>
    %div3A_165 = arith.divf %broadcast_in_dim3A_139, %add3A_164 : vector<512x1xf32>
    %div3A_166 = arith.divf %broadcast_in_dim3A_155, %add3A_164 : vector<512x1xf32>
    %broadcast_in_dim3A_167 = arith.constant 0.000000e+00 : f32
    %broadcast_in_dim3A_168 = vector.broadcast %broadcast_in_dim3A_167 : f32 to vector<1x64xf32>
    %eq3A_169 = vector.broadcast %broadcast_in_dim3A_22 : vector<512x1xi32> to vector<512x64xi32>
    %eq3A_170 = arith.cmpi eq, %iota3A, %eq3A_169 : vector<512x64xi32>
    %convert_element_type3A_171 = arith.extui %eq3A_170 : vector<512x64xi1> to vector<512x64xi32>
    %convert_element_type3A_172 = arith.sitofp %convert_element_type3A_171 : vector<512x64xi32> to vector<512x64xf32>
    %dot_general3A_173 = arith.constant dense<0.000000e+00> : vector<512x64xf32>
    %dot_general3A_174 = tpu.matmul %convert_element_type3A_10, %convert_element_type3A_172, %dot_general3A_173 {dimension_numbers = #tpu.dot_dimension_numbers<[1], [0], [0], [1], [0, 0, 1, 1], [], []>, transpose_lhs_hint = false} : vector<512x512xf32>, vector<512x64xf32>, vector<512x64xf32> -> vector<512x64xf32>
    %add3A_175 = vector.broadcast %broadcast_in_dim3A_168 : vector<1x64xf32> to vector<512x64xf32>
    %add3A_176 = arith.addf %dot_general3A_174, %add3A_175 : vector<512x64xf32>
    %mul3A = arith.mulf %add3A_176, %convert_element_type3A_172 : vector<512x64xf32>
    %reduce_sum3A_177 = arith.constant dense<0.000000e+00> : vector<512xf32>
    %reduce_sum3A_178 = vector.multi_reduction <add>, %mul3A, %reduce_sum3A_177 [1] : vector<512x64xf32> to vector<512xf32>
    %broadcast_in_dim3A_179 = vector.shape_cast %reduce_sum3A_178 : vector<512xf32> to vector<512x1xf32>
    %reduce_sum3A_180 = arith.constant dense<0.000000e+00> : vector<64xf32>
    %reduce_sum3A_181 = vector.multi_reduction <add>, %convert_element_type3A_172, %reduce_sum3A_180 [0] : vector<512x64xf32> to vector<64xf32>
    %broadcast_in_dim3A_182 = vector.shape_cast %reduce_sum3A_181 : vector<64xf32> to vector<1x64xf32>
    %add3A_183 = arith.addf %broadcast_in_dim3A_168, %broadcast_in_dim3A_182 : vector<1x64xf32>
    %eq3A_184 = vector.broadcast %broadcast_in_dim3A_63 : vector<512x1xi32> to vector<512x64xi32>
    %eq3A_185 = arith.cmpi eq, %iota3A, %eq3A_184 : vector<512x64xi32>
    %convert_element_type3A_186 = arith.extui %eq3A_185 : vector<512x64xi1> to vector<512x64xi32>
    %convert_element_type3A_187 = arith.sitofp %convert_element_type3A_186 : vector<512x64xi32> to vector<512x64xf32>
    %dot_general3A_188 = arith.constant dense<0.000000e+00> : vector<512x64xf32>
    %dot_general3A_189 = tpu.matmul %convert_element_type3A_10, %convert_element_type3A_187, %dot_general3A_188 {dimension_numbers = #tpu.dot_dimension_numbers<[1], [0], [0], [1], [0, 0, 1, 1], [], []>, transpose_lhs_hint = false} : vector<512x512xf32>, vector<512x64xf32>, vector<512x64xf32> -> vector<512x64xf32>
    %add3A_190 = vector.broadcast %add3A_183 : vector<1x64xf32> to vector<512x64xf32>
    %add3A_191 = arith.addf %dot_general3A_189, %add3A_190 : vector<512x64xf32>
    %mul3A_192 = arith.mulf %add3A_191, %convert_element_type3A_187 : vector<512x64xf32>
    %reduce_sum3A_193 = arith.constant dense<0.000000e+00> : vector<512xf32>
    %reduce_sum3A_194 = vector.multi_reduction <add>, %mul3A_192, %reduce_sum3A_193 [1] : vector<512x64xf32> to vector<512xf32>
    %broadcast_in_dim3A_195 = vector.shape_cast %reduce_sum3A_194 : vector<512xf32> to vector<512x1xf32>
    %reduce_sum3A_196 = arith.constant dense<0.000000e+00> : vector<64xf32>
    %reduce_sum3A_197 = vector.multi_reduction <add>, %convert_element_type3A_187, %reduce_sum3A_196 [0] : vector<512x64xf32> to vector<64xf32>
    %broadcast_in_dim3A_198 = vector.shape_cast %reduce_sum3A_197 : vector<64xf32> to vector<1x64xf32>
    %add3A_199 = arith.addf %add3A_183, %broadcast_in_dim3A_198 : vector<1x64xf32>
    %eq3A_200 = vector.broadcast %broadcast_in_dim3A_105 : vector<512x1xi32> to vector<512x64xi32>
    %eq3A_201 = arith.cmpi eq, %iota3A, %eq3A_200 : vector<512x64xi32>
    %convert_element_type3A_202 = arith.extui %eq3A_201 : vector<512x64xi1> to vector<512x64xi32>
    %convert_element_type3A_203 = arith.sitofp %convert_element_type3A_202 : vector<512x64xi32> to vector<512x64xf32>
    %dot_general3A_204 = arith.constant dense<0.000000e+00> : vector<512x64xf32>
    %dot_general3A_205 = tpu.matmul %convert_element_type3A_10, %convert_element_type3A_203, %dot_general3A_204 {dimension_numbers = #tpu.dot_dimension_numbers<[1], [0], [0], [1], [0, 0, 1, 1], [], []>, transpose_lhs_hint = false} : vector<512x512xf32>, vector<512x64xf32>, vector<512x64xf32> -> vector<512x64xf32>
    %add3A_206 = vector.broadcast %add3A_199 : vector<1x64xf32> to vector<512x64xf32>
    %add3A_207 = arith.addf %dot_general3A_205, %add3A_206 : vector<512x64xf32>
    %mul3A_208 = arith.mulf %add3A_207, %convert_element_type3A_203 : vector<512x64xf32>
    %reduce_sum3A_209 = arith.constant dense<0.000000e+00> : vector<512xf32>
    %reduce_sum3A_210 = vector.multi_reduction <add>, %mul3A_208, %reduce_sum3A_209 [1] : vector<512x64xf32> to vector<512xf32>
    %broadcast_in_dim3A_211 = vector.shape_cast %reduce_sum3A_210 : vector<512xf32> to vector<512x1xf32>
    %reduce_sum3A_212 = arith.constant dense<0.000000e+00> : vector<64xf32>
    %reduce_sum3A_213 = vector.multi_reduction <add>, %convert_element_type3A_203, %reduce_sum3A_212 [0] : vector<512x64xf32> to vector<64xf32>
    %broadcast_in_dim3A_214 = vector.shape_cast %reduce_sum3A_213 : vector<64xf32> to vector<1x64xf32>
    %add3A_215 = arith.addf %add3A_199, %broadcast_in_dim3A_214 : vector<1x64xf32>
    %eq3A_216 = vector.broadcast %broadcast_in_dim3A_147 : vector<512x1xi32> to vector<512x64xi32>
    %eq3A_217 = arith.cmpi eq, %iota3A, %eq3A_216 : vector<512x64xi32>
    %convert_element_type3A_218 = arith.extui %eq3A_217 : vector<512x64xi1> to vector<512x64xi32>
    %convert_element_type3A_219 = arith.sitofp %convert_element_type3A_218 : vector<512x64xi32> to vector<512x64xf32>
    %dot_general3A_220 = arith.constant dense<0.000000e+00> : vector<512x64xf32>
    %dot_general3A_221 = tpu.matmul %convert_element_type3A_10, %convert_element_type3A_219, %dot_general3A_220 {dimension_numbers = #tpu.dot_dimension_numbers<[1], [0], [0], [1], [0, 0, 1, 1], [], []>, transpose_lhs_hint = false} : vector<512x512xf32>, vector<512x64xf32>, vector<512x64xf32> -> vector<512x64xf32>
    %add3A_222 = vector.broadcast %add3A_215 : vector<1x64xf32> to vector<512x64xf32>
    %add3A_223 = arith.addf %dot_general3A_221, %add3A_222 : vector<512x64xf32>
    %mul3A_224 = arith.mulf %add3A_223, %convert_element_type3A_219 : vector<512x64xf32>
    %reduce_sum3A_225 = arith.constant dense<0.000000e+00> : vector<512xf32>
    %reduce_sum3A_226 = vector.multi_reduction <add>, %mul3A_224, %reduce_sum3A_225 [1] : vector<512x64xf32> to vector<512xf32>
    %broadcast_in_dim3A_227 = vector.shape_cast %reduce_sum3A_226 : vector<512xf32> to vector<512x1xf32>
    %reduce_sum3A_228 = arith.constant dense<0.000000e+00> : vector<64xf32>
    %reduce_sum3A_229 = vector.multi_reduction <add>, %convert_element_type3A_219, %reduce_sum3A_228 [0] : vector<512x64xf32> to vector<64xf32>
    %broadcast_in_dim3A_230 = vector.shape_cast %reduce_sum3A_229 : vector<64xf32> to vector<1x64xf32>
    %add3A_231 = arith.addf %add3A_215, %broadcast_in_dim3A_230 : vector<1x64xf32>
    %eq3A_232 = vector.broadcast %broadcast_in_dim3A_38 : vector<512x1xi32> to vector<512x64xi32>
    %eq3A_233 = arith.cmpi eq, %iota3A, %eq3A_232 : vector<512x64xi32>
    %convert_element_type3A_234 = arith.extui %eq3A_233 : vector<512x64xi1> to vector<512x64xi32>
    %convert_element_type3A_235 = arith.sitofp %convert_element_type3A_234 : vector<512x64xi32> to vector<512x64xf32>
    %dot_general3A_236 = arith.constant dense<0.000000e+00> : vector<512x64xf32>
    %dot_general3A_237 = tpu.matmul %convert_element_type3A_10, %convert_element_type3A_235, %dot_general3A_236 {dimension_numbers = #tpu.dot_dimension_numbers<[1], [0], [0], [1], [0, 0, 1, 1], [], []>, transpose_lhs_hint = false} : vector<512x512xf32>, vector<512x64xf32>, vector<512x64xf32> -> vector<512x64xf32>
    %add3A_238 = vector.broadcast %add3A_231 : vector<1x64xf32> to vector<512x64xf32>
    %add3A_239 = arith.addf %dot_general3A_237, %add3A_238 : vector<512x64xf32>
    %mul3A_240 = arith.mulf %add3A_239, %convert_element_type3A_235 : vector<512x64xf32>
    %reduce_sum3A_241 = arith.constant dense<0.000000e+00> : vector<512xf32>
    %reduce_sum3A_242 = vector.multi_reduction <add>, %mul3A_240, %reduce_sum3A_241 [1] : vector<512x64xf32> to vector<512xf32>
    %broadcast_in_dim3A_243 = vector.shape_cast %reduce_sum3A_242 : vector<512xf32> to vector<512x1xf32>
    %reduce_sum3A_244 = arith.constant dense<0.000000e+00> : vector<64xf32>
    %reduce_sum3A_245 = vector.multi_reduction <add>, %convert_element_type3A_235, %reduce_sum3A_244 [0] : vector<512x64xf32> to vector<64xf32>
    %broadcast_in_dim3A_246 = vector.shape_cast %reduce_sum3A_245 : vector<64xf32> to vector<1x64xf32>
    %add3A_247 = arith.addf %add3A_231, %broadcast_in_dim3A_246 : vector<1x64xf32>
    %eq3A_248 = vector.broadcast %broadcast_in_dim3A_79 : vector<512x1xi32> to vector<512x64xi32>
    %eq3A_249 = arith.cmpi eq, %iota3A, %eq3A_248 : vector<512x64xi32>
    %convert_element_type3A_250 = arith.extui %eq3A_249 : vector<512x64xi1> to vector<512x64xi32>
    %convert_element_type3A_251 = arith.sitofp %convert_element_type3A_250 : vector<512x64xi32> to vector<512x64xf32>
    %dot_general3A_252 = arith.constant dense<0.000000e+00> : vector<512x64xf32>
    %dot_general3A_253 = tpu.matmul %convert_element_type3A_10, %convert_element_type3A_251, %dot_general3A_252 {dimension_numbers = #tpu.dot_dimension_numbers<[1], [0], [0], [1], [0, 0, 1, 1], [], []>, transpose_lhs_hint = false} : vector<512x512xf32>, vector<512x64xf32>, vector<512x64xf32> -> vector<512x64xf32>
    %add3A_254 = vector.broadcast %add3A_247 : vector<1x64xf32> to vector<512x64xf32>
    %add3A_255 = arith.addf %dot_general3A_253, %add3A_254 : vector<512x64xf32>
    %mul3A_256 = arith.mulf %add3A_255, %convert_element_type3A_251 : vector<512x64xf32>
    %reduce_sum3A_257 = arith.constant dense<0.000000e+00> : vector<512xf32>
    %reduce_sum3A_258 = vector.multi_reduction <add>, %mul3A_256, %reduce_sum3A_257 [1] : vector<512x64xf32> to vector<512xf32>
    %broadcast_in_dim3A_259 = vector.shape_cast %reduce_sum3A_258 : vector<512xf32> to vector<512x1xf32>
    %reduce_sum3A_260 = arith.constant dense<0.000000e+00> : vector<64xf32>
    %reduce_sum3A_261 = vector.multi_reduction <add>, %convert_element_type3A_251, %reduce_sum3A_260 [0] : vector<512x64xf32> to vector<64xf32>
    %broadcast_in_dim3A_262 = vector.shape_cast %reduce_sum3A_261 : vector<64xf32> to vector<1x64xf32>
    %add3A_263 = arith.addf %add3A_247, %broadcast_in_dim3A_262 : vector<1x64xf32>
    %eq3A_264 = vector.broadcast %broadcast_in_dim3A_121 : vector<512x1xi32> to vector<512x64xi32>
    %eq3A_265 = arith.cmpi eq, %iota3A, %eq3A_264 : vector<512x64xi32>
    %convert_element_type3A_266 = arith.extui %eq3A_265 : vector<512x64xi1> to vector<512x64xi32>
    %convert_element_type3A_267 = arith.sitofp %convert_element_type3A_266 : vector<512x64xi32> to vector<512x64xf32>
    %dot_general3A_268 = arith.constant dense<0.000000e+00> : vector<512x64xf32>
    %dot_general3A_269 = tpu.matmul %convert_element_type3A_10, %convert_element_type3A_267, %dot_general3A_268 {dimension_numbers = #tpu.dot_dimension_numbers<[1], [0], [0], [1], [0, 0, 1, 1], [], []>, transpose_lhs_hint = false} : vector<512x512xf32>, vector<512x64xf32>, vector<512x64xf32> -> vector<512x64xf32>
    %add3A_270 = vector.broadcast %add3A_263 : vector<1x64xf32> to vector<512x64xf32>
    %add3A_271 = arith.addf %dot_general3A_269, %add3A_270 : vector<512x64xf32>
    %mul3A_272 = arith.mulf %add3A_271, %convert_element_type3A_267 : vector<512x64xf32>
    %reduce_sum3A_273 = arith.constant dense<0.000000e+00> : vector<512xf32>
    %reduce_sum3A_274 = vector.multi_reduction <add>, %mul3A_272, %reduce_sum3A_273 [1] : vector<512x64xf32> to vector<512xf32>
    %broadcast_in_dim3A_275 = vector.shape_cast %reduce_sum3A_274 : vector<512xf32> to vector<512x1xf32>
    %reduce_sum3A_276 = arith.constant dense<0.000000e+00> : vector<64xf32>
    %reduce_sum3A_277 = vector.multi_reduction <add>, %convert_element_type3A_267, %reduce_sum3A_276 [0] : vector<512x64xf32> to vector<64xf32>
    %broadcast_in_dim3A_278 = vector.shape_cast %reduce_sum3A_277 : vector<64xf32> to vector<1x64xf32>
    %add3A_279 = arith.addf %add3A_263, %broadcast_in_dim3A_278 : vector<1x64xf32>
    %eq3A_280 = vector.broadcast %broadcast_in_dim3A_163 : vector<512x1xi32> to vector<512x64xi32>
    %eq3A_281 = arith.cmpi eq, %iota3A, %eq3A_280 : vector<512x64xi32>
    %convert_element_type3A_282 = arith.extui %eq3A_281 : vector<512x64xi1> to vector<512x64xi32>
    %convert_element_type3A_283 = arith.sitofp %convert_element_type3A_282 : vector<512x64xi32> to vector<512x64xf32>
    %dot_general3A_284 = arith.constant dense<0.000000e+00> : vector<512x64xf32>
    %dot_general3A_285 = tpu.matmul %convert_element_type3A_10, %convert_element_type3A_283, %dot_general3A_284 {dimension_numbers = #tpu.dot_dimension_numbers<[1], [0], [0], [1], [0, 0, 1, 1], [], []>, transpose_lhs_hint = false} : vector<512x512xf32>, vector<512x64xf32>, vector<512x64xf32> -> vector<512x64xf32>
    %add3A_286 = vector.broadcast %add3A_279 : vector<1x64xf32> to vector<512x64xf32>
    %add3A_287 = arith.addf %dot_general3A_285, %add3A_286 : vector<512x64xf32>
    %mul3A_288 = arith.mulf %add3A_287, %convert_element_type3A_283 : vector<512x64xf32>
    %reduce_sum3A_289 = arith.constant dense<0.000000e+00> : vector<512xf32>
    %reduce_sum3A_290 = vector.multi_reduction <add>, %mul3A_288, %reduce_sum3A_289 [1] : vector<512x64xf32> to vector<512xf32>
    %broadcast_in_dim3A_291 = vector.shape_cast %reduce_sum3A_290 : vector<512xf32> to vector<512x1xf32>
    %reduce_sum3A_292 = arith.constant dense<0.000000e+00> : vector<64xf32>
    %reduce_sum3A_293 = vector.multi_reduction <add>, %convert_element_type3A_283, %reduce_sum3A_292 [0] : vector<512x64xf32> to vector<64xf32>
    %broadcast_in_dim3A_294 = vector.shape_cast %reduce_sum3A_293 : vector<64xf32> to vector<1x64xf32>
    %add3A_295 = arith.addf %add3A_279, %broadcast_in_dim3A_294 : vector<1x64xf32>
    %convert_element_type3A_296 = arith.fptosi %add3A_295 : vector<1x64xf32> to vector<1x64xi32>
    %add3A_297 = arith.constant 63 : i32
    %add3A_298 = vector.broadcast %add3A_297 : i32 to vector<1x64xi32>
    %add3A_299 = arith.addi %convert_element_type3A_296, %add3A_298 : vector<1x64xi32>
    %jit3A_300 = arith.constant 64 : i32
    %div3A_301 = vector.broadcast %jit3A_300 : i32 to vector<1x64xi32>
    %div3A_302 = arith.divsi %add3A_299, %div3A_301 : vector<1x64xi32>
    %sign3A = arith.constant 0 : i32
    %sign3A_303 = vector.broadcast %sign3A : i32 to vector<1x64xi32>
    %sign3A_304 = arith.cmpi sgt, %add3A_299, %sign3A_303 : vector<1x64xi32>
    %sign3A_305 = arith.extui %sign3A_304 : vector<1x64xi1> to vector<1x64xi32>
    %sign3A_306 = arith.constant 0 : i32
    %sign3A_307 = vector.broadcast %sign3A_306 : i32 to vector<1x64xi32>
    %sign3A_308 = arith.cmpi slt, %add3A_299, %sign3A_307 : vector<1x64xi32>
    %sign3A_309 = arith.extui %sign3A_308 : vector<1x64xi1> to vector<1x64xi32>
    %sign3A_310 = arith.subi %sign3A_305, %sign3A_309 : vector<1x64xi32>
    %sign3A_311 = arith.constant 0 : i32
    %sign3A_312 = arith.cmpi sgt, %jit3A_300, %sign3A_311 : i32
    %sign3A_313 = arith.extui %sign3A_312 : i1 to i32
    %sign3A_314 = arith.constant 0 : i32
    %sign3A_315 = arith.cmpi slt, %jit3A_300, %sign3A_314 : i32
    %sign3A_316 = arith.extui %sign3A_315 : i1 to i32
    %sign3A_317 = arith.subi %sign3A_313, %sign3A_316 : i32
    %ne3A = vector.broadcast %sign3A_317 : i32 to vector<1x64xi32>
    %ne3A_318 = arith.cmpi ne, %sign3A_310, %ne3A : vector<1x64xi32>
    %rem3A = vector.broadcast %jit3A_300 : i32 to vector<1x64xi32>
    %rem3A_319 = arith.remsi %add3A_299, %rem3A : vector<1x64xi32>
    %ne3A_320 = arith.constant 0 : i32
    %ne3A_321 = vector.broadcast %ne3A_320 : i32 to vector<1x64xi32>
    %ne3A_322 = arith.cmpi ne, %rem3A_319, %ne3A_321 : vector<1x64xi32>
    %and3A = arith.andi %ne3A_318, %ne3A_322 : vector<1x64xi1>
    %sub3A_323 = arith.constant 1 : i32
    %sub3A_324 = vector.broadcast %sub3A_323 : i32 to vector<1x64xi32>
    %sub3A_325 = arith.subi %div3A_302, %sub3A_324 : vector<1x64xi32>
    %select_n3A_326 = arith.select %and3A, %sub3A_325, %div3A_302 : vector<1x64xi1>, vector<1x64xi32>
    %convert_element_type3A_327 = arith.sitofp %select_n3A_326 : vector<1x64xi32> to vector<1x64xf32>
    %broadcast_in_dim3A_328 = arith.constant 0.000000e+00 : f32
    %broadcast_in_dim3A_329 = vector.broadcast %broadcast_in_dim3A_328 : f32 to vector<1x64xf32>
    %concatenate3A = tpu.concatenate %convert_element_type3A_327, %broadcast_in_dim3A_329 in 1 : vector<1x64xf32>, vector<1x64xf32> -> vector<1x128xf32>
    %iota3A_330 = tpu.iota {dimensions = array<i32: 0>} : vector<128x128xi32>
    %iota3A_331 = tpu.iota {dimensions = array<i32: 1>} : vector<128x128xi32>
    %lt3A = arith.cmpi slt, %iota3A_330, %iota3A_331 : vector<128x128xi32>
    %convert_element_type3A_332 = arith.extui %lt3A : vector<128x128xi1> to vector<128x128xi32>
    %convert_element_type3A_333 = arith.sitofp %convert_element_type3A_332 : vector<128x128xi32> to vector<128x128xf32>
    %dot_general3A_334 = arith.constant dense<0.000000e+00> : vector<1x128xf32>
    %dot_general3A_335 = tpu.matmul %concatenate3A, %convert_element_type3A_333, %dot_general3A_334 {dimension_numbers = #tpu.dot_dimension_numbers<[1], [0], [0], [1], [0, 0, 1, 1], [], []>, transpose_lhs_hint = false} : vector<1x128xf32>, vector<128x128xf32>, vector<1x128xf32> -> vector<1x128xf32>
    %mul3A_336 = arith.constant 6.400000e+01 : f32
    %mul3A_337 = vector.broadcast %mul3A_336 : f32 to vector<1x128xf32>
    %mul3A_338 = arith.mulf %dot_general3A_335, %mul3A_337 : vector<1x128xf32>
    %slice3A_339 = vector.extract_strided_slice %dot_general3A_335 {offsets = [0, 0], sizes = [1, 64], strides = [1, 1]} : vector<1x128xf32> to vector<1x64xf32>
    %add3A_340 = arith.addf %slice3A_339, %convert_element_type3A_327 : vector<1x64xf32>
    %reduce_sum3A_341 = arith.constant dense<0.000000e+00> : vector<1xf32>
    %reduce_sum3A_342 = vector.multi_reduction <add>, %convert_element_type3A_327, %reduce_sum3A_341 [1] : vector<1x64xf32> to vector<1xf32>
    %broadcast_in_dim3A_343 = vector.shape_cast %reduce_sum3A_342 : vector<1xf32> to vector<1x1xf32>
    %iota3A_344 = tpu.iota {dimensions = array<i32: 0>} : vector<128x64xi32>
    %convert_element_type3A_345 = arith.sitofp %iota3A_344 : vector<128x64xi32> to vector<128x64xf32>
    %le3A = vector.broadcast %add3A_340 : vector<1x64xf32> to vector<128x64xf32>
    %le3A_346 = arith.cmpf ole, %le3A, %convert_element_type3A_345 : vector<128x64xf32>
    %convert_element_type3A_347 = arith.extui %le3A_346 : vector<128x64xi1> to vector<128x64xi32>
    %convert_element_type3A_348 = arith.sitofp %convert_element_type3A_347 : vector<128x64xi32> to vector<128x64xf32>
    %reduce_sum3A_349 = arith.constant dense<0.000000e+00> : vector<128xf32>
    %reduce_sum3A_350 = vector.multi_reduction <add>, %convert_element_type3A_348, %reduce_sum3A_349 [1] : vector<128x64xf32> to vector<128xf32>
    %broadcast_in_dim3A_351 = vector.shape_cast %reduce_sum3A_350 : vector<128xf32> to vector<128x1xf32>
    %min3A = arith.constant 6.300000e+01 : f32
    %min3A_352 = vector.broadcast %min3A : f32 to vector<128x1xf32>
    %min3A_353 = arith.minimumf %broadcast_in_dim3A_351, %min3A_352 : vector<128x1xf32>
    %iota3A_354 = tpu.iota {dimensions = array<i32: 0>} : vector<128x1xi32>
    %convert_element_type3A_355 = arith.sitofp %iota3A_354 : vector<128x1xi32> to vector<128x1xf32>
    %lt3A_356 = vector.broadcast %broadcast_in_dim3A_343 : vector<1x1xf32> to vector<128x1xf32>
    %lt3A_357 = arith.cmpf olt, %convert_element_type3A_355, %lt3A_356 : vector<128x1xf32>
    %jit3A_358 = arith.constant 1.280000e+02 : f32
    %broadcast_in_dim3A_359 = vector.broadcast %jit3A_358 : f32 to vector<128x1xf32>
    %select_n3A_360 = arith.select %lt3A_357, %convert_element_type3A_355, %broadcast_in_dim3A_359 : vector<128x1xi1>, vector<128x1xf32>
    %convert_element_type3A_361 = arith.fptosi %min3A_353 : vector<128x1xf32> to vector<128x1xi32>
    %swap3A_362 = arith.constant 0 : index
    %swap3A_363 = arith.constant 0 : index
    %swap3A_364 = vector.load %arg5[%swap3A_362, %swap3A_363] : memref<128x2xi32, #tpu.memory_space<vmem>>, vector<128x1xi32>
    tpu.vector_store %arg5[%swap3A_362, %swap3A_363], %convert_element_type3A_361 {strides = array<i32>} : memref<128x2xi32, #tpu.memory_space<vmem>>, vector<128x1xi32>,
    %convert_element_type3A_365 = arith.fptosi %select_n3A_360 : vector<128x1xf32> to vector<128x1xi32>
    %swap3A_366 = arith.constant 0 : index
    %swap3A_367 = arith.constant 1 : index
    %swap3A_368 = vector.load %arg5[%swap3A_366, %swap3A_367] : memref<128x2xi32, #tpu.memory_space<vmem>>, vector<128x1xi32>
    tpu.vector_store %arg5[%swap3A_366, %swap3A_367], %convert_element_type3A_365 {strides = array<i32>} : memref<128x2xi32, #tpu.memory_space<vmem>>, vector<128x1xi32>,
    %slice3A_369 = vector.extract_strided_slice %mul3A_338 {offsets = [0, 0], sizes = [1, 64], strides = [1, 1]} : vector<1x128xf32> to vector<1x64xf32>
    %mul3A_370 = vector.broadcast %slice3A_369 : vector<1x64xf32> to vector<512x64xf32>
    %mul3A_371 = arith.mulf %convert_element_type3A_172, %mul3A_370 : vector<512x64xf32>
    %reduce_sum3A_372 = arith.constant dense<0.000000e+00> : vector<512xf32>
    %reduce_sum3A_373 = vector.multi_reduction <add>, %mul3A_371, %reduce_sum3A_372 [1] : vector<512x64xf32> to vector<512xf32>
    %broadcast_in_dim3A_374 = vector.shape_cast %reduce_sum3A_373 : vector<512xf32> to vector<512x1xf32>
    %add3A_375 = arith.addf %broadcast_in_dim3A_374, %broadcast_in_dim3A_179 : vector<512x1xf32>
    %convert_element_type3A_376 = arith.fptosi %add3A_375 : vector<512x1xf32> to vector<512x1xi32>
    %swap3A_377 = arith.constant 0 : index
    %swap3A_378 = arith.constant 0 : index
    %swap3A_379 = vector.load %arg3[%swap3A_377, %swap3A_378] : memref<2048x2xi32, #tpu.memory_space<vmem>>, vector<512x1xi32>
    tpu.vector_store %arg3[%swap3A_377, %swap3A_378], %convert_element_type3A_376 {strides = array<i32>} : memref<2048x2xi32, #tpu.memory_space<vmem>>, vector<512x1xi32>,
    %swap3A_380 = arith.constant 0 : index
    %swap3A_381 = arith.constant 0 : index
    %swap3A_382 = vector.load %arg4[%swap3A_380, %swap3A_381] : memref<2048x2xf32, #tpu.memory_space<vmem>>, vector<512x1xf32>
    tpu.vector_store %arg4[%swap3A_380, %swap3A_381], %div3A_39 {strides = array<i32>} : memref<2048x2xf32, #tpu.memory_space<vmem>>, vector<512x1xf32>,
    %mul3A_383 = vector.broadcast %slice3A_369 : vector<1x64xf32> to vector<512x64xf32>
    %mul3A_384 = arith.mulf %convert_element_type3A_187, %mul3A_383 : vector<512x64xf32>
    %reduce_sum3A_385 = arith.constant dense<0.000000e+00> : vector<512xf32>
    %reduce_sum3A_386 = vector.multi_reduction <add>, %mul3A_384, %reduce_sum3A_385 [1] : vector<512x64xf32> to vector<512xf32>
    %broadcast_in_dim3A_387 = vector.shape_cast %reduce_sum3A_386 : vector<512xf32> to vector<512x1xf32>
    %add3A_388 = arith.addf %broadcast_in_dim3A_387, %broadcast_in_dim3A_195 : vector<512x1xf32>
    %convert_element_type3A_389 = arith.fptosi %add3A_388 : vector<512x1xf32> to vector<512x1xi32>
    %swap3A_390 = arith.constant 512 : index
    %swap3A_391 = arith.constant 0 : index
    %swap3A_392 = vector.load %arg3[%swap3A_390, %swap3A_391] : memref<2048x2xi32, #tpu.memory_space<vmem>>, vector<512x1xi32>
    tpu.vector_store %arg3[%swap3A_390, %swap3A_391], %convert_element_type3A_389 {strides = array<i32>} : memref<2048x2xi32, #tpu.memory_space<vmem>>, vector<512x1xi32>,
    %swap3A_393 = arith.constant 512 : index
    %swap3A_394 = arith.constant 0 : index
    %swap3A_395 = vector.load %arg4[%swap3A_393, %swap3A_394] : memref<2048x2xf32, #tpu.memory_space<vmem>>, vector<512x1xf32>
    tpu.vector_store %arg4[%swap3A_393, %swap3A_394], %div3A_81 {strides = array<i32>} : memref<2048x2xf32, #tpu.memory_space<vmem>>, vector<512x1xf32>,
    %mul3A_396 = vector.broadcast %slice3A_369 : vector<1x64xf32> to vector<512x64xf32>
    %mul3A_397 = arith.mulf %convert_element_type3A_203, %mul3A_396 : vector<512x64xf32>
    %reduce_sum3A_398 = arith.constant dense<0.000000e+00> : vector<512xf32>
    %reduce_sum3A_399 = vector.multi_reduction <add>, %mul3A_397, %reduce_sum3A_398 [1] : vector<512x64xf32> to vector<512xf32>
    %broadcast_in_dim3A_400 = vector.shape_cast %reduce_sum3A_399 : vector<512xf32> to vector<512x1xf32>
    %add3A_401 = arith.addf %broadcast_in_dim3A_400, %broadcast_in_dim3A_211 : vector<512x1xf32>
    %convert_element_type3A_402 = arith.fptosi %add3A_401 : vector<512x1xf32> to vector<512x1xi32>
    %swap3A_403 = arith.constant 1024 : index
    %swap3A_404 = arith.constant 0 : index
    %swap3A_405 = vector.load %arg3[%swap3A_403, %swap3A_404] : memref<2048x2xi32, #tpu.memory_space<vmem>>, vector<512x1xi32>
    tpu.vector_store %arg3[%swap3A_403, %swap3A_404], %convert_element_type3A_402 {strides = array<i32>} : memref<2048x2xi32, #tpu.memory_space<vmem>>, vector<512x1xi32>,
    %swap3A_406 = arith.constant 1024 : index
    %swap3A_407 = arith.constant 0 : index
    %swap3A_408 = vector.load %arg4[%swap3A_406, %swap3A_407] : memref<2048x2xf32, #tpu.memory_space<vmem>>, vector<512x1xf32>
    tpu.vector_store %arg4[%swap3A_406, %swap3A_407], %div3A_123 {strides = array<i32>} : memref<2048x2xf32, #tpu.memory_space<vmem>>, vector<512x1xf32>,
    %mul3A_409 = vector.broadcast %slice3A_369 : vector<1x64xf32> to vector<512x64xf32>
    %mul3A_410 = arith.mulf %convert_element_type3A_219, %mul3A_409 : vector<512x64xf32>
    %reduce_sum3A_411 = arith.constant dense<0.000000e+00> : vector<512xf32>
    %reduce_sum3A_412 = vector.multi_reduction <add>, %mul3A_410, %reduce_sum3A_411 [1] : vector<512x64xf32> to vector<512xf32>
    %broadcast_in_dim3A_413 = vector.shape_cast %reduce_sum3A_412 : vector<512xf32> to vector<512x1xf32>
    %add3A_414 = arith.addf %broadcast_in_dim3A_413, %broadcast_in_dim3A_227 : vector<512x1xf32>
    %convert_element_type3A_415 = arith.fptosi %add3A_414 : vector<512x1xf32> to vector<512x1xi32>
    %swap3A_416 = arith.constant 1536 : index
    %swap3A_417 = arith.constant 0 : index
    %swap3A_418 = vector.load %arg3[%swap3A_416, %swap3A_417] : memref<2048x2xi32, #tpu.memory_space<vmem>>, vector<512x1xi32>
    tpu.vector_store %arg3[%swap3A_416, %swap3A_417], %convert_element_type3A_415 {strides = array<i32>} : memref<2048x2xi32, #tpu.memory_space<vmem>>, vector<512x1xi32>,
    %swap3A_419 = arith.constant 1536 : index
    %swap3A_420 = arith.constant 0 : index
    %swap3A_421 = vector.load %arg4[%swap3A_419, %swap3A_420] : memref<2048x2xf32, #tpu.memory_space<vmem>>, vector<512x1xf32>
    tpu.vector_store %arg4[%swap3A_419, %swap3A_420], %div3A_165 {strides = array<i32>} : memref<2048x2xf32, #tpu.memory_space<vmem>>, vector<512x1xf32>,
    %mul3A_422 = vector.broadcast %slice3A_369 : vector<1x64xf32> to vector<512x64xf32>
    %mul3A_423 = arith.mulf %convert_element_type3A_235, %mul3A_422 : vector<512x64xf32>
    %reduce_sum3A_424 = arith.constant dense<0.000000e+00> : vector<512xf32>
    %reduce_sum3A_425 = vector.multi_reduction <add>, %mul3A_423, %reduce_sum3A_424 [1] : vector<512x64xf32> to vector<512xf32>
    %broadcast_in_dim3A_426 = vector.shape_cast %reduce_sum3A_425 : vector<512xf32> to vector<512x1xf32>
    %add3A_427 = arith.addf %broadcast_in_dim3A_426, %broadcast_in_dim3A_243 : vector<512x1xf32>
    %convert_element_type3A_428 = arith.fptosi %add3A_427 : vector<512x1xf32> to vector<512x1xi32>
    %swap3A_429 = arith.constant 0 : index
    %swap3A_430 = arith.constant 1 : index
    %swap3A_431 = vector.load %arg3[%swap3A_429, %swap3A_430] : memref<2048x2xi32, #tpu.memory_space<vmem>>, vector<512x1xi32>
    tpu.vector_store %arg3[%swap3A_429, %swap3A_430], %convert_element_type3A_428 {strides = array<i32>} : memref<2048x2xi32, #tpu.memory_space<vmem>>, vector<512x1xi32>,
    %swap3A_432 = arith.constant 0 : index
    %swap3A_433 = arith.constant 1 : index
    %swap3A_434 = vector.load %arg4[%swap3A_432, %swap3A_433] : memref<2048x2xf32, #tpu.memory_space<vmem>>, vector<512x1xf32>
    tpu.vector_store %arg4[%swap3A_432, %swap3A_433], %div3A_40 {strides = array<i32>} : memref<2048x2xf32, #tpu.memory_space<vmem>>, vector<512x1xf32>,
    %mul3A_435 = vector.broadcast %slice3A_369 : vector<1x64xf32> to vector<512x64xf32>
    %mul3A_436 = arith.mulf %convert_element_type3A_251, %mul3A_435 : vector<512x64xf32>
    %reduce_sum3A_437 = arith.constant dense<0.000000e+00> : vector<512xf32>
    %reduce_sum3A_438 = vector.multi_reduction <add>, %mul3A_436, %reduce_sum3A_437 [1] : vector<512x64xf32> to vector<512xf32>
    %broadcast_in_dim3A_439 = vector.shape_cast %reduce_sum3A_438 : vector<512xf32> to vector<512x1xf32>
    %add3A_440 = arith.addf %broadcast_in_dim3A_439, %broadcast_in_dim3A_259 : vector<512x1xf32>
    %convert_element_type3A_441 = arith.fptosi %add3A_440 : vector<512x1xf32> to vector<512x1xi32>
    %swap3A_442 = arith.constant 512 : index
    %swap3A_443 = arith.constant 1 : index
    %swap3A_444 = vector.load %arg3[%swap3A_442, %swap3A_443] : memref<2048x2xi32, #tpu.memory_space<vmem>>, vector<512x1xi32>
    tpu.vector_store %arg3[%swap3A_442, %swap3A_443], %convert_element_type3A_441 {strides = array<i32>} : memref<2048x2xi32, #tpu.memory_space<vmem>>, vector<512x1xi32>,
    %swap3A_445 = arith.constant 512 : index
    %swap3A_446 = arith.constant 1 : index
    %swap3A_447 = vector.load %arg4[%swap3A_445, %swap3A_446] : memref<2048x2xf32, #tpu.memory_space<vmem>>, vector<512x1xf32>
    tpu.vector_store %arg4[%swap3A_445, %swap3A_446], %div3A_82 {strides = array<i32>} : memref<2048x2xf32, #tpu.memory_space<vmem>>, vector<512x1xf32>,
    %mul3A_448 = vector.broadcast %slice3A_369 : vector<1x64xf32> to vector<512x64xf32>
    %mul3A_449 = arith.mulf %convert_element_type3A_267, %mul3A_448 : vector<512x64xf32>
    %reduce_sum3A_450 = arith.constant dense<0.000000e+00> : vector<512xf32>
    %reduce_sum3A_451 = vector.multi_reduction <add>, %mul3A_449, %reduce_sum3A_450 [1] : vector<512x64xf32> to vector<512xf32>
    %broadcast_in_dim3A_452 = vector.shape_cast %reduce_sum3A_451 : vector<512xf32> to vector<512x1xf32>
    %add3A_453 = arith.addf %broadcast_in_dim3A_452, %broadcast_in_dim3A_275 : vector<512x1xf32>
    %convert_element_type3A_454 = arith.fptosi %add3A_453 : vector<512x1xf32> to vector<512x1xi32>
    %swap3A_455 = arith.constant 1024 : index
    %swap3A_456 = arith.constant 1 : index
    %swap3A_457 = vector.load %arg3[%swap3A_455, %swap3A_456] : memref<2048x2xi32, #tpu.memory_space<vmem>>, vector<512x1xi32>
    tpu.vector_store %arg3[%swap3A_455, %swap3A_456], %convert_element_type3A_454 {strides = array<i32>} : memref<2048x2xi32, #tpu.memory_space<vmem>>, vector<512x1xi32>,
    %swap3A_458 = arith.constant 1024 : index
    %swap3A_459 = arith.constant 1 : index
    %swap3A_460 = vector.load %arg4[%swap3A_458, %swap3A_459] : memref<2048x2xf32, #tpu.memory_space<vmem>>, vector<512x1xf32>
    tpu.vector_store %arg4[%swap3A_458, %swap3A_459], %div3A_124 {strides = array<i32>} : memref<2048x2xf32, #tpu.memory_space<vmem>>, vector<512x1xf32>,
    %mul3A_461 = vector.broadcast %slice3A_369 : vector<1x64xf32> to vector<512x64xf32>
    %mul3A_462 = arith.mulf %convert_element_type3A_283, %mul3A_461 : vector<512x64xf32>
    %reduce_sum3A_463 = arith.constant dense<0.000000e+00> : vector<512xf32>
    %reduce_sum3A_464 = vector.multi_reduction <add>, %mul3A_462, %reduce_sum3A_463 [1] : vector<512x64xf32> to vector<512xf32>
    %broadcast_in_dim3A_465 = vector.shape_cast %reduce_sum3A_464 : vector<512xf32> to vector<512x1xf32>
    %add3A_466 = arith.addf %broadcast_in_dim3A_465, %broadcast_in_dim3A_291 : vector<512x1xf32>
    %convert_element_type3A_467 = arith.fptosi %add3A_466 : vector<512x1xf32> to vector<512x1xi32>
    %swap3A_468 = arith.constant 1536 : index
    %swap3A_469 = arith.constant 1 : index
    %swap3A_470 = vector.load %arg3[%swap3A_468, %swap3A_469] : memref<2048x2xi32, #tpu.memory_space<vmem>>, vector<512x1xi32>
    tpu.vector_store %arg3[%swap3A_468, %swap3A_469], %convert_element_type3A_467 {strides = array<i32>} : memref<2048x2xi32, #tpu.memory_space<vmem>>, vector<512x1xi32>,
    %swap3A_471 = arith.constant 1536 : index
    %swap3A_472 = arith.constant 1 : index
    %swap3A_473 = vector.load %arg4[%swap3A_471, %swap3A_472] : memref<2048x2xf32, #tpu.memory_space<vmem>>, vector<512x1xf32>
    tpu.vector_store %arg4[%swap3A_471, %swap3A_472], %div3A_166 {strides = array<i32>} : memref<2048x2xf32, #tpu.memory_space<vmem>>, vector<512x1xf32>,
    return
  }
}

module attributes {stable_mosaic.version = 14 : i64} {
  func.func @_expert_body(%arg0: i32, %arg1: memref<128x2xi32, #tpu.memory_space<smem>>, %arg2: memref<64x1024xf32, #tpu.memory_space<vmem>>, %arg3: memref<1x1024x1024xf32, #tpu.memory_space<vmem>>, %arg4: memref<1x1024x1024xf32, #tpu.memory_space<vmem>>, %arg5: memref<1x1024x1024xf32, #tpu.memory_space<vmem>>, %arg6: memref<64x1024xf32, #tpu.memory_space<vmem>>) attributes {dimension_semantics = [#tpu.dimension_semantics<arbitrary>], iteration_bounds = array<i64: 128>, scalar_prefetch = 1 : i64, scratch_operands = 0 : i64, tpu.core_type = #tpu.core_type<tc>, window_params = [{transform_indices = @transform_0, window_bounds = array<i64: 64, 1024>}, {transform_indices = @transform_1, window_bounds = array<i64: 1, 1024, 1024>}, {transform_indices = @transform_2, window_bounds = array<i64: 1, 1024, 1024>}, {transform_indices = @transform_3, window_bounds = array<i64: 1, 1024, 1024>}, {transform_indices = @transform_4, window_bounds = array<i64: 64, 1024>}]} {
    %get3A = arith.constant 0 : index
    %get3A_0 = arith.constant 0 : index
    %get3A_1 = vector.load %arg2[%get3A, %get3A_0] : memref<64x1024xf32, #tpu.memory_space<vmem>>, vector<64x1024xf32>
    %convert_element_type3A = arith.truncf %get3A_1 : vector<64x1024xf32> to vector<64x1024xbf16>
    %get3A_2 = arith.constant 0 : index
    %get3A_3 = arith.constant 0 : index
    %get3A_4 = arith.constant 0 : index
    %get3A_5 = vector.load %arg3[%get3A_2, %get3A_3, %get3A_4] : memref<1x1024x1024xf32, #tpu.memory_space<vmem>>, vector<1x1024x1024xf32>
    %get3A_6 = vector.shape_cast %get3A_5 : vector<1x1024x1024xf32> to vector<1024x1024xf32>
    %convert_element_type3A_7 = arith.truncf %get3A_6 : vector<1024x1024xf32> to vector<1024x1024xbf16>
    %dot_general3A = arith.constant dense<0.000000e+00> : vector<64x1024xf32>
    %dot_general3A_8 = tpu.matmul %convert_element_type3A, %convert_element_type3A_7, %dot_general3A {dimension_numbers = #tpu.dot_dimension_numbers<[1], [0], [0], [1], [0, 0, 1, 1], [], []>, transpose_lhs_hint = false} : vector<64x1024xbf16>, vector<1024x1024xbf16>, vector<64x1024xf32> -> vector<64x1024xf32>
    %logistic3A = arith.negf %dot_general3A_8 : vector<64x1024xf32>
    %logistic3A_9 = math.exp %logistic3A : vector<64x1024xf32>
    %logistic3A_10 = arith.constant 1.000000e+00 : f32
    %logistic3A_11 = vector.broadcast %logistic3A_10 : f32 to vector<64x1024xf32>
    %logistic3A_12 = arith.addf %logistic3A_11, %logistic3A_9 : vector<64x1024xf32>
    %logistic3A_13 = arith.divf %logistic3A_11, %logistic3A_12 : vector<64x1024xf32>
    %mul3A = arith.mulf %dot_general3A_8, %logistic3A_13 : vector<64x1024xf32>
    %get3A_14 = arith.constant 0 : index
    %get3A_15 = arith.constant 0 : index
    %get3A_16 = arith.constant 0 : index
    %get3A_17 = vector.load %arg4[%get3A_14, %get3A_15, %get3A_16] : memref<1x1024x1024xf32, #tpu.memory_space<vmem>>, vector<1x1024x1024xf32>
    %get3A_18 = vector.shape_cast %get3A_17 : vector<1x1024x1024xf32> to vector<1024x1024xf32>
    %convert_element_type3A_19 = arith.truncf %get3A_18 : vector<1024x1024xf32> to vector<1024x1024xbf16>
    %dot_general3A_20 = arith.constant dense<0.000000e+00> : vector<64x1024xf32>
    %dot_general3A_21 = tpu.matmul %convert_element_type3A, %convert_element_type3A_19, %dot_general3A_20 {dimension_numbers = #tpu.dot_dimension_numbers<[1], [0], [0], [1], [0, 0, 1, 1], [], []>, transpose_lhs_hint = false} : vector<64x1024xbf16>, vector<1024x1024xbf16>, vector<64x1024xf32> -> vector<64x1024xf32>
    %mul3A_22 = arith.mulf %mul3A, %dot_general3A_21 : vector<64x1024xf32>
    %convert_element_type3A_23 = arith.truncf %mul3A_22 : vector<64x1024xf32> to vector<64x1024xbf16>
    %get3A_24 = arith.constant 0 : index
    %get3A_25 = arith.constant 0 : index
    %get3A_26 = arith.constant 0 : index
    %get3A_27 = vector.load %arg5[%get3A_24, %get3A_25, %get3A_26] : memref<1x1024x1024xf32, #tpu.memory_space<vmem>>, vector<1x1024x1024xf32>
    %get3A_28 = vector.shape_cast %get3A_27 : vector<1x1024x1024xf32> to vector<1024x1024xf32>
    %convert_element_type3A_29 = arith.truncf %get3A_28 : vector<1024x1024xf32> to vector<1024x1024xbf16>
    %dot_general3A_30 = arith.constant dense<0.000000e+00> : vector<64x1024xf32>
    %dot_general3A_31 = tpu.matmul %convert_element_type3A_23, %convert_element_type3A_29, %dot_general3A_30 {dimension_numbers = #tpu.dot_dimension_numbers<[1], [0], [0], [1], [0, 0, 1, 1], [], []>, transpose_lhs_hint = false} : vector<64x1024xbf16>, vector<1024x1024xbf16>, vector<64x1024xf32> -> vector<64x1024xf32>
    %swap3A = arith.constant 0 : index
    %swap3A_32 = arith.constant 0 : index
    %swap3A_33 = vector.load %arg6[%swap3A, %swap3A_32] : memref<64x1024xf32, #tpu.memory_space<vmem>>, vector<64x1024xf32>
    tpu.vector_store %arg6[%swap3A, %swap3A_32], %dot_general3A_31 {strides = array<i32>} : memref<64x1024xf32, #tpu.memory_space<vmem>>, vector<64x1024xf32>,
    return
  }
  func.func @transform_0(%arg0: i32, %arg1: memref<128x2xi32, #tpu.memory_space<smem>>) -> (i32, i32) {
    %get3A = arith.index_cast %arg0 : i32 to index
    %get3A_0 = arith.constant 1 : index
    %get3A_1 = memref.load %arg1[%get3A, %get3A_0] : memref<128x2xi32, #tpu.memory_space<smem>>
    %c0_i32 = arith.constant 0 : i32
    %c0_i32_2 = arith.constant 0 : i32
    return %get3A_1, %c0_i32 : i32, i32
  }
  func.func @transform_1(%arg0: i32, %arg1: memref<128x2xi32, #tpu.memory_space<smem>>) -> (i32, i32, i32) {
    %get3A = arith.index_cast %arg0 : i32 to index
    %get3A_0 = arith.constant 0 : index
    %get3A_1 = memref.load %arg1[%get3A, %get3A_0] : memref<128x2xi32, #tpu.memory_space<smem>>
    %c0_i32 = arith.constant 0 : i32
    %c0_i32_2 = arith.constant 0 : i32
    %c0_i32_3 = arith.constant 0 : i32
    return %get3A_1, %c0_i32, %c0_i32_2 : i32, i32, i32
  }
  func.func @transform_2(%arg0: i32, %arg1: memref<128x2xi32, #tpu.memory_space<smem>>) -> (i32, i32, i32) {
    %get3A = arith.index_cast %arg0 : i32 to index
    %get3A_0 = arith.constant 0 : index
    %get3A_1 = memref.load %arg1[%get3A, %get3A_0] : memref<128x2xi32, #tpu.memory_space<smem>>
    %c0_i32 = arith.constant 0 : i32
    %c0_i32_2 = arith.constant 0 : i32
    %c0_i32_3 = arith.constant 0 : i32
    return %get3A_1, %c0_i32, %c0_i32_2 : i32, i32, i32
  }
  func.func @transform_3(%arg0: i32, %arg1: memref<128x2xi32, #tpu.memory_space<smem>>) -> (i32, i32, i32) {
    %get3A = arith.index_cast %arg0 : i32 to index
    %get3A_0 = arith.constant 0 : index
    %get3A_1 = memref.load %arg1[%get3A, %get3A_0] : memref<128x2xi32, #tpu.memory_space<smem>>
    %c0_i32 = arith.constant 0 : i32
    %c0_i32_2 = arith.constant 0 : i32
    %c0_i32_3 = arith.constant 0 : i32
    return %get3A_1, %c0_i32, %c0_i32_2 : i32, i32, i32
  }
  func.func @transform_4(%arg0: i32, %arg1: memref<128x2xi32, #tpu.memory_space<smem>>) -> (i32, i32) {
    %get3A = arith.index_cast %arg0 : i32 to index
    %get3A_0 = arith.constant 1 : index
    %get3A_1 = memref.load %arg1[%get3A, %get3A_0] : memref<128x2xi32, #tpu.memory_space<smem>>
    %c0_i32 = arith.constant 0 : i32
    %c0_i32_2 = arith.constant 0 : i32
    return %get3A_1, %c0_i32 : i32, i32
  }
}

</mosaic_0001>

<sc_bundles>
// kernel: kernel.6.cloned.1.call-start
scs
__scs_entry_jumppad:
0x0: {  	(pc) =	sbr.rel $0x88, $3  }
0x1: {  	(tag) =	ssettag $0x0;
	lr =	simm.s32 $0x1  }
0x2: {  	[smem:$0x3F9C] =	sst lr;
	_ =	strace $0xD0000000  }
0x3: {  	_ = 	snop  }
0x4: {  	_ = 	snop  }
0x5: {  	_ = 	snop  }
0x6: {  	_ = 	snop  }
0x7: {  	_ = 	snop  }
__scs_overlays_trampoline_lowered:
0x8: {  	[smem:$0x3FAB] =	sst s0  }
0x9: {  	[smem:$0x3FAC] =	sst s1  }
0xa: {  	[smem:$0x3FAD] =	sst s2  }
0xb: {  	[smem:$0x3FAE] =	sst s3  }
0xc: {  	[smem:$0x3FAF] =	sst s4  }
0xd: {  	[smem:$0x3FB0] =	sst s5  }
0xe: {  	[smem:$0x3FB1] =	sst s6  }
0xf: {  	[smem:$0x3FB2] =	sst s7  }
0x10: {  	[smem:$0x3FB3] =	sst s8  }
0x11: {  	[smem:$0x3FB4] =	sst s9;
	s0 =	simm.s32 @!p0 $0x0  }
0x12: {  	s1 =	sld [smem:$0x3F9A];
	s0 =	simm.s32 @p0 $0x1  }
0x13: {  	[smem:$0x3FB5] =	sst s0;
	s0 =	simm.s32 @!p1 $0x0  }
0x14: {  	s2 =	sld [smem:$0x3F99];
	s0 =	simm.s32 @p1 $0x1  }
0x15: {  	[smem:$0x3FB6] =	sst s0;
	s0 =	simm.s32 @!p2 $0x0  }
0x16: {  	s3 =	sld [smem:$0x3FDB];
	s0 =	simm.s32 @p2 $0x1  }
0x17: {  	s4 =	simm.s32 $0x1BF5;
	[smem:$0x3FB8] =	sst s0  }
0x18: {  	s0 =	sld [smem:$0x3F9B];
	_ =	swait.ge [sflag:s4], $0x0  }
0x19: {  	s7 =	sld [smem:$0x3F9C]  }
0x1a: {  	s8 =	sadd.s32 $0xFFFFE003, lr  }
0x1b: {  	s9 =	sadd.s32 $0xFFFFFEF7, lr;
	s5 =	simm.s32 $0xFFFFFFFF;
	p2 =	slt.u32 s8, $0xFFFFF086  }
0x1c: {  	p1 =	slt.u32 s9, $0xF7A;
	s5 =	simm.s32 @!p2 $0x0  }
0x1d: {  	s5 =	simm.s32 @p1 $0x1;
	p0 =	seq.s32 s7, s2  }
0x1e: {  	s7 =	smul.u32 @!p0 $0xF7A, s2;
	p2 =	seq.s32 @!p0 s5, $0x0  }
0x1f: {  	s9 =	smul.u32 $0xF7A, s1;
	s8 =	simm.s32 @!p0 $0x1BF5;
	p2 =	por !p2, p0  }
0x20: {  	[sflag:s8] =	ssyncset.s32 @!p0 $0xFFFFF086;
	s6 =	sadd.s32 @!p0 s3, s7;
	s7 =	simm.s32 @!p0 $0x108  }
0x21: {  	s3 =	sadd.s32 s3, s9;
	s6 =	sadd.s32 @!p0 $0x88, s6;
	s7 =	simm.s32 @p2 $0x1082  }
0x22: {  	[simem:s7], [sflag:s8] =	dma.local @!p0 [hbm:s6], $0xF7A  }
0x23: {  	s9 =	sor.u32 $0xD0000000, s2;
	s6 =	simm.s32 $0x108;
	_ =	swait.ge @!p0 [sflag:s8], $0x0  }
0x24: {  	s3 =	sadd.s32 $0x88, s3;
	s6 =	simm.s32 @!p1 $0x1082;
	[sflag:s4] =	ssyncset.s32 $0xFFFFF086  }
0x25: {  	[simem:s6], [sflag:s4] =	dma.local [hbm:s3], $0xF7A  }
0x26: {  	[smem:$0x3F9C] =	sst s1;
	(tag) =	ssettag s2;
	_ =	strace s9  }
0x27: {  	s1 =	sld [smem:$0x3FAC]  }
0x28: {  	s2 =	sld [smem:$0x3FAD]  }
0x29: {  	s4 =	sld [smem:$0x3FAF]  }
0x2a: {  	p0 =	seq.s32 s5, $0x0;
	s5 =	sld [smem:$0x3FB0]  }
0x2b: {  	s6 =	sld [smem:$0x3FB1]  }
0x2c: {  	s7 =	sld [smem:$0x3FB2]  }
0x2d: {  	s3 =	simm.s32 $0x108;
	s8 =	sld [smem:$0x3FB3]  }
0x2e: {  	s3 =	simm.s32 @!p0 $0x1082;
	s9 =	sld [smem:$0x3FB4]  }
0x2f: {  	lr =	sadd.s32 s0, s3;
	s0 =	sld [smem:$0x3FAB]  }
0x30: {  	s3 =	sld [smem:$0x3FAE]  }
0x31: {  	[smem:$0x3FB7] =	sst s10  }
0x32: {  	s10 =	sld [smem:$0x3FB5];
	_ =	sdelay $0x3  }
0x33: {  	p0 =	seq.s32 s10, $0x1;
	s10 =	sld [smem:$0x3FB7];
	_ =	sdelay $0x3  }
0x34: {  	[smem:$0x3FB7] =	sst s10  }
0x35: {  	s10 =	sld [smem:$0x3FB6];
	_ =	sdelay $0x3  }
0x36: {  	p1 =	seq.s32 s10, $0x1;
	s10 =	sld [smem:$0x3FB7];
	_ =	sdelay $0x3  }
0x37: {  	[smem:$0x3FB7] =	sst s10  }
0x38: {  	s10 =	sld [smem:$0x3FB8]  }
0x39: {  	_ = 	snop;
	(pc) =	sbr.ind lr, $3  }
0x3a: {  	_ = 	snop  }
0x3b: {  	_ = 	snop  }
0x3c: {  	p2 =	seq.s32 s10, $0x1;
	s10 =	sld [smem:$0x3FB7]  }
0x3d: {  	_ =	shalt  }
0x3e: {  	_ =	shalt  }
0x3f: {  	_ =	shalt  }
0x40: {  	_ =	shalt  }
0x41: {  	_ =	shalt  }
0x42: {  	_ =	shalt  }
0x43: {  	_ =	shalt  }
0x44: {  	_ =	shalt  }
0x45: {  	_ =	shalt  }
0x46: {  	_ =	shalt  }
0x47: {  	_ =	shalt  }
0x48: {  	_ =	shalt  }
0x49: {  	_ =	shalt  }
0x4a: {  	_ =	shalt  }
0x4b: {  	_ =	shalt  }
0x4c: {  	_ =	shalt  }
0x4d: {  	_ =	shalt  }
0x4e: {  	_ =	shalt  }
0x4f: {  	_ =	shalt  }
0x50: {  	_ =	shalt  }
0x51: {  	_ =	shalt  }
0x52: {  	_ =	shalt  }
0x53: {  	_ =	shalt  }
0x54: {  	_ =	shalt  }
0x55: {  	_ =	shalt  }
0x56: {  	_ =	shalt  }
0x57: {  	_ =	shalt  }
0x58: {  	_ =	shalt  }
0x59: {  	_ =	shalt  }
0x5a: {  	_ =	shalt  }
0x5b: {  	_ =	shalt  }
0x5c: {  	_ =	shalt  }
0x5d: {  	_ =	shalt  }
0x5e: {  	_ =	shalt  }
0x5f: {  	_ =	shalt  }
0x60: {  	_ =	shalt  }
0x61: {  	_ =	shalt  }
0x62: {  	_ =	shalt  }
0x63: {  	_ =	shalt  }
0x64: {  	_ =	shalt  }
0x65: {  	_ =	shalt  }
0x66: {  	_ =	shalt  }
0x67: {  	_ =	shalt  }
0x68: {  	_ =	shalt  }
0x69: {  	_ =	shalt  }
0x6a: {  	_ =	shalt  }
0x6b: {  	_ =	shalt  }
0x6c: {  	_ =	shalt  }
0x6d: {  	_ =	shalt  }
0x6e: {  	_ =	shalt  }
0x6f: {  	_ =	shalt  }
0x70: {  	_ =	shalt  }
0x71: {  	_ =	shalt  }
0x72: {  	_ =	shalt  }
0x73: {  	_ =	shalt  }
0x74: {  	_ =	shalt  }
0x75: {  	_ =	shalt  }
0x76: {  	_ =	shalt  }
0x77: {  	_ =	shalt  }
0x78: {  	_ =	shalt  }
0x79: {  	_ =	shalt  }
0x7a: {  	_ =	shalt  }
0x7b: {  	_ =	shalt  }
0x7c: {  	_ =	shalt  }
0x7d: {  	_ =	shalt  }
0x7e: {  	_ =	shalt  }
0x7f: {  	_ =	shalt  }
0x80: {  	_ =	shalt  }
0x81: {  	_ =	shalt  }
0x82: {  	_ =	shalt  }
0x83: {  	_ =	shalt  }
0x84: {  	_ =	shalt  }
0x85: {  	_ =	shalt  }
0x86: {  	_ =	shalt  }
0x87: {  	_ =	shalt  }
.Lfunc_end0:
.L_simem_size_0:
called_computation_lowered:
.L_overlay_start_0:
0x88: {  	s2 =	sld [smem:$0x3FD9]  }
0x89: {  	s3 =	sld [smem:$0x3FFE];
	_ =	sdelay $0x1  }
0x8a: {  	s1 =	srdreg.scid  }
0x8b: {  	s0 =	sand.u32 $0x1, s1  }
0x8c: {  	s14 =	sshll.u32 s0, $0xA;
	s2 =	sadd.s32 s3, s2  }
0x8d: {  	s2 =	sadd.s32 s2, s14  }
0x8e: {  	[smem:$0x3FC3] =	sst s2  }
0x8f: {  	_ = 	snop  }
0x90: {  	s2 =	sld [smem:$0x3FD0];
	_ =	sdelay $0x2  }
0x91: {  	s4 =	simm.s32 $0xA;
	s5 =	simm.s32 $0x10;
	s15 =	sld [smem:$0x3FC9]  }
0x92: {  	[smem:s5], [sflag:s4] =	dma.local [hbm:s2], $0x1  }
0x93: {  	_ =	swait.eq [sflag:s4], $0x1  }
0x94: {  	[sflag:s4] =	ssyncset.done $0x0  }
0x95: {  	[sflag:s4] =	ssyncadd.s32 $0xFFFFFFFF  }
0x96: {  	s16 =	sld [smem:$0x10];
	(tm) =	ssettm $0x1  }
0x97: {  	s17 =	sld [smem:$0x3FFB];
	_ =	sdelay $0x3  }
0x98: {  	_ =	strace s17  }
0x99: {  	s4 =	sld [smem:$0x3FFC];
	_ =	sdelay $0x3  }
0x9a: {  	_ =	strace s4  }
0x9b: {  	s4 =	sld [smem:$0x3FFD];
	_ =	sdelay $0x3  }
0x9c: {  	_ =	strace s4  }
0x9d: {  	_ =	strace $0x8FFFFFFF  }
0x9e: {  	s18 =	sld [smem:$0x3FDB];
	_ =	sdelay $0x1  }
0x9f: {  	s19 =	simm.s32 $_scs_section_size  }
0xa0: {  	s6 =	simm.s32 $_size__tile_overlayer_lowered;
	s7 =	simm.s32 $_tile_overlayer_lowered  }
0xa1: {  	s22 =	simm.s32 $0x1BFF;
	s21 =	sshll.u32 s7, $0x1;
	s4 =	sadd.s32 s19, s18  }
0xa2: {  	s8 =	simm.s32 $0x0;
	s20 =	sshll.u32 s6, $0x1;
	s6 =	sadd.s32 s21, s4  }
0xa3: {  	[timem:s8], [sflag:s22] =	dma.local [hbm:s6], s20  }
0xa4: {  	_ =	swait.ge [sflag:s22], s20  }
0xa5: {  	s5 =	ssub.s32 $0x0, s20;
	[sflag:s22] =	ssyncset.done $0x0  }
0xa6: {  	[sflag:s22] =	ssyncadd.s32 s5;
	_ =	sdelay $0x1  }
0xa7: {  	s23 =	simm.s32 $0x1B8B  }
0xa8: {  	_ =	swait.ge [sflag:s23], $0x1  }
0xa9: {  	[sflag:s23] =	ssyncset.done $0x0  }
0xaa: {  	s25 =	simm.s32 $0x1B8E;
	s24 =	sld [smem:$0x3FFE];
	[sflag:s23] =	ssyncadd.s32 $0xFFFFFFFF  }
0xab: {  	s26 =	simm.s32 $execute0_lowered;
	[smem:$0x3FD2] =	sst s25  }
0xac: {  	s6 =	sshll.u32 s26, $0x1;
	_ =	strace $0x80000046;
	[dreg:$0x1] =	wrdreg $0xFFFFFFFF  }
0xad: {  	s28 =	simm.s32 $_size_execute0_lowered;
	s4 =	sadd.s32 s4, s6;
	[dreg:$0x0] =	wrdreg $0x0  }
0xae: {  	s6 =	sshll.u32 s28, $0x1;
	[dreg:$0x2] =	wrdreg s4  }
0xaf: {  	[dreg:$0x3] =	wrdreg s6  }
0xb0: {  	[dreg:$0x4] =	wrdreg $0xC0  }
0xb1: {  	_ =	task [dreg:s8], $0x5FFFF  }
0xb2: {  	[dreg:$0x1] =	wrdreg $0xFFFFFFFF  }
0xb3: {  	[dreg:$0x0] =	wrdreg $0x60  }
0xb4: {  	[dreg:$0x2] =	wrdreg s15  }
0xb5: {  	[dreg:$0x3] =	wrdreg s16  }
0xb6: {  	[dreg:$0x4] =	wrdreg s24  }
0xb7: {  	[dreg:$0x5] =	wrdreg $0x9  }
0xb8: {  	_ =	task.clear_ibuf [dreg:s8], $0x6FFFF;
	_ =	strace $0x90000046  }
0xb9: {  	s29 =	simm.s32 $0x9;
	_ =	strace $0x80000048  }
0xba: {  	_ =	swait.ge [sflag:s29], $0x1  }
0xbb: {  	[sflag:s29] =	ssyncadd.s32 $0xFFFFFFFF  }
0xbc: {  	_ =	strace $0x90000048  }
0xbd: {  	_ =	sfence  }
0xbe: {  	s30 =	sld [smem:$0x0];
	_ =	sdelay $0x2  }
0xbf: {  	s31 =	sshll.u32 s1, $0xD;
	s1 =	sshrl.u32 s1, $0x2  }
0xc0: {  	s3 =	sand.u32 $0x4000, s31;
	s1 =	sadd.s32 s1, s30  }
0xc1: {  	s0 =	sor.u32 s3, s0;
	s1 =	sshll.u32 s1, $0x11  }
0xc2: {  	s0 =	sor.u32 s1, s0  }
0xc3: {  	s0 =	sadd.s32 $0x8F2B, s0  }
0xc4: {  	[sflag:s0] =	ssyncadd.remote.s32 $0x1  }
0xc5: {  	_ =	sfence.sel $0xFFFF  }
0xc6: {  	[dreg:$0x0] =	wrdreg $0xFFFFFFFF;
	(pc) =	sbr.abs _section_cstart, $3  }
0xc7: {  	[dreg:$0x1] =	wrdreg $0xFFFFFFFF  }
0xc8: {  	_ =	task.clear_ibuf [dreg:s8], $0x2FFFF;
	_ =	strace $0x9FFFFFFF  }
0xc9: {  	(tm) =	ssettm $0x7FFFFFFF  }
tec
execute0_lowered:
.L_overlay_start_1:
0x0: {  	(tag) =	ssettag $0x1  }
0x1: {  	s0 =	rddreg [dreg:$0x0]  }
0x2: {  	s1 =	rddreg [dreg:$0x1]  }
0x3: {  	s4 =	rddreg [dreg:$0x2]  }
0x4: {  	s3 =	srdreg.scid;
	s6 =	stileid.u32  }
0x5: {  	s2 =	simm.s32 $0x0;
	s11 =	simm.s32 $0x1;
	s29 =	simm.s32 $0x2  }
0x6: {  	s28 =	simm.s32 $0x2200;
	s30 =	simm.s32 $0x2A00;
	s31 =	simm.s32 $0x3200  }
0x7: {  	s20 =	simm.s32 $0x9200;
	s9 =	simm.s32 $0xAA00;
	s10 =	simm.s32 $0xB200  }
0x8: {  	s13 =	simm.s32 $0xC200;
	s14 =	simm.s32 $0xCA00;
	s15 =	simm.s32 $0xD200  }
0x9: {  	s16 =	simm.s32 $0xDA00;
	s17 =	simm.s32 $0xE200;
	s18 =	simm.s32 $0xEA00  }
0xa: {  	s19 =	simm.s32 $0xF200;
	s5 =	sand.u32 $0x1, s3;
	s21 =	sshll.u32 s6, $0x1  }
0xb: {  	[smem:$0x7FF] =	sst s2;
	s3 =	sadd.s32 $0x8000, s4;
	s6 =	sor.u32 s5, s21  }
0xc: {  	_ =	strace $0x80000047;
	s5 =	ssub.s32 $0x2, s5;
	s21 =	simm.s32 $0x9A00  }
0xd: {  	s7 =	sshll.u32 s6, $0xE;
	s6 =	sshll.u32 s6, $0x6;
	s23 =	sshrl.u32 s5, $0x1  }
0xe: {  	s7 =	sand.u32 $0x3C000, s7;
	s1 =	sadd.s32 s1, s6;
	s6 =	sadd.s32 $0x8200, s4  }
0xf: {  	s22 =	sadd.s32 s0, s7;
	[dreg:$0x4] =	wrdreg s1;
	s0 =	ssub.s32 s5, s23  }
0x10: {  	s5 =	sadd.s32 $0x8100, s4;
	s24 =	sadd.s32 $0x1000, s22;
	[dreg:$0x8] =	wrdreg s22  }
0x11: {  	s7 =	sadd.s32 $0x8300, s4;
	s25 =	sadd.s32 $0x2000, s22;
	[dreg:$0x5] =	wrdreg s24  }
0x12: {  	v2 =	vlaneseq.u32;
	s4 =	simm.s32 $0x8A00;
	s26 =	sadd.s32 $0x3000, s22;
	[dreg:$0x6] =	wrdreg s25  }
0x13: {  	vm0 =	vmmov $0xffff;
	v1 =	vshrl.u32 v2, $0x3;
	s8 =	smax.u32 s0, $0x1;
	s22 =	simm.s32 $0xA200;
	[dreg:$0x7] =	wrdreg s26  }
0x14: {  	v0 =	vand.u32 $0x7, v2;
	v2 =	vor.u32 $0x8, v2;
	v1 =	vmul.u32 $0x8, v1;
	s25 =	simm.s32 $0x1200;
	s26 =	simm.s32 $0x1A00;
	s24 =	simm.s32 $0xFA00  }
.LBB2_1:
0x15: {  	s23 =	rddreg [dreg:$0x4];
	s0 =	simm.s32 $0x3  }
0x16: {  	[tilespmem:s2], [sflag:$0x3] =	stream.linear.gather [hbm4b:s23+s2], $0x200, $0x38;
	[tilespmem:$0x10200] =	vst v63  }
0x17: {  	_ =	swait.ge [sflag:s0], $0x200  }
0x18: {  	[sflag:s0] =	ssyncset.done $0x0  }
0x19: {  	s12 =	simm.s32 $0x200;
	[sflag:s0] =	ssyncadd.s32 $0xFFFFFE00;
	s0 =	rddreg [dreg:$0x8]  }
0x1a: {  	[tilespmem:s12], [sflag:$0x1] =	stream.linear.gather [hbm4b:s0+s2], $0x8000, $0x38;
	[tilespmem:$0x10200] =	vst v63  }
0x1b: {  	_ =	swait.ge [sflag:s11], $0x8000  }
0x1c: {  	[sflag:s11] =	ssyncset.done $0x0  }
0x1d: {  	s0 =	simm.s32 $0x8200;
	s1 =	rddreg [dreg:$0x5];
	[sflag:s11] =	ssyncadd.s32 $0xFFFF8000  }
0x1e: {  	[tilespmem:s0], [sflag:$0x1] =	stream.linear.gather [hbm4b:s1+s2], $0x8000, $0x38;
	[tilespmem:$0x10200] =	vst v63  }
0x1f: {  	v3 =	vld [tilespmem:$0x0];
	_ =	sdelay $0x4  }
0x20: {  	v4 =	vshll.u32 v3, $0x3  }
0x21: {  	v3 =	vand.u32 $0x7, v3;
	v4 =	vand.u32 $0xFFFFFFC0, v4  }
0x22: {  	v3 =	vor.u32 v3, v4  }
0x23: {  	v4 =	vperm.xlane v3, v0;
	_ =	sdelay $0x1  }
0x24: {  	v4 =	vadd.s32 v1, v4;
	_ =	sdelay $0x4  }
0x25: {  	[hbm4b:s3+s2] =	stream.indirect_vreg.scatter [tilespmem:s12], [sflag:$0x2], $0x80, v4, vm0, $0xb8;
	[tilespmem:$0x10200] =	vst v63  }
0x26: {  	s1 =	simm.s32 $0xA00;
	v3 =	vperm.xlane v3, v2  }
0x27: {  	[hbm4b:s5+s2] =	stream.indirect_vreg.scatter [tilespmem:s1], [sflag:$0x2], $0x80, v4, vm0, $0xb8;
	[tilespmem:$0x10200] =	vst v63  }
0x28: {  	v3 =	vadd.s32 v1, v3  }
0x29: {  	[hbm4b:s6+s2] =	stream.indirect_vreg.scatter [tilespmem:s25], [sflag:$0x2], $0x80, v4, vm0, $0xb8;
	[tilespmem:$0x10200] =	vst v63  }
0x2a: {  	_ = 	snop  }
0x2b: {  	[hbm4b:s7+s2] =	stream.indirect_vreg.scatter [tilespmem:s26], [sflag:$0x2], $0x80, v4, vm0, $0xb8;
	[tilespmem:$0x10200] =	vst v63  }
0x2c: {  	_ = 	snop  }
0x2d: {  	[hbm4b:s3+s2] =	stream.indirect_vreg.scatter [tilespmem:s28], [sflag:$0x2], $0x80, v3, vm0, $0xb8;
	[tilespmem:$0x10200] =	vst v63  }
0x2e: {  	_ = 	snop  }
0x2f: {  	[hbm4b:s5+s2] =	stream.indirect_vreg.scatter [tilespmem:s30], [sflag:$0x2], $0x80, v3, vm0, $0xb8;
	[tilespmem:$0x10200] =	vst v63  }
0x30: {  	_ = 	snop  }
0x31: {  	[hbm4b:s6+s2] =	stream.indirect_vreg.scatter [tilespmem:s31], [sflag:$0x2], $0x80, v3, vm0, $0xb8;
	[tilespmem:$0x10200] =	vst v63  }
0x32: {  	s23 =	simm.s32 $0x3A00  }
0x33: {  	[hbm4b:s7+s2] =	stream.indirect_vreg.scatter [tilespmem:s23], [sflag:$0x2], $0x80, v3, vm0, $0xb8;
	[tilespmem:$0x10200] =	vst v63  }
0x34: {  	v3 =	vld [tilespmem:$0x10];
	_ =	sdelay $0x4  }
0x35: {  	v57 =	vshll.u32 v3, $0x3  }
0x36: {  	v3 =	vand.u32 $0x7, v3;
	v4 =	vand.u32 $0xFFFFFFC0, v57  }
0x37: {  	v3 =	vor.u32 v3, v4  }
0x38: {  	v4 =	vperm.xlane v3, v0;
	_ =	sdelay $0x1  }
0x39: {  	v4 =	vadd.s32 v1, v4;
	_ =	sdelay $0x3  }
0x3a: {  	s23 =	simm.s32 $0x4200  }
0x3b: {  	[hbm4b:s3+s2] =	stream.indirect_vreg.scatter [tilespmem:s23], [sflag:$0x2], $0x80, v4, vm0, $0xb8;
	[tilespmem:$0x10200] =	vst v63  }
0x3c: {  	v3 =	vperm.xlane v3, v2;
	s23 =	simm.s32 $0x4A00  }
0x3d: {  	[hbm4b:s5+s2] =	stream.indirect_vreg.scatter [tilespmem:s23], [sflag:$0x2], $0x80, v4, vm0, $0xb8;
	[tilespmem:$0x10200] =	vst v63  }
0x3e: {  	v3 =	vadd.s32 v1, v3;
	s23 =	simm.s32 $0x5200  }
0x3f: {  	[hbm4b:s6+s2] =	stream.indirect_vreg.scatter [tilespmem:s23], [sflag:$0x2], $0x80, v4, vm0, $0xb8;
	[tilespmem:$0x10200] =	vst v63  }
0x40: {  	s23 =	simm.s32 $0x5A00  }
0x41: {  	[hbm4b:s7+s2] =	stream.indirect_vreg.scatter [tilespmem:s23], [sflag:$0x2], $0x80, v4, vm0, $0xb8;
	[tilespmem:$0x10200] =	vst v63  }
0x42: {  	s23 =	simm.s32 $0x6200  }
0x43: {  	[hbm4b:s3+s2] =	stream.indirect_vreg.scatter [tilespmem:s23], [sflag:$0x2], $0x80, v3, vm0, $0xb8;
	[tilespmem:$0x10200] =	vst v63  }
0x44: {  	s23 =	simm.s32 $0x6A00  }
0x45: {  	[hbm4b:s5+s2] =	stream.indirect_vreg.scatter [tilespmem:s23], [sflag:$0x2], $0x80, v3, vm0, $0xb8;
	[tilespmem:$0x10200] =	vst v63  }
0x46: {  	s23 =	simm.s32 $0x7200  }
0x47: {  	[hbm4b:s6+s2] =	stream.indirect_vreg.scatter [tilespmem:s23], [sflag:$0x2], $0x80, v3, vm0, $0xb8;
	[tilespmem:$0x10200] =	vst v63  }
0x48: {  	s23 =	simm.s32 $0x7A00  }
0x49: {  	[hbm4b:s7+s2] =	stream.indirect_vreg.scatter [tilespmem:s23], [sflag:$0x2], $0x80, v3, vm0, $0xb8;
	[tilespmem:$0x10200] =	vst v63  }
0x4a: {  	_ =	swait.ge [sflag:s11], $0x8000  }
0x4b: {  	[sflag:s11] =	ssyncset.done $0x0  }
0x4c: {  	[sflag:s11] =	ssyncadd.s32 $0xFFFF8000  }
0x4d: {  	_ =	swait.ge [sflag:s29], $0x8000  }
0x4e: {  	[sflag:s29] =	ssyncset.done $0x0  }
0x4f: {  	s1 =	rddreg [dreg:$0x6];
	[sflag:s29] =	ssyncadd.s32 $0xFFFF8000  }
0x50: {  	[tilespmem:s12], [sflag:$0x1] =	stream.linear.gather [hbm4b:s1+s2], $0x8000, $0x38;
	[tilespmem:$0x10200] =	vst v63  }
0x51: {  	v3 =	vld [tilespmem:$0x80];
	_ =	sdelay $0x4  }
0x52: {  	v58 =	vshll.u32 v3, $0x3  }
0x53: {  	v3 =	vand.u32 $0x7, v3;
	v4 =	vand.u32 $0xFFFFFFC0, v58  }
0x54: {  	v3 =	vor.u32 v3, v4  }
0x55: {  	v4 =	vperm.xlane v3, v0;
	_ =	sdelay $0x1  }
0x56: {  	v4 =	vadd.s32 v1, v4;
	_ =	sdelay $0x4  }
0x57: {  	[hbm4b:s3+s2] =	stream.indirect_vreg.scatter [tilespmem:s0], [sflag:$0x2], $0x80, v4, vm0, $0xb8;
	[tilespmem:$0x10200] =	vst v63  }
0x58: {  	v3 =	vperm.xlane v3, v2  }
0x59: {  	[hbm4b:s5+s2] =	stream.indirect_vreg.scatter [tilespmem:s4], [sflag:$0x2], $0x80, v4, vm0, $0xb8;
	[tilespmem:$0x10200] =	vst v63  }
0x5a: {  	v3 =	vadd.s32 v1, v3  }
0x5b: {  	[hbm4b:s6+s2] =	stream.indirect_vreg.scatter [tilespmem:s20], [sflag:$0x2], $0x80, v4, vm0, $0xb8;
	[tilespmem:$0x10200] =	vst v63  }
0x5c: {  	_ = 	snop  }
0x5d: {  	[hbm4b:s7+s2] =	stream.indirect_vreg.scatter [tilespmem:s21], [sflag:$0x2], $0x80, v4, vm0, $0xb8;
	[tilespmem:$0x10200] =	vst v63  }
0x5e: {  	_ = 	snop  }
0x5f: {  	[hbm4b:s3+s2] =	stream.indirect_vreg.scatter [tilespmem:s22], [sflag:$0x2], $0x80, v3, vm0, $0xb8;
	[tilespmem:$0x10200] =	vst v63  }
0x60: {  	_ = 	snop  }
0x61: {  	[hbm4b:s5+s2] =	stream.indirect_vreg.scatter [tilespmem:s9], [sflag:$0x2], $0x80, v3, vm0, $0xb8;
	[tilespmem:$0x10200] =	vst v63  }
0x62: {  	_ = 	snop  }
0x63: {  	[hbm4b:s6+s2] =	stream.indirect_vreg.scatter [tilespmem:s10], [sflag:$0x2], $0x80, v3, vm0, $0xb8;
	[tilespmem:$0x10200] =	vst v63  }
0x64: {  	s1 =	simm.s32 $0xBA00  }
0x65: {  	[hbm4b:s7+s2] =	stream.indirect_vreg.scatter [tilespmem:s1], [sflag:$0x2], $0x80, v3, vm0, $0xb8;
	[tilespmem:$0x10200] =	vst v63  }
0x66: {  	v3 =	vld [tilespmem:$0x90];
	_ =	sdelay $0x4  }
0x67: {  	v59 =	vshll.u32 v3, $0x3  }
0x68: {  	v3 =	vand.u32 $0x7, v3;
	v4 =	vand.u32 $0xFFFFFFC0, v59  }
0x69: {  	v3 =	vor.u32 v3, v4  }
0x6a: {  	v4 =	vperm.xlane v3, v0;
	_ =	sdelay $0x1  }
0x6b: {  	v4 =	vadd.s32 v1, v4;
	_ =	sdelay $0x4  }
0x6c: {  	[hbm4b:s3+s2] =	stream.indirect_vreg.scatter [tilespmem:s13], [sflag:$0x2], $0x80, v4, vm0, $0xb8;
	[tilespmem:$0x10200] =	vst v63  }
0x6d: {  	v3 =	vperm.xlane v3, v2  }
0x6e: {  	[hbm4b:s5+s2] =	stream.indirect_vreg.scatter [tilespmem:s14], [sflag:$0x2], $0x80, v4, vm0, $0xb8;
	[tilespmem:$0x10200] =	vst v63  }
0x6f: {  	v3 =	vadd.s32 v1, v3  }
0x70: {  	[hbm4b:s6+s2] =	stream.indirect_vreg.scatter [tilespmem:s15], [sflag:$0x2], $0x80, v4, vm0, $0xb8;
	[tilespmem:$0x10200] =	vst v63  }
0x71: {  	_ = 	snop  }
0x72: {  	[hbm4b:s7+s2] =	stream.indirect_vreg.scatter [tilespmem:s16], [sflag:$0x2], $0x80, v4, vm0, $0xb8;
	[tilespmem:$0x10200] =	vst v63  }
0x73: {  	_ = 	snop  }
0x74: {  	[hbm4b:s3+s2] =	stream.indirect_vreg.scatter [tilespmem:s17], [sflag:$0x2], $0x80, v3, vm0, $0xb8;
	[tilespmem:$0x10200] =	vst v63  }
0x75: {  	_ = 	snop  }
0x76: {  	[hbm4b:s5+s2] =	stream.indirect_vreg.scatter [tilespmem:s18], [sflag:$0x2], $0x80, v3, vm0, $0xb8;
	[tilespmem:$0x10200] =	vst v63  }
0x77: {  	_ = 	snop  }
0x78: {  	[hbm4b:s6+s2] =	stream.indirect_vreg.scatter [tilespmem:s19], [sflag:$0x2], $0x80, v3, vm0, $0xb8;
	[tilespmem:$0x10200] =	vst v63  }
0x79: {  	_ = 	snop  }
0x7a: {  	[hbm4b:s7+s2] =	stream.indirect_vreg.scatter [tilespmem:s24], [sflag:$0x2], $0x80, v3, vm0, $0xb8;
	[tilespmem:$0x10200] =	vst v63  }
0x7b: {  	_ =	swait.ge [sflag:s11], $0x8000  }
0x7c: {  	[sflag:s11] =	ssyncset.done $0x0  }
0x7d: {  	[sflag:s11] =	ssyncadd.s32 $0xFFFF8000  }
0x7e: {  	_ =	swait.ge [sflag:s29], $0x8000  }
0x7f: {  	[sflag:s29] =	ssyncset.done $0x0  }
0x80: {  	s23 =	rddreg [dreg:$0x7];
	[sflag:s29] =	ssyncadd.s32 $0xFFFF8000  }
0x81: {  	[tilespmem:s0], [sflag:$0x1] =	stream.linear.gather [hbm4b:s23+s2], $0x8000, $0x38;
	[tilespmem:$0x10200] =	vst v63  }
0x82: {  	v3 =	vld [tilespmem:$0x100];
	_ =	sdelay $0x4  }
0x83: {  	v60 =	vshll.u32 v3, $0x3  }
0x84: {  	v3 =	vand.u32 $0x7, v3;
	v4 =	vand.u32 $0xFFFFFFC0, v60  }
0x85: {  	v3 =	vor.u32 v3, v4  }
0x86: {  	v4 =	vperm.xlane v3, v0;
	_ =	sdelay $0x1  }
0x87: {  	v4 =	vadd.s32 v1, v4;
	_ =	sdelay $0x4  }
0x88: {  	[hbm4b:s3+s2] =	stream.indirect_vreg.scatter [tilespmem:s12], [sflag:$0x2], $0x80, v4, vm0, $0xb8;
	[tilespmem:$0x10200] =	vst v63  }
0x89: {  	s23 =	simm.s32 $0xA00;
	v3 =	vperm.xlane v3, v2  }
0x8a: {  	[hbm4b:s5+s2] =	stream.indirect_vreg.scatter [tilespmem:s23], [sflag:$0x2], $0x80, v4, vm0, $0xb8;
	[tilespmem:$0x10200] =	vst v63  }
0x8b: {  	v3 =	vadd.s32 v1, v3  }
0x8c: {  	[hbm4b:s6+s2] =	stream.indirect_vreg.scatter [tilespmem:s25], [sflag:$0x2], $0x80, v4, vm0, $0xb8;
	[tilespmem:$0x10200] =	vst v63  }
0x8d: {  	_ = 	snop  }
0x8e: {  	[hbm4b:s7+s2] =	stream.indirect_vreg.scatter [tilespmem:s26], [sflag:$0x2], $0x80, v4, vm0, $0xb8;
	[tilespmem:$0x10200] =	vst v63  }
0x8f: {  	_ = 	snop  }
0x90: {  	[hbm4b:s3+s2] =	stream.indirect_vreg.scatter [tilespmem:s28], [sflag:$0x2], $0x80, v3, vm0, $0xb8;
	[tilespmem:$0x10200] =	vst v63  }
0x91: {  	_ = 	snop  }
0x92: {  	[hbm4b:s5+s2] =	stream.indirect_vreg.scatter [tilespmem:s30], [sflag:$0x2], $0x80, v3, vm0, $0xb8;
	[tilespmem:$0x10200] =	vst v63  }
0x93: {  	_ = 	snop  }
0x94: {  	[hbm4b:s6+s2] =	stream.indirect_vreg.scatter [tilespmem:s31], [sflag:$0x2], $0x80, v3, vm0, $0xb8;
	[tilespmem:$0x10200] =	vst v63  }
0x95: {  	s23 =	simm.s32 $0x3A00  }
0x96: {  	[hbm4b:s7+s2] =	stream.indirect_vreg.scatter [tilespmem:s23], [sflag:$0x2], $0x80, v3, vm0, $0xb8;
	[tilespmem:$0x10200] =	vst v63  }
0x97: {  	v3 =	vld [tilespmem:$0x110];
	_ =	sdelay $0x4  }
0x98: {  	v61 =	vshll.u32 v3, $0x3  }
0x99: {  	v3 =	vand.u32 $0x7, v3;
	v4 =	vand.u32 $0xFFFFFFC0, v61  }
0x9a: {  	v3 =	vor.u32 v3, v4  }
0x9b: {  	v4 =	vperm.xlane v3, v0;
	_ =	sdelay $0x1  }
0x9c: {  	v4 =	vadd.s32 v1, v4;
	_ =	sdelay $0x3  }
0x9d: {  	s23 =	simm.s32 $0x4200  }
0x9e: {  	[hbm4b:s3+s2] =	stream.indirect_vreg.scatter [tilespmem:s23], [sflag:$0x2], $0x80, v4, vm0, $0xb8;
	[tilespmem:$0x10200] =	vst v63  }
0x9f: {  	v3 =	vperm.xlane v3, v2;
	s23 =	simm.s32 $0x4A00  }
0xa0: {  	[hbm4b:s5+s2] =	stream.indirect_vreg.scatter [tilespmem:s23], [sflag:$0x2], $0x80, v4, vm0, $0xb8;
	[tilespmem:$0x10200] =	vst v63  }
0xa1: {  	v3 =	vadd.s32 v1, v3;
	s23 =	simm.s32 $0x5200  }
0xa2: {  	[hbm4b:s6+s2] =	stream.indirect_vreg.scatter [tilespmem:s23], [sflag:$0x2], $0x80, v4, vm0, $0xb8;
	[tilespmem:$0x10200] =	vst v63  }
0xa3: {  	s23 =	simm.s32 $0x5A00  }
0xa4: {  	[hbm4b:s7+s2] =	stream.indirect_vreg.scatter [tilespmem:s23], [sflag:$0x2], $0x80, v4, vm0, $0xb8;
	[tilespmem:$0x10200] =	vst v63  }
0xa5: {  	s23 =	simm.s32 $0x6200  }
0xa6: {  	[hbm4b:s3+s2] =	stream.indirect_vreg.scatter [tilespmem:s23], [sflag:$0x2], $0x80, v3, vm0, $0xb8;
	[tilespmem:$0x10200] =	vst v63  }
0xa7: {  	s23 =	simm.s32 $0x6A00  }
0xa8: {  	[hbm4b:s5+s2] =	stream.indirect_vreg.scatter [tilespmem:s23], [sflag:$0x2], $0x80, v3, vm0, $0xb8;
	[tilespmem:$0x10200] =	vst v63  }
0xa9: {  	s23 =	simm.s32 $0x7200  }
0xaa: {  	[hbm4b:s6+s2] =	stream.indirect_vreg.scatter [tilespmem:s23], [sflag:$0x2], $0x80, v3, vm0, $0xb8;
	[tilespmem:$0x10200] =	vst v63  }
0xab: {  	s23 =	simm.s32 $0x7A00  }
0xac: {  	[hbm4b:s7+s2] =	stream.indirect_vreg.scatter [tilespmem:s23], [sflag:$0x2], $0x80, v3, vm0, $0xb8;
	[tilespmem:$0x10200] =	vst v63  }
0xad: {  	_ =	swait.ge [sflag:s11], $0x8000  }
0xae: {  	[sflag:s11] =	ssyncset.done $0x0  }
0xaf: {  	[sflag:s11] =	ssyncadd.s32 $0xFFFF8000  }
0xb0: {  	_ =	swait.ge [sflag:s29], $0x8000  }
0xb1: {  	[sflag:s29] =	ssyncset.done $0x0  }
0xb2: {  	[sflag:s29] =	ssyncadd.s32 $0xFFFF8000  }
0xb3: {  	v3 =	vld [tilespmem:$0x180];
	_ =	sdelay $0x4  }
0xb4: {  	v62 =	vshll.u32 v3, $0x3  }
0xb5: {  	v3 =	vand.u32 $0x7, v3;
	v4 =	vand.u32 $0xFFFFFFC0, v62  }
0xb6: {  	v3 =	vor.u32 v3, v4  }
0xb7: {  	v4 =	vperm.xlane v3, v0;
	_ =	sdelay $0x1  }
0xb8: {  	v4 =	vadd.s32 v1, v4;
	_ =	sdelay $0x4  }
0xb9: {  	[hbm4b:s3+s2] =	stream.indirect_vreg.scatter [tilespmem:s0], [sflag:$0x2], $0x80, v4, vm0, $0xb8;
	[tilespmem:$0x10200] =	vst v63  }
0xba: {  	v3 =	vperm.xlane v3, v2  }
0xbb: {  	[hbm4b:s5+s2] =	stream.indirect_vreg.scatter [tilespmem:s4], [sflag:$0x2], $0x80, v4, vm0, $0xb8;
	[tilespmem:$0x10200] =	vst v63  }
0xbc: {  	v3 =	vadd.s32 v1, v3  }
0xbd: {  	[hbm4b:s6+s2] =	stream.indirect_vreg.scatter [tilespmem:s20], [sflag:$0x2], $0x80, v4, vm0, $0xb8;
	[tilespmem:$0x10200] =	vst v63  }
0xbe: {  	_ = 	snop  }
0xbf: {  	[hbm4b:s7+s2] =	stream.indirect_vreg.scatter [tilespmem:s21], [sflag:$0x2], $0x80, v4, vm0, $0xb8;
	[tilespmem:$0x10200] =	vst v63  }
0xc0: {  	_ = 	snop  }
0xc1: {  	[hbm4b:s3+s2] =	stream.indirect_vreg.scatter [tilespmem:s22], [sflag:$0x2], $0x80, v3, vm0, $0xb8;
	[tilespmem:$0x10200] =	vst v63  }
0xc2: {  	_ = 	snop  }
0xc3: {  	[hbm4b:s5+s2] =	stream.indirect_vreg.scatter [tilespmem:s9], [sflag:$0x2], $0x80, v3, vm0, $0xb8;
	[tilespmem:$0x10200] =	vst v63  }
0xc4: {  	_ = 	snop  }
0xc5: {  	[hbm4b:s6+s2] =	stream.indirect_vreg.scatter [tilespmem:s10], [sflag:$0x2], $0x80, v3, vm0, $0xb8;
	[tilespmem:$0x10200] =	vst v63  }
0xc6: {  	_ = 	snop  }
0xc7: {  	[hbm4b:s7+s2] =	stream.indirect_vreg.scatter [tilespmem:s1], [sflag:$0x2], $0x80, v3, vm0, $0xb8;
	[tilespmem:$0x10200] =	vst v63  }
0xc8: {  	v3 =	vld [tilespmem:$0x190];
	_ =	sdelay $0x4  }
0xc9: {  	v63 =	vshll.u32 v3, $0x3  }
0xca: {  	v3 =	vand.u32 $0x7, v3;
	v4 =	vand.u32 $0xFFFFFFC0, v63  }
0xcb: {  	v3 =	vor.u32 v3, v4  }
0xcc: {  	v4 =	vperm.xlane v3, v0;
	_ =	sdelay $0x1  }
0xcd: {  	v4 =	vadd.s32 v1, v4;
	_ =	sdelay $0x4  }
0xce: {  	[hbm4b:s3+s2] =	stream.indirect_vreg.scatter [tilespmem:s13], [sflag:$0x2], $0x80, v4, vm0, $0xb8;
	[tilespmem:$0x10200] =	vst v63  }
0xcf: {  	v3 =	vperm.xlane v3, v2  }
0xd0: {  	[hbm4b:s5+s2] =	stream.indirect_vreg.scatter [tilespmem:s14], [sflag:$0x2], $0x80, v4, vm0, $0xb8;
	[tilespmem:$0x10200] =	vst v63  }
0xd1: {  	v3 =	vadd.s32 v1, v3  }
0xd2: {  	[hbm4b:s6+s2] =	stream.indirect_vreg.scatter [tilespmem:s15], [sflag:$0x2], $0x80, v4, vm0, $0xb8;
	[tilespmem:$0x10200] =	vst v63  }
0xd3: {  	_ = 	snop  }
0xd4: {  	[hbm4b:s7+s2] =	stream.indirect_vreg.scatter [tilespmem:s16], [sflag:$0x2], $0x80, v4, vm0, $0xb8;
	[tilespmem:$0x10200] =	vst v63  }
0xd5: {  	_ = 	snop  }
0xd6: {  	[hbm4b:s3+s2] =	stream.indirect_vreg.scatter [tilespmem:s17], [sflag:$0x2], $0x80, v3, vm0, $0xb8;
	[tilespmem:$0x10200] =	vst v63  }
0xd7: {  	_ = 	snop  }
0xd8: {  	[hbm4b:s5+s2] =	stream.indirect_vreg.scatter [tilespmem:s18], [sflag:$0x2], $0x80, v3, vm0, $0xb8;
	[tilespmem:$0x10200] =	vst v63  }
0xd9: {  	p0 =	sne.s32 s8, $0x1  }
0xda: {  	[hbm4b:s6+s2] =	stream.indirect_vreg.scatter [tilespmem:s19], [sflag:$0x2], $0x80, v3, vm0, $0xb8;
	[tilespmem:$0x10200] =	vst v63  }
.Ltmp0:
0xdb: {  	_ = 	snop;
	(pc) =	sbr.rel @p0 .LBB2_1-.Ltmp0, $4  }
0xdc: {  	[hbm4b:s7+s2] =	stream.indirect_vreg.scatter [tilespmem:s24], [sflag:$0x2], $0x80, v3, vm0, $0xb8;
	[tilespmem:$0x10200] =	vst v63  }
0xdd: {  	_ =	swait.ge [sflag:s29], $0x8000  }
0xde: {  	[sflag:s29] =	ssyncset.done $0x0  }
0xdf: {  	s8 =	sadd.s32 $0xFFFFFFFF, s8;
	[sflag:s29] =	ssyncadd.s32 $0xFFFF8000  }
0xe0: {  	_ =	sfence.sel $0x180000  }
0xe1: {  	[bflag:$0x0] =	sbarrier.arrive $0xFFFF  }
0xe2: {  	_ =	strace $0x90000047  }
0xe3: {  	s0 =	stileid.u32;
	[bflag:$0x2] =	sbarrier.arrive $0xFFFF  }
0xe4: {  	p0 =	sne.s32 s0, $0x0;
	s0 =	rddreg [dreg:$0x3]  }
0xe5: {  	s0 =	sadd.s32 @!p0 $0x100000, s0  }
0xe6: {  	[sflag:s0] =	ssyncadd.tile.s32 @!p0 $0x1;
	_ =	shalt  }
.Lfunc_end2:
_tile_overlayer_lowered:
.L_overlay_start_2:
0xe7: {  	(tag) =	ssettag $0x2  }
0xe8: {  	s0 =	rddreg [dreg:$0x0];
	s2 =	stileid.u32  }
0xe9: {  	s1 =	rddreg [dreg:$0x1];
	p0 =	sne.s32 s2, $0x0  }
0xea: {  	s3 =	rddreg [dreg:$0x2];
	[bflag:$0x3] =	sbarrier.arrive $0xFFFF;
	s2 =	simm.s32 @!p0 $0x1C03  }
0xeb: {  	[timem:s3], [sflag:s2] =	dma.local @!p0 [hbm:s0], s1  }
0xec: {  	s0 =	simm.s32 @!p0 $0x3  }
0xed: {  	_ =	swait.ge @!p0 [sflag:s0], s1  }
0xee: {  	s1 =	ssub.s32 @!p0 $0x0, s1;
	[sflag:s0] =	ssyncset.done @!p0 $0x0  }
0xef: {  	[sflag:s0] =	ssyncadd.s32 @!p0 s1  }
0xf0: {  	[bflag:$0x3] =	sbarrier.arrive $0xFFFF  }
0xf1: {  	_ =	shalt  }

// kernel: kernel.9.cloned.1.call-start
scs
__scs_entry_jumppad:
0x0: {  	(pc) =	sbr.rel $0x88, $3  }
0x1: {  	(tag) =	ssettag $0x0;
	lr =	simm.s32 $0x1  }
0x2: {  	[smem:$0x3F9C] =	sst lr;
	_ =	strace $0xD0000000  }
0x3: {  	_ = 	snop  }
0x4: {  	_ = 	snop  }
0x5: {  	_ = 	snop  }
0x6: {  	_ = 	snop  }
0x7: {  	_ = 	snop  }
__scs_overlays_trampoline_lowered:
0x8: {  	[smem:$0x3FAB] =	sst s0  }
0x9: {  	[smem:$0x3FAC] =	sst s1  }
0xa: {  	[smem:$0x3FAD] =	sst s2  }
0xb: {  	[smem:$0x3FAE] =	sst s3  }
0xc: {  	[smem:$0x3FAF] =	sst s4  }
0xd: {  	[smem:$0x3FB0] =	sst s5  }
0xe: {  	[smem:$0x3FB1] =	sst s6  }
0xf: {  	[smem:$0x3FB2] =	sst s7  }
0x10: {  	[smem:$0x3FB3] =	sst s8  }
0x11: {  	[smem:$0x3FB4] =	sst s9;
	s0 =	simm.s32 @!p0 $0x0  }
0x12: {  	s1 =	sld [smem:$0x3F9A];
	s0 =	simm.s32 @p0 $0x1  }
0x13: {  	[smem:$0x3FB5] =	sst s0;
	s0 =	simm.s32 @!p1 $0x0  }
0x14: {  	s2 =	sld [smem:$0x3F99];
	s0 =	simm.s32 @p1 $0x1  }
0x15: {  	[smem:$0x3FB6] =	sst s0;
	s0 =	simm.s32 @!p2 $0x0  }
0x16: {  	s3 =	sld [smem:$0x3FDB];
	s0 =	simm.s32 @p2 $0x1  }
0x17: {  	s4 =	simm.s32 $0x1BF5;
	[smem:$0x3FB8] =	sst s0  }
0x18: {  	s0 =	sld [smem:$0x3F9B];
	_ =	swait.ge [sflag:s4], $0x0  }
0x19: {  	s7 =	sld [smem:$0x3F9C]  }
0x1a: {  	s8 =	sadd.s32 $0xFFFFE003, lr  }
0x1b: {  	s9 =	sadd.s32 $0xFFFFFEF7, lr;
	s5 =	simm.s32 $0xFFFFFFFF;
	p2 =	slt.u32 s8, $0xFFFFF086  }
0x1c: {  	p1 =	slt.u32 s9, $0xF7A;
	s5 =	simm.s32 @!p2 $0x0  }
0x1d: {  	s5 =	simm.s32 @p1 $0x1;
	p0 =	seq.s32 s7, s2  }
0x1e: {  	s7 =	smul.u32 @!p0 $0xF7A, s2;
	p2 =	seq.s32 @!p0 s5, $0x0  }
0x1f: {  	s9 =	smul.u32 $0xF7A, s1;
	s8 =	simm.s32 @!p0 $0x1BF5;
	p2 =	por !p2, p0  }
0x20: {  	[sflag:s8] =	ssyncset.s32 @!p0 $0xFFFFF086;
	s6 =	sadd.s32 @!p0 s3, s7;
	s7 =	simm.s32 @!p0 $0x108  }
0x21: {  	s3 =	sadd.s32 s3, s9;
	s6 =	sadd.s32 @!p0 $0x88, s6;
	s7 =	simm.s32 @p2 $0x1082  }
0x22: {  	[simem:s7], [sflag:s8] =	dma.local @!p0 [hbm:s6], $0xF7A  }
0x23: {  	s9 =	sor.u32 $0xD0000000, s2;
	s6 =	simm.s32 $0x108;
	_ =	swait.ge @!p0 [sflag:s8], $0x0  }
0x24: {  	s3 =	sadd.s32 $0x88, s3;
	s6 =	simm.s32 @!p1 $0x1082;
	[sflag:s4] =	ssyncset.s32 $0xFFFFF086  }
0x25: {  	[simem:s6], [sflag:s4] =	dma.local [hbm:s3], $0xF7A  }
0x26: {  	[smem:$0x3F9C] =	sst s1;
	(tag) =	ssettag s2;
	_ =	strace s9  }
0x27: {  	s1 =	sld [smem:$0x3FAC]  }
0x28: {  	s2 =	sld [smem:$0x3FAD]  }
0x29: {  	s4 =	sld [smem:$0x3FAF]  }
0x2a: {  	p0 =	seq.s32 s5, $0x0;
	s5 =	sld [smem:$0x3FB0]  }
0x2b: {  	s6 =	sld [smem:$0x3FB1]  }
0x2c: {  	s7 =	sld [smem:$0x3FB2]  }
0x2d: {  	s3 =	simm.s32 $0x108;
	s8 =	sld [smem:$0x3FB3]  }
0x2e: {  	s3 =	simm.s32 @!p0 $0x1082;
	s9 =	sld [smem:$0x3FB4]  }
0x2f: {  	lr =	sadd.s32 s0, s3;
	s0 =	sld [smem:$0x3FAB]  }
0x30: {  	s3 =	sld [smem:$0x3FAE]  }
0x31: {  	[smem:$0x3FB7] =	sst s10  }
0x32: {  	s10 =	sld [smem:$0x3FB5];
	_ =	sdelay $0x3  }
0x33: {  	p0 =	seq.s32 s10, $0x1;
	s10 =	sld [smem:$0x3FB7];
	_ =	sdelay $0x3  }
0x34: {  	[smem:$0x3FB7] =	sst s10  }
0x35: {  	s10 =	sld [smem:$0x3FB6];
	_ =	sdelay $0x3  }
0x36: {  	p1 =	seq.s32 s10, $0x1;
	s10 =	sld [smem:$0x3FB7];
	_ =	sdelay $0x3  }
0x37: {  	[smem:$0x3FB7] =	sst s10  }
0x38: {  	s10 =	sld [smem:$0x3FB8]  }
0x39: {  	_ = 	snop;
	(pc) =	sbr.ind lr, $3  }
0x3a: {  	_ = 	snop  }
0x3b: {  	_ = 	snop  }
0x3c: {  	p2 =	seq.s32 s10, $0x1;
	s10 =	sld [smem:$0x3FB7]  }
0x3d: {  	_ =	shalt  }
0x3e: {  	_ =	shalt  }
0x3f: {  	_ =	shalt  }
0x40: {  	_ =	shalt  }
0x41: {  	_ =	shalt  }
0x42: {  	_ =	shalt  }
0x43: {  	_ =	shalt  }
0x44: {  	_ =	shalt  }
0x45: {  	_ =	shalt  }
0x46: {  	_ =	shalt  }
0x47: {  	_ =	shalt  }
0x48: {  	_ =	shalt  }
0x49: {  	_ =	shalt  }
0x4a: {  	_ =	shalt  }
0x4b: {  	_ =	shalt  }
0x4c: {  	_ =	shalt  }
0x4d: {  	_ =	shalt  }
0x4e: {  	_ =	shalt  }
0x4f: {  	_ =	shalt  }
0x50: {  	_ =	shalt  }
0x51: {  	_ =	shalt  }
0x52: {  	_ =	shalt  }
0x53: {  	_ =	shalt  }
0x54: {  	_ =	shalt  }
0x55: {  	_ =	shalt  }
0x56: {  	_ =	shalt  }
0x57: {  	_ =	shalt  }
0x58: {  	_ =	shalt  }
0x59: {  	_ =	shalt  }
0x5a: {  	_ =	shalt  }
0x5b: {  	_ =	shalt  }
0x5c: {  	_ =	shalt  }
0x5d: {  	_ =	shalt  }
0x5e: {  	_ =	shalt  }
0x5f: {  	_ =	shalt  }
0x60: {  	_ =	shalt  }
0x61: {  	_ =	shalt  }
0x62: {  	_ =	shalt  }
0x63: {  	_ =	shalt  }
0x64: {  	_ =	shalt  }
0x65: {  	_ =	shalt  }
0x66: {  	_ =	shalt  }
0x67: {  	_ =	shalt  }
0x68: {  	_ =	shalt  }
0x69: {  	_ =	shalt  }
0x6a: {  	_ =	shalt  }
0x6b: {  	_ =	shalt  }
0x6c: {  	_ =	shalt  }
0x6d: {  	_ =	shalt  }
0x6e: {  	_ =	shalt  }
0x6f: {  	_ =	shalt  }
0x70: {  	_ =	shalt  }
0x71: {  	_ =	shalt  }
0x72: {  	_ =	shalt  }
0x73: {  	_ =	shalt  }
0x74: {  	_ =	shalt  }
0x75: {  	_ =	shalt  }
0x76: {  	_ =	shalt  }
0x77: {  	_ =	shalt  }
0x78: {  	_ =	shalt  }
0x79: {  	_ =	shalt  }
0x7a: {  	_ =	shalt  }
0x7b: {  	_ =	shalt  }
0x7c: {  	_ =	shalt  }
0x7d: {  	_ =	shalt  }
0x7e: {  	_ =	shalt  }
0x7f: {  	_ =	shalt  }
0x80: {  	_ =	shalt  }
0x81: {  	_ =	shalt  }
0x82: {  	_ =	shalt  }
0x83: {  	_ =	shalt  }
0x84: {  	_ =	shalt  }
0x85: {  	_ =	shalt  }
0x86: {  	_ =	shalt  }
0x87: {  	_ =	shalt  }
.Lfunc_end0:
.L_simem_size_0:
called_computation.1_lowered:
.L_overlay_start_0:
0x88: {  	s2 =	sld [smem:$0x3FD9]  }
0x89: {  	s3 =	sld [smem:$0x3FFE];
	_ =	sdelay $0x1  }
0x8a: {  	s1 =	srdreg.scid  }
0x8b: {  	s0 =	sand.u32 $0x1, s1  }
0x8c: {  	s14 =	sshll.u32 s0, $0xA;
	s2 =	sadd.s32 s3, s2  }
0x8d: {  	s2 =	sadd.s32 s2, s14  }
0x8e: {  	[smem:$0x3FC3] =	sst s2  }
0x8f: {  	_ = 	snop  }
0x90: {  	s2 =	sld [smem:$0x3FD0];
	_ =	sdelay $0x2  }
0x91: {  	s15 =	simm.s32 $0xA;
	s4 =	simm.s32 $0x10  }
0x92: {  	[smem:s4], [sflag:s15] =	dma.local [hbm:s2], $0x1  }
0x93: {  	_ =	swait.eq [sflag:s15], $0x1  }
0x94: {  	[sflag:s15] =	ssyncset.done $0x0  }
0x95: {  	[sflag:s15] =	ssyncadd.s32 $0xFFFFFFFF  }
0x96: {  	s16 =	sld [smem:$0x10];
	(tm) =	ssettm $0x1  }
0x97: {  	s17 =	sld [smem:$0x3FFB];
	_ =	sdelay $0x3  }
0x98: {  	_ =	strace s17  }
0x99: {  	s3 =	sld [smem:$0x3FFC];
	_ =	sdelay $0x3  }
0x9a: {  	_ =	strace s3  }
0x9b: {  	s3 =	sld [smem:$0x3FFD];
	_ =	sdelay $0x3  }
0x9c: {  	_ =	strace s3  }
0x9d: {  	_ =	strace $0x8FFFFFFF  }
0x9e: {  	s18 =	sld [smem:$0x3FDB];
	_ =	sdelay $0x1  }
0x9f: {  	s19 =	simm.s32 $_scs_section_size  }
0xa0: {  	s5 =	simm.s32 $_size__tile_overlayer_lowered;
	s6 =	simm.s32 $_tile_overlayer_lowered  }
0xa1: {  	s22 =	simm.s32 $0x1BFF;
	s21 =	sshll.u32 s6, $0x1;
	s3 =	sadd.s32 s19, s18  }
0xa2: {  	s7 =	simm.s32 $0x0;
	s20 =	sshll.u32 s5, $0x1;
	s5 =	sadd.s32 s21, s3  }
0xa3: {  	[timem:s7], [sflag:s22] =	dma.local [hbm:s5], s20  }
0xa4: {  	_ =	swait.ge [sflag:s22], s20  }
0xa5: {  	s4 =	ssub.s32 $0x0, s20;
	[sflag:s22] =	ssyncset.done $0x0  }
0xa6: {  	[sflag:s22] =	ssyncadd.s32 s4;
	_ =	sdelay $0x1  }
0xa7: {  	s23 =	simm.s32 $0x1B8B  }
0xa8: {  	_ =	swait.ge [sflag:s23], $0x1  }
0xa9: {  	[sflag:s23] =	ssyncset.done $0x0  }
0xaa: {  	s25 =	simm.s32 $0x1B8E;
	s24 =	sld [smem:$0x3FFE];
	[sflag:s23] =	ssyncadd.s32 $0xFFFFFFFF  }
0xab: {  	s26 =	simm.s32 $execute0_lowered;
	[smem:$0x3FD2] =	sst s25  }
0xac: {  	s5 =	sshll.u32 s26, $0x1;
	_ =	strace $0x80000049;
	[dreg:$0x1] =	wrdreg $0xFFFFFFFF  }
0xad: {  	s28 =	simm.s32 $_size_execute0_lowered;
	s3 =	sadd.s32 s3, s5;
	[dreg:$0x0] =	wrdreg $0x0  }
0xae: {  	s5 =	sshll.u32 s28, $0x1;
	[dreg:$0x2] =	wrdreg s3  }
0xaf: {  	[dreg:$0x3] =	wrdreg s5  }
0xb0: {  	[dreg:$0x4] =	wrdreg $0xC0  }
0xb1: {  	_ =	task [dreg:s7], $0x5FFFF  }
0xb2: {  	[dreg:$0x1] =	wrdreg $0xFFFFFFFF  }
0xb3: {  	[dreg:$0x0] =	wrdreg $0x60  }
0xb4: {  	[dreg:$0x2] =	wrdreg s24  }
0xb5: {  	[dreg:$0x3] =	wrdreg s16  }
0xb6: {  	[dreg:$0x4] =	wrdreg $0x9  }
0xb7: {  	_ =	task.clear_ibuf [dreg:s7], $0x5FFFF;
	_ =	strace $0x90000049  }
0xb8: {  	s29 =	simm.s32 $0x9;
	_ =	strace $0x8000004B  }
0xb9: {  	_ =	swait.ge [sflag:s29], $0x1  }
0xba: {  	[sflag:s29] =	ssyncadd.s32 $0xFFFFFFFF  }
0xbb: {  	_ =	strace $0x9000004B  }
0xbc: {  	_ =	sfence  }
0xbd: {  	s30 =	sld [smem:$0x0];
	_ =	sdelay $0x2  }
0xbe: {  	s31 =	sshll.u32 s1, $0xD;
	s1 =	sshrl.u32 s1, $0x2  }
0xbf: {  	s3 =	sand.u32 $0x4000, s31;
	s1 =	sadd.s32 s1, s30  }
0xc0: {  	s0 =	sor.u32 s3, s0;
	s1 =	sshll.u32 s1, $0x11  }
0xc1: {  	s0 =	sor.u32 s1, s0  }
0xc2: {  	s0 =	sadd.s32 $0x8F2B, s0  }
0xc3: {  	[sflag:s0] =	ssyncadd.remote.s32 $0x1  }
0xc4: {  	_ =	sfence.sel $0xFFFF  }
0xc5: {  	[dreg:$0x0] =	wrdreg $0xFFFFFFFF;
	(pc) =	sbr.abs _section_cstart, $3  }
0xc6: {  	[dreg:$0x1] =	wrdreg $0xFFFFFFFF  }
0xc7: {  	_ =	task.clear_ibuf [dreg:s7], $0x2FFFF;
	_ =	strace $0x9FFFFFFF  }
0xc8: {  	(tm) =	ssettm $0x7FFFFFFF  }
0xc9: {  	_ =	shalt  }
tec
execute0_lowered:
.L_overlay_start_1:
0x0: {  	(tag) =	ssettag $0x1  }
0x1: {  	s0 =	rddreg [dreg:$0x0]  }
0x2: {  	s1 =	rddreg [dreg:$0x1];
	s2 =	simm.s32 $0x0  }
0x3: {  	s3 =	srdreg.scid;
	s5 =	stileid.u32;
	s16 =	simm.s32 $0x5  }
0x4: {  	s20 =	simm.s32 $0x1;
	s21 =	simm.s32 $0x2;
	s19 =	simm.s32 $0x12C00  }
0x5: {  	s22 =	simm.s32 $0x13400;
	s23 =	simm.s32 $0x13C00;
	s24 =	simm.s32 $0x14400  }
0x6: {  	s25 =	simm.s32 $0x18400;
	s26 =	simm.s32 $0x3;
	s28 =	simm.s32 $0x4  }
0x7: {  	s29 =	simm.s32 $0x0;
	[smem:$0x7FF] =	sst s2;
	s4 =	sand.u32 $0x1, s3  }
0x8: {  	s5 =	sshll.u32 s5, $0x1;
	s3 =	sadd.s32 $0x10C000, s0;
	s9 =	sadd.s32 $0x10C200, s0  }
0x9: {  	s11 =	sadd.s32 $0x10C300, s0;
	_ =	strace $0x8000004A;
	s8 =	sor.u32 s4, s5  }
0xa: {  	s4 =	ssub.s32 $0x2, s4;
	s5 =	sshll.u32 s8, $0x6;
	s6 =	sshll.u32 s8, $0xA  }
0xb: {  	s31 =	sshrl.u32 s4, $0x1;
	s10 =	sshll.u32 s8, $0xD;
	s8 =	sadd.s32 $0x10C100, s0  }
0xc: {  	s5 =	sadd.s32 s5, s0;
	s7 =	sadd.s32 s6, s0;
	s15 =	ssub.s32 s4, s31  }
0xd: {  	v2 =	vlaneseq.u32;
	s10 =	sadd.s32 s1, s10;
	s4 =	sadd.s32 $0x10A000, s5;
	s5 =	sadd.s32 $0x10A800, s5  }
0xe: {  	vm0 =	vmmov $0xffff;
	v1 =	vshrl.u32 v2, $0x3;
	s6 =	sadd.s32 $0x8000, s7;
	s7 =	sadd.s32 $0x10000, s7;
	s12 =	sadd.s32 $0x800, s10  }
0xf: {  	v0 =	vand.u32 $0x7, v2;
	v2 =	vor.u32 $0x8, v2;
	v1 =	vmul.u32 $0x8, v1;
	s13 =	sadd.s32 $0x1000, s10;
	s14 =	sadd.s32 $0x1800, s10;
	s15 =	smax.u32 s15, $0x1  }
.LBB2_1:
0x10: {  	[tilespmem:s2], [sflag:$0x5] =	stream.linear.gather [hbm4b:s4+s2], $0x200, $0x38;
	[tilespmem:$0x1C400] =	vst v63  }
0x11: {  	_ =	swait.ge [sflag:s16], $0x200  }
0x12: {  	[sflag:s16] =	ssyncset.done $0x0  }
0x13: {  	s0 =	simm.s32 $0x200;
	[sflag:s16] =	ssyncadd.s32 $0xFFFFFE00  }
0x14: {  	[tilespmem:s0], [sflag:$0x5] =	stream.linear.gather [hbm4b:s5+s2], $0x200, $0x38;
	[tilespmem:$0x1C400] =	vst v63  }
0x15: {  	_ =	swait.ge [sflag:s16], $0x200  }
0x16: {  	[sflag:s16] =	ssyncset.done $0x0  }
0x17: {  	s17 =	simm.s32 $0x400;
	[sflag:s16] =	ssyncadd.s32 $0xFFFFFE00  }
0x18: {  	[tilespmem:s17], [sflag:$0x5] =	stream.linear.gather [hbm4b:s6+s2], $0x2000, $0x38;
	[tilespmem:$0x1C400] =	vst v63  }
0x19: {  	_ =	swait.ge [sflag:s16], $0x2000  }
0x1a: {  	[sflag:s16] =	ssyncset.done $0x0  }
0x1b: {  	s18 =	simm.s32 $0x2400;
	[sflag:s16] =	ssyncadd.s32 $0xFFFFE000  }
0x1c: {  	[tilespmem:s18], [sflag:$0x5] =	stream.linear.gather [hbm4b:s7+s2], $0x2000, $0x38;
	[tilespmem:$0x1C400] =	vst v63  }
0x1d: {  	_ =	swait.ge [sflag:s16], $0x2000  }
0x1e: {  	[sflag:s16] =	ssyncset.done $0x0  }
0x1f: {  	[sflag:s16] =	ssyncadd.s32 $0xFFFFE000  }
0x20: {  	v3 =	vld [tilespmem:$0x0];
	_ =	sdelay $0x4  }
0x21: {  	v4 =	vshll.u32 v3, $0x3  }
0x22: {  	v3 =	vand.u32 $0x7, v3;
	v4 =	vand.u32 $0xFFFFFFC0, v4  }
0x23: {  	v3 =	vor.u32 v3, v4  }
0x24: {  	v4 =	vperm.xlane v3, v0;
	_ =	sdelay $0x1  }
0x25: {  	v4 =	vadd.s32 v1, v4;
	_ =	sdelay $0x3  }
0x26: {  	s1 =	simm.s32 $0x4400  }
0x27: {  	[tilespmem:s1], [sflag:$0x1] =	stream.indirect_vreg.gather [hbm4b:s3+s2], $0x80, v4, vm0, $0xb8;
	[tilespmem:$0x1C400] =	vst v63  }
0x28: {  	s17 =	simm.s32 $0x4C00;
	v3 =	vperm.xlane v3, v2  }
0x29: {  	[tilespmem:s17], [sflag:$0x1] =	stream.indirect_vreg.gather [hbm4b:s8+s2], $0x80, v4, vm0, $0xb8;
	[tilespmem:$0x1C400] =	vst v63  }
0x2a: {  	s18 =	simm.s32 $0x5400;
	v3 =	vadd.s32 v1, v3  }
0x2b: {  	[tilespmem:s18], [sflag:$0x1] =	stream.indirect_vreg.gather [hbm4b:s9+s2], $0x80, v4, vm0, $0xb8;
	[tilespmem:$0x1C400] =	vst v63  }
0x2c: {  	s1 =	simm.s32 $0x5C00  }
0x2d: {  	[tilespmem:s1], [sflag:$0x1] =	stream.indirect_vreg.gather [hbm4b:s11+s2], $0x80, v4, vm0, $0xb8;
	[tilespmem:$0x1C400] =	vst v63  }
0x2e: {  	s17 =	simm.s32 $0x6400  }
0x2f: {  	[tilespmem:s17], [sflag:$0x1] =	stream.indirect_vreg.gather [hbm4b:s3+s2], $0x80, v3, vm0, $0xb8;
	[tilespmem:$0x1C400] =	vst v63  }
0x30: {  	s18 =	simm.s32 $0x6C00  }
0x31: {  	[tilespmem:s18], [sflag:$0x1] =	stream.indirect_vreg.gather [hbm4b:s8+s2], $0x80, v3, vm0, $0xb8;
	[tilespmem:$0x1C400] =	vst v63  }
0x32: {  	s1 =	simm.s32 $0x7400  }
0x33: {  	[tilespmem:s1], [sflag:$0x1] =	stream.indirect_vreg.gather [hbm4b:s9+s2], $0x80, v3, vm0, $0xb8;
	[tilespmem:$0x1C400] =	vst v63  }
0x34: {  	s17 =	simm.s32 $0x7C00  }
0x35: {  	[tilespmem:s17], [sflag:$0x1] =	stream.indirect_vreg.gather [hbm4b:s11+s2], $0x80, v3, vm0, $0xb8;
	[tilespmem:$0x1C400] =	vst v63  }
0x36: {  	v3 =	vld [tilespmem:$0x200];
	_ =	sdelay $0x4  }
0x37: {  	v4 =	vshll.u32 v3, $0x3  }
0x38: {  	v3 =	vand.u32 $0x7, v3;
	v4 =	vand.u32 $0xFFFFFFC0, v4  }
0x39: {  	v3 =	vor.u32 v3, v4  }
0x3a: {  	v4 =	vperm.xlane v3, v0;
	_ =	sdelay $0x1  }
0x3b: {  	v4 =	vadd.s32 v1, v4;
	_ =	sdelay $0x3  }
0x3c: {  	s18 =	simm.s32 $0xC400  }
0x3d: {  	[tilespmem:s18], [sflag:$0x2] =	stream.indirect_vreg.gather [hbm4b:s3+s2], $0x80, v4, vm0, $0xb8;
	[tilespmem:$0x1C400] =	vst v63  }
0x3e: {  	s1 =	simm.s32 $0xCC00;
	v3 =	vperm.xlane v3, v2  }
0x3f: {  	[tilespmem:s1], [sflag:$0x2] =	stream.indirect_vreg.gather [hbm4b:s8+s2], $0x80, v4, vm0, $0xb8;
	[tilespmem:$0x1C400] =	vst v63  }
0x40: {  	s17 =	simm.s32 $0xD400;
	v3 =	vadd.s32 v1, v3  }
0x41: {  	[tilespmem:s17], [sflag:$0x2] =	stream.indirect_vreg.gather [hbm4b:s9+s2], $0x80, v4, vm0, $0xb8;
	[tilespmem:$0x1C400] =	vst v63  }
0x42: {  	s18 =	simm.s32 $0xDC00  }
0x43: {  	[tilespmem:s18], [sflag:$0x2] =	stream.indirect_vreg.gather [hbm4b:s11+s2], $0x80, v4, vm0, $0xb8;
	[tilespmem:$0x1C400] =	vst v63  }
0x44: {  	s1 =	simm.s32 $0xE400  }
0x45: {  	[tilespmem:s1], [sflag:$0x2] =	stream.indirect_vreg.gather [hbm4b:s3+s2], $0x80, v3, vm0, $0xb8;
	[tilespmem:$0x1C400] =	vst v63  }
0x46: {  	s17 =	simm.s32 $0xEC00  }
0x47: {  	[tilespmem:s17], [sflag:$0x2] =	stream.indirect_vreg.gather [hbm4b:s8+s2], $0x80, v3, vm0, $0xb8;
	[tilespmem:$0x1C400] =	vst v63  }
0x48: {  	s18 =	simm.s32 $0xF400  }
0x49: {  	[tilespmem:s18], [sflag:$0x2] =	stream.indirect_vreg.gather [hbm4b:s9+s2], $0x80, v3, vm0, $0xb8;
	[tilespmem:$0x1C400] =	vst v63  }
0x4a: {  	s1 =	simm.s32 $0xFC00  }
0x4b: {  	[tilespmem:s1], [sflag:$0x2] =	stream.indirect_vreg.gather [hbm4b:s11+s2], $0x80, v3, vm0, $0xb8;
	[tilespmem:$0x1C400] =	vst v63  }
0x4c: {  	_ =	swait.ge [sflag:s20], $0x4000  }
0x4d: {  	[sflag:s20] =	ssyncset.done $0x0  }
0x4e: {  	[sflag:s20] =	ssyncadd.s32 $0xFFFFC000  }
0x4f: {  	_ =	swait.ge [sflag:s21], $0x4000  }
0x50: {  	[sflag:s21] =	ssyncset.done $0x0  }
0x51: {  	[sflag:s21] =	ssyncadd.s32 $0xFFFFC000  }
0x52: {  	v3 =	vld [tilespmem:$0x80];
	_ =	sdelay $0x4  }
0x53: {  	v4 =	vshll.u32 v3, $0x3  }
0x54: {  	v3 =	vand.u32 $0x7, v3;
	v4 =	vand.u32 $0xFFFFFFC0, v4  }
0x55: {  	v3 =	vor.u32 v3, v4  }
0x56: {  	v4 =	vperm.xlane v3, v0;
	_ =	sdelay $0x1  }
0x57: {  	v4 =	vadd.s32 v1, v4;
	_ =	sdelay $0x3  }
0x58: {  	s17 =	simm.s32 $0x8400  }
0x59: {  	[tilespmem:s17], [sflag:$0x1] =	stream.indirect_vreg.gather [hbm4b:s3+s2], $0x80, v4, vm0, $0xb8;
	[tilespmem:$0x1C400] =	vst v63  }
0x5a: {  	s18 =	simm.s32 $0x8C00;
	v3 =	vperm.xlane v3, v2  }
0x5b: {  	[tilespmem:s18], [sflag:$0x1] =	stream.indirect_vreg.gather [hbm4b:s8+s2], $0x80, v4, vm0, $0xb8;
	[tilespmem:$0x1C400] =	vst v63  }
0x5c: {  	s1 =	simm.s32 $0x9400;
	v3 =	vadd.s32 v1, v3  }
0x5d: {  	[tilespmem:s1], [sflag:$0x1] =	stream.indirect_vreg.gather [hbm4b:s9+s2], $0x80, v4, vm0, $0xb8;
	[tilespmem:$0x1C400] =	vst v63  }
0x5e: {  	s17 =	simm.s32 $0x9C00  }
0x5f: {  	[tilespmem:s17], [sflag:$0x1] =	stream.indirect_vreg.gather [hbm4b:s11+s2], $0x80, v4, vm0, $0xb8;
	[tilespmem:$0x1C400] =	vst v63  }
0x60: {  	s18 =	simm.s32 $0xA400  }
0x61: {  	[tilespmem:s18], [sflag:$0x1] =	stream.indirect_vreg.gather [hbm4b:s3+s2], $0x80, v3, vm0, $0xb8;
	[tilespmem:$0x1C400] =	vst v63  }
0x62: {  	s1 =	simm.s32 $0xAC00  }
0x63: {  	[tilespmem:s1], [sflag:$0x1] =	stream.indirect_vreg.gather [hbm4b:s8+s2], $0x80, v3, vm0, $0xb8;
	[tilespmem:$0x1C400] =	vst v63  }
0x64: {  	s17 =	simm.s32 $0xB400  }
0x65: {  	[tilespmem:s17], [sflag:$0x1] =	stream.indirect_vreg.gather [hbm4b:s9+s2], $0x80, v3, vm0, $0xb8;
	[tilespmem:$0x1C400] =	vst v63  }
0x66: {  	s18 =	simm.s32 $0xBC00  }
0x67: {  	[tilespmem:s18], [sflag:$0x1] =	stream.indirect_vreg.gather [hbm4b:s11+s2], $0x80, v3, vm0, $0xb8;
	[tilespmem:$0x1C400] =	vst v63  }
0x68: {  	v3 =	vld [tilespmem:$0x280];
	_ =	sdelay $0x4  }
0x69: {  	v4 =	vshll.u32 v3, $0x3  }
0x6a: {  	v3 =	vand.u32 $0x7, v3;
	v4 =	vand.u32 $0xFFFFFFC0, v4  }
0x6b: {  	v3 =	vor.u32 v3, v4  }
0x6c: {  	v4 =	vperm.xlane v3, v0;
	_ =	sdelay $0x1  }
0x6d: {  	v4 =	vadd.s32 v1, v4;
	_ =	sdelay $0x3  }
0x6e: {  	s1 =	simm.s32 $0x10400  }
0x6f: {  	[tilespmem:s1], [sflag:$0x2] =	stream.indirect_vreg.gather [hbm4b:s3+s2], $0x80, v4, vm0, $0xb8;
	[tilespmem:$0x1C400] =	vst v63  }
0x70: {  	s17 =	simm.s32 $0x10C00;
	v3 =	vperm.xlane v3, v2  }
0x71: {  	[tilespmem:s17], [sflag:$0x2] =	stream.indirect_vreg.gather [hbm4b:s8+s2], $0x80, v4, vm0, $0xb8;
	[tilespmem:$0x1C400] =	vst v63  }
0x72: {  	s18 =	simm.s32 $0x11400;
	v3 =	vadd.s32 v1, v3  }
0x73: {  	[tilespmem:s18], [sflag:$0x2] =	stream.indirect_vreg.gather [hbm4b:s9+s2], $0x80, v4, vm0, $0xb8;
	[tilespmem:$0x1C400] =	vst v63  }
0x74: {  	s1 =	simm.s32 $0x11C00  }
0x75: {  	[tilespmem:s1], [sflag:$0x2] =	stream.indirect_vreg.gather [hbm4b:s11+s2], $0x80, v4, vm0, $0xb8;
	[tilespmem:$0x1C400] =	vst v63  }
0x76: {  	s17 =	simm.s32 $0x12400  }
0x77: {  	[tilespmem:s17], [sflag:$0x2] =	stream.indirect_vreg.gather [hbm4b:s3+s2], $0x80, v3, vm0, $0xb8;
	[tilespmem:$0x1C400] =	vst v63  }
0x78: {  	_ = 	snop  }
0x79: {  	[tilespmem:s19], [sflag:$0x2] =	stream.indirect_vreg.gather [hbm4b:s8+s2], $0x80, v3, vm0, $0xb8;
	[tilespmem:$0x1C400] =	vst v63  }
0x7a: {  	_ = 	snop  }
0x7b: {  	[tilespmem:s22], [sflag:$0x2] =	stream.indirect_vreg.gather [hbm4b:s9+s2], $0x80, v3, vm0, $0xb8;
	[tilespmem:$0x1C400] =	vst v63  }
0x7c: {  	_ = 	snop  }
0x7d: {  	[tilespmem:s23], [sflag:$0x2] =	stream.indirect_vreg.gather [hbm4b:s11+s2], $0x80, v3, vm0, $0xb8;
	[tilespmem:$0x1C400] =	vst v63  }
0x7e: {  	s18 =	sand.u32 $0x70, s2;
	s1 =	sand.u32 $0x1C00, s2;
	v3 =	vld [tilespmem:$0x400]  }
0x7f: {  	s30 =	sor.u32 s18, s1;
	v4 =	vld [tilespmem:$0x2400]  }
0x80: {  	v5 =	vld [tilespmem:s30+$0x4400]  }
0x81: {  	v6 =	vld [tilespmem:s30+$0xC400];
	_ =	sdelay $0x1  }
0x82: {  	s18 =	simm.s32 $0x80;
	s17 =	simm.s32 $0x10  }
0x83: {  	s1 =	sand.u32 $0x1C00, s18;
	s0 =	sand.u32 $0x70, s17  }
0x84: {  	s31 =	sor.u32 s0, s1  }
0x85: {  	v7 =	vmul.f32 v5, v3;
	v8 =	vmul.f32 v6, v4;
	v5 =	vld [tilespmem:s31+$0x4400]  }
0x86: {  	v6 =	vld [tilespmem:s31+$0xC400]  }
0x87: {  	s0 =	simm.s32 $0x20;
	s1 =	simm.s32 $0x100;
	v7 =	vadd.f32 v8, v7  }
.LBB2_2:
0x88: {  	s17 =	sand.u32 $0x70, s0  }
0x89: {  	s18 =	sand.u32 $0x1C00, s1;
	[tilespmem:s30+$0x14400] =	vst v7;
	s30 =	smov.u32 s31;
	p0 =	sne.s32 s0, $0x3F0  }
.Ltmp0:
0x8a: {  	s0 =	sadd.s32 $0x10, s0;
	s31 =	sor.u32 s17, s18;
	(pc) =	sbr.rel @p0 .LBB2_2-.Ltmp0, $4  }
0x8b: {  	v7 =	vmul.f32 v5, v3;
	v5 =	vld [tilespmem:s31+$0x4400];
	v8 =	vmul.f32 v6, v4  }
0x8c: {  	v6 =	vld [tilespmem:s31+$0xC400]  }
0x8d: {  	v7 =	vadd.f32 v8, v7  }
0x8e: {  	s1 =	sadd.s32 $0x80, s1  }
0x8f: {  	_ =	sdelay $0x1  }
0x90: {  	v3 =	vmul.f32 v5, v3;
	v4 =	vmul.f32 v6, v4;
	_ =	sdelay $0x1  }
0x91: {  	v3 =	vadd.f32 v4, v3  }
0x92: {  	[tilespmem:s30+$0x14400] =	vst v7  }
0x93: {  	s0 =	simm.s32 $0x0;
	[tilespmem:s31+$0x14400] =	vst v3  }
0x94: {  	s1 =	sand.u32 $0x70, s0;
	s0 =	sand.u32 $0x1C00, s0;
	v3 =	vld [tilespmem:$0x480]  }
0x95: {  	s30 =	sor.u32 s0, s1;
	v4 =	vld [tilespmem:$0x2480]  }
0x96: {  	v5 =	vld [tilespmem:s30+$0x4480]  }
0x97: {  	v6 =	vld [tilespmem:s30+$0xC480];
	_ =	sdelay $0x1  }
0x98: {  	s17 =	simm.s32 $0x10;
	s18 =	simm.s32 $0x80  }
0x99: {  	s0 =	sand.u32 $0x70, s17;
	s1 =	sand.u32 $0x1C00, s18  }
0x9a: {  	s31 =	sor.u32 s1, s0  }
0x9b: {  	v7 =	vmul.f32 v5, v3;
	v8 =	vmul.f32 v6, v4;
	v5 =	vld [tilespmem:s31+$0x4480]  }
0x9c: {  	v6 =	vld [tilespmem:s31+$0xC480]  }
0x9d: {  	s0 =	simm.s32 $0x20;
	s1 =	simm.s32 $0x100;
	v7 =	vadd.f32 v8, v7  }
.LBB2_4:
0x9e: {  	s17 =	sand.u32 $0x70, s0  }
0x9f: {  	s18 =	sand.u32 $0x1C00, s1;
	[tilespmem:s30+$0x14480] =	vst v7;
	s30 =	smov.u32 s31;
	p0 =	sne.s32 s0, $0x3F0  }
.Ltmp1:
0xa0: {  	s0 =	sadd.s32 $0x10, s0;
	s31 =	sor.u32 s18, s17;
	(pc) =	sbr.rel @p0 .LBB2_4-.Ltmp1, $4  }
0xa1: {  	v7 =	vmul.f32 v5, v3;
	v5 =	vld [tilespmem:s31+$0x4480];
	v8 =	vmul.f32 v6, v4  }
0xa2: {  	v6 =	vld [tilespmem:s31+$0xC480]  }
0xa3: {  	v7 =	vadd.f32 v8, v7  }
0xa4: {  	s1 =	sadd.s32 $0x80, s1  }
0xa5: {  	_ =	sdelay $0x1  }
0xa6: {  	v3 =	vmul.f32 v5, v3;
	v4 =	vmul.f32 v6, v4;
	_ =	sdelay $0x1  }
0xa7: {  	v3 =	vadd.f32 v4, v3  }
0xa8: {  	[tilespmem:s30+$0x14480] =	vst v7  }
0xa9: {  	s0 =	simm.s32 $0x0;
	[tilespmem:s31+$0x14480] =	vst v3  }
0xaa: {  	s1 =	sand.u32 $0x70, s0;
	s0 =	sand.u32 $0x1C00, s0;
	v3 =	vld [tilespmem:$0x500]  }
0xab: {  	s30 =	sor.u32 s0, s1;
	v4 =	vld [tilespmem:$0x2500]  }
0xac: {  	v5 =	vld [tilespmem:s30+$0x4500]  }
0xad: {  	v6 =	vld [tilespmem:s30+$0xC500];
	_ =	sdelay $0x1  }
0xae: {  	s17 =	simm.s32 $0x10;
	s18 =	simm.s32 $0x80  }
0xaf: {  	s0 =	sand.u32 $0x70, s17;
	s1 =	sand.u32 $0x1C00, s18  }
0xb0: {  	s31 =	sor.u32 s1, s0  }
0xb1: {  	v7 =	vmul.f32 v5, v3;
	v8 =	vmul.f32 v6, v4;
	v5 =	vld [tilespmem:s31+$0x4500]  }
0xb2: {  	v6 =	vld [tilespmem:s31+$0xC500]  }
0xb3: {  	s0 =	simm.s32 $0x20;
	s1 =	simm.s32 $0x100;
	v7 =	vadd.f32 v8, v7  }
.LBB2_6:
0xb4: {  	s17 =	sand.u32 $0x70, s0  }
0xb5: {  	s18 =	sand.u32 $0x1C00, s1;
	[tilespmem:s30+$0x14500] =	vst v7;
	s30 =	smov.u32 s31;
	p0 =	sne.s32 s0, $0x3F0  }
.Ltmp2:
0xb6: {  	s0 =	sadd.s32 $0x10, s0;
	s31 =	sor.u32 s18, s17;
	(pc) =	sbr.rel @p0 .LBB2_6-.Ltmp2, $4  }
0xb7: {  	v7 =	vmul.f32 v5, v3;
	v5 =	vld [tilespmem:s31+$0x4500];
	v8 =	vmul.f32 v6, v4  }
0xb8: {  	v6 =	vld [tilespmem:s31+$0xC500]  }
0xb9: {  	v7 =	vadd.f32 v8, v7  }
0xba: {  	s1 =	sadd.s32 $0x80, s1  }
0xbb: {  	_ =	sdelay $0x1  }
0xbc: {  	v3 =	vmul.f32 v5, v3;
	v4 =	vmul.f32 v6, v4;
	_ =	sdelay $0x1  }
0xbd: {  	v3 =	vadd.f32 v4, v3  }
0xbe: {  	[tilespmem:s30+$0x14500] =	vst v7  }
0xbf: {  	s0 =	simm.s32 $0x0;
	[tilespmem:s31+$0x14500] =	vst v3  }
0xc0: {  	s1 =	sand.u32 $0x70, s0;
	s0 =	sand.u32 $0x1C00, s0;
	v3 =	vld [tilespmem:$0x580]  }
0xc1: {  	s30 =	sor.u32 s0, s1;
	v4 =	vld [tilespmem:$0x2580]  }
0xc2: {  	v5 =	vld [tilespmem:s30+$0x4580]  }
0xc3: {  	v6 =	vld [tilespmem:s30+$0xC580];
	_ =	sdelay $0x1  }
0xc4: {  	s17 =	simm.s32 $0x10;
	s18 =	simm.s32 $0x80  }
0xc5: {  	s0 =	sand.u32 $0x70, s17;
	s1 =	sand.u32 $0x1C00, s18  }
0xc6: {  	s31 =	sor.u32 s1, s0  }
0xc7: {  	v7 =	vmul.f32 v5, v3;
	v8 =	vmul.f32 v6, v4;
	v5 =	vld [tilespmem:s31+$0x4580]  }
0xc8: {  	v6 =	vld [tilespmem:s31+$0xC580]  }
0xc9: {  	s0 =	simm.s32 $0x20;
	s1 =	simm.s32 $0x100;
	v7 =	vadd.f32 v8, v7  }
.LBB2_8:
0xca: {  	s17 =	sand.u32 $0x70, s0  }
0xcb: {  	s18 =	sand.u32 $0x1C00, s1;
	[tilespmem:s30+$0x14580] =	vst v7;
	s30 =	smov.u32 s31;
	p0 =	sne.s32 s0, $0x3F0  }
.Ltmp3:
0xcc: {  	s0 =	sadd.s32 $0x10, s0;
	s31 =	sor.u32 s18, s17;
	(pc) =	sbr.rel @p0 .LBB2_8-.Ltmp3, $4  }
0xcd: {  	v7 =	vmul.f32 v5, v3;
	v5 =	vld [tilespmem:s31+$0x4580];
	v8 =	vmul.f32 v6, v4  }
0xce: {  	v6 =	vld [tilespmem:s31+$0xC580]  }
0xcf: {  	v7 =	vadd.f32 v8, v7  }
0xd0: {  	s1 =	sadd.s32 $0x80, s1  }
0xd1: {  	_ =	sdelay $0x1  }
0xd2: {  	v3 =	vmul.f32 v5, v3;
	v4 =	vmul.f32 v6, v4;
	_ =	sdelay $0x1  }
0xd3: {  	v3 =	vadd.f32 v4, v3  }
0xd4: {  	[tilespmem:s30+$0x14580] =	vst v7  }
0xd5: {  	s0 =	simm.s32 $0x0;
	[tilespmem:s31+$0x14580] =	vst v3  }
0xd6: {  	s1 =	sand.u32 $0x70, s0;
	s0 =	sand.u32 $0x1C00, s0;
	v3 =	vld [tilespmem:$0x600]  }
0xd7: {  	s30 =	sor.u32 s0, s1;
	v4 =	vld [tilespmem:$0x2600]  }
0xd8: {  	v5 =	vld [tilespmem:s30+$0x4600]  }
0xd9: {  	v6 =	vld [tilespmem:s30+$0xC600];
	_ =	sdelay $0x1  }
0xda: {  	s17 =	simm.s32 $0x10;
	s18 =	simm.s32 $0x80  }
0xdb: {  	s0 =	sand.u32 $0x70, s17;
	s1 =	sand.u32 $0x1C00, s18  }
0xdc: {  	s31 =	sor.u32 s1, s0  }
0xdd: {  	v7 =	vmul.f32 v5, v3;
	v8 =	vmul.f32 v6, v4;
	v5 =	vld [tilespmem:s31+$0x4600]  }
0xde: {  	v6 =	vld [tilespmem:s31+$0xC600]  }
0xdf: {  	s0 =	simm.s32 $0x20;
	s1 =	simm.s32 $0x100;
	v7 =	vadd.f32 v8, v7  }
.LBB2_10:
0xe0: {  	s17 =	sand.u32 $0x70, s0  }
0xe1: {  	s18 =	sand.u32 $0x1C00, s1;
	[tilespmem:s30+$0x14600] =	vst v7;
	s30 =	smov.u32 s31;
	p0 =	sne.s32 s0, $0x3F0  }
.Ltmp4:
0xe2: {  	s0 =	sadd.s32 $0x10, s0;
	s31 =	sor.u32 s18, s17;
	(pc) =	sbr.rel @p0 .LBB2_10-.Ltmp4, $4  }
0xe3: {  	v7 =	vmul.f32 v5, v3;
	v5 =	vld [tilespmem:s31+$0x4600];
	v8 =	vmul.f32 v6, v4  }
0xe4: {  	v6 =	vld [tilespmem:s31+$0xC600]  }
0xe5: {  	v7 =	vadd.f32 v8, v7  }
0xe6: {  	s1 =	sadd.s32 $0x80, s1  }
0xe7: {  	_ =	sdelay $0x1  }
0xe8: {  	v3 =	vmul.f32 v5, v3;
	v4 =	vmul.f32 v6, v4;
	_ =	sdelay $0x1  }
0xe9: {  	v3 =	vadd.f32 v4, v3  }
0xea: {  	[tilespmem:s30+$0x14600] =	vst v7  }
0xeb: {  	s0 =	simm.s32 $0x0;
	[tilespmem:s31+$0x14600] =	vst v3  }
0xec: {  	s1 =	sand.u32 $0x70, s0;
	s0 =	sand.u32 $0x1C00, s0;
	v3 =	vld [tilespmem:$0x680]  }
0xed: {  	s30 =	sor.u32 s0, s1;
	v4 =	vld [tilespmem:$0x2680]  }
0xee: {  	v5 =	vld [tilespmem:s30+$0x4680]  }
0xef: {  	v6 =	vld [tilespmem:s30+$0xC680];
	_ =	sdelay $0x1  }
0xf0: {  	s17 =	simm.s32 $0x10;
	s18 =	simm.s32 $0x80  }
0xf1: {  	s0 =	sand.u32 $0x70, s17;
	s1 =	sand.u32 $0x1C00, s18  }
0xf2: {  	s31 =	sor.u32 s1, s0  }
0xf3: {  	v7 =	vmul.f32 v5, v3;
	v8 =	vmul.f32 v6, v4;
	v5 =	vld [tilespmem:s31+$0x4680]  }
0xf4: {  	v6 =	vld [tilespmem:s31+$0xC680]  }
0xf5: {  	s0 =	simm.s32 $0x20;
	s1 =	simm.s32 $0x100;
	v7 =	vadd.f32 v8, v7  }
.LBB2_12:
0xf6: {  	s17 =	sand.u32 $0x70, s0  }
0xf7: {  	s18 =	sand.u32 $0x1C00, s1;
	[tilespmem:s30+$0x14680] =	vst v7;
	s30 =	smov.u32 s31;
	p0 =	sne.s32 s0, $0x3F0  }
.Ltmp5:
0xf8: {  	s0 =	sadd.s32 $0x10, s0;
	s31 =	sor.u32 s18, s17;
	(pc) =	sbr.rel @p0 .LBB2_12-.Ltmp5, $4  }
0xf9: {  	v7 =	vmul.f32 v5, v3;
	v5 =	vld [tilespmem:s31+$0x4680];
	v8 =	vmul.f32 v6, v4  }
0xfa: {  	v6 =	vld [tilespmem:s31+$0xC680]  }
0xfb: {  	v7 =	vadd.f32 v8, v7  }
0xfc: {  	s1 =	sadd.s32 $0x80, s1  }
0xfd: {  	_ =	sdelay $0x1  }
0xfe: {  	v3 =	vmul.f32 v5, v3;
	v4 =	vmul.f32 v6, v4;
	_ =	sdelay $0x1  }
0xff: {  	v3 =	vadd.f32 v4, v3  }
0x100: {  	[tilespmem:s30+$0x14680] =	vst v7  }
0x101: {  	s0 =	simm.s32 $0x0;
	[tilespmem:s31+$0x14680] =	vst v3  }
0x102: {  	s1 =	sand.u32 $0x70, s0;
	s0 =	sand.u32 $0x1C00, s0;
	v3 =	vld [tilespmem:$0x700]  }
0x103: {  	s30 =	sor.u32 s0, s1;
	v4 =	vld [tilespmem:$0x2700]  }
0x104: {  	v5 =	vld [tilespmem:s30+$0x4700]  }
0x105: {  	v6 =	vld [tilespmem:s30+$0xC700];
	_ =	sdelay $0x1  }
0x106: {  	s17 =	simm.s32 $0x10;
	s18 =	simm.s32 $0x80  }
0x107: {  	s0 =	sand.u32 $0x70, s17;
	s1 =	sand.u32 $0x1C00, s18  }
0x108: {  	s31 =	sor.u32 s1, s0  }
0x109: {  	v7 =	vmul.f32 v5, v3;
	v8 =	vmul.f32 v6, v4;
	v5 =	vld [tilespmem:s31+$0x4700]  }
0x10a: {  	v6 =	vld [tilespmem:s31+$0xC700]  }
0x10b: {  	s0 =	simm.s32 $0x20;
	s1 =	simm.s32 $0x100;
	v7 =	vadd.f32 v8, v7  }
.LBB2_14:
0x10c: {  	s17 =	sand.u32 $0x70, s0  }
0x10d: {  	s18 =	sand.u32 $0x1C00, s1;
	[tilespmem:s30+$0x14700] =	vst v7;
	s30 =	smov.u32 s31;
	p0 =	sne.s32 s0, $0x3F0  }
.Ltmp6:
0x10e: {  	s0 =	sadd.s32 $0x10, s0;
	s31 =	sor.u32 s18, s17;
	(pc) =	sbr.rel @p0 .LBB2_14-.Ltmp6, $4  }
0x10f: {  	v7 =	vmul.f32 v5, v3;
	v5 =	vld [tilespmem:s31+$0x4700];
	v8 =	vmul.f32 v6, v4  }
0x110: {  	v6 =	vld [tilespmem:s31+$0xC700]  }
0x111: {  	v7 =	vadd.f32 v8, v7  }
0x112: {  	s1 =	sadd.s32 $0x80, s1  }
0x113: {  	_ =	sdelay $0x1  }
0x114: {  	v3 =	vmul.f32 v5, v3;
	v4 =	vmul.f32 v6, v4;
	_ =	sdelay $0x1  }
0x115: {  	v3 =	vadd.f32 v4, v3  }
0x116: {  	[tilespmem:s30+$0x14700] =	vst v7  }
0x117: {  	s0 =	simm.s32 $0x0;
	[tilespmem:s31+$0x14700] =	vst v3  }
0x118: {  	s0 =	sor.u32 s0, s0;
	v3 =	vld [tilespmem:$0x780]  }
0x119: {  	s30 =	sor.u32 $0x380, s0;
	v4 =	vld [tilespmem:$0x2780]  }
0x11a: {  	v5 =	vld [tilespmem:s30+$0x4400]  }
0x11b: {  	v6 =	vld [tilespmem:s30+$0xC400];
	_ =	sdelay $0x1  }
0x11c: {  	s18 =	simm.s32 $0x10;
	s1 =	simm.s32 $0x80  }
0x11d: {  	s0 =	sor.u32 s1, s18  }
0x11e: {  	s31 =	sor.u32 $0x380, s0  }
0x11f: {  	v7 =	vmul.f32 v5, v3;
	v8 =	vmul.f32 v6, v4;
	v5 =	vld [tilespmem:s31+$0x4400]  }
0x120: {  	v6 =	vld [tilespmem:s31+$0xC400]  }
0x121: {  	v7 =	vadd.f32 v8, v7  }
0x122: {  	s1 =	simm.s32 $0x100;
	s0 =	simm.s32 $0x20  }
.LBB2_16:
0x123: {  	s17 =	sor.u32 s1, s0;
	[tilespmem:s30+$0x14400] =	vst v7;
	s30 =	smov.u32 s31;
	p0 =	sne.s32 s0, $0x3F0  }
.Ltmp7:
0x124: {  	s0 =	sadd.s32 $0x10, s0;
	s31 =	sor.u32 $0x380, s17;
	(pc) =	sbr.rel @p0 .LBB2_16-.Ltmp7, $4  }
0x125: {  	v7 =	vmul.f32 v5, v3;
	v5 =	vld [tilespmem:s31+$0x4400];
	v8 =	vmul.f32 v6, v4  }
0x126: {  	v6 =	vld [tilespmem:s31+$0xC400]  }
0x127: {  	v7 =	vadd.f32 v8, v7  }
0x128: {  	s1 =	sadd.s32 $0x80, s1  }
0x129: {  	_ =	sdelay $0x1  }
0x12a: {  	v3 =	vmul.f32 v5, v3;
	v4 =	vmul.f32 v6, v4;
	_ =	sdelay $0x1  }
0x12b: {  	v3 =	vadd.f32 v4, v3  }
0x12c: {  	[tilespmem:s30+$0x14400] =	vst v7  }
0x12d: {  	s0 =	simm.s32 $0x0;
	[tilespmem:s31+$0x14400] =	vst v3  }
0x12e: {  	s1 =	sand.u32 $0x70, s0;
	s0 =	sand.u32 $0x1C00, s0;
	v3 =	vld [tilespmem:$0x800]  }
0x12f: {  	s30 =	sor.u32 s0, s1;
	v4 =	vld [tilespmem:$0x2800]  }
0x130: {  	v5 =	vld [tilespmem:s30+$0x6400]  }
0x131: {  	v6 =	vld [tilespmem:s30+$0xE400];
	_ =	sdelay $0x1  }
0x132: {  	s17 =	simm.s32 $0x10;
	s18 =	simm.s32 $0x80  }
0x133: {  	s0 =	sand.u32 $0x70, s17;
	s1 =	sand.u32 $0x1C00, s18  }
0x134: {  	s31 =	sor.u32 s1, s0  }
0x135: {  	v7 =	vmul.f32 v5, v3;
	v8 =	vmul.f32 v6, v4;
	v5 =	vld [tilespmem:s31+$0x6400]  }
0x136: {  	v6 =	vld [tilespmem:s31+$0xE400]  }
0x137: {  	s0 =	simm.s32 $0x20;
	s1 =	simm.s32 $0x100;
	v7 =	vadd.f32 v8, v7  }
.LBB2_18:
0x138: {  	s17 =	sand.u32 $0x70, s0  }
0x139: {  	s18 =	sand.u32 $0x1C00, s1;
	[tilespmem:s30+$0x16400] =	vst v7;
	s30 =	smov.u32 s31;
	p0 =	sne.s32 s0, $0x3F0  }
.Ltmp8:
0x13a: {  	s0 =	sadd.s32 $0x10, s0;
	s31 =	sor.u32 s18, s17;
	(pc) =	sbr.rel @p0 .LBB2_18-.Ltmp8, $4  }
0x13b: {  	v7 =	vmul.f32 v5, v3;
	v5 =	vld [tilespmem:s31+$0x6400];
	v8 =	vmul.f32 v6, v4  }
0x13c: {  	v6 =	vld [tilespmem:s31+$0xE400]  }
0x13d: {  	v7 =	vadd.f32 v8, v7  }
0x13e: {  	s1 =	sadd.s32 $0x80, s1  }
0x13f: {  	_ =	sdelay $0x1  }
0x140: {  	v3 =	vmul.f32 v5, v3;
	v4 =	vmul.f32 v6, v4;
	_ =	sdelay $0x1  }
0x141: {  	v3 =	vadd.f32 v4, v3  }
0x142: {  	[tilespmem:s30+$0x16400] =	vst v7  }
0x143: {  	s0 =	simm.s32 $0x0;
	[tilespmem:s31+$0x16400] =	vst v3  }
0x144: {  	s1 =	sand.u32 $0x70, s0;
	s0 =	sand.u32 $0x1C00, s0;
	v3 =	vld [tilespmem:$0x880]  }
0x145: {  	s30 =	sor.u32 s0, s1;
	v4 =	vld [tilespmem:$0x2880]  }
0x146: {  	v5 =	vld [tilespmem:s30+$0x6480]  }
0x147: {  	v6 =	vld [tilespmem:s30+$0xE480];
	_ =	sdelay $0x1  }
0x148: {  	s17 =	simm.s32 $0x10;
	s18 =	simm.s32 $0x80  }
0x149: {  	s0 =	sand.u32 $0x70, s17;
	s1 =	sand.u32 $0x1C00, s18  }
0x14a: {  	s31 =	sor.u32 s1, s0  }
0x14b: {  	v7 =	vmul.f32 v5, v3;
	v8 =	vmul.f32 v6, v4;
	v5 =	vld [tilespmem:s31+$0x6480]  }
0x14c: {  	v6 =	vld [tilespmem:s31+$0xE480]  }
0x14d: {  	s0 =	simm.s32 $0x20;
	s1 =	simm.s32 $0x100;
	v7 =	vadd.f32 v8, v7  }
.LBB2_20:
0x14e: {  	s17 =	sand.u32 $0x70, s0  }
0x14f: {  	s18 =	sand.u32 $0x1C00, s1;
	[tilespmem:s30+$0x16480] =	vst v7;
	s30 =	smov.u32 s31;
	p0 =	sne.s32 s0, $0x3F0  }
.Ltmp9:
0x150: {  	s0 =	sadd.s32 $0x10, s0;
	s31 =	sor.u32 s18, s17;
	(pc) =	sbr.rel @p0 .LBB2_20-.Ltmp9, $4  }
0x151: {  	v7 =	vmul.f32 v5, v3;
	v5 =	vld [tilespmem:s31+$0x6480];
	v8 =	vmul.f32 v6, v4  }
0x152: {  	v6 =	vld [tilespmem:s31+$0xE480]  }
0x153: {  	v7 =	vadd.f32 v8, v7  }
0x154: {  	s1 =	sadd.s32 $0x80, s1  }
0x155: {  	_ =	sdelay $0x1  }
0x156: {  	v3 =	vmul.f32 v5, v3;
	v4 =	vmul.f32 v6, v4;
	_ =	sdelay $0x1  }
0x157: {  	v3 =	vadd.f32 v4, v3  }
0x158: {  	[tilespmem:s30+$0x16480] =	vst v7  }
0x159: {  	s0 =	simm.s32 $0x0;
	[tilespmem:s31+$0x16480] =	vst v3  }
0x15a: {  	s1 =	sand.u32 $0x70, s0;
	s0 =	sand.u32 $0x1C00, s0;
	v3 =	vld [tilespmem:$0x900]  }
0x15b: {  	s30 =	sor.u32 s0, s1;
	v4 =	vld [tilespmem:$0x2900]  }
0x15c: {  	v5 =	vld [tilespmem:s30+$0x6500]  }
0x15d: {  	v6 =	vld [tilespmem:s30+$0xE500];
	_ =	sdelay $0x1  }
0x15e: {  	s17 =	simm.s32 $0x10;
	s18 =	simm.s32 $0x80  }
0x15f: {  	s0 =	sand.u32 $0x70, s17;
	s1 =	sand.u32 $0x1C00, s18  }
0x160: {  	s31 =	sor.u32 s1, s0  }
0x161: {  	v7 =	vmul.f32 v5, v3;
	v8 =	vmul.f32 v6, v4;
	v5 =	vld [tilespmem:s31+$0x6500]  }
0x162: {  	v6 =	vld [tilespmem:s31+$0xE500]  }
0x163: {  	s0 =	simm.s32 $0x20;
	s1 =	simm.s32 $0x100;
	v7 =	vadd.f32 v8, v7  }
.LBB2_22:
0x164: {  	s17 =	sand.u32 $0x70, s0  }
0x165: {  	s18 =	sand.u32 $0x1C00, s1;
	[tilespmem:s30+$0x16500] =	vst v7;
	s30 =	smov.u32 s31;
	p0 =	sne.s32 s0, $0x3F0  }
.Ltmp10:
0x166: {  	s0 =	sadd.s32 $0x10, s0;
	s31 =	sor.u32 s18, s17;
	(pc) =	sbr.rel @p0 .LBB2_22-.Ltmp10, $4  }
0x167: {  	v7 =	vmul.f32 v5, v3;
	v5 =	vld [tilespmem:s31+$0x6500];
	v8 =	vmul.f32 v6, v4  }
0x168: {  	v6 =	vld [tilespmem:s31+$0xE500]  }
0x169: {  	v7 =	vadd.f32 v8, v7  }
0x16a: {  	s1 =	sadd.s32 $0x80, s1  }
0x16b: {  	_ =	sdelay $0x1  }
0x16c: {  	v3 =	vmul.f32 v5, v3;
	v4 =	vmul.f32 v6, v4;
	_ =	sdelay $0x1  }
0x16d: {  	v3 =	vadd.f32 v4, v3  }
0x16e: {  	[tilespmem:s30+$0x16500] =	vst v7  }
0x16f: {  	s0 =	simm.s32 $0x0;
	[tilespmem:s31+$0x16500] =	vst v3  }
0x170: {  	s1 =	sand.u32 $0x70, s0;
	s0 =	sand.u32 $0x1C00, s0;
	v3 =	vld [tilespmem:$0x980]  }
0x171: {  	s30 =	sor.u32 s0, s1;
	v4 =	vld [tilespmem:$0x2980]  }
0x172: {  	v5 =	vld [tilespmem:s30+$0x6580]  }
0x173: {  	v6 =	vld [tilespmem:s30+$0xE580];
	_ =	sdelay $0x1  }
0x174: {  	s17 =	simm.s32 $0x10;
	s18 =	simm.s32 $0x80  }
0x175: {  	s0 =	sand.u32 $0x70, s17;
	s1 =	sand.u32 $0x1C00, s18  }
0x176: {  	s31 =	sor.u32 s1, s0  }
0x177: {  	v7 =	vmul.f32 v5, v3;
	v8 =	vmul.f32 v6, v4;
	v5 =	vld [tilespmem:s31+$0x6580]  }
0x178: {  	v6 =	vld [tilespmem:s31+$0xE580]  }
0x179: {  	s0 =	simm.s32 $0x20;
	s1 =	simm.s32 $0x100;
	v7 =	vadd.f32 v8, v7  }
.LBB2_24:
0x17a: {  	s17 =	sand.u32 $0x70, s0  }
0x17b: {  	s18 =	sand.u32 $0x1C00, s1;
	[tilespmem:s30+$0x16580] =	vst v7;
	s30 =	smov.u32 s31;
	p0 =	sne.s32 s0, $0x3F0  }
.Ltmp11:
0x17c: {  	s0 =	sadd.s32 $0x10, s0;
	s31 =	sor.u32 s18, s17;
	(pc) =	sbr.rel @p0 .LBB2_24-.Ltmp11, $4  }
0x17d: {  	v7 =	vmul.f32 v5, v3;
	v5 =	vld [tilespmem:s31+$0x6580];
	v8 =	vmul.f32 v6, v4  }
0x17e: {  	v6 =	vld [tilespmem:s31+$0xE580]  }
0x17f: {  	v7 =	vadd.f32 v8, v7  }
0x180: {  	s1 =	sadd.s32 $0x80, s1  }
0x181: {  	_ =	sdelay $0x1  }
0x182: {  	v3 =	vmul.f32 v5, v3;
	v4 =	vmul.f32 v6, v4;
	_ =	sdelay $0x1  }
0x183: {  	v3 =	vadd.f32 v4, v3  }
0x184: {  	[tilespmem:s30+$0x16580] =	vst v7  }
0x185: {  	s0 =	simm.s32 $0x0;
	[tilespmem:s31+$0x16580] =	vst v3  }
0x186: {  	s1 =	sand.u32 $0x70, s0;
	s0 =	sand.u32 $0x1C00, s0;
	v3 =	vld [tilespmem:$0xA00]  }
0x187: {  	s30 =	sor.u32 s0, s1;
	v4 =	vld [tilespmem:$0x2A00]  }
0x188: {  	v5 =	vld [tilespmem:s30+$0x6600]  }
0x189: {  	v6 =	vld [tilespmem:s30+$0xE600];
	_ =	sdelay $0x1  }
0x18a: {  	s17 =	simm.s32 $0x10;
	s18 =	simm.s32 $0x80  }
0x18b: {  	s0 =	sand.u32 $0x70, s17;
	s1 =	sand.u32 $0x1C00, s18  }
0x18c: {  	s31 =	sor.u32 s1, s0  }
0x18d: {  	v7 =	vmul.f32 v5, v3;
	v8 =	vmul.f32 v6, v4;
	v5 =	vld [tilespmem:s31+$0x6600]  }
0x18e: {  	v6 =	vld [tilespmem:s31+$0xE600]  }
0x18f: {  	s0 =	simm.s32 $0x20;
	s1 =	simm.s32 $0x100;
	v7 =	vadd.f32 v8, v7  }
.LBB2_26:
0x190: {  	s17 =	sand.u32 $0x70, s0  }
0x191: {  	s18 =	sand.u32 $0x1C00, s1;
	[tilespmem:s30+$0x16600] =	vst v7;
	s30 =	smov.u32 s31;
	p0 =	sne.s32 s0, $0x3F0  }
.Ltmp12:
0x192: {  	s0 =	sadd.s32 $0x10, s0;
	s31 =	sor.u32 s18, s17;
	(pc) =	sbr.rel @p0 .LBB2_26-.Ltmp12, $4  }
0x193: {  	v7 =	vmul.f32 v5, v3;
	v5 =	vld [tilespmem:s31+$0x6600];
	v8 =	vmul.f32 v6, v4  }
0x194: {  	v6 =	vld [tilespmem:s31+$0xE600]  }
0x195: {  	v7 =	vadd.f32 v8, v7  }
0x196: {  	s1 =	sadd.s32 $0x80, s1  }
0x197: {  	_ =	sdelay $0x1  }
0x198: {  	v3 =	vmul.f32 v5, v3;
	v4 =	vmul.f32 v6, v4;
	_ =	sdelay $0x1  }
0x199: {  	v3 =	vadd.f32 v4, v3  }
0x19a: {  	[tilespmem:s30+$0x16600] =	vst v7  }
0x19b: {  	s0 =	simm.s32 $0x0;
	[tilespmem:s31+$0x16600] =	vst v3  }
0x19c: {  	s1 =	sand.u32 $0x70, s0;
	s0 =	sand.u32 $0x1C00, s0;
	v3 =	vld [tilespmem:$0xA80]  }
0x19d: {  	s30 =	sor.u32 s0, s1;
	v4 =	vld [tilespmem:$0x2A80]  }
0x19e: {  	v5 =	vld [tilespmem:s30+$0x6680]  }
0x19f: {  	v6 =	vld [tilespmem:s30+$0xE680];
	_ =	sdelay $0x1  }
0x1a0: {  	s17 =	simm.s32 $0x10;
	s18 =	simm.s32 $0x80  }
0x1a1: {  	s0 =	sand.u32 $0x70, s17;
	s1 =	sand.u32 $0x1C00, s18  }
0x1a2: {  	s31 =	sor.u32 s1, s0  }
0x1a3: {  	v7 =	vmul.f32 v5, v3;
	v8 =	vmul.f32 v6, v4;
	v5 =	vld [tilespmem:s31+$0x6680]  }
0x1a4: {  	v6 =	vld [tilespmem:s31+$0xE680]  }
0x1a5: {  	s0 =	simm.s32 $0x20;
	s1 =	simm.s32 $0x100;
	v7 =	vadd.f32 v8, v7  }
.LBB2_28:
0x1a6: {  	s17 =	sand.u32 $0x70, s0  }
0x1a7: {  	s18 =	sand.u32 $0x1C00, s1;
	[tilespmem:s30+$0x16680] =	vst v7;
	s30 =	smov.u32 s31;
	p0 =	sne.s32 s0, $0x3F0  }
.Ltmp13:
0x1a8: {  	s0 =	sadd.s32 $0x10, s0;
	s31 =	sor.u32 s18, s17;
	(pc) =	sbr.rel @p0 .LBB2_28-.Ltmp13, $4  }
0x1a9: {  	v7 =	vmul.f32 v5, v3;
	v5 =	vld [tilespmem:s31+$0x6680];
	v8 =	vmul.f32 v6, v4  }
0x1aa: {  	v6 =	vld [tilespmem:s31+$0xE680]  }
0x1ab: {  	v7 =	vadd.f32 v8, v7  }
0x1ac: {  	s1 =	sadd.s32 $0x80, s1  }
0x1ad: {  	_ =	sdelay $0x1  }
0x1ae: {  	v3 =	vmul.f32 v5, v3;
	v4 =	vmul.f32 v6, v4;
	_ =	sdelay $0x1  }
0x1af: {  	v3 =	vadd.f32 v4, v3  }
0x1b0: {  	[tilespmem:s30+$0x16680] =	vst v7  }
0x1b1: {  	s0 =	simm.s32 $0x0;
	[tilespmem:s31+$0x16680] =	vst v3  }
0x1b2: {  	s1 =	sand.u32 $0x70, s0;
	s0 =	sand.u32 $0x1C00, s0;
	v3 =	vld [tilespmem:$0xB00]  }
0x1b3: {  	s30 =	sor.u32 s0, s1;
	v4 =	vld [tilespmem:$0x2B00]  }
0x1b4: {  	v5 =	vld [tilespmem:s30+$0x6700]  }
0x1b5: {  	v6 =	vld [tilespmem:s30+$0xE700];
	_ =	sdelay $0x1  }
0x1b6: {  	s17 =	simm.s32 $0x10;
	s18 =	simm.s32 $0x80  }
0x1b7: {  	s0 =	sand.u32 $0x70, s17;
	s1 =	sand.u32 $0x1C00, s18  }
0x1b8: {  	s31 =	sor.u32 s1, s0  }
0x1b9: {  	v7 =	vmul.f32 v5, v3;
	v8 =	vmul.f32 v6, v4;
	v5 =	vld [tilespmem:s31+$0x6700]  }
0x1ba: {  	v6 =	vld [tilespmem:s31+$0xE700]  }
0x1bb: {  	s0 =	simm.s32 $0x20;
	s1 =	simm.s32 $0x100;
	v7 =	vadd.f32 v8, v7  }
.LBB2_30:
0x1bc: {  	s17 =	sand.u32 $0x70, s0  }
0x1bd: {  	s18 =	sand.u32 $0x1C00, s1;
	[tilespmem:s30+$0x16700] =	vst v7;
	s30 =	smov.u32 s31;
	p0 =	sne.s32 s0, $0x3F0  }
.Ltmp14:
0x1be: {  	s0 =	sadd.s32 $0x10, s0;
	s31 =	sor.u32 s18, s17;
	(pc) =	sbr.rel @p0 .LBB2_30-.Ltmp14, $4  }
0x1bf: {  	v7 =	vmul.f32 v5, v3;
	v5 =	vld [tilespmem:s31+$0x6700];
	v8 =	vmul.f32 v6, v4  }
0x1c0: {  	v6 =	vld [tilespmem:s31+$0xE700]  }
0x1c1: {  	v7 =	vadd.f32 v8, v7  }
0x1c2: {  	s1 =	sadd.s32 $0x80, s1  }
0x1c3: {  	_ =	sdelay $0x1  }
0x1c4: {  	v3 =	vmul.f32 v5, v3;
	v4 =	vmul.f32 v6, v4;
	_ =	sdelay $0x1  }
0x1c5: {  	v3 =	vadd.f32 v4, v3  }
0x1c6: {  	[tilespmem:s30+$0x16700] =	vst v7  }
0x1c7: {  	s0 =	simm.s32 $0x0;
	[tilespmem:s31+$0x16700] =	vst v3  }
0x1c8: {  	s0 =	sor.u32 s0, s0;
	v3 =	vld [tilespmem:$0xB80]  }
0x1c9: {  	s30 =	sor.u32 $0x2380, s0;
	v4 =	vld [tilespmem:$0x2B80]  }
0x1ca: {  	v5 =	vld [tilespmem:s30+$0x4400]  }
0x1cb: {  	v6 =	vld [tilespmem:s30+$0xC400];
	_ =	sdelay $0x1  }
0x1cc: {  	s18 =	simm.s32 $0x10;
	s1 =	simm.s32 $0x80  }
0x1cd: {  	s0 =	sor.u32 s1, s18  }
0x1ce: {  	s31 =	sor.u32 $0x2380, s0  }
0x1cf: {  	v7 =	vmul.f32 v5, v3;
	v8 =	vmul.f32 v6, v4;
	v5 =	vld [tilespmem:s31+$0x4400]  }
0x1d0: {  	v6 =	vld [tilespmem:s31+$0xC400]  }
0x1d1: {  	v7 =	vadd.f32 v8, v7  }
0x1d2: {  	s1 =	simm.s32 $0x100;
	s0 =	simm.s32 $0x20  }
.LBB2_32:
0x1d3: {  	s17 =	sor.u32 s1, s0;
	[tilespmem:s30+$0x14400] =	vst v7;
	s30 =	smov.u32 s31;
	p0 =	sne.s32 s0, $0x3F0  }
.Ltmp15:
0x1d4: {  	s0 =	sadd.s32 $0x10, s0;
	s31 =	sor.u32 $0x2380, s17;
	(pc) =	sbr.rel @p0 .LBB2_32-.Ltmp15, $4  }
0x1d5: {  	v7 =	vmul.f32 v5, v3;
	v5 =	vld [tilespmem:s31+$0x4400];
	v8 =	vmul.f32 v6, v4  }
0x1d6: {  	v6 =	vld [tilespmem:s31+$0xC400]  }
0x1d7: {  	v7 =	vadd.f32 v8, v7  }
0x1d8: {  	s1 =	sadd.s32 $0x80, s1  }
0x1d9: {  	_ =	sdelay $0x1  }
0x1da: {  	v3 =	vmul.f32 v5, v3;
	v4 =	vmul.f32 v6, v4;
	_ =	sdelay $0x1  }
0x1db: {  	v3 =	vadd.f32 v4, v3  }
0x1dc: {  	[tilespmem:s30+$0x14400] =	vst v7  }
0x1dd: {  	s0 =	simm.s32 $0x0;
	[tilespmem:s31+$0x14400] =	vst v3  }
0x1de: {  	[hbm4b:s10+s0] =	stream.linear.scatter [tilespmem:s24], [sflag:$0x3], $0x4000, $0x38;
	[tilespmem:$0x1C400] =	vst v63  }
0x1df: {  	_ =	swait.ge [sflag:s20], $0x4000  }
0x1e0: {  	[sflag:s20] =	ssyncset.done $0x0  }
0x1e1: {  	[sflag:s20] =	ssyncadd.s32 $0xFFFFC000  }
0x1e2: {  	_ =	swait.ge [sflag:s21], $0x4000  }
0x1e3: {  	[sflag:s21] =	ssyncset.done $0x0  }
0x1e4: {  	[sflag:s21] =	ssyncadd.s32 $0xFFFFC000  }
0x1e5: {  	v3 =	vld [tilespmem:$0x100];
	_ =	sdelay $0x4  }
0x1e6: {  	v4 =	vshll.u32 v3, $0x3  }
0x1e7: {  	v3 =	vand.u32 $0x7, v3;
	v4 =	vand.u32 $0xFFFFFFC0, v4  }
0x1e8: {  	v3 =	vor.u32 v3, v4  }
0x1e9: {  	v4 =	vperm.xlane v3, v0;
	_ =	sdelay $0x1  }
0x1ea: {  	v4 =	vadd.s32 v1, v4;
	_ =	sdelay $0x3  }
0x1eb: {  	s1 =	simm.s32 $0x4400  }
0x1ec: {  	[tilespmem:s1], [sflag:$0x1] =	stream.indirect_vreg.gather [hbm4b:s3+s0], $0x80, v4, vm0, $0xb8;
	[tilespmem:$0x1C400] =	vst v63  }
0x1ed: {  	s17 =	simm.s32 $0x4C00;
	v3 =	vperm.xlane v3, v2  }
0x1ee: {  	[tilespmem:s17], [sflag:$0x1] =	stream.indirect_vreg.gather [hbm4b:s8+s0], $0x80, v4, vm0, $0xb8;
	[tilespmem:$0x1C400] =	vst v63  }
0x1ef: {  	s18 =	simm.s32 $0x5400;
	v3 =	vadd.s32 v1, v3  }
0x1f0: {  	[tilespmem:s18], [sflag:$0x1] =	stream.indirect_vreg.gather [hbm4b:s9+s0], $0x80, v4, vm0, $0xb8;
	[tilespmem:$0x1C400] =	vst v63  }
0x1f1: {  	s17 =	simm.s32 $0x5C00  }
0x1f2: {  	[tilespmem:s17], [sflag:$0x1] =	stream.indirect_vreg.gather [hbm4b:s11+s0], $0x80, v4, vm0, $0xb8;
	[tilespmem:$0x1C400] =	vst v63  }
0x1f3: {  	s18 =	simm.s32 $0x6400  }
0x1f4: {  	[tilespmem:s18], [sflag:$0x1] =	stream.indirect_vreg.gather [hbm4b:s3+s0], $0x80, v3, vm0, $0xb8;
	[tilespmem:$0x1C400] =	vst v63  }
0x1f5: {  	s17 =	simm.s32 $0x6C00  }
0x1f6: {  	[tilespmem:s17], [sflag:$0x1] =	stream.indirect_vreg.gather [hbm4b:s8+s0], $0x80, v3, vm0, $0xb8;
	[tilespmem:$0x1C400] =	vst v63  }
0x1f7: {  	s18 =	simm.s32 $0x7400  }
0x1f8: {  	[tilespmem:s18], [sflag:$0x1] =	stream.indirect_vreg.gather [hbm4b:s9+s0], $0x80, v3, vm0, $0xb8;
	[tilespmem:$0x1C400] =	vst v63  }
0x1f9: {  	s17 =	simm.s32 $0x7C00  }
0x1fa: {  	[tilespmem:s17], [sflag:$0x1] =	stream.indirect_vreg.gather [hbm4b:s11+s0], $0x80, v3, vm0, $0xb8;
	[tilespmem:$0x1C400] =	vst v63  }
0x1fb: {  	v3 =	vld [tilespmem:$0x300];
	_ =	sdelay $0x4  }
0x1fc: {  	v4 =	vshll.u32 v3, $0x3  }
0x1fd: {  	v3 =	vand.u32 $0x7, v3;
	v4 =	vand.u32 $0xFFFFFFC0, v4  }
0x1fe: {  	v3 =	vor.u32 v3, v4  }
0x1ff: {  	v4 =	vperm.xlane v3, v0;
	_ =	sdelay $0x1  }
0x200: {  	v4 =	vadd.s32 v1, v4;
	_ =	sdelay $0x3  }
0x201: {  	s18 =	simm.s32 $0xC400  }
0x202: {  	[tilespmem:s18], [sflag:$0x2] =	stream.indirect_vreg.gather [hbm4b:s3+s0], $0x80, v4, vm0, $0xb8;
	[tilespmem:$0x1C400] =	vst v63  }
0x203: {  	s17 =	simm.s32 $0xCC00;
	v3 =	vperm.xlane v3, v2  }
0x204: {  	[tilespmem:s17], [sflag:$0x2] =	stream.indirect_vreg.gather [hbm4b:s8+s0], $0x80, v4, vm0, $0xb8;
	[tilespmem:$0x1C400] =	vst v63  }
0x205: {  	v3 =	vadd.s32 v1, v3;
	s18 =	simm.s32 $0xD400  }
0x206: {  	[tilespmem:s18], [sflag:$0x2] =	stream.indirect_vreg.gather [hbm4b:s9+s0], $0x80, v4, vm0, $0xb8;
	[tilespmem:$0x1C400] =	vst v63  }
0x207: {  	s17 =	simm.s32 $0xDC00  }
0x208: {  	[tilespmem:s17], [sflag:$0x2] =	stream.indirect_vreg.gather [hbm4b:s11+s0], $0x80, v4, vm0, $0xb8;
	[tilespmem:$0x1C400] =	vst v63  }
0x209: {  	s18 =	simm.s32 $0xE400  }
0x20a: {  	[tilespmem:s18], [sflag:$0x2] =	stream.indirect_vreg.gather [hbm4b:s3+s0], $0x80, v3, vm0, $0xb8;
	[tilespmem:$0x1C400] =	vst v63  }
0x20b: {  	s17 =	simm.s32 $0xEC00  }
0x20c: {  	[tilespmem:s17], [sflag:$0x2] =	stream.indirect_vreg.gather [hbm4b:s8+s0], $0x80, v3, vm0, $0xb8;
	[tilespmem:$0x1C400] =	vst v63  }
0x20d: {  	s18 =	simm.s32 $0xF400  }
0x20e: {  	[tilespmem:s18], [sflag:$0x2] =	stream.indirect_vreg.gather [hbm4b:s9+s0], $0x80, v3, vm0, $0xb8;
	[tilespmem:$0x1C400] =	vst v63  }
0x20f: {  	s17 =	simm.s32 $0xFC00  }
0x210: {  	[tilespmem:s17], [sflag:$0x2] =	stream.indirect_vreg.gather [hbm4b:s11+s0], $0x80, v3, vm0, $0xb8;
	[tilespmem:$0x1C400] =	vst v63  }
0x211: {  	s18 =	sand.u32 $0x70, s0;
	s0 =	sand.u32 $0x1C00, s0;
	v3 =	vld [tilespmem:$0xC00]  }
0x212: {  	v4 =	vld [tilespmem:$0x2C00];
	s30 =	sor.u32 s18, s0  }
0x213: {  	v5 =	vld [tilespmem:s30+$0x8400]  }
0x214: {  	v6 =	vld [tilespmem:s30+$0x10400];
	_ =	sdelay $0x1  }
0x215: {  	s17 =	simm.s32 $0x10;
	s18 =	simm.s32 $0x80  }
0x216: {  	s0 =	sand.u32 $0x70, s17;
	s1 =	sand.u32 $0x1C00, s18  }
0x217: {  	s31 =	sor.u32 s0, s1  }
0x218: {  	v7 =	vmul.f32 v5, v3;
	v8 =	vmul.f32 v6, v4;
	v5 =	vld [tilespmem:s31+$0x8400]  }
0x219: {  	v6 =	vld [tilespmem:s31+$0x10400]  }
0x21a: {  	s0 =	simm.s32 $0x20;
	s1 =	simm.s32 $0x100;
	v7 =	vadd.f32 v8, v7  }
.LBB2_34:
0x21b: {  	s17 =	sand.u32 $0x70, s0  }
0x21c: {  	s18 =	sand.u32 $0x1C00, s1;
	[tilespmem:s30+$0x18400] =	vst v7;
	s30 =	smov.u32 s31;
	p0 =	sne.s32 s0, $0x3F0  }
.Ltmp16:
0x21d: {  	s0 =	sadd.s32 $0x10, s0;
	s31 =	sor.u32 s17, s18;
	(pc) =	sbr.rel @p0 .LBB2_34-.Ltmp16, $4  }
0x21e: {  	v7 =	vmul.f32 v5, v3;
	v5 =	vld [tilespmem:s31+$0x8400];
	v8 =	vmul.f32 v6, v4  }
0x21f: {  	v6 =	vld [tilespmem:s31+$0x10400]  }
0x220: {  	v7 =	vadd.f32 v8, v7  }
0x221: {  	s1 =	sadd.s32 $0x80, s1  }
0x222: {  	_ =	sdelay $0x1  }
0x223: {  	v3 =	vmul.f32 v5, v3;
	v4 =	vmul.f32 v6, v4;
	_ =	sdelay $0x1  }
0x224: {  	v3 =	vadd.f32 v4, v3  }
0x225: {  	[tilespmem:s30+$0x18400] =	vst v7  }
0x226: {  	s0 =	simm.s32 $0x0;
	[tilespmem:s31+$0x18400] =	vst v3  }
0x227: {  	s1 =	sand.u32 $0x70, s0;
	s0 =	sand.u32 $0x1C00, s0;
	v3 =	vld [tilespmem:$0xC80]  }
0x228: {  	s30 =	sor.u32 s0, s1;
	v4 =	vld [tilespmem:$0x2C80]  }
0x229: {  	v5 =	vld [tilespmem:s30+$0x8480]  }
0x22a: {  	v6 =	vld [tilespmem:s30+$0x10480];
	_ =	sdelay $0x1  }
0x22b: {  	s17 =	simm.s32 $0x10;
	s18 =	simm.s32 $0x80  }
0x22c: {  	s0 =	sand.u32 $0x70, s17;
	s1 =	sand.u32 $0x1C00, s18  }
0x22d: {  	s31 =	sor.u32 s1, s0  }
0x22e: {  	v7 =	vmul.f32 v5, v3;
	v8 =	vmul.f32 v6, v4;
	v5 =	vld [tilespmem:s31+$0x8480]  }
0x22f: {  	v6 =	vld [tilespmem:s31+$0x10480]  }
0x230: {  	s0 =	simm.s32 $0x20;
	s1 =	simm.s32 $0x100;
	v7 =	vadd.f32 v8, v7  }
.LBB2_36:
0x231: {  	s17 =	sand.u32 $0x70, s0  }
0x232: {  	s18 =	sand.u32 $0x1C00, s1;
	[tilespmem:s30+$0x18480] =	vst v7;
	s30 =	smov.u32 s31;
	p0 =	sne.s32 s0, $0x3F0  }
.Ltmp17:
0x233: {  	s0 =	sadd.s32 $0x10, s0;
	s31 =	sor.u32 s18, s17;
	(pc) =	sbr.rel @p0 .LBB2_36-.Ltmp17, $4  }
0x234: {  	v7 =	vmul.f32 v5, v3;
	v5 =	vld [tilespmem:s31+$0x8480];
	v8 =	vmul.f32 v6, v4  }
0x235: {  	v6 =	vld [tilespmem:s31+$0x10480]  }
0x236: {  	v7 =	vadd.f32 v8, v7  }
0x237: {  	s1 =	sadd.s32 $0x80, s1  }
0x238: {  	_ =	sdelay $0x1  }
0x239: {  	v3 =	vmul.f32 v5, v3;
	v4 =	vmul.f32 v6, v4;
	_ =	sdelay $0x1  }
0x23a: {  	v3 =	vadd.f32 v4, v3  }
0x23b: {  	[tilespmem:s30+$0x18480] =	vst v7  }
0x23c: {  	s0 =	simm.s32 $0x0;
	[tilespmem:s31+$0x18480] =	vst v3  }
0x23d: {  	s1 =	sand.u32 $0x70, s0;
	s0 =	sand.u32 $0x1C00, s0;
	v3 =	vld [tilespmem:$0xD00]  }
0x23e: {  	s30 =	sor.u32 s0, s1;
	v4 =	vld [tilespmem:$0x2D00]  }
0x23f: {  	v5 =	vld [tilespmem:s30+$0x8500]  }
0x240: {  	v6 =	vld [tilespmem:s30+$0x10500];
	_ =	sdelay $0x1  }
0x241: {  	s17 =	simm.s32 $0x10;
	s18 =	simm.s32 $0x80  }
0x242: {  	s0 =	sand.u32 $0x70, s17;
	s1 =	sand.u32 $0x1C00, s18  }
0x243: {  	s31 =	sor.u32 s1, s0  }
0x244: {  	v7 =	vmul.f32 v5, v3;
	v8 =	vmul.f32 v6, v4;
	v5 =	vld [tilespmem:s31+$0x8500]  }
0x245: {  	v6 =	vld [tilespmem:s31+$0x10500]  }
0x246: {  	s0 =	simm.s32 $0x20;
	s1 =	simm.s32 $0x100;
	v7 =	vadd.f32 v8, v7  }
.LBB2_38:
0x247: {  	s17 =	sand.u32 $0x70, s0  }
0x248: {  	s18 =	sand.u32 $0x1C00, s1;
	[tilespmem:s30+$0x18500] =	vst v7;
	s30 =	smov.u32 s31;
	p0 =	sne.s32 s0, $0x3F0  }
.Ltmp18:
0x249: {  	s0 =	sadd.s32 $0x10, s0;
	s31 =	sor.u32 s18, s17;
	(pc) =	sbr.rel @p0 .LBB2_38-.Ltmp18, $4  }
0x24a: {  	v7 =	vmul.f32 v5, v3;
	v5 =	vld [tilespmem:s31+$0x8500];
	v8 =	vmul.f32 v6, v4  }
0x24b: {  	v6 =	vld [tilespmem:s31+$0x10500]  }
0x24c: {  	v7 =	vadd.f32 v8, v7  }
0x24d: {  	s1 =	sadd.s32 $0x80, s1  }
0x24e: {  	_ =	sdelay $0x1  }
0x24f: {  	v3 =	vmul.f32 v5, v3;
	v4 =	vmul.f32 v6, v4;
	_ =	sdelay $0x1  }
0x250: {  	v3 =	vadd.f32 v4, v3  }
0x251: {  	[tilespmem:s30+$0x18500] =	vst v7  }
0x252: {  	s0 =	simm.s32 $0x0;
	[tilespmem:s31+$0x18500] =	vst v3  }
0x253: {  	s1 =	sand.u32 $0x70, s0;
	s0 =	sand.u32 $0x1C00, s0;
	v3 =	vld [tilespmem:$0xD80]  }
0x254: {  	s30 =	sor.u32 s0, s1;
	v4 =	vld [tilespmem:$0x2D80]  }
0x255: {  	v5 =	vld [tilespmem:s30+$0x8580]  }
0x256: {  	v6 =	vld [tilespmem:s30+$0x10580];
	_ =	sdelay $0x1  }
0x257: {  	s17 =	simm.s32 $0x10;
	s18 =	simm.s32 $0x80  }
0x258: {  	s0 =	sand.u32 $0x70, s17;
	s1 =	sand.u32 $0x1C00, s18  }
0x259: {  	s31 =	sor.u32 s1, s0  }
0x25a: {  	v7 =	vmul.f32 v5, v3;
	v8 =	vmul.f32 v6, v4;
	v5 =	vld [tilespmem:s31+$0x8580]  }
0x25b: {  	v6 =	vld [tilespmem:s31+$0x10580]  }
0x25c: {  	s0 =	simm.s32 $0x20;
	s1 =	simm.s32 $0x100;
	v7 =	vadd.f32 v8, v7  }
.LBB2_40:
0x25d: {  	s17 =	sand.u32 $0x70, s0  }
0x25e: {  	s18 =	sand.u32 $0x1C00, s1;
	[tilespmem:s30+$0x18580] =	vst v7;
	s30 =	smov.u32 s31;
	p0 =	sne.s32 s0, $0x3F0  }
.Ltmp19:
0x25f: {  	s0 =	sadd.s32 $0x10, s0;
	s31 =	sor.u32 s18, s17;
	(pc) =	sbr.rel @p0 .LBB2_40-.Ltmp19, $4  }
0x260: {  	v7 =	vmul.f32 v5, v3;
	v5 =	vld [tilespmem:s31+$0x8580];
	v8 =	vmul.f32 v6, v4  }
0x261: {  	v6 =	vld [tilespmem:s31+$0x10580]  }
0x262: {  	v7 =	vadd.f32 v8, v7  }
0x263: {  	s1 =	sadd.s32 $0x80, s1  }
0x264: {  	_ =	sdelay $0x1  }
0x265: {  	v3 =	vmul.f32 v5, v3;
	v4 =	vmul.f32 v6, v4;
	_ =	sdelay $0x1  }
0x266: {  	v3 =	vadd.f32 v4, v3  }
0x267: {  	[tilespmem:s30+$0x18580] =	vst v7  }
0x268: {  	s0 =	simm.s32 $0x0;
	[tilespmem:s31+$0x18580] =	vst v3  }
0x269: {  	s1 =	sand.u32 $0x70, s0;
	s0 =	sand.u32 $0x1C00, s0;
	v3 =	vld [tilespmem:$0xE00]  }
0x26a: {  	s30 =	sor.u32 s0, s1;
	v4 =	vld [tilespmem:$0x2E00]  }
0x26b: {  	v5 =	vld [tilespmem:s30+$0x8600]  }
0x26c: {  	v6 =	vld [tilespmem:s30+$0x10600];
	_ =	sdelay $0x1  }
0x26d: {  	s17 =	simm.s32 $0x10;
	s18 =	simm.s32 $0x80  }
0x26e: {  	s0 =	sand.u32 $0x70, s17;
	s1 =	sand.u32 $0x1C00, s18  }
0x26f: {  	s31 =	sor.u32 s1, s0  }
0x270: {  	v7 =	vmul.f32 v5, v3;
	v8 =	vmul.f32 v6, v4;
	v5 =	vld [tilespmem:s31+$0x8600]  }
0x271: {  	v6 =	vld [tilespmem:s31+$0x10600]  }
0x272: {  	s0 =	simm.s32 $0x20;
	s1 =	simm.s32 $0x100;
	v7 =	vadd.f32 v8, v7  }
.LBB2_42:
0x273: {  	s17 =	sand.u32 $0x70, s0  }
0x274: {  	s18 =	sand.u32 $0x1C00, s1;
	[tilespmem:s30+$0x18600] =	vst v7;
	s30 =	smov.u32 s31;
	p0 =	sne.s32 s0, $0x3F0  }
.Ltmp20:
0x275: {  	s0 =	sadd.s32 $0x10, s0;
	s31 =	sor.u32 s18, s17;
	(pc) =	sbr.rel @p0 .LBB2_42-.Ltmp20, $4  }
0x276: {  	v7 =	vmul.f32 v5, v3;
	v5 =	vld [tilespmem:s31+$0x8600];
	v8 =	vmul.f32 v6, v4  }
0x277: {  	v6 =	vld [tilespmem:s31+$0x10600]  }
0x278: {  	v7 =	vadd.f32 v8, v7  }
0x279: {  	s1 =	sadd.s32 $0x80, s1  }
0x27a: {  	_ =	sdelay $0x1  }
0x27b: {  	v3 =	vmul.f32 v5, v3;
	v4 =	vmul.f32 v6, v4;
	_ =	sdelay $0x1  }
0x27c: {  	v3 =	vadd.f32 v4, v3  }
0x27d: {  	[tilespmem:s30+$0x18600] =	vst v7  }
0x27e: {  	s0 =	simm.s32 $0x0;
	[tilespmem:s31+$0x18600] =	vst v3  }
0x27f: {  	s1 =	sand.u32 $0x70, s0;
	s0 =	sand.u32 $0x1C00, s0;
	v3 =	vld [tilespmem:$0xE80]  }
0x280: {  	s30 =	sor.u32 s0, s1;
	v4 =	vld [tilespmem:$0x2E80]  }
0x281: {  	v5 =	vld [tilespmem:s30+$0x8680]  }
0x282: {  	v6 =	vld [tilespmem:s30+$0x10680];
	_ =	sdelay $0x1  }
0x283: {  	s17 =	simm.s32 $0x10;
	s18 =	simm.s32 $0x80  }
0x284: {  	s0 =	sand.u32 $0x70, s17;
	s1 =	sand.u32 $0x1C00, s18  }
0x285: {  	s31 =	sor.u32 s1, s0  }
0x286: {  	v7 =	vmul.f32 v5, v3;
	v8 =	vmul.f32 v6, v4;
	v5 =	vld [tilespmem:s31+$0x8680]  }
0x287: {  	v6 =	vld [tilespmem:s31+$0x10680]  }
0x288: {  	s0 =	simm.s32 $0x20;
	s1 =	simm.s32 $0x100;
	v7 =	vadd.f32 v8, v7  }
.LBB2_44:
0x289: {  	s17 =	sand.u32 $0x70, s0  }
0x28a: {  	s18 =	sand.u32 $0x1C00, s1;
	[tilespmem:s30+$0x18680] =	vst v7;
	s30 =	smov.u32 s31;
	p0 =	sne.s32 s0, $0x3F0  }
.Ltmp21:
0x28b: {  	s0 =	sadd.s32 $0x10, s0;
	s31 =	sor.u32 s18, s17;
	(pc) =	sbr.rel @p0 .LBB2_44-.Ltmp21, $4  }
0x28c: {  	v7 =	vmul.f32 v5, v3;
	v5 =	vld [tilespmem:s31+$0x8680];
	v8 =	vmul.f32 v6, v4  }
0x28d: {  	v6 =	vld [tilespmem:s31+$0x10680]  }
0x28e: {  	v7 =	vadd.f32 v8, v7  }
0x28f: {  	s1 =	sadd.s32 $0x80, s1  }
0x290: {  	_ =	sdelay $0x1  }
0x291: {  	v3 =	vmul.f32 v5, v3;
	v4 =	vmul.f32 v6, v4;
	_ =	sdelay $0x1  }
0x292: {  	v3 =	vadd.f32 v4, v3  }
0x293: {  	[tilespmem:s30+$0x18680] =	vst v7  }
0x294: {  	s0 =	simm.s32 $0x0;
	[tilespmem:s31+$0x18680] =	vst v3  }
0x295: {  	s1 =	sand.u32 $0x70, s0;
	s0 =	sand.u32 $0x1C00, s0;
	v3 =	vld [tilespmem:$0xF00]  }
0x296: {  	s30 =	sor.u32 s0, s1;
	v4 =	vld [tilespmem:$0x2F00]  }
0x297: {  	v5 =	vld [tilespmem:s30+$0x8700]  }
0x298: {  	v6 =	vld [tilespmem:s30+$0x10700];
	_ =	sdelay $0x1  }
0x299: {  	s17 =	simm.s32 $0x10;
	s18 =	simm.s32 $0x80  }
0x29a: {  	s0 =	sand.u32 $0x70, s17;
	s1 =	sand.u32 $0x1C00, s18  }
0x29b: {  	s31 =	sor.u32 s1, s0  }
0x29c: {  	v7 =	vmul.f32 v5, v3;
	v8 =	vmul.f32 v6, v4;
	v5 =	vld [tilespmem:s31+$0x8700]  }
0x29d: {  	v6 =	vld [tilespmem:s31+$0x10700]  }
0x29e: {  	s0 =	simm.s32 $0x20;
	s1 =	simm.s32 $0x100;
	v7 =	vadd.f32 v8, v7  }
.LBB2_46:
0x29f: {  	s17 =	sand.u32 $0x70, s0  }
0x2a0: {  	s18 =	sand.u32 $0x1C00, s1;
	[tilespmem:s30+$0x18700] =	vst v7;
	s30 =	smov.u32 s31;
	p0 =	sne.s32 s0, $0x3F0  }
.Ltmp22:
0x2a1: {  	s0 =	sadd.s32 $0x10, s0;
	s31 =	sor.u32 s18, s17;
	(pc) =	sbr.rel @p0 .LBB2_46-.Ltmp22, $4  }
0x2a2: {  	v7 =	vmul.f32 v5, v3;
	v5 =	vld [tilespmem:s31+$0x8700];
	v8 =	vmul.f32 v6, v4  }
0x2a3: {  	v6 =	vld [tilespmem:s31+$0x10700]  }
0x2a4: {  	v7 =	vadd.f32 v8, v7  }
0x2a5: {  	s1 =	sadd.s32 $0x80, s1  }
0x2a6: {  	_ =	sdelay $0x1  }
0x2a7: {  	v3 =	vmul.f32 v5, v3;
	v4 =	vmul.f32 v6, v4;
	_ =	sdelay $0x1  }
0x2a8: {  	v3 =	vadd.f32 v4, v3  }
0x2a9: {  	[tilespmem:s30+$0x18700] =	vst v7  }
0x2aa: {  	s0 =	simm.s32 $0x0;
	[tilespmem:s31+$0x18700] =	vst v3  }
0x2ab: {  	s0 =	sor.u32 s0, s0;
	v3 =	vld [tilespmem:$0xF80]  }
0x2ac: {  	s30 =	sor.u32 $0x380, s0;
	v4 =	vld [tilespmem:$0x2F80]  }
0x2ad: {  	v5 =	vld [tilespmem:s30+$0x8400]  }
0x2ae: {  	v6 =	vld [tilespmem:s30+$0x10400];
	_ =	sdelay $0x1  }
0x2af: {  	s18 =	simm.s32 $0x10;
	s1 =	simm.s32 $0x80  }
0x2b0: {  	s0 =	sor.u32 s1, s18  }
0x2b1: {  	s31 =	sor.u32 $0x380, s0  }
0x2b2: {  	v7 =	vmul.f32 v5, v3;
	v8 =	vmul.f32 v6, v4;
	v5 =	vld [tilespmem:s31+$0x8400]  }
0x2b3: {  	v6 =	vld [tilespmem:s31+$0x10400]  }
0x2b4: {  	v7 =	vadd.f32 v8, v7  }
0x2b5: {  	s1 =	simm.s32 $0x100;
	s0 =	simm.s32 $0x20  }
.LBB2_48:
0x2b6: {  	s17 =	sor.u32 s1, s0;
	[tilespmem:s30+$0x18400] =	vst v7;
	s30 =	smov.u32 s31;
	p0 =	sne.s32 s0, $0x3F0  }
.Ltmp23:
0x2b7: {  	s0 =	sadd.s32 $0x10, s0;
	s31 =	sor.u32 $0x380, s17;
	(pc) =	sbr.rel @p0 .LBB2_48-.Ltmp23, $4  }
0x2b8: {  	v7 =	vmul.f32 v5, v3;
	v5 =	vld [tilespmem:s31+$0x8400];
	v8 =	vmul.f32 v6, v4  }
0x2b9: {  	v6 =	vld [tilespmem:s31+$0x10400]  }
0x2ba: {  	v7 =	vadd.f32 v8, v7  }
0x2bb: {  	s1 =	sadd.s32 $0x80, s1  }
0x2bc: {  	_ =	sdelay $0x1  }
0x2bd: {  	v3 =	vmul.f32 v5, v3;
	v4 =	vmul.f32 v6, v4;
	_ =	sdelay $0x1  }
0x2be: {  	v3 =	vadd.f32 v4, v3  }
0x2bf: {  	[tilespmem:s30+$0x18400] =	vst v7  }
0x2c0: {  	s0 =	simm.s32 $0x0;
	[tilespmem:s31+$0x18400] =	vst v3  }
0x2c1: {  	s1 =	sand.u32 $0x70, s0;
	s0 =	sand.u32 $0x1C00, s0;
	v3 =	vld [tilespmem:$0x1000]  }
0x2c2: {  	s30 =	sor.u32 s0, s1;
	v4 =	vld [tilespmem:$0x3000]  }
0x2c3: {  	v5 =	vld [tilespmem:s30+$0xA400]  }
0x2c4: {  	v6 =	vld [tilespmem:s30+$0x12400];
	_ =	sdelay $0x1  }
0x2c5: {  	s17 =	simm.s32 $0x10;
	s18 =	simm.s32 $0x80  }
0x2c6: {  	s0 =	sand.u32 $0x70, s17;
	s1 =	sand.u32 $0x1C00, s18  }
0x2c7: {  	s31 =	sor.u32 s1, s0  }
0x2c8: {  	v7 =	vmul.f32 v5, v3;
	v8 =	vmul.f32 v6, v4;
	v5 =	vld [tilespmem:s31+$0xA400]  }
0x2c9: {  	v6 =	vld [tilespmem:s31+$0x12400]  }
0x2ca: {  	s0 =	simm.s32 $0x20;
	s1 =	simm.s32 $0x100;
	v7 =	vadd.f32 v8, v7  }
.LBB2_50:
0x2cb: {  	s17 =	sand.u32 $0x70, s0  }
0x2cc: {  	s18 =	sand.u32 $0x1C00, s1;
	[tilespmem:s30+$0x1A400] =	vst v7;
	s30 =	smov.u32 s31;
	p0 =	sne.s32 s0, $0x3F0  }
.Ltmp24:
0x2cd: {  	s0 =	sadd.s32 $0x10, s0;
	s31 =	sor.u32 s18, s17;
	(pc) =	sbr.rel @p0 .LBB2_50-.Ltmp24, $4  }
0x2ce: {  	v7 =	vmul.f32 v5, v3;
	v5 =	vld [tilespmem:s31+$0xA400];
	v8 =	vmul.f32 v6, v4  }
0x2cf: {  	v6 =	vld [tilespmem:s31+$0x12400]  }
0x2d0: {  	v7 =	vadd.f32 v8, v7  }
0x2d1: {  	s1 =	sadd.s32 $0x80, s1  }
0x2d2: {  	_ =	sdelay $0x1  }
0x2d3: {  	v3 =	vmul.f32 v5, v3;
	v4 =	vmul.f32 v6, v4;
	_ =	sdelay $0x1  }
0x2d4: {  	v3 =	vadd.f32 v4, v3  }
0x2d5: {  	[tilespmem:s30+$0x1A400] =	vst v7  }
0x2d6: {  	s0 =	simm.s32 $0x0;
	[tilespmem:s31+$0x1A400] =	vst v3  }
0x2d7: {  	s1 =	sand.u32 $0x70, s0;
	s0 =	sand.u32 $0x1C00, s0;
	v3 =	vld [tilespmem:$0x1080]  }
0x2d8: {  	s30 =	sor.u32 s0, s1;
	v4 =	vld [tilespmem:$0x3080]  }
0x2d9: {  	v5 =	vld [tilespmem:s30+$0xA480]  }
0x2da: {  	v6 =	vld [tilespmem:s30+$0x12480];
	_ =	sdelay $0x1  }
0x2db: {  	s17 =	simm.s32 $0x10;
	s18 =	simm.s32 $0x80  }
0x2dc: {  	s0 =	sand.u32 $0x70, s17;
	s1 =	sand.u32 $0x1C00, s18  }
0x2dd: {  	s31 =	sor.u32 s1, s0  }
0x2de: {  	v7 =	vmul.f32 v5, v3;
	v8 =	vmul.f32 v6, v4;
	v5 =	vld [tilespmem:s31+$0xA480]  }
0x2df: {  	v6 =	vld [tilespmem:s31+$0x12480]  }
0x2e0: {  	s0 =	simm.s32 $0x20;
	s1 =	simm.s32 $0x100;
	v7 =	vadd.f32 v8, v7  }
.LBB2_52:
0x2e1: {  	s17 =	sand.u32 $0x70, s0  }
0x2e2: {  	s18 =	sand.u32 $0x1C00, s1;
	[tilespmem:s30+$0x1A480] =	vst v7;
	s30 =	smov.u32 s31;
	p0 =	sne.s32 s0, $0x3F0  }
.Ltmp25:
0x2e3: {  	s0 =	sadd.s32 $0x10, s0;
	s31 =	sor.u32 s18, s17;
	(pc) =	sbr.rel @p0 .LBB2_52-.Ltmp25, $4  }
0x2e4: {  	v7 =	vmul.f32 v5, v3;
	v5 =	vld [tilespmem:s31+$0xA480];
	v8 =	vmul.f32 v6, v4  }
0x2e5: {  	v6 =	vld [tilespmem:s31+$0x12480]  }
0x2e6: {  	v7 =	vadd.f32 v8, v7  }
0x2e7: {  	s1 =	sadd.s32 $0x80, s1  }
0x2e8: {  	_ =	sdelay $0x1  }
0x2e9: {  	v3 =	vmul.f32 v5, v3;
	v4 =	vmul.f32 v6, v4;
	_ =	sdelay $0x1  }
0x2ea: {  	v3 =	vadd.f32 v4, v3  }
0x2eb: {  	[tilespmem:s30+$0x1A480] =	vst v7  }
0x2ec: {  	s0 =	simm.s32 $0x0;
	[tilespmem:s31+$0x1A480] =	vst v3  }
0x2ed: {  	s1 =	sand.u32 $0x70, s0;
	s0 =	sand.u32 $0x1C00, s0;
	v3 =	vld [tilespmem:$0x1100]  }
0x2ee: {  	s30 =	sor.u32 s0, s1;
	v4 =	vld [tilespmem:$0x3100]  }
0x2ef: {  	v5 =	vld [tilespmem:s30+$0xA500]  }
0x2f0: {  	v6 =	vld [tilespmem:s30+$0x12500];
	_ =	sdelay $0x1  }
0x2f1: {  	s17 =	simm.s32 $0x10;
	s18 =	simm.s32 $0x80  }
0x2f2: {  	s0 =	sand.u32 $0x70, s17;
	s1 =	sand.u32 $0x1C00, s18  }
0x2f3: {  	s31 =	sor.u32 s1, s0  }
0x2f4: {  	v7 =	vmul.f32 v5, v3;
	v8 =	vmul.f32 v6, v4;
	v5 =	vld [tilespmem:s31+$0xA500]  }
0x2f5: {  	v6 =	vld [tilespmem:s31+$0x12500]  }
0x2f6: {  	s0 =	simm.s32 $0x20;
	s1 =	simm.s32 $0x100;
	v7 =	vadd.f32 v8, v7  }
.LBB2_54:
0x2f7: {  	s17 =	sand.u32 $0x70, s0  }
0x2f8: {  	s18 =	sand.u32 $0x1C00, s1;
	[tilespmem:s30+$0x1A500] =	vst v7;
	s30 =	smov.u32 s31;
	p0 =	sne.s32 s0, $0x3F0  }
.Ltmp26:
0x2f9: {  	s0 =	sadd.s32 $0x10, s0;
	s31 =	sor.u32 s18, s17;
	(pc) =	sbr.rel @p0 .LBB2_54-.Ltmp26, $4  }
0x2fa: {  	v7 =	vmul.f32 v5, v3;
	v5 =	vld [tilespmem:s31+$0xA500];
	v8 =	vmul.f32 v6, v4  }
0x2fb: {  	v6 =	vld [tilespmem:s31+$0x12500]  }
0x2fc: {  	v7 =	vadd.f32 v8, v7  }
0x2fd: {  	s1 =	sadd.s32 $0x80, s1  }
0x2fe: {  	_ =	sdelay $0x1  }
0x2ff: {  	v3 =	vmul.f32 v5, v3;
	v4 =	vmul.f32 v6, v4;
	_ =	sdelay $0x1  }
0x300: {  	v3 =	vadd.f32 v4, v3  }
0x301: {  	[tilespmem:s30+$0x1A500] =	vst v7  }
0x302: {  	s0 =	simm.s32 $0x0;
	[tilespmem:s31+$0x1A500] =	vst v3  }
0x303: {  	s1 =	sand.u32 $0x70, s0;
	s0 =	sand.u32 $0x1C00, s0;
	v3 =	vld [tilespmem:$0x1180]  }
0x304: {  	s30 =	sor.u32 s0, s1;
	v4 =	vld [tilespmem:$0x3180]  }
0x305: {  	v5 =	vld [tilespmem:s30+$0xA580]  }
0x306: {  	v6 =	vld [tilespmem:s30+$0x12580];
	_ =	sdelay $0x1  }
0x307: {  	s17 =	simm.s32 $0x10;
	s18 =	simm.s32 $0x80  }
0x308: {  	s0 =	sand.u32 $0x70, s17;
	s1 =	sand.u32 $0x1C00, s18  }
0x309: {  	s31 =	sor.u32 s1, s0  }
0x30a: {  	v7 =	vmul.f32 v5, v3;
	v8 =	vmul.f32 v6, v4;
	v5 =	vld [tilespmem:s31+$0xA580]  }
0x30b: {  	v6 =	vld [tilespmem:s31+$0x12580]  }
0x30c: {  	s0 =	simm.s32 $0x20;
	s1 =	simm.s32 $0x100;
	v7 =	vadd.f32 v8, v7  }
.LBB2_56:
0x30d: {  	s17 =	sand.u32 $0x70, s0  }
0x30e: {  	s18 =	sand.u32 $0x1C00, s1;
	[tilespmem:s30+$0x1A580] =	vst v7;
	s30 =	smov.u32 s31;
	p0 =	sne.s32 s0, $0x3F0  }
.Ltmp27:
0x30f: {  	s0 =	sadd.s32 $0x10, s0;
	s31 =	sor.u32 s18, s17;
	(pc) =	sbr.rel @p0 .LBB2_56-.Ltmp27, $4  }
0x310: {  	v7 =	vmul.f32 v5, v3;
	v5 =	vld [tilespmem:s31+$0xA580];
	v8 =	vmul.f32 v6, v4  }
0x311: {  	v6 =	vld [tilespmem:s31+$0x12580]  }
0x312: {  	v7 =	vadd.f32 v8, v7  }
0x313: {  	s1 =	sadd.s32 $0x80, s1  }
0x314: {  	_ =	sdelay $0x1  }
0x315: {  	v3 =	vmul.f32 v5, v3;
	v4 =	vmul.f32 v6, v4;
	_ =	sdelay $0x1  }
0x316: {  	v3 =	vadd.f32 v4, v3  }
0x317: {  	[tilespmem:s30+$0x1A580] =	vst v7  }
0x318: {  	s0 =	simm.s32 $0x0;
	[tilespmem:s31+$0x1A580] =	vst v3  }
0x319: {  	s1 =	sand.u32 $0x70, s0;
	s0 =	sand.u32 $0x1C00, s0;
	v3 =	vld [tilespmem:$0x1200]  }
0x31a: {  	s30 =	sor.u32 s0, s1;
	v4 =	vld [tilespmem:$0x3200]  }
0x31b: {  	v5 =	vld [tilespmem:s30+$0xA600]  }
0x31c: {  	v6 =	vld [tilespmem:s30+$0x12600];
	_ =	sdelay $0x1  }
0x31d: {  	s17 =	simm.s32 $0x10;
	s18 =	simm.s32 $0x80  }
0x31e: {  	s0 =	sand.u32 $0x70, s17;
	s1 =	sand.u32 $0x1C00, s18  }
0x31f: {  	s31 =	sor.u32 s1, s0  }
0x320: {  	v7 =	vmul.f32 v5, v3;
	v8 =	vmul.f32 v6, v4;
	v5 =	vld [tilespmem:s31+$0xA600]  }
0x321: {  	v6 =	vld [tilespmem:s31+$0x12600]  }
0x322: {  	s0 =	simm.s32 $0x20;
	s1 =	simm.s32 $0x100;
	v7 =	vadd.f32 v8, v7  }
.LBB2_58:
0x323: {  	s17 =	sand.u32 $0x70, s0  }
0x324: {  	s18 =	sand.u32 $0x1C00, s1;
	[tilespmem:s30+$0x1A600] =	vst v7;
	s30 =	smov.u32 s31;
	p0 =	sne.s32 s0, $0x3F0  }
.Ltmp28:
0x325: {  	s0 =	sadd.s32 $0x10, s0;
	s31 =	sor.u32 s18, s17;
	(pc) =	sbr.rel @p0 .LBB2_58-.Ltmp28, $4  }
0x326: {  	v7 =	vmul.f32 v5, v3;
	v5 =	vld [tilespmem:s31+$0xA600];
	v8 =	vmul.f32 v6, v4  }
0x327: {  	v6 =	vld [tilespmem:s31+$0x12600]  }
0x328: {  	v7 =	vadd.f32 v8, v7  }
0x329: {  	s1 =	sadd.s32 $0x80, s1  }
0x32a: {  	_ =	sdelay $0x1  }
0x32b: {  	v3 =	vmul.f32 v5, v3;
	v4 =	vmul.f32 v6, v4;
	_ =	sdelay $0x1  }
0x32c: {  	v3 =	vadd.f32 v4, v3  }
0x32d: {  	[tilespmem:s30+$0x1A600] =	vst v7  }
0x32e: {  	s0 =	simm.s32 $0x0;
	[tilespmem:s31+$0x1A600] =	vst v3  }
0x32f: {  	s1 =	sand.u32 $0x70, s0;
	s0 =	sand.u32 $0x1C00, s0;
	v3 =	vld [tilespmem:$0x1280]  }
0x330: {  	s30 =	sor.u32 s0, s1;
	v4 =	vld [tilespmem:$0x3280]  }
0x331: {  	v5 =	vld [tilespmem:s30+$0xA680]  }
0x332: {  	v6 =	vld [tilespmem:s30+$0x12680];
	_ =	sdelay $0x1  }
0x333: {  	s17 =	simm.s32 $0x10;
	s18 =	simm.s32 $0x80  }
0x334: {  	s0 =	sand.u32 $0x70, s17;
	s1 =	sand.u32 $0x1C00, s18  }
0x335: {  	s31 =	sor.u32 s1, s0  }
0x336: {  	v7 =	vmul.f32 v5, v3;
	v8 =	vmul.f32 v6, v4;
	v5 =	vld [tilespmem:s31+$0xA680]  }
0x337: {  	v6 =	vld [tilespmem:s31+$0x12680]  }
0x338: {  	s0 =	simm.s32 $0x20;
	s1 =	simm.s32 $0x100;
	v7 =	vadd.f32 v8, v7  }
.LBB2_60:
0x339: {  	s17 =	sand.u32 $0x70, s0  }
0x33a: {  	s18 =	sand.u32 $0x1C00, s1;
	[tilespmem:s30+$0x1A680] =	vst v7;
	s30 =	smov.u32 s31;
	p0 =	sne.s32 s0, $0x3F0  }
.Ltmp29:
0x33b: {  	s0 =	sadd.s32 $0x10, s0;
	s31 =	sor.u32 s18, s17;
	(pc) =	sbr.rel @p0 .LBB2_60-.Ltmp29, $4  }
0x33c: {  	v7 =	vmul.f32 v5, v3;
	v5 =	vld [tilespmem:s31+$0xA680];
	v8 =	vmul.f32 v6, v4  }
0x33d: {  	v6 =	vld [tilespmem:s31+$0x12680]  }
0x33e: {  	v7 =	vadd.f32 v8, v7  }
0x33f: {  	s1 =	sadd.s32 $0x80, s1  }
0x340: {  	_ =	sdelay $0x1  }
0x341: {  	v3 =	vmul.f32 v5, v3;
	v4 =	vmul.f32 v6, v4;
	_ =	sdelay $0x1  }
0x342: {  	v3 =	vadd.f32 v4, v3  }
0x343: {  	[tilespmem:s30+$0x1A680] =	vst v7  }
0x344: {  	s0 =	simm.s32 $0x0;
	[tilespmem:s31+$0x1A680] =	vst v3  }
0x345: {  	s1 =	sand.u32 $0x70, s0;
	s0 =	sand.u32 $0x1C00, s0;
	v3 =	vld [tilespmem:$0x1300]  }
0x346: {  	s30 =	sor.u32 s0, s1;
	v4 =	vld [tilespmem:$0x3300]  }
0x347: {  	v5 =	vld [tilespmem:s30+$0xA700]  }
0x348: {  	v6 =	vld [tilespmem:s30+$0x12700];
	_ =	sdelay $0x1  }
0x349: {  	s17 =	simm.s32 $0x10;
	s18 =	simm.s32 $0x80  }
0x34a: {  	s0 =	sand.u32 $0x70, s17;
	s1 =	sand.u32 $0x1C00, s18  }
0x34b: {  	s31 =	sor.u32 s1, s0  }
0x34c: {  	v7 =	vmul.f32 v5, v3;
	v8 =	vmul.f32 v6, v4;
	v5 =	vld [tilespmem:s31+$0xA700]  }
0x34d: {  	v6 =	vld [tilespmem:s31+$0x12700]  }
0x34e: {  	s0 =	simm.s32 $0x20;
	s1 =	simm.s32 $0x100;
	v7 =	vadd.f32 v8, v7  }
.LBB2_62:
0x34f: {  	s17 =	sand.u32 $0x70, s0  }
0x350: {  	s18 =	sand.u32 $0x1C00, s1;
	[tilespmem:s30+$0x1A700] =	vst v7;
	s30 =	smov.u32 s31;
	p0 =	sne.s32 s0, $0x3F0  }
.Ltmp30:
0x351: {  	s0 =	sadd.s32 $0x10, s0;
	s31 =	sor.u32 s18, s17;
	(pc) =	sbr.rel @p0 .LBB2_62-.Ltmp30, $4  }
0x352: {  	v7 =	vmul.f32 v5, v3;
	v5 =	vld [tilespmem:s31+$0xA700];
	v8 =	vmul.f32 v6, v4  }
0x353: {  	v6 =	vld [tilespmem:s31+$0x12700]  }
0x354: {  	v7 =	vadd.f32 v8, v7  }
0x355: {  	s1 =	sadd.s32 $0x80, s1  }
0x356: {  	_ =	sdelay $0x1  }
0x357: {  	v3 =	vmul.f32 v5, v3;
	v4 =	vmul.f32 v6, v4;
	_ =	sdelay $0x1  }
0x358: {  	v3 =	vadd.f32 v4, v3  }
0x359: {  	[tilespmem:s30+$0x1A700] =	vst v7  }
0x35a: {  	s0 =	simm.s32 $0x0;
	[tilespmem:s31+$0x1A700] =	vst v3  }
0x35b: {  	s0 =	sor.u32 s0, s0;
	v3 =	vld [tilespmem:$0x1380]  }
0x35c: {  	s30 =	sor.u32 $0x2380, s0;
	v4 =	vld [tilespmem:$0x3380]  }
0x35d: {  	v5 =	vld [tilespmem:s30+$0x8400]  }
0x35e: {  	v6 =	vld [tilespmem:s30+$0x10400];
	_ =	sdelay $0x1  }
0x35f: {  	s18 =	simm.s32 $0x10;
	s1 =	simm.s32 $0x80  }
0x360: {  	s0 =	sor.u32 s1, s18  }
0x361: {  	s31 =	sor.u32 $0x2380, s0  }
0x362: {  	v7 =	vmul.f32 v5, v3;
	v8 =	vmul.f32 v6, v4;
	v5 =	vld [tilespmem:s31+$0x8400]  }
0x363: {  	v6 =	vld [tilespmem:s31+$0x10400]  }
0x364: {  	v7 =	vadd.f32 v8, v7  }
0x365: {  	s1 =	simm.s32 $0x100;
	s0 =	simm.s32 $0x20  }
.LBB2_64:
0x366: {  	s17 =	sor.u32 s1, s0;
	[tilespmem:s30+$0x18400] =	vst v7;
	s30 =	smov.u32 s31;
	p0 =	sne.s32 s0, $0x3F0  }
.Ltmp31:
0x367: {  	s0 =	sadd.s32 $0x10, s0;
	s31 =	sor.u32 $0x2380, s17;
	(pc) =	sbr.rel @p0 .LBB2_64-.Ltmp31, $4  }
0x368: {  	v7 =	vmul.f32 v5, v3;
	v5 =	vld [tilespmem:s31+$0x8400];
	v8 =	vmul.f32 v6, v4  }
0x369: {  	v6 =	vld [tilespmem:s31+$0x10400]  }
0x36a: {  	v7 =	vadd.f32 v8, v7  }
0x36b: {  	s1 =	sadd.s32 $0x80, s1  }
0x36c: {  	_ =	sdelay $0x1  }
0x36d: {  	v3 =	vmul.f32 v5, v3;
	v4 =	vmul.f32 v6, v4;
	_ =	sdelay $0x1  }
0x36e: {  	v3 =	vadd.f32 v4, v3  }
0x36f: {  	[tilespmem:s30+$0x18400] =	vst v7  }
0x370: {  	s0 =	simm.s32 $0x0;
	[tilespmem:s31+$0x18400] =	vst v3  }
0x371: {  	[hbm4b:s12+s0] =	stream.linear.scatter [tilespmem:s25], [sflag:$0x4], $0x4000, $0x38;
	[tilespmem:$0x1C400] =	vst v63  }
0x372: {  	_ =	swait.ge [sflag:s20], $0x4000  }
0x373: {  	[sflag:s20] =	ssyncset.done $0x0  }
0x374: {  	[sflag:s20] =	ssyncadd.s32 $0xFFFFC000  }
0x375: {  	_ =	swait.ge [sflag:s21], $0x4000  }
0x376: {  	[sflag:s21] =	ssyncset.done $0x0  }
0x377: {  	[sflag:s21] =	ssyncadd.s32 $0xFFFFC000  }
0x378: {  	v3 =	vld [tilespmem:$0x180];
	_ =	sdelay $0x4  }
0x379: {  	v4 =	vshll.u32 v3, $0x3  }
0x37a: {  	v3 =	vand.u32 $0x7, v3;
	v4 =	vand.u32 $0xFFFFFFC0, v4  }
0x37b: {  	v3 =	vor.u32 v3, v4  }
0x37c: {  	v4 =	vperm.xlane v3, v0;
	_ =	sdelay $0x1  }
0x37d: {  	v4 =	vadd.s32 v1, v4;
	_ =	sdelay $0x3  }
0x37e: {  	s1 =	simm.s32 $0x8400  }
0x37f: {  	[tilespmem:s1], [sflag:$0x1] =	stream.indirect_vreg.gather [hbm4b:s3+s0], $0x80, v4, vm0, $0xb8;
	[tilespmem:$0x1C400] =	vst v63  }
0x380: {  	s18 =	simm.s32 $0x8C00;
	v3 =	vperm.xlane v3, v2  }
0x381: {  	[tilespmem:s18], [sflag:$0x1] =	stream.indirect_vreg.gather [hbm4b:s8+s0], $0x80, v4, vm0, $0xb8;
	[tilespmem:$0x1C400] =	vst v63  }
0x382: {  	s17 =	simm.s32 $0x9400;
	v3 =	vadd.s32 v1, v3  }
0x383: {  	[tilespmem:s17], [sflag:$0x1] =	stream.indirect_vreg.gather [hbm4b:s9+s0], $0x80, v4, vm0, $0xb8;
	[tilespmem:$0x1C400] =	vst v63  }
0x384: {  	s18 =	simm.s32 $0x9C00  }
0x385: {  	[tilespmem:s18], [sflag:$0x1] =	stream.indirect_vreg.gather [hbm4b:s11+s0], $0x80, v4, vm0, $0xb8;
	[tilespmem:$0x1C400] =	vst v63  }
0x386: {  	s17 =	simm.s32 $0xA400  }
0x387: {  	[tilespmem:s17], [sflag:$0x1] =	stream.indirect_vreg.gather [hbm4b:s3+s0], $0x80, v3, vm0, $0xb8;
	[tilespmem:$0x1C400] =	vst v63  }
0x388: {  	s18 =	simm.s32 $0xAC00  }
0x389: {  	[tilespmem:s18], [sflag:$0x1] =	stream.indirect_vreg.gather [hbm4b:s8+s0], $0x80, v3, vm0, $0xb8;
	[tilespmem:$0x1C400] =	vst v63  }
0x38a: {  	s17 =	simm.s32 $0xB400  }
0x38b: {  	[tilespmem:s17], [sflag:$0x1] =	stream.indirect_vreg.gather [hbm4b:s9+s0], $0x80, v3, vm0, $0xb8;
	[tilespmem:$0x1C400] =	vst v63  }
0x38c: {  	s18 =	simm.s32 $0xBC00  }
0x38d: {  	[tilespmem:s18], [sflag:$0x1] =	stream.indirect_vreg.gather [hbm4b:s11+s0], $0x80, v3, vm0, $0xb8;
	[tilespmem:$0x1C400] =	vst v63  }
0x38e: {  	v3 =	vld [tilespmem:$0x380];
	_ =	sdelay $0x4  }
0x38f: {  	v4 =	vshll.u32 v3, $0x3  }
0x390: {  	v3 =	vand.u32 $0x7, v3;
	v4 =	vand.u32 $0xFFFFFFC0, v4  }
0x391: {  	v3 =	vor.u32 v3, v4  }
0x392: {  	v4 =	vperm.xlane v3, v0;
	_ =	sdelay $0x1  }
0x393: {  	v4 =	vadd.s32 v1, v4;
	_ =	sdelay $0x3  }
0x394: {  	s17 =	simm.s32 $0x10400  }
0x395: {  	[tilespmem:s17], [sflag:$0x2] =	stream.indirect_vreg.gather [hbm4b:s3+s0], $0x80, v4, vm0, $0xb8;
	[tilespmem:$0x1C400] =	vst v63  }
0x396: {  	s18 =	simm.s32 $0x10C00;
	v3 =	vperm.xlane v3, v2  }
0x397: {  	[tilespmem:s18], [sflag:$0x2] =	stream.indirect_vreg.gather [hbm4b:s8+s0], $0x80, v4, vm0, $0xb8;
	[tilespmem:$0x1C400] =	vst v63  }
0x398: {  	v3 =	vadd.s32 v1, v3;
	s17 =	simm.s32 $0x11400  }
0x399: {  	[tilespmem:s17], [sflag:$0x2] =	stream.indirect_vreg.gather [hbm4b:s9+s0], $0x80, v4, vm0, $0xb8;
	[tilespmem:$0x1C400] =	vst v63  }
0x39a: {  	s18 =	simm.s32 $0x11C00  }
0x39b: {  	[tilespmem:s18], [sflag:$0x2] =	stream.indirect_vreg.gather [hbm4b:s11+s0], $0x80, v4, vm0, $0xb8;
	[tilespmem:$0x1C400] =	vst v63  }
0x39c: {  	s17 =	simm.s32 $0x12400  }
0x39d: {  	[tilespmem:s17], [sflag:$0x2] =	stream.indirect_vreg.gather [hbm4b:s3+s0], $0x80, v3, vm0, $0xb8;
	[tilespmem:$0x1C400] =	vst v63  }
0x39e: {  	_ = 	snop  }
0x39f: {  	[tilespmem:s19], [sflag:$0x2] =	stream.indirect_vreg.gather [hbm4b:s8+s0], $0x80, v3, vm0, $0xb8;
	[tilespmem:$0x1C400] =	vst v63  }
0x3a0: {  	_ = 	snop  }
0x3a1: {  	[tilespmem:s22], [sflag:$0x2] =	stream.indirect_vreg.gather [hbm4b:s9+s0], $0x80, v3, vm0, $0xb8;
	[tilespmem:$0x1C400] =	vst v63  }
0x3a2: {  	_ = 	snop  }
0x3a3: {  	[tilespmem:s23], [sflag:$0x2] =	stream.indirect_vreg.gather [hbm4b:s11+s0], $0x80, v3, vm0, $0xb8;
	[tilespmem:$0x1C400] =	vst v63  }
0x3a4: {  	_ =	swait.ge [sflag:s26], $0x4000  }
0x3a5: {  	[sflag:s26] =	ssyncset.done $0x0  }
0x3a6: {  	[sflag:s26] =	ssyncadd.s32 $0xFFFFC000  }
0x3a7: {  	s18 =	sand.u32 $0x70, s0;
	s0 =	sand.u32 $0x1C00, s0;
	v3 =	vld [tilespmem:$0x1400]  }
0x3a8: {  	s30 =	sor.u32 s18, s0;
	v4 =	vld [tilespmem:$0x3400]  }
0x3a9: {  	v5 =	vld [tilespmem:s30+$0x4400]  }
0x3aa: {  	v6 =	vld [tilespmem:s30+$0xC400];
	_ =	sdelay $0x1  }
0x3ab: {  	s17 =	simm.s32 $0x10;
	s18 =	simm.s32 $0x80  }
0x3ac: {  	s0 =	sand.u32 $0x70, s17;
	s1 =	sand.u32 $0x1C00, s18  }
0x3ad: {  	s31 =	sor.u32 s0, s1  }
0x3ae: {  	v7 =	vmul.f32 v5, v3;
	v8 =	vmul.f32 v6, v4;
	v5 =	vld [tilespmem:s31+$0x4400]  }
0x3af: {  	v6 =	vld [tilespmem:s31+$0xC400]  }
0x3b0: {  	s0 =	simm.s32 $0x20;
	s1 =	simm.s32 $0x100;
	v7 =	vadd.f32 v8, v7  }
.LBB2_66:
0x3b1: {  	s17 =	sand.u32 $0x70, s0  }
0x3b2: {  	s18 =	sand.u32 $0x1C00, s1;
	[tilespmem:s30+$0x14400] =	vst v7;
	s30 =	smov.u32 s31;
	p0 =	sne.s32 s0, $0x3F0  }
.Ltmp32:
0x3b3: {  	s0 =	sadd.s32 $0x10, s0;
	s31 =	sor.u32 s17, s18;
	(pc) =	sbr.rel @p0 .LBB2_66-.Ltmp32, $4  }
0x3b4: {  	v7 =	vmul.f32 v5, v3;
	v5 =	vld [tilespmem:s31+$0x4400];
	v8 =	vmul.f32 v6, v4  }
0x3b5: {  	v6 =	vld [tilespmem:s31+$0xC400]  }
0x3b6: {  	v7 =	vadd.f32 v8, v7  }
0x3b7: {  	s1 =	sadd.s32 $0x80, s1  }
0x3b8: {  	_ =	sdelay $0x1  }
0x3b9: {  	v3 =	vmul.f32 v5, v3;
	v4 =	vmul.f32 v6, v4;
	_ =	sdelay $0x1  }
0x3ba: {  	v3 =	vadd.f32 v4, v3  }
0x3bb: {  	[tilespmem:s30+$0x14400] =	vst v7  }
0x3bc: {  	s0 =	simm.s32 $0x0;
	[tilespmem:s31+$0x14400] =	vst v3  }
0x3bd: {  	s1 =	sand.u32 $0x70, s0;
	s0 =	sand.u32 $0x1C00, s0;
	v3 =	vld [tilespmem:$0x1480]  }
0x3be: {  	s30 =	sor.u32 s0, s1;
	v4 =	vld [tilespmem:$0x3480]  }
0x3bf: {  	v5 =	vld [tilespmem:s30+$0x4480]  }
0x3c0: {  	v6 =	vld [tilespmem:s30+$0xC480];
	_ =	sdelay $0x1  }
0x3c1: {  	s17 =	simm.s32 $0x10;
	s18 =	simm.s32 $0x80  }
0x3c2: {  	s0 =	sand.u32 $0x70, s17;
	s1 =	sand.u32 $0x1C00, s18  }
0x3c3: {  	s31 =	sor.u32 s1, s0  }
0x3c4: {  	v7 =	vmul.f32 v5, v3;
	v8 =	vmul.f32 v6, v4;
	v5 =	vld [tilespmem:s31+$0x4480]  }
0x3c5: {  	v6 =	vld [tilespmem:s31+$0xC480]  }
0x3c6: {  	s0 =	simm.s32 $0x20;
	s1 =	simm.s32 $0x100;
	v7 =	vadd.f32 v8, v7  }
.LBB2_68:
0x3c7: {  	s17 =	sand.u32 $0x70, s0  }
0x3c8: {  	s18 =	sand.u32 $0x1C00, s1;
	[tilespmem:s30+$0x14480] =	vst v7;
	s30 =	smov.u32 s31;
	p0 =	sne.s32 s0, $0x3F0  }
.Ltmp33:
0x3c9: {  	s0 =	sadd.s32 $0x10, s0;
	s31 =	sor.u32 s18, s17;
	(pc) =	sbr.rel @p0 .LBB2_68-.Ltmp33, $4  }
0x3ca: {  	v7 =	vmul.f32 v5, v3;
	v5 =	vld [tilespmem:s31+$0x4480];
	v8 =	vmul.f32 v6, v4  }
0x3cb: {  	v6 =	vld [tilespmem:s31+$0xC480]  }
0x3cc: {  	v7 =	vadd.f32 v8, v7  }
0x3cd: {  	s1 =	sadd.s32 $0x80, s1  }
0x3ce: {  	_ =	sdelay $0x1  }
0x3cf: {  	v3 =	vmul.f32 v5, v3;
	v4 =	vmul.f32 v6, v4;
	_ =	sdelay $0x1  }
0x3d0: {  	v3 =	vadd.f32 v4, v3  }
0x3d1: {  	[tilespmem:s30+$0x14480] =	vst v7  }
0x3d2: {  	s0 =	simm.s32 $0x0;
	[tilespmem:s31+$0x14480] =	vst v3  }
0x3d3: {  	s1 =	sand.u32 $0x70, s0;
	s0 =	sand.u32 $0x1C00, s0;
	v3 =	vld [tilespmem:$0x1500]  }
0x3d4: {  	s30 =	sor.u32 s0, s1;
	v4 =	vld [tilespmem:$0x3500]  }
0x3d5: {  	v5 =	vld [tilespmem:s30+$0x4500]  }
0x3d6: {  	v6 =	vld [tilespmem:s30+$0xC500];
	_ =	sdelay $0x1  }
0x3d7: {  	s17 =	simm.s32 $0x10;
	s18 =	simm.s32 $0x80  }
0x3d8: {  	s0 =	sand.u32 $0x70, s17;
	s1 =	sand.u32 $0x1C00, s18  }
0x3d9: {  	s31 =	sor.u32 s1, s0  }
0x3da: {  	v7 =	vmul.f32 v5, v3;
	v8 =	vmul.f32 v6, v4;
	v5 =	vld [tilespmem:s31+$0x4500]  }
0x3db: {  	v6 =	vld [tilespmem:s31+$0xC500]  }
0x3dc: {  	s0 =	simm.s32 $0x20;
	s1 =	simm.s32 $0x100;
	v7 =	vadd.f32 v8, v7  }
.LBB2_70:
0x3dd: {  	s17 =	sand.u32 $0x70, s0  }
0x3de: {  	s18 =	sand.u32 $0x1C00, s1;
	[tilespmem:s30+$0x14500] =	vst v7;
	s30 =	smov.u32 s31;
	p0 =	sne.s32 s0, $0x3F0  }
.Ltmp34:
0x3df: {  	s0 =	sadd.s32 $0x10, s0;
	s31 =	sor.u32 s18, s17;
	(pc) =	sbr.rel @p0 .LBB2_70-.Ltmp34, $4  }
0x3e0: {  	v7 =	vmul.f32 v5, v3;
	v5 =	vld [tilespmem:s31+$0x4500];
	v8 =	vmul.f32 v6, v4  }
0x3e1: {  	v6 =	vld [tilespmem:s31+$0xC500]  }
0x3e2: {  	v7 =	vadd.f32 v8, v7  }
0x3e3: {  	s1 =	sadd.s32 $0x80, s1  }
0x3e4: {  	_ =	sdelay $0x1  }
0x3e5: {  	v3 =	vmul.f32 v5, v3;
	v4 =	vmul.f32 v6, v4;
	_ =	sdelay $0x1  }
0x3e6: {  	v3 =	vadd.f32 v4, v3  }
0x3e7: {  	[tilespmem:s30+$0x14500] =	vst v7  }
0x3e8: {  	s0 =	simm.s32 $0x0;
	[tilespmem:s31+$0x14500] =	vst v3  }
0x3e9: {  	s1 =	sand.u32 $0x70, s0;
	s0 =	sand.u32 $0x1C00, s0;
	v3 =	vld [tilespmem:$0x1580]  }
0x3ea: {  	s30 =	sor.u32 s0, s1;
	v4 =	vld [tilespmem:$0x3580]  }
0x3eb: {  	v5 =	vld [tilespmem:s30+$0x4580]  }
0x3ec: {  	v6 =	vld [tilespmem:s30+$0xC580];
	_ =	sdelay $0x1  }
0x3ed: {  	s17 =	simm.s32 $0x10;
	s18 =	simm.s32 $0x80  }
0x3ee: {  	s0 =	sand.u32 $0x70, s17;
	s1 =	sand.u32 $0x1C00, s18  }
0x3ef: {  	s31 =	sor.u32 s1, s0  }
0x3f0: {  	v7 =	vmul.f32 v5, v3;
	v8 =	vmul.f32 v6, v4;
	v5 =	vld [tilespmem:s31+$0x4580]  }
0x3f1: {  	v6 =	vld [tilespmem:s31+$0xC580]  }
0x3f2: {  	s0 =	simm.s32 $0x20;
	s1 =	simm.s32 $0x100;
	v7 =	vadd.f32 v8, v7  }
.LBB2_72:
0x3f3: {  	s17 =	sand.u32 $0x70, s0  }
0x3f4: {  	s18 =	sand.u32 $0x1C00, s1;
	[tilespmem:s30+$0x14580] =	vst v7;
	s30 =	smov.u32 s31;
	p0 =	sne.s32 s0, $0x3F0  }
.Ltmp35:
0x3f5: {  	s0 =	sadd.s32 $0x10, s0;
	s31 =	sor.u32 s18, s17;
	(pc) =	sbr.rel @p0 .LBB2_72-.Ltmp35, $4  }
0x3f6: {  	v7 =	vmul.f32 v5, v3;
	v5 =	vld [tilespmem:s31+$0x4580];
	v8 =	vmul.f32 v6, v4  }
0x3f7: {  	v6 =	vld [tilespmem:s31+$0xC580]  }
0x3f8: {  	v7 =	vadd.f32 v8, v7  }
0x3f9: {  	s1 =	sadd.s32 $0x80, s1  }
0x3fa: {  	_ =	sdelay $0x1  }
0x3fb: {  	v3 =	vmul.f32 v5, v3;
	v4 =	vmul.f32 v6, v4;
	_ =	sdelay $0x1  }
0x3fc: {  	v3 =	vadd.f32 v4, v3  }
0x3fd: {  	[tilespmem:s30+$0x14580] =	vst v7  }
0x3fe: {  	s0 =	simm.s32 $0x0;
	[tilespmem:s31+$0x14580] =	vst v3  }
0x3ff: {  	s1 =	sand.u32 $0x70, s0;
	s0 =	sand.u32 $0x1C00, s0;
	v3 =	vld [tilespmem:$0x1600]  }
0x400: {  	s30 =	sor.u32 s0, s1;
	v4 =	vld [tilespmem:$0x3600]  }
0x401: {  	v5 =	vld [tilespmem:s30+$0x4600]  }
0x402: {  	v6 =	vld [tilespmem:s30+$0xC600];
	_ =	sdelay $0x1  }
0x403: {  	s17 =	simm.s32 $0x10;
	s18 =	simm.s32 $0x80  }
0x404: {  	s0 =	sand.u32 $0x70, s17;
	s1 =	sand.u32 $0x1C00, s18  }
0x405: {  	s31 =	sor.u32 s1, s0  }
0x406: {  	v7 =	vmul.f32 v5, v3;
	v8 =	vmul.f32 v6, v4;
	v5 =	vld [tilespmem:s31+$0x4600]  }
0x407: {  	v6 =	vld [tilespmem:s31+$0xC600]  }
0x408: {  	s0 =	simm.s32 $0x20;
	s1 =	simm.s32 $0x100;
	v7 =	vadd.f32 v8, v7  }
.LBB2_74:
0x409: {  	s17 =	sand.u32 $0x70, s0  }
0x40a: {  	s18 =	sand.u32 $0x1C00, s1;
	[tilespmem:s30+$0x14600] =	vst v7;
	s30 =	smov.u32 s31;
	p0 =	sne.s32 s0, $0x3F0  }
.Ltmp36:
0x40b: {  	s0 =	sadd.s32 $0x10, s0;
	s31 =	sor.u32 s18, s17;
	(pc) =	sbr.rel @p0 .LBB2_74-.Ltmp36, $4  }
0x40c: {  	v7 =	vmul.f32 v5, v3;
	v5 =	vld [tilespmem:s31+$0x4600];
	v8 =	vmul.f32 v6, v4  }
0x40d: {  	v6 =	vld [tilespmem:s31+$0xC600]  }
0x40e: {  	v7 =	vadd.f32 v8, v7  }
0x40f: {  	s1 =	sadd.s32 $0x80, s1  }
0x410: {  	_ =	sdelay $0x1  }
0x411: {  	v3 =	vmul.f32 v5, v3;
	v4 =	vmul.f32 v6, v4;
	_ =	sdelay $0x1  }
0x412: {  	v3 =	vadd.f32 v4, v3  }
0x413: {  	[tilespmem:s30+$0x14600] =	vst v7  }
0x414: {  	s0 =	simm.s32 $0x0;
	[tilespmem:s31+$0x14600] =	vst v3  }
0x415: {  	s1 =	sand.u32 $0x70, s0;
	s0 =	sand.u32 $0x1C00, s0;
	v3 =	vld [tilespmem:$0x1680]  }
0x416: {  	s30 =	sor.u32 s0, s1;
	v4 =	vld [tilespmem:$0x3680]  }
0x417: {  	v5 =	vld [tilespmem:s30+$0x4680]  }
0x418: {  	v6 =	vld [tilespmem:s30+$0xC680];
	_ =	sdelay $0x1  }
0x419: {  	s17 =	simm.s32 $0x10;
	s18 =	simm.s32 $0x80  }
0x41a: {  	s0 =	sand.u32 $0x70, s17;
	s1 =	sand.u32 $0x1C00, s18  }
0x41b: {  	s31 =	sor.u32 s1, s0  }
0x41c: {  	v7 =	vmul.f32 v5, v3;
	v8 =	vmul.f32 v6, v4;
	v5 =	vld [tilespmem:s31+$0x4680]  }
0x41d: {  	v6 =	vld [tilespmem:s31+$0xC680]  }
0x41e: {  	s0 =	simm.s32 $0x20;
	s1 =	simm.s32 $0x100;
	v7 =	vadd.f32 v8, v7  }
.LBB2_76:
0x41f: {  	s17 =	sand.u32 $0x70, s0  }
0x420: {  	s18 =	sand.u32 $0x1C00, s1;
	[tilespmem:s30+$0x14680] =	vst v7;
	s30 =	smov.u32 s31;
	p0 =	sne.s32 s0, $0x3F0  }
.Ltmp37:
0x421: {  	s0 =	sadd.s32 $0x10, s0;
	s31 =	sor.u32 s18, s17;
	(pc) =	sbr.rel @p0 .LBB2_76-.Ltmp37, $4  }
0x422: {  	v7 =	vmul.f32 v5, v3;
	v5 =	vld [tilespmem:s31+$0x4680];
	v8 =	vmul.f32 v6, v4  }
0x423: {  	v6 =	vld [tilespmem:s31+$0xC680]  }
0x424: {  	v7 =	vadd.f32 v8, v7  }
0x425: {  	s1 =	sadd.s32 $0x80, s1  }
0x426: {  	_ =	sdelay $0x1  }
0x427: {  	v3 =	vmul.f32 v5, v3;
	v4 =	vmul.f32 v6, v4;
	_ =	sdelay $0x1  }
0x428: {  	v3 =	vadd.f32 v4, v3  }
0x429: {  	[tilespmem:s30+$0x14680] =	vst v7  }
0x42a: {  	s0 =	simm.s32 $0x0;
	[tilespmem:s31+$0x14680] =	vst v3  }
0x42b: {  	s1 =	sand.u32 $0x70, s0;
	s0 =	sand.u32 $0x1C00, s0;
	v3 =	vld [tilespmem:$0x1700]  }
0x42c: {  	s30 =	sor.u32 s0, s1;
	v4 =	vld [tilespmem:$0x3700]  }
0x42d: {  	v5 =	vld [tilespmem:s30+$0x4700]  }
0x42e: {  	v6 =	vld [tilespmem:s30+$0xC700];
	_ =	sdelay $0x1  }
0x42f: {  	s17 =	simm.s32 $0x10;
	s18 =	simm.s32 $0x80  }
0x430: {  	s0 =	sand.u32 $0x70, s17;
	s1 =	sand.u32 $0x1C00, s18  }
0x431: {  	s31 =	sor.u32 s1, s0  }
0x432: {  	v7 =	vmul.f32 v5, v3;
	v8 =	vmul.f32 v6, v4;
	v5 =	vld [tilespmem:s31+$0x4700]  }
0x433: {  	v6 =	vld [tilespmem:s31+$0xC700]  }
0x434: {  	s0 =	simm.s32 $0x20;
	s1 =	simm.s32 $0x100;
	v7 =	vadd.f32 v8, v7  }
.LBB2_78:
0x435: {  	s17 =	sand.u32 $0x70, s0  }
0x436: {  	s18 =	sand.u32 $0x1C00, s1;
	[tilespmem:s30+$0x14700] =	vst v7;
	s30 =	smov.u32 s31;
	p0 =	sne.s32 s0, $0x3F0  }
.Ltmp38:
0x437: {  	s0 =	sadd.s32 $0x10, s0;
	s31 =	sor.u32 s18, s17;
	(pc) =	sbr.rel @p0 .LBB2_78-.Ltmp38, $4  }
0x438: {  	v7 =	vmul.f32 v5, v3;
	v5 =	vld [tilespmem:s31+$0x4700];
	v8 =	vmul.f32 v6, v4  }
0x439: {  	v6 =	vld [tilespmem:s31+$0xC700]  }
0x43a: {  	v7 =	vadd.f32 v8, v7  }
0x43b: {  	s1 =	sadd.s32 $0x80, s1  }
0x43c: {  	_ =	sdelay $0x1  }
0x43d: {  	v3 =	vmul.f32 v5, v3;
	v4 =	vmul.f32 v6, v4;
	_ =	sdelay $0x1  }
0x43e: {  	v3 =	vadd.f32 v4, v3  }
0x43f: {  	[tilespmem:s30+$0x14700] =	vst v7  }
0x440: {  	s0 =	simm.s32 $0x0;
	[tilespmem:s31+$0x14700] =	vst v3  }
0x441: {  	s0 =	sor.u32 s0, s0;
	v3 =	vld [tilespmem:$0x1780]  }
0x442: {  	s30 =	sor.u32 $0x380, s0;
	v4 =	vld [tilespmem:$0x3780]  }
0x443: {  	v5 =	vld [tilespmem:s30+$0x4400]  }
0x444: {  	v6 =	vld [tilespmem:s30+$0xC400];
	_ =	sdelay $0x1  }
0x445: {  	s18 =	simm.s32 $0x10;
	s1 =	simm.s32 $0x80  }
0x446: {  	s0 =	sor.u32 s1, s18  }
0x447: {  	s31 =	sor.u32 $0x380, s0  }
0x448: {  	v7 =	vmul.f32 v5, v3;
	v8 =	vmul.f32 v6, v4;
	v5 =	vld [tilespmem:s31+$0x4400]  }
0x449: {  	v6 =	vld [tilespmem:s31+$0xC400]  }
0x44a: {  	v7 =	vadd.f32 v8, v7  }
0x44b: {  	s1 =	simm.s32 $0x100;
	s0 =	simm.s32 $0x20  }
.LBB2_80:
0x44c: {  	s17 =	sor.u32 s1, s0;
	[tilespmem:s30+$0x14400] =	vst v7;
	s30 =	smov.u32 s31;
	p0 =	sne.s32 s0, $0x3F0  }
.Ltmp39:
0x44d: {  	s0 =	sadd.s32 $0x10, s0;
	s31 =	sor.u32 $0x380, s17;
	(pc) =	sbr.rel @p0 .LBB2_80-.Ltmp39, $4  }
0x44e: {  	v7 =	vmul.f32 v5, v3;
	v5 =	vld [tilespmem:s31+$0x4400];
	v8 =	vmul.f32 v6, v4  }
0x44f: {  	v6 =	vld [tilespmem:s31+$0xC400]  }
0x450: {  	v7 =	vadd.f32 v8, v7  }
0x451: {  	s1 =	sadd.s32 $0x80, s1  }
0x452: {  	_ =	sdelay $0x1  }
0x453: {  	v3 =	vmul.f32 v5, v3;
	v4 =	vmul.f32 v6, v4;
	_ =	sdelay $0x1  }
0x454: {  	v3 =	vadd.f32 v4, v3  }
0x455: {  	[tilespmem:s30+$0x14400] =	vst v7  }
0x456: {  	s0 =	simm.s32 $0x0;
	[tilespmem:s31+$0x14400] =	vst v3  }
0x457: {  	s1 =	sand.u32 $0x70, s0;
	s0 =	sand.u32 $0x1C00, s0;
	v3 =	vld [tilespmem:$0x1800]  }
0x458: {  	s30 =	sor.u32 s0, s1;
	v4 =	vld [tilespmem:$0x3800]  }
0x459: {  	v5 =	vld [tilespmem:s30+$0x6400]  }
0x45a: {  	v6 =	vld [tilespmem:s30+$0xE400];
	_ =	sdelay $0x1  }
0x45b: {  	s17 =	simm.s32 $0x10;
	s18 =	simm.s32 $0x80  }
0x45c: {  	s0 =	sand.u32 $0x70, s17;
	s1 =	sand.u32 $0x1C00, s18  }
0x45d: {  	s31 =	sor.u32 s1, s0  }
0x45e: {  	v7 =	vmul.f32 v5, v3;
	v8 =	vmul.f32 v6, v4;
	v5 =	vld [tilespmem:s31+$0x6400]  }
0x45f: {  	v6 =	vld [tilespmem:s31+$0xE400]  }
0x460: {  	s0 =	simm.s32 $0x20;
	s1 =	simm.s32 $0x100;
	v7 =	vadd.f32 v8, v7  }
.LBB2_82:
0x461: {  	s17 =	sand.u32 $0x70, s0  }
0x462: {  	s18 =	sand.u32 $0x1C00, s1;
	[tilespmem:s30+$0x16400] =	vst v7;
	s30 =	smov.u32 s31;
	p0 =	sne.s32 s0, $0x3F0  }
.Ltmp40:
0x463: {  	s0 =	sadd.s32 $0x10, s0;
	s31 =	sor.u32 s18, s17;
	(pc) =	sbr.rel @p0 .LBB2_82-.Ltmp40, $4  }
0x464: {  	v7 =	vmul.f32 v5, v3;
	v5 =	vld [tilespmem:s31+$0x6400];
	v8 =	vmul.f32 v6, v4  }
0x465: {  	v6 =	vld [tilespmem:s31+$0xE400]  }
0x466: {  	v7 =	vadd.f32 v8, v7  }
0x467: {  	s1 =	sadd.s32 $0x80, s1  }
0x468: {  	_ =	sdelay $0x1  }
0x469: {  	v3 =	vmul.f32 v5, v3;
	v4 =	vmul.f32 v6, v4;
	_ =	sdelay $0x1  }
0x46a: {  	v3 =	vadd.f32 v4, v3  }
0x46b: {  	[tilespmem:s30+$0x16400] =	vst v7  }
0x46c: {  	s0 =	simm.s32 $0x0;
	[tilespmem:s31+$0x16400] =	vst v3  }
0x46d: {  	s1 =	sand.u32 $0x70, s0;
	s0 =	sand.u32 $0x1C00, s0;
	v3 =	vld [tilespmem:$0x1880]  }
0x46e: {  	s30 =	sor.u32 s0, s1;
	v4 =	vld [tilespmem:$0x3880]  }
0x46f: {  	v5 =	vld [tilespmem:s30+$0x6480]  }
0x470: {  	v6 =	vld [tilespmem:s30+$0xE480];
	_ =	sdelay $0x1  }
0x471: {  	s17 =	simm.s32 $0x10;
	s18 =	simm.s32 $0x80  }
0x472: {  	s0 =	sand.u32 $0x70, s17;
	s1 =	sand.u32 $0x1C00, s18  }
0x473: {  	s31 =	sor.u32 s1, s0  }
0x474: {  	v7 =	vmul.f32 v5, v3;
	v8 =	vmul.f32 v6, v4;
	v5 =	vld [tilespmem:s31+$0x6480]  }
0x475: {  	v6 =	vld [tilespmem:s31+$0xE480]  }
0x476: {  	s0 =	simm.s32 $0x20;
	s1 =	simm.s32 $0x100;
	v7 =	vadd.f32 v8, v7  }
.LBB2_84:
0x477: {  	s17 =	sand.u32 $0x70, s0  }
0x478: {  	s18 =	sand.u32 $0x1C00, s1;
	[tilespmem:s30+$0x16480] =	vst v7;
	s30 =	smov.u32 s31;
	p0 =	sne.s32 s0, $0x3F0  }
.Ltmp41:
0x479: {  	s0 =	sadd.s32 $0x10, s0;
	s31 =	sor.u32 s18, s17;
	(pc) =	sbr.rel @p0 .LBB2_84-.Ltmp41, $4  }
0x47a: {  	v7 =	vmul.f32 v5, v3;
	v5 =	vld [tilespmem:s31+$0x6480];
	v8 =	vmul.f32 v6, v4  }
0x47b: {  	v6 =	vld [tilespmem:s31+$0xE480]  }
0x47c: {  	v7 =	vadd.f32 v8, v7  }
0x47d: {  	s1 =	sadd.s32 $0x80, s1  }
0x47e: {  	_ =	sdelay $0x1  }
0x47f: {  	v3 =	vmul.f32 v5, v3;
	v4 =	vmul.f32 v6, v4;
	_ =	sdelay $0x1  }
0x480: {  	v3 =	vadd.f32 v4, v3  }
0x481: {  	[tilespmem:s30+$0x16480] =	vst v7  }
0x482: {  	s0 =	simm.s32 $0x0;
	[tilespmem:s31+$0x16480] =	vst v3  }
0x483: {  	s1 =	sand.u32 $0x70, s0;
	s0 =	sand.u32 $0x1C00, s0;
	v3 =	vld [tilespmem:$0x1900]  }
0x484: {  	s30 =	sor.u32 s0, s1;
	v4 =	vld [tilespmem:$0x3900]  }
0x485: {  	v5 =	vld [tilespmem:s30+$0x6500]  }
0x486: {  	v6 =	vld [tilespmem:s30+$0xE500];
	_ =	sdelay $0x1  }
0x487: {  	s17 =	simm.s32 $0x10;
	s18 =	simm.s32 $0x80  }
0x488: {  	s0 =	sand.u32 $0x70, s17;
	s1 =	sand.u32 $0x1C00, s18  }
0x489: {  	s31 =	sor.u32 s1, s0  }
0x48a: {  	v7 =	vmul.f32 v5, v3;
	v8 =	vmul.f32 v6, v4;
	v5 =	vld [tilespmem:s31+$0x6500]  }
0x48b: {  	v6 =	vld [tilespmem:s31+$0xE500]  }
0x48c: {  	s0 =	simm.s32 $0x20;
	s1 =	simm.s32 $0x100;
	v7 =	vadd.f32 v8, v7  }
.LBB2_86:
0x48d: {  	s17 =	sand.u32 $0x70, s0  }
0x48e: {  	s18 =	sand.u32 $0x1C00, s1;
	[tilespmem:s30+$0x16500] =	vst v7;
	s30 =	smov.u32 s31;
	p0 =	sne.s32 s0, $0x3F0  }
.Ltmp42:
0x48f: {  	s0 =	sadd.s32 $0x10, s0;
	s31 =	sor.u32 s18, s17;
	(pc) =	sbr.rel @p0 .LBB2_86-.Ltmp42, $4  }
0x490: {  	v7 =	vmul.f32 v5, v3;
	v5 =	vld [tilespmem:s31+$0x6500];
	v8 =	vmul.f32 v6, v4  }
0x491: {  	v6 =	vld [tilespmem:s31+$0xE500]  }
0x492: {  	v7 =	vadd.f32 v8, v7  }
0x493: {  	s1 =	sadd.s32 $0x80, s1  }
0x494: {  	_ =	sdelay $0x1  }
0x495: {  	v3 =	vmul.f32 v5, v3;
	v4 =	vmul.f32 v6, v4;
	_ =	sdelay $0x1  }
0x496: {  	v3 =	vadd.f32 v4, v3  }
0x497: {  	[tilespmem:s30+$0x16500] =	vst v7  }
0x498: {  	s0 =	simm.s32 $0x0;
	[tilespmem:s31+$0x16500] =	vst v3  }
0x499: {  	s1 =	sand.u32 $0x70, s0;
	s0 =	sand.u32 $0x1C00, s0;
	v3 =	vld [tilespmem:$0x1980]  }
0x49a: {  	s30 =	sor.u32 s0, s1;
	v4 =	vld [tilespmem:$0x3980]  }
0x49b: {  	v5 =	vld [tilespmem:s30+$0x6580]  }
0x49c: {  	v6 =	vld [tilespmem:s30+$0xE580];
	_ =	sdelay $0x1  }
0x49d: {  	s17 =	simm.s32 $0x10;
	s18 =	simm.s32 $0x80  }
0x49e: {  	s0 =	sand.u32 $0x70, s17;
	s1 =	sand.u32 $0x1C00, s18  }
0x49f: {  	s31 =	sor.u32 s1, s0  }
0x4a0: {  	v7 =	vmul.f32 v5, v3;
	v8 =	vmul.f32 v6, v4;
	v5 =	vld [tilespmem:s31+$0x6580]  }
0x4a1: {  	v6 =	vld [tilespmem:s31+$0xE580]  }
0x4a2: {  	s0 =	simm.s32 $0x20;
	s1 =	simm.s32 $0x100;
	v7 =	vadd.f32 v8, v7  }
.LBB2_88:
0x4a3: {  	s17 =	sand.u32 $0x70, s0  }
0x4a4: {  	s18 =	sand.u32 $0x1C00, s1;
	[tilespmem:s30+$0x16580] =	vst v7;
	s30 =	smov.u32 s31;
	p0 =	sne.s32 s0, $0x3F0  }
.Ltmp43:
0x4a5: {  	s0 =	sadd.s32 $0x10, s0;
	s31 =	sor.u32 s18, s17;
	(pc) =	sbr.rel @p0 .LBB2_88-.Ltmp43, $4  }
0x4a6: {  	v7 =	vmul.f32 v5, v3;
	v5 =	vld [tilespmem:s31+$0x6580];
	v8 =	vmul.f32 v6, v4  }
0x4a7: {  	v6 =	vld [tilespmem:s31+$0xE580]  }
0x4a8: {  	v7 =	vadd.f32 v8, v7  }
0x4a9: {  	s1 =	sadd.s32 $0x80, s1  }
0x4aa: {  	_ =	sdelay $0x1  }
0x4ab: {  	v3 =	vmul.f32 v5, v3;
	v4 =	vmul.f32 v6, v4;
	_ =	sdelay $0x1  }
0x4ac: {  	v3 =	vadd.f32 v4, v3  }
0x4ad: {  	[tilespmem:s30+$0x16580] =	vst v7  }
0x4ae: {  	s0 =	simm.s32 $0x0;
	[tilespmem:s31+$0x16580] =	vst v3  }
0x4af: {  	s1 =	sand.u32 $0x70, s0;
	s0 =	sand.u32 $0x1C00, s0;
	v3 =	vld [tilespmem:$0x1A00]  }
0x4b0: {  	s30 =	sor.u32 s0, s1;
	v4 =	vld [tilespmem:$0x3A00]  }
0x4b1: {  	v5 =	vld [tilespmem:s30+$0x6600]  }
0x4b2: {  	v6 =	vld [tilespmem:s30+$0xE600];
	_ =	sdelay $0x1  }
0x4b3: {  	s17 =	simm.s32 $0x10;
	s18 =	simm.s32 $0x80  }
0x4b4: {  	s0 =	sand.u32 $0x70, s17;
	s1 =	sand.u32 $0x1C00, s18  }
0x4b5: {  	s31 =	sor.u32 s1, s0  }
0x4b6: {  	v7 =	vmul.f32 v5, v3;
	v8 =	vmul.f32 v6, v4;
	v5 =	vld [tilespmem:s31+$0x6600]  }
0x4b7: {  	v6 =	vld [tilespmem:s31+$0xE600]  }
0x4b8: {  	s0 =	simm.s32 $0x20;
	s1 =	simm.s32 $0x100;
	v7 =	vadd.f32 v8, v7  }
.LBB2_90:
0x4b9: {  	s17 =	sand.u32 $0x70, s0  }
0x4ba: {  	s18 =	sand.u32 $0x1C00, s1;
	[tilespmem:s30+$0x16600] =	vst v7;
	s30 =	smov.u32 s31;
	p0 =	sne.s32 s0, $0x3F0  }
.Ltmp44:
0x4bb: {  	s0 =	sadd.s32 $0x10, s0;
	s31 =	sor.u32 s18, s17;
	(pc) =	sbr.rel @p0 .LBB2_90-.Ltmp44, $4  }
0x4bc: {  	v7 =	vmul.f32 v5, v3;
	v5 =	vld [tilespmem:s31+$0x6600];
	v8 =	vmul.f32 v6, v4  }
0x4bd: {  	v6 =	vld [tilespmem:s31+$0xE600]  }
0x4be: {  	v7 =	vadd.f32 v8, v7  }
0x4bf: {  	s1 =	sadd.s32 $0x80, s1  }
0x4c0: {  	_ =	sdelay $0x1  }
0x4c1: {  	v3 =	vmul.f32 v5, v3;
	v4 =	vmul.f32 v6, v4;
	_ =	sdelay $0x1  }
0x4c2: {  	v3 =	vadd.f32 v4, v3  }
0x4c3: {  	[tilespmem:s30+$0x16600] =	vst v7  }
0x4c4: {  	s0 =	simm.s32 $0x0;
	[tilespmem:s31+$0x16600] =	vst v3  }
0x4c5: {  	s1 =	sand.u32 $0x70, s0;
	s0 =	sand.u32 $0x1C00, s0;
	v3 =	vld [tilespmem:$0x1A80]  }
0x4c6: {  	s30 =	sor.u32 s0, s1;
	v4 =	vld [tilespmem:$0x3A80]  }
0x4c7: {  	v5 =	vld [tilespmem:s30+$0x6680]  }
0x4c8: {  	v6 =	vld [tilespmem:s30+$0xE680];
	_ =	sdelay $0x1  }
0x4c9: {  	s17 =	simm.s32 $0x10;
	s18 =	simm.s32 $0x80  }
0x4ca: {  	s0 =	sand.u32 $0x70, s17;
	s1 =	sand.u32 $0x1C00, s18  }
0x4cb: {  	s31 =	sor.u32 s1, s0  }
0x4cc: {  	v7 =	vmul.f32 v5, v3;
	v8 =	vmul.f32 v6, v4;
	v5 =	vld [tilespmem:s31+$0x6680]  }
0x4cd: {  	v6 =	vld [tilespmem:s31+$0xE680]  }
0x4ce: {  	s0 =	simm.s32 $0x20;
	s1 =	simm.s32 $0x100;
	v7 =	vadd.f32 v8, v7  }
.LBB2_92:
0x4cf: {  	s17 =	sand.u32 $0x70, s0  }
0x4d0: {  	s18 =	sand.u32 $0x1C00, s1;
	[tilespmem:s30+$0x16680] =	vst v7;
	s30 =	smov.u32 s31;
	p0 =	sne.s32 s0, $0x3F0  }
.Ltmp45:
0x4d1: {  	s0 =	sadd.s32 $0x10, s0;
	s31 =	sor.u32 s18, s17;
	(pc) =	sbr.rel @p0 .LBB2_92-.Ltmp45, $4  }
0x4d2: {  	v7 =	vmul.f32 v5, v3;
	v5 =	vld [tilespmem:s31+$0x6680];
	v8 =	vmul.f32 v6, v4  }
0x4d3: {  	v6 =	vld [tilespmem:s31+$0xE680]  }
0x4d4: {  	v7 =	vadd.f32 v8, v7  }
0x4d5: {  	s1 =	sadd.s32 $0x80, s1  }
0x4d6: {  	_ =	sdelay $0x1  }
0x4d7: {  	v3 =	vmul.f32 v5, v3;
	v4 =	vmul.f32 v6, v4;
	_ =	sdelay $0x1  }
0x4d8: {  	v3 =	vadd.f32 v4, v3  }
0x4d9: {  	[tilespmem:s30+$0x16680] =	vst v7  }
0x4da: {  	s0 =	simm.s32 $0x0;
	[tilespmem:s31+$0x16680] =	vst v3  }
0x4db: {  	s1 =	sand.u32 $0x70, s0;
	s0 =	sand.u32 $0x1C00, s0;
	v3 =	vld [tilespmem:$0x1B00]  }
0x4dc: {  	s30 =	sor.u32 s0, s1;
	v4 =	vld [tilespmem:$0x3B00]  }
0x4dd: {  	v5 =	vld [tilespmem:s30+$0x6700]  }
0x4de: {  	v6 =	vld [tilespmem:s30+$0xE700];
	_ =	sdelay $0x1  }
0x4df: {  	s17 =	simm.s32 $0x10;
	s18 =	simm.s32 $0x80  }
0x4e0: {  	s0 =	sand.u32 $0x70, s17;
	s1 =	sand.u32 $0x1C00, s18  }
0x4e1: {  	s31 =	sor.u32 s1, s0  }
0x4e2: {  	v7 =	vmul.f32 v5, v3;
	v8 =	vmul.f32 v6, v4;
	v5 =	vld [tilespmem:s31+$0x6700]  }
0x4e3: {  	v6 =	vld [tilespmem:s31+$0xE700]  }
0x4e4: {  	s0 =	simm.s32 $0x20;
	s1 =	simm.s32 $0x100;
	v7 =	vadd.f32 v8, v7  }
.LBB2_94:
0x4e5: {  	s17 =	sand.u32 $0x70, s0  }
0x4e6: {  	s18 =	sand.u32 $0x1C00, s1;
	[tilespmem:s30+$0x16700] =	vst v7;
	s30 =	smov.u32 s31;
	p0 =	sne.s32 s0, $0x3F0  }
.Ltmp46:
0x4e7: {  	s0 =	sadd.s32 $0x10, s0;
	s31 =	sor.u32 s18, s17;
	(pc) =	sbr.rel @p0 .LBB2_94-.Ltmp46, $4  }
0x4e8: {  	v7 =	vmul.f32 v5, v3;
	v5 =	vld [tilespmem:s31+$0x6700];
	v8 =	vmul.f32 v6, v4  }
0x4e9: {  	v6 =	vld [tilespmem:s31+$0xE700]  }
0x4ea: {  	v7 =	vadd.f32 v8, v7  }
0x4eb: {  	s1 =	sadd.s32 $0x80, s1  }
0x4ec: {  	_ =	sdelay $0x1  }
0x4ed: {  	v3 =	vmul.f32 v5, v3;
	v4 =	vmul.f32 v6, v4;
	_ =	sdelay $0x1  }
0x4ee: {  	v3 =	vadd.f32 v4, v3  }
0x4ef: {  	[tilespmem:s30+$0x16700] =	vst v7  }
0x4f0: {  	s0 =	simm.s32 $0x0;
	[tilespmem:s31+$0x16700] =	vst v3  }
0x4f1: {  	s0 =	sor.u32 s0, s0;
	v3 =	vld [tilespmem:$0x1B80]  }
0x4f2: {  	s30 =	sor.u32 $0x2380, s0;
	v4 =	vld [tilespmem:$0x3B80]  }
0x4f3: {  	v5 =	vld [tilespmem:s30+$0x4400]  }
0x4f4: {  	v6 =	vld [tilespmem:s30+$0xC400];
	_ =	sdelay $0x1  }
0x4f5: {  	s18 =	simm.s32 $0x10;
	s1 =	simm.s32 $0x80  }
0x4f6: {  	s0 =	sor.u32 s1, s18  }
0x4f7: {  	s31 =	sor.u32 $0x2380, s0  }
0x4f8: {  	v7 =	vmul.f32 v5, v3;
	v8 =	vmul.f32 v6, v4;
	v5 =	vld [tilespmem:s31+$0x4400]  }
0x4f9: {  	v6 =	vld [tilespmem:s31+$0xC400]  }
0x4fa: {  	v7 =	vadd.f32 v8, v7  }
0x4fb: {  	s1 =	simm.s32 $0x100;
	s0 =	simm.s32 $0x20  }
.LBB2_96:
0x4fc: {  	s17 =	sor.u32 s1, s0;
	[tilespmem:s30+$0x14400] =	vst v7;
	s30 =	smov.u32 s31;
	p0 =	sne.s32 s0, $0x3F0  }
.Ltmp47:
0x4fd: {  	s0 =	sadd.s32 $0x10, s0;
	s31 =	sor.u32 $0x2380, s17;
	(pc) =	sbr.rel @p0 .LBB2_96-.Ltmp47, $4  }
0x4fe: {  	v7 =	vmul.f32 v5, v3;
	v5 =	vld [tilespmem:s31+$0x4400];
	v8 =	vmul.f32 v6, v4  }
0x4ff: {  	v6 =	vld [tilespmem:s31+$0xC400]  }
0x500: {  	v7 =	vadd.f32 v8, v7  }
0x501: {  	s1 =	sadd.s32 $0x80, s1  }
0x502: {  	_ =	sdelay $0x1  }
0x503: {  	v3 =	vmul.f32 v5, v3;
	v4 =	vmul.f32 v6, v4;
	_ =	sdelay $0x1  }
0x504: {  	v3 =	vadd.f32 v4, v3  }
0x505: {  	[tilespmem:s30+$0x14400] =	vst v7  }
0x506: {  	s0 =	simm.s32 $0x0;
	[tilespmem:s31+$0x14400] =	vst v3  }
0x507: {  	[hbm4b:s13+s0] =	stream.linear.scatter [tilespmem:s24], [sflag:$0x3], $0x4000, $0x38;
	[tilespmem:$0x1C400] =	vst v63  }
0x508: {  	_ =	swait.ge [sflag:s20], $0x4000  }
0x509: {  	[sflag:s20] =	ssyncset.done $0x0  }
0x50a: {  	[sflag:s20] =	ssyncadd.s32 $0xFFFFC000  }
0x50b: {  	_ =	swait.ge [sflag:s21], $0x4000  }
0x50c: {  	[sflag:s21] =	ssyncset.done $0x0  }
0x50d: {  	[sflag:s21] =	ssyncadd.s32 $0xFFFFC000  }
0x50e: {  	_ =	swait.ge [sflag:s28], $0x4000  }
0x50f: {  	[sflag:s28] =	ssyncset.done $0x0  }
0x510: {  	[sflag:s28] =	ssyncadd.s32 $0xFFFFC000  }
0x511: {  	s1 =	sand.u32 $0x70, s0;
	s0 =	sand.u32 $0x1C00, s0;
	v3 =	vld [tilespmem:$0x1C00]  }
0x512: {  	s30 =	sor.u32 s1, s0;
	v4 =	vld [tilespmem:$0x3C00]  }
0x513: {  	v5 =	vld [tilespmem:s30+$0x8400]  }
0x514: {  	v6 =	vld [tilespmem:s30+$0x10400];
	_ =	sdelay $0x1  }
0x515: {  	s17 =	simm.s32 $0x10;
	s18 =	simm.s32 $0x80  }
0x516: {  	s0 =	sand.u32 $0x70, s17;
	s1 =	sand.u32 $0x1C00, s18  }
0x517: {  	s31 =	sor.u32 s0, s1  }
0x518: {  	v7 =	vmul.f32 v5, v3;
	v8 =	vmul.f32 v6, v4;
	v5 =	vld [tilespmem:s31+$0x8400]  }
0x519: {  	v6 =	vld [tilespmem:s31+$0x10400]  }
0x51a: {  	s0 =	simm.s32 $0x20;
	s1 =	simm.s32 $0x100;
	v7 =	vadd.f32 v8, v7  }
.LBB2_98:
0x51b: {  	s17 =	sand.u32 $0x70, s0  }
0x51c: {  	s18 =	sand.u32 $0x1C00, s1;
	[tilespmem:s30+$0x18400] =	vst v7;
	s30 =	smov.u32 s31;
	p0 =	sne.s32 s0, $0x3F0  }
.Ltmp48:
0x51d: {  	s0 =	sadd.s32 $0x10, s0;
	s31 =	sor.u32 s17, s18;
	(pc) =	sbr.rel @p0 .LBB2_98-.Ltmp48, $4  }
0x51e: {  	v7 =	vmul.f32 v5, v3;
	v5 =	vld [tilespmem:s31+$0x8400];
	v8 =	vmul.f32 v6, v4  }
0x51f: {  	v6 =	vld [tilespmem:s31+$0x10400]  }
0x520: {  	v7 =	vadd.f32 v8, v7  }
0x521: {  	s1 =	sadd.s32 $0x80, s1  }
0x522: {  	_ =	sdelay $0x1  }
0x523: {  	v3 =	vmul.f32 v5, v3;
	v4 =	vmul.f32 v6, v4;
	_ =	sdelay $0x1  }
0x524: {  	v3 =	vadd.f32 v4, v3  }
0x525: {  	[tilespmem:s30+$0x18400] =	vst v7  }
0x526: {  	s0 =	simm.s32 $0x0;
	[tilespmem:s31+$0x18400] =	vst v3  }
0x527: {  	s1 =	sand.u32 $0x70, s0;
	s0 =	sand.u32 $0x1C00, s0;
	v3 =	vld [tilespmem:$0x1C80]  }
0x528: {  	s30 =	sor.u32 s0, s1;
	v4 =	vld [tilespmem:$0x3C80]  }
0x529: {  	v5 =	vld [tilespmem:s30+$0x8480]  }
0x52a: {  	v6 =	vld [tilespmem:s30+$0x10480];
	_ =	sdelay $0x1  }
0x52b: {  	s17 =	simm.s32 $0x10;
	s18 =	simm.s32 $0x80  }
0x52c: {  	s0 =	sand.u32 $0x70, s17;
	s1 =	sand.u32 $0x1C00, s18  }
0x52d: {  	s31 =	sor.u32 s1, s0  }
0x52e: {  	v7 =	vmul.f32 v5, v3;
	v8 =	vmul.f32 v6, v4;
	v5 =	vld [tilespmem:s31+$0x8480]  }
0x52f: {  	v6 =	vld [tilespmem:s31+$0x10480]  }
0x530: {  	s0 =	simm.s32 $0x20;
	s1 =	simm.s32 $0x100;
	v7 =	vadd.f32 v8, v7  }
.LBB2_100:
0x531: {  	s17 =	sand.u32 $0x70, s0  }
0x532: {  	s18 =	sand.u32 $0x1C00, s1;
	[tilespmem:s30+$0x18480] =	vst v7;
	s30 =	smov.u32 s31;
	p0 =	sne.s32 s0, $0x3F0  }
.Ltmp49:
0x533: {  	s0 =	sadd.s32 $0x10, s0;
	s31 =	sor.u32 s18, s17;
	(pc) =	sbr.rel @p0 .LBB2_100-.Ltmp49, $4  }
0x534: {  	v7 =	vmul.f32 v5, v3;
	v5 =	vld [tilespmem:s31+$0x8480];
	v8 =	vmul.f32 v6, v4  }
0x535: {  	v6 =	vld [tilespmem:s31+$0x10480]  }
0x536: {  	v7 =	vadd.f32 v8, v7  }
0x537: {  	s1 =	sadd.s32 $0x80, s1  }
0x538: {  	_ =	sdelay $0x1  }
0x539: {  	v3 =	vmul.f32 v5, v3;
	v4 =	vmul.f32 v6, v4;
	_ =	sdelay $0x1  }
0x53a: {  	v3 =	vadd.f32 v4, v3  }
0x53b: {  	[tilespmem:s30+$0x18480] =	vst v7  }
0x53c: {  	s0 =	simm.s32 $0x0;
	[tilespmem:s31+$0x18480] =	vst v3  }
0x53d: {  	s1 =	sand.u32 $0x70, s0;
	s0 =	sand.u32 $0x1C00, s0;
	v3 =	vld [tilespmem:$0x1D00]  }
0x53e: {  	s30 =	sor.u32 s0, s1;
	v4 =	vld [tilespmem:$0x3D00]  }
0x53f: {  	v5 =	vld [tilespmem:s30+$0x8500]  }
0x540: {  	v6 =	vld [tilespmem:s30+$0x10500];
	_ =	sdelay $0x1  }
0x541: {  	s17 =	simm.s32 $0x10;
	s18 =	simm.s32 $0x80  }
0x542: {  	s0 =	sand.u32 $0x70, s17;
	s1 =	sand.u32 $0x1C00, s18  }
0x543: {  	s31 =	sor.u32 s1, s0  }
0x544: {  	v7 =	vmul.f32 v5, v3;
	v8 =	vmul.f32 v6, v4;
	v5 =	vld [tilespmem:s31+$0x8500]  }
0x545: {  	v6 =	vld [tilespmem:s31+$0x10500]  }
0x546: {  	s0 =	simm.s32 $0x20;
	s1 =	simm.s32 $0x100;
	v7 =	vadd.f32 v8, v7  }
.LBB2_102:
0x547: {  	s17 =	sand.u32 $0x70, s0  }
0x548: {  	s18 =	sand.u32 $0x1C00, s1;
	[tilespmem:s30+$0x18500] =	vst v7;
	s30 =	smov.u32 s31;
	p0 =	sne.s32 s0, $0x3F0  }
.Ltmp50:
0x549: {  	s0 =	sadd.s32 $0x10, s0;
	s31 =	sor.u32 s18, s17;
	(pc) =	sbr.rel @p0 .LBB2_102-.Ltmp50, $4  }
0x54a: {  	v7 =	vmul.f32 v5, v3;
	v5 =	vld [tilespmem:s31+$0x8500];
	v8 =	vmul.f32 v6, v4  }
0x54b: {  	v6 =	vld [tilespmem:s31+$0x10500]  }
0x54c: {  	v7 =	vadd.f32 v8, v7  }
0x54d: {  	s1 =	sadd.s32 $0x80, s1  }
0x54e: {  	_ =	sdelay $0x1  }
0x54f: {  	v3 =	vmul.f32 v5, v3;
	v4 =	vmul.f32 v6, v4;
	_ =	sdelay $0x1  }
0x550: {  	v3 =	vadd.f32 v4, v3  }
0x551: {  	[tilespmem:s30+$0x18500] =	vst v7  }
0x552: {  	s0 =	simm.s32 $0x0;
	[tilespmem:s31+$0x18500] =	vst v3  }
0x553: {  	s1 =	sand.u32 $0x70, s0;
	s0 =	sand.u32 $0x1C00, s0;
	v3 =	vld [tilespmem:$0x1D80]  }
0x554: {  	s30 =	sor.u32 s0, s1;
	v4 =	vld [tilespmem:$0x3D80]  }
0x555: {  	v5 =	vld [tilespmem:s30+$0x8580]  }
0x556: {  	v6 =	vld [tilespmem:s30+$0x10580];
	_ =	sdelay $0x1  }
0x557: {  	s17 =	simm.s32 $0x10;
	s18 =	simm.s32 $0x80  }
0x558: {  	s0 =	sand.u32 $0x70, s17;
	s1 =	sand.u32 $0x1C00, s18  }
0x559: {  	s31 =	sor.u32 s1, s0  }
0x55a: {  	v7 =	vmul.f32 v5, v3;
	v8 =	vmul.f32 v6, v4;
	v5 =	vld [tilespmem:s31+$0x8580]  }
0x55b: {  	v6 =	vld [tilespmem:s31+$0x10580]  }
0x55c: {  	s0 =	simm.s32 $0x20;
	s1 =	simm.s32 $0x100;
	v7 =	vadd.f32 v8, v7  }
.LBB2_104:
0x55d: {  	s17 =	sand.u32 $0x70, s0  }
0x55e: {  	s18 =	sand.u32 $0x1C00, s1;
	[tilespmem:s30+$0x18580] =	vst v7;
	s30 =	smov.u32 s31;
	p0 =	sne.s32 s0, $0x3F0  }
.Ltmp51:
0x55f: {  	s0 =	sadd.s32 $0x10, s0;
	s31 =	sor.u32 s18, s17;
	(pc) =	sbr.rel @p0 .LBB2_104-.Ltmp51, $4  }
0x560: {  	v7 =	vmul.f32 v5, v3;
	v5 =	vld [tilespmem:s31+$0x8580];
	v8 =	vmul.f32 v6, v4  }
0x561: {  	v6 =	vld [tilespmem:s31+$0x10580]  }
0x562: {  	v7 =	vadd.f32 v8, v7  }
0x563: {  	s1 =	sadd.s32 $0x80, s1  }
0x564: {  	_ =	sdelay $0x1  }
0x565: {  	v3 =	vmul.f32 v5, v3;
	v4 =	vmul.f32 v6, v4;
	_ =	sdelay $0x1  }
0x566: {  	v3 =	vadd.f32 v4, v3  }
0x567: {  	[tilespmem:s30+$0x18580] =	vst v7  }
0x568: {  	s0 =	simm.s32 $0x0;
	[tilespmem:s31+$0x18580] =	vst v3  }
0x569: {  	s1 =	sand.u32 $0x70, s0;
	s0 =	sand.u32 $0x1C00, s0;
	v3 =	vld [tilespmem:$0x1E00]  }
0x56a: {  	s30 =	sor.u32 s0, s1;
	v4 =	vld [tilespmem:$0x3E00]  }
0x56b: {  	v5 =	vld [tilespmem:s30+$0x8600]  }
0x56c: {  	v6 =	vld [tilespmem:s30+$0x10600];
	_ =	sdelay $0x1  }
0x56d: {  	s17 =	simm.s32 $0x10;
	s18 =	simm.s32 $0x80  }
0x56e: {  	s0 =	sand.u32 $0x70, s17;
	s1 =	sand.u32 $0x1C00, s18  }
0x56f: {  	s31 =	sor.u32 s1, s0  }
0x570: {  	v7 =	vmul.f32 v5, v3;
	v8 =	vmul.f32 v6, v4;
	v5 =	vld [tilespmem:s31+$0x8600]  }
0x571: {  	v6 =	vld [tilespmem:s31+$0x10600]  }
0x572: {  	s0 =	simm.s32 $0x20;
	s1 =	simm.s32 $0x100;
	v7 =	vadd.f32 v8, v7  }
.LBB2_106:
0x573: {  	s17 =	sand.u32 $0x70, s0  }
0x574: {  	s18 =	sand.u32 $0x1C00, s1;
	[tilespmem:s30+$0x18600] =	vst v7;
	s30 =	smov.u32 s31;
	p0 =	sne.s32 s0, $0x3F0  }
.Ltmp52:
0x575: {  	s0 =	sadd.s32 $0x10, s0;
	s31 =	sor.u32 s18, s17;
	(pc) =	sbr.rel @p0 .LBB2_106-.Ltmp52, $4  }
0x576: {  	v7 =	vmul.f32 v5, v3;
	v5 =	vld [tilespmem:s31+$0x8600];
	v8 =	vmul.f32 v6, v4  }
0x577: {  	v6 =	vld [tilespmem:s31+$0x10600]  }
0x578: {  	v7 =	vadd.f32 v8, v7  }
0x579: {  	s1 =	sadd.s32 $0x80, s1  }
0x57a: {  	_ =	sdelay $0x1  }
0x57b: {  	v3 =	vmul.f32 v5, v3;
	v4 =	vmul.f32 v6, v4;
	_ =	sdelay $0x1  }
0x57c: {  	v3 =	vadd.f32 v4, v3  }
0x57d: {  	[tilespmem:s30+$0x18600] =	vst v7  }
0x57e: {  	s0 =	simm.s32 $0x0;
	[tilespmem:s31+$0x18600] =	vst v3  }
0x57f: {  	s1 =	sand.u32 $0x70, s0;
	s0 =	sand.u32 $0x1C00, s0;
	v3 =	vld [tilespmem:$0x1E80]  }
0x580: {  	s30 =	sor.u32 s0, s1;
	v4 =	vld [tilespmem:$0x3E80]  }
0x581: {  	v5 =	vld [tilespmem:s30+$0x8680]  }
0x582: {  	v6 =	vld [tilespmem:s30+$0x10680];
	_ =	sdelay $0x1  }
0x583: {  	s17 =	simm.s32 $0x10;
	s18 =	simm.s32 $0x80  }
0x584: {  	s0 =	sand.u32 $0x70, s17;
	s1 =	sand.u32 $0x1C00, s18  }
0x585: {  	s31 =	sor.u32 s1, s0  }
0x586: {  	v7 =	vmul.f32 v5, v3;
	v8 =	vmul.f32 v6, v4;
	v5 =	vld [tilespmem:s31+$0x8680]  }
0x587: {  	v6 =	vld [tilespmem:s31+$0x10680]  }
0x588: {  	s0 =	simm.s32 $0x20;
	s1 =	simm.s32 $0x100;
	v7 =	vadd.f32 v8, v7  }
.LBB2_108:
0x589: {  	s17 =	sand.u32 $0x70, s0  }
0x58a: {  	s18 =	sand.u32 $0x1C00, s1;
	[tilespmem:s30+$0x18680] =	vst v7;
	s30 =	smov.u32 s31;
	p0 =	sne.s32 s0, $0x3F0  }
.Ltmp53:
0x58b: {  	s0 =	sadd.s32 $0x10, s0;
	s31 =	sor.u32 s18, s17;
	(pc) =	sbr.rel @p0 .LBB2_108-.Ltmp53, $4  }
0x58c: {  	v7 =	vmul.f32 v5, v3;
	v5 =	vld [tilespmem:s31+$0x8680];
	v8 =	vmul.f32 v6, v4  }
0x58d: {  	v6 =	vld [tilespmem:s31+$0x10680]  }
0x58e: {  	v7 =	vadd.f32 v8, v7  }
0x58f: {  	s1 =	sadd.s32 $0x80, s1  }
0x590: {  	_ =	sdelay $0x1  }
0x591: {  	v3 =	vmul.f32 v5, v3;
	v4 =	vmul.f32 v6, v4;
	_ =	sdelay $0x1  }
0x592: {  	v3 =	vadd.f32 v4, v3  }
0x593: {  	[tilespmem:s30+$0x18680] =	vst v7  }
0x594: {  	s0 =	simm.s32 $0x0;
	[tilespmem:s31+$0x18680] =	vst v3  }
0x595: {  	s1 =	sand.u32 $0x70, s0;
	s0 =	sand.u32 $0x1C00, s0;
	v3 =	vld [tilespmem:$0x1F00]  }
0x596: {  	s30 =	sor.u32 s0, s1;
	v4 =	vld [tilespmem:$0x3F00]  }
0x597: {  	v5 =	vld [tilespmem:s30+$0x8700]  }
0x598: {  	v6 =	vld [tilespmem:s30+$0x10700];
	_ =	sdelay $0x1  }
0x599: {  	s17 =	simm.s32 $0x10;
	s18 =	simm.s32 $0x80  }
0x59a: {  	s0 =	sand.u32 $0x70, s17;
	s1 =	sand.u32 $0x1C00, s18  }
0x59b: {  	s31 =	sor.u32 s1, s0  }
0x59c: {  	v7 =	vmul.f32 v5, v3;
	v8 =	vmul.f32 v6, v4;
	v5 =	vld [tilespmem:s31+$0x8700]  }
0x59d: {  	v6 =	vld [tilespmem:s31+$0x10700]  }
0x59e: {  	s0 =	simm.s32 $0x20;
	s1 =	simm.s32 $0x100;
	v7 =	vadd.f32 v8, v7  }
.LBB2_110:
0x59f: {  	s17 =	sand.u32 $0x70, s0  }
0x5a0: {  	s18 =	sand.u32 $0x1C00, s1;
	[tilespmem:s30+$0x18700] =	vst v7;
	s30 =	smov.u32 s31;
	p0 =	sne.s32 s0, $0x3F0  }
.Ltmp54:
0x5a1: {  	s0 =	sadd.s32 $0x10, s0;
	s31 =	sor.u32 s18, s17;
	(pc) =	sbr.rel @p0 .LBB2_110-.Ltmp54, $4  }
0x5a2: {  	v7 =	vmul.f32 v5, v3;
	v5 =	vld [tilespmem:s31+$0x8700];
	v8 =	vmul.f32 v6, v4  }
0x5a3: {  	v6 =	vld [tilespmem:s31+$0x10700]  }
0x5a4: {  	v7 =	vadd.f32 v8, v7  }
0x5a5: {  	s1 =	sadd.s32 $0x80, s1  }
0x5a6: {  	_ =	sdelay $0x1  }
0x5a7: {  	v3 =	vmul.f32 v5, v3;
	v4 =	vmul.f32 v6, v4;
	_ =	sdelay $0x1  }
0x5a8: {  	v3 =	vadd.f32 v4, v3  }
0x5a9: {  	[tilespmem:s30+$0x18700] =	vst v7  }
0x5aa: {  	s0 =	simm.s32 $0x0;
	[tilespmem:s31+$0x18700] =	vst v3  }
0x5ab: {  	s0 =	sor.u32 s0, s0;
	v3 =	vld [tilespmem:$0x1F80]  }
0x5ac: {  	s30 =	sor.u32 $0x380, s0;
	v4 =	vld [tilespmem:$0x3F80]  }
0x5ad: {  	v5 =	vld [tilespmem:s30+$0x8400]  }
0x5ae: {  	v6 =	vld [tilespmem:s30+$0x10400];
	_ =	sdelay $0x1  }
0x5af: {  	s18 =	simm.s32 $0x10;
	s1 =	simm.s32 $0x80  }
0x5b0: {  	s0 =	sor.u32 s1, s18  }
0x5b1: {  	s31 =	sor.u32 $0x380, s0  }
0x5b2: {  	v7 =	vmul.f32 v5, v3;
	v8 =	vmul.f32 v6, v4;
	v5 =	vld [tilespmem:s31+$0x8400]  }
0x5b3: {  	v6 =	vld [tilespmem:s31+$0x10400]  }
0x5b4: {  	v7 =	vadd.f32 v8, v7  }
0x5b5: {  	s1 =	simm.s32 $0x100;
	s0 =	simm.s32 $0x20  }
.LBB2_112:
0x5b6: {  	s17 =	sor.u32 s1, s0;
	[tilespmem:s30+$0x18400] =	vst v7;
	s30 =	smov.u32 s31;
	p0 =	sne.s32 s0, $0x3F0  }
.Ltmp55:
0x5b7: {  	s0 =	sadd.s32 $0x10, s0;
	s31 =	sor.u32 $0x380, s17;
	(pc) =	sbr.rel @p0 .LBB2_112-.Ltmp55, $4  }
0x5b8: {  	v7 =	vmul.f32 v5, v3;
	v5 =	vld [tilespmem:s31+$0x8400];
	v8 =	vmul.f32 v6, v4  }
0x5b9: {  	v6 =	vld [tilespmem:s31+$0x10400]  }
0x5ba: {  	v7 =	vadd.f32 v8, v7  }
0x5bb: {  	s1 =	sadd.s32 $0x80, s1  }
0x5bc: {  	_ =	sdelay $0x1  }
0x5bd: {  	v3 =	vmul.f32 v5, v3;
	v4 =	vmul.f32 v6, v4;
	_ =	sdelay $0x1  }
0x5be: {  	v3 =	vadd.f32 v4, v3  }
0x5bf: {  	[tilespmem:s30+$0x18400] =	vst v7  }
0x5c0: {  	s0 =	simm.s32 $0x0;
	[tilespmem:s31+$0x18400] =	vst v3  }
0x5c1: {  	s1 =	sand.u32 $0x70, s0;
	s0 =	sand.u32 $0x1C00, s0;
	v3 =	vld [tilespmem:$0x2000]  }
0x5c2: {  	s30 =	sor.u32 s0, s1;
	v4 =	vld [tilespmem:$0x4000]  }
0x5c3: {  	v5 =	vld [tilespmem:s30+$0xA400]  }
0x5c4: {  	v6 =	vld [tilespmem:s30+$0x12400];
	_ =	sdelay $0x1  }
0x5c5: {  	s17 =	simm.s32 $0x10;
	s18 =	simm.s32 $0x80  }
0x5c6: {  	s0 =	sand.u32 $0x70, s17;
	s1 =	sand.u32 $0x1C00, s18  }
0x5c7: {  	s31 =	sor.u32 s1, s0  }
0x5c8: {  	v7 =	vmul.f32 v5, v3;
	v8 =	vmul.f32 v6, v4;
	v5 =	vld [tilespmem:s31+$0xA400]  }
0x5c9: {  	v6 =	vld [tilespmem:s31+$0x12400]  }
0x5ca: {  	s0 =	simm.s32 $0x20;
	s1 =	simm.s32 $0x100;
	v7 =	vadd.f32 v8, v7  }
.LBB2_114:
0x5cb: {  	s17 =	sand.u32 $0x70, s0  }
0x5cc: {  	s18 =	sand.u32 $0x1C00, s1;
	[tilespmem:s30+$0x1A400] =	vst v7;
	s30 =	smov.u32 s31;
	p0 =	sne.s32 s0, $0x3F0  }
.Ltmp56:
0x5cd: {  	s0 =	sadd.s32 $0x10, s0;
	s31 =	sor.u32 s18, s17;
	(pc) =	sbr.rel @p0 .LBB2_114-.Ltmp56, $4  }
0x5ce: {  	v7 =	vmul.f32 v5, v3;
	v5 =	vld [tilespmem:s31+$0xA400];
	v8 =	vmul.f32 v6, v4  }
0x5cf: {  	v6 =	vld [tilespmem:s31+$0x12400]  }
0x5d0: {  	v7 =	vadd.f32 v8, v7  }
0x5d1: {  	s1 =	sadd.s32 $0x80, s1  }
0x5d2: {  	_ =	sdelay $0x1  }
0x5d3: {  	v3 =	vmul.f32 v5, v3;
	v4 =	vmul.f32 v6, v4;
	_ =	sdelay $0x1  }
0x5d4: {  	v3 =	vadd.f32 v4, v3  }
0x5d5: {  	[tilespmem:s30+$0x1A400] =	vst v7  }
0x5d6: {  	s0 =	simm.s32 $0x0;
	[tilespmem:s31+$0x1A400] =	vst v3  }
0x5d7: {  	s1 =	sand.u32 $0x70, s0;
	s0 =	sand.u32 $0x1C00, s0;
	v3 =	vld [tilespmem:$0x2080]  }
0x5d8: {  	s30 =	sor.u32 s0, s1;
	v4 =	vld [tilespmem:$0x4080]  }
0x5d9: {  	v5 =	vld [tilespmem:s30+$0xA480]  }
0x5da: {  	v6 =	vld [tilespmem:s30+$0x12480];
	_ =	sdelay $0x1  }
0x5db: {  	s17 =	simm.s32 $0x10;
	s18 =	simm.s32 $0x80  }
0x5dc: {  	s0 =	sand.u32 $0x70, s17;
	s1 =	sand.u32 $0x1C00, s18  }
0x5dd: {  	s31 =	sor.u32 s1, s0  }
0x5de: {  	v7 =	vmul.f32 v5, v3;
	v8 =	vmul.f32 v6, v4;
	v5 =	vld [tilespmem:s31+$0xA480]  }
0x5df: {  	v6 =	vld [tilespmem:s31+$0x12480]  }
0x5e0: {  	s0 =	simm.s32 $0x20;
	s1 =	simm.s32 $0x100;
	v7 =	vadd.f32 v8, v7  }
.LBB2_116:
0x5e1: {  	s17 =	sand.u32 $0x70, s0  }
0x5e2: {  	s18 =	sand.u32 $0x1C00, s1;
	[tilespmem:s30+$0x1A480] =	vst v7;
	s30 =	smov.u32 s31;
	p0 =	sne.s32 s0, $0x3F0  }
.Ltmp57:
0x5e3: {  	s0 =	sadd.s32 $0x10, s0;
	s31 =	sor.u32 s18, s17;
	(pc) =	sbr.rel @p0 .LBB2_116-.Ltmp57, $4  }
0x5e4: {  	v7 =	vmul.f32 v5, v3;
	v5 =	vld [tilespmem:s31+$0xA480];
	v8 =	vmul.f32 v6, v4  }
0x5e5: {  	v6 =	vld [tilespmem:s31+$0x12480]  }
0x5e6: {  	v7 =	vadd.f32 v8, v7  }
0x5e7: {  	s1 =	sadd.s32 $0x80, s1  }
0x5e8: {  	_ =	sdelay $0x1  }
0x5e9: {  	v3 =	vmul.f32 v5, v3;
	v4 =	vmul.f32 v6, v4;
	_ =	sdelay $0x1  }
0x5ea: {  	v3 =	vadd.f32 v4, v3  }
0x5eb: {  	[tilespmem:s30+$0x1A480] =	vst v7  }
0x5ec: {  	s0 =	simm.s32 $0x0;
	[tilespmem:s31+$0x1A480] =	vst v3  }
0x5ed: {  	s1 =	sand.u32 $0x70, s0;
	s0 =	sand.u32 $0x1C00, s0;
	v3 =	vld [tilespmem:$0x2100]  }
0x5ee: {  	s30 =	sor.u32 s0, s1;
	v4 =	vld [tilespmem:$0x4100]  }
0x5ef: {  	v5 =	vld [tilespmem:s30+$0xA500]  }
0x5f0: {  	v6 =	vld [tilespmem:s30+$0x12500];
	_ =	sdelay $0x1  }
0x5f1: {  	s17 =	simm.s32 $0x10;
	s18 =	simm.s32 $0x80  }
0x5f2: {  	s0 =	sand.u32 $0x70, s17;
	s1 =	sand.u32 $0x1C00, s18  }
0x5f3: {  	s31 =	sor.u32 s1, s0  }
0x5f4: {  	v7 =	vmul.f32 v5, v3;
	v8 =	vmul.f32 v6, v4;
	v5 =	vld [tilespmem:s31+$0xA500]  }
0x5f5: {  	v6 =	vld [tilespmem:s31+$0x12500]  }
0x5f6: {  	s0 =	simm.s32 $0x20;
	s1 =	simm.s32 $0x100;
	v7 =	vadd.f32 v8, v7  }
.LBB2_118:
0x5f7: {  	s17 =	sand.u32 $0x70, s0  }
0x5f8: {  	s18 =	sand.u32 $0x1C00, s1;
	[tilespmem:s30+$0x1A500] =	vst v7;
	s30 =	smov.u32 s31;
	p0 =	sne.s32 s0, $0x3F0  }
.Ltmp58:
0x5f9: {  	s0 =	sadd.s32 $0x10, s0;
	s31 =	sor.u32 s18, s17;
	(pc) =	sbr.rel @p0 .LBB2_118-.Ltmp58, $4  }
0x5fa: {  	v7 =	vmul.f32 v5, v3;
	v5 =	vld [tilespmem:s31+$0xA500];
	v8 =	vmul.f32 v6, v4  }
0x5fb: {  	v6 =	vld [tilespmem:s31+$0x12500]  }
0x5fc: {  	v7 =	vadd.f32 v8, v7  }
0x5fd: {  	s1 =	sadd.s32 $0x80, s1  }
0x5fe: {  	_ =	sdelay $0x1  }
0x5ff: {  	v3 =	vmul.f32 v5, v3;
	v4 =	vmul.f32 v6, v4;
	_ =	sdelay $0x1  }
0x600: {  	v3 =	vadd.f32 v4, v3  }
0x601: {  	[tilespmem:s30+$0x1A500] =	vst v7  }
0x602: {  	s0 =	simm.s32 $0x0;
	[tilespmem:s31+$0x1A500] =	vst v3  }
0x603: {  	s1 =	sand.u32 $0x70, s0;
	s0 =	sand.u32 $0x1C00, s0;
	v3 =	vld [tilespmem:$0x2180]  }
0x604: {  	s30 =	sor.u32 s0, s1;
	v4 =	vld [tilespmem:$0x4180]  }
0x605: {  	v5 =	vld [tilespmem:s30+$0xA580]  }
0x606: {  	v6 =	vld [tilespmem:s30+$0x12580];
	_ =	sdelay $0x1  }
0x607: {  	s17 =	simm.s32 $0x10;
	s18 =	simm.s32 $0x80  }
0x608: {  	s0 =	sand.u32 $0x70, s17;
	s1 =	sand.u32 $0x1C00, s18  }
0x609: {  	s31 =	sor.u32 s1, s0  }
0x60a: {  	v7 =	vmul.f32 v5, v3;
	v8 =	vmul.f32 v6, v4;
	v5 =	vld [tilespmem:s31+$0xA580]  }
0x60b: {  	v6 =	vld [tilespmem:s31+$0x12580]  }
0x60c: {  	s0 =	simm.s32 $0x20;
	s1 =	simm.s32 $0x100;
	v7 =	vadd.f32 v8, v7  }
.LBB2_120:
0x60d: {  	s17 =	sand.u32 $0x70, s0  }
0x60e: {  	s18 =	sand.u32 $0x1C00, s1;
	[tilespmem:s30+$0x1A580] =	vst v7;
	s30 =	smov.u32 s31;
	p0 =	sne.s32 s0, $0x3F0  }
.Ltmp59:
0x60f: {  	s0 =	sadd.s32 $0x10, s0;
	s31 =	sor.u32 s18, s17;
	(pc) =	sbr.rel @p0 .LBB2_120-.Ltmp59, $4  }
0x610: {  	v7 =	vmul.f32 v5, v3;
	v5 =	vld [tilespmem:s31+$0xA580];
	v8 =	vmul.f32 v6, v4  }
0x611: {  	v6 =	vld [tilespmem:s31+$0x12580]  }
0x612: {  	v7 =	vadd.f32 v8, v7  }
0x613: {  	s1 =	sadd.s32 $0x80, s1  }
0x614: {  	_ =	sdelay $0x1  }
0x615: {  	v3 =	vmul.f32 v5, v3;
	v4 =	vmul.f32 v6, v4;
	_ =	sdelay $0x1  }
0x616: {  	v3 =	vadd.f32 v4, v3  }
0x617: {  	[tilespmem:s30+$0x1A580] =	vst v7  }
0x618: {  	s0 =	simm.s32 $0x0;
	[tilespmem:s31+$0x1A580] =	vst v3  }
0x619: {  	s1 =	sand.u32 $0x70, s0;
	s0 =	sand.u32 $0x1C00, s0;
	v3 =	vld [tilespmem:$0x2200]  }
0x61a: {  	s30 =	sor.u32 s0, s1;
	v4 =	vld [tilespmem:$0x4200]  }
0x61b: {  	v5 =	vld [tilespmem:s30+$0xA600]  }
0x61c: {  	v6 =	vld [tilespmem:s30+$0x12600];
	_ =	sdelay $0x1  }
0x61d: {  	s17 =	simm.s32 $0x10;
	s18 =	simm.s32 $0x80  }
0x61e: {  	s0 =	sand.u32 $0x70, s17;
	s1 =	sand.u32 $0x1C00, s18  }
0x61f: {  	s31 =	sor.u32 s1, s0  }
0x620: {  	v7 =	vmul.f32 v5, v3;
	v8 =	vmul.f32 v6, v4;
	v5 =	vld [tilespmem:s31+$0xA600]  }
0x621: {  	v6 =	vld [tilespmem:s31+$0x12600]  }
0x622: {  	s0 =	simm.s32 $0x20;
	s1 =	simm.s32 $0x100;
	v7 =	vadd.f32 v8, v7  }
.LBB2_122:
0x623: {  	s17 =	sand.u32 $0x70, s0  }
0x624: {  	s18 =	sand.u32 $0x1C00, s1;
	[tilespmem:s30+$0x1A600] =	vst v7;
	s30 =	smov.u32 s31;
	p0 =	sne.s32 s0, $0x3F0  }
.Ltmp60:
0x625: {  	s0 =	sadd.s32 $0x10, s0;
	s31 =	sor.u32 s18, s17;
	(pc) =	sbr.rel @p0 .LBB2_122-.Ltmp60, $4  }
0x626: {  	v7 =	vmul.f32 v5, v3;
	v5 =	vld [tilespmem:s31+$0xA600];
	v8 =	vmul.f32 v6, v4  }
0x627: {  	v6 =	vld [tilespmem:s31+$0x12600]  }
0x628: {  	v7 =	vadd.f32 v8, v7  }
0x629: {  	s1 =	sadd.s32 $0x80, s1  }
0x62a: {  	_ =	sdelay $0x1  }
0x62b: {  	v3 =	vmul.f32 v5, v3;
	v4 =	vmul.f32 v6, v4;
	_ =	sdelay $0x1  }
0x62c: {  	v3 =	vadd.f32 v4, v3  }
0x62d: {  	[tilespmem:s30+$0x1A600] =	vst v7  }
0x62e: {  	s0 =	simm.s32 $0x0;
	[tilespmem:s31+$0x1A600] =	vst v3  }
0x62f: {  	s1 =	sand.u32 $0x70, s0;
	s0 =	sand.u32 $0x1C00, s0;
	v3 =	vld [tilespmem:$0x2280]  }
0x630: {  	s30 =	sor.u32 s0, s1;
	v4 =	vld [tilespmem:$0x4280]  }
0x631: {  	v5 =	vld [tilespmem:s30+$0xA680]  }
0x632: {  	v6 =	vld [tilespmem:s30+$0x12680];
	_ =	sdelay $0x1  }
0x633: {  	s17 =	simm.s32 $0x10;
	s18 =	simm.s32 $0x80  }
0x634: {  	s0 =	sand.u32 $0x70, s17;
	s1 =	sand.u32 $0x1C00, s18  }
0x635: {  	s31 =	sor.u32 s1, s0  }
0x636: {  	v7 =	vmul.f32 v5, v3;
	v8 =	vmul.f32 v6, v4;
	v5 =	vld [tilespmem:s31+$0xA680]  }
0x637: {  	v6 =	vld [tilespmem:s31+$0x12680]  }
0x638: {  	s0 =	simm.s32 $0x20;
	s1 =	simm.s32 $0x100;
	v7 =	vadd.f32 v8, v7  }
.LBB2_124:
0x639: {  	s17 =	sand.u32 $0x70, s0  }
0x63a: {  	s18 =	sand.u32 $0x1C00, s1;
	[tilespmem:s30+$0x1A680] =	vst v7;
	s30 =	smov.u32 s31;
	p0 =	sne.s32 s0, $0x3F0  }
.Ltmp61:
0x63b: {  	s0 =	sadd.s32 $0x10, s0;
	s31 =	sor.u32 s18, s17;
	(pc) =	sbr.rel @p0 .LBB2_124-.Ltmp61, $4  }
0x63c: {  	v7 =	vmul.f32 v5, v3;
	v5 =	vld [tilespmem:s31+$0xA680];
	v8 =	vmul.f32 v6, v4  }
0x63d: {  	v6 =	vld [tilespmem:s31+$0x12680]  }
0x63e: {  	v7 =	vadd.f32 v8, v7  }
0x63f: {  	s1 =	sadd.s32 $0x80, s1  }
0x640: {  	_ =	sdelay $0x1  }
0x641: {  	v3 =	vmul.f32 v5, v3;
	v4 =	vmul.f32 v6, v4;
	_ =	sdelay $0x1  }
0x642: {  	v3 =	vadd.f32 v4, v3  }
0x643: {  	[tilespmem:s30+$0x1A680] =	vst v7  }
0x644: {  	s0 =	simm.s32 $0x0;
	[tilespmem:s31+$0x1A680] =	vst v3  }
0x645: {  	s1 =	sand.u32 $0x70, s0;
	s0 =	sand.u32 $0x1C00, s0;
	v3 =	vld [tilespmem:$0x2300]  }
0x646: {  	s30 =	sor.u32 s0, s1;
	v4 =	vld [tilespmem:$0x4300]  }
0x647: {  	v5 =	vld [tilespmem:s30+$0xA700]  }
0x648: {  	v6 =	vld [tilespmem:s30+$0x12700];
	_ =	sdelay $0x1  }
0x649: {  	s17 =	simm.s32 $0x10;
	s18 =	simm.s32 $0x80  }
0x64a: {  	s0 =	sand.u32 $0x70, s17;
	s1 =	sand.u32 $0x1C00, s18  }
0x64b: {  	s31 =	sor.u32 s1, s0  }
0x64c: {  	v7 =	vmul.f32 v5, v3;
	v8 =	vmul.f32 v6, v4;
	v5 =	vld [tilespmem:s31+$0xA700]  }
0x64d: {  	v6 =	vld [tilespmem:s31+$0x12700]  }
0x64e: {  	s0 =	simm.s32 $0x20;
	s1 =	simm.s32 $0x100;
	v7 =	vadd.f32 v8, v7  }
.LBB2_126:
0x64f: {  	s17 =	sand.u32 $0x70, s0  }
0x650: {  	s18 =	sand.u32 $0x1C00, s1;
	[tilespmem:s30+$0x1A700] =	vst v7;
	s30 =	smov.u32 s31;
	p0 =	sne.s32 s0, $0x3F0  }
.Ltmp62:
0x651: {  	s0 =	sadd.s32 $0x10, s0;
	s31 =	sor.u32 s18, s17;
	(pc) =	sbr.rel @p0 .LBB2_126-.Ltmp62, $4  }
0x652: {  	v7 =	vmul.f32 v5, v3;
	v5 =	vld [tilespmem:s31+$0xA700];
	v8 =	vmul.f32 v6, v4  }
0x653: {  	v6 =	vld [tilespmem:s31+$0x12700]  }
0x654: {  	v7 =	vadd.f32 v8, v7  }
0x655: {  	s1 =	sadd.s32 $0x80, s1  }
0x656: {  	_ =	sdelay $0x1  }
0x657: {  	v3 =	vmul.f32 v5, v3;
	v4 =	vmul.f32 v6, v4;
	_ =	sdelay $0x1  }
0x658: {  	v3 =	vadd.f32 v4, v3  }
0x659: {  	[tilespmem:s30+$0x1A700] =	vst v7  }
0x65a: {  	s0 =	simm.s32 $0x0;
	[tilespmem:s31+$0x1A700] =	vst v3  }
0x65b: {  	s0 =	sor.u32 s0, s0;
	v3 =	vld [tilespmem:$0x2380]  }
0x65c: {  	s30 =	sor.u32 $0x2380, s0;
	v4 =	vld [tilespmem:$0x4380]  }
0x65d: {  	v5 =	vld [tilespmem:s30+$0x8400]  }
0x65e: {  	v6 =	vld [tilespmem:s30+$0x10400];
	_ =	sdelay $0x1  }
0x65f: {  	s18 =	simm.s32 $0x10;
	s1 =	simm.s32 $0x80  }
0x660: {  	s0 =	sor.u32 s1, s18  }
0x661: {  	s31 =	sor.u32 $0x2380, s0  }
0x662: {  	v7 =	vmul.f32 v5, v3;
	v8 =	vmul.f32 v6, v4;
	v5 =	vld [tilespmem:s31+$0x8400]  }
0x663: {  	v6 =	vld [tilespmem:s31+$0x10400]  }
0x664: {  	v7 =	vadd.f32 v8, v7  }
0x665: {  	s1 =	simm.s32 $0x100;
	s0 =	simm.s32 $0x20  }
.LBB2_128:
0x666: {  	s17 =	sor.u32 s1, s0;
	[tilespmem:s30+$0x18400] =	vst v7;
	s30 =	smov.u32 s31;
	p0 =	sne.s32 s0, $0x3F0  }
.Ltmp63:
0x667: {  	s0 =	sadd.s32 $0x10, s0;
	s31 =	sor.u32 $0x2380, s17;
	(pc) =	sbr.rel @p0 .LBB2_128-.Ltmp63, $4  }
0x668: {  	v7 =	vmul.f32 v5, v3;
	v5 =	vld [tilespmem:s31+$0x8400];
	v8 =	vmul.f32 v6, v4  }
0x669: {  	v6 =	vld [tilespmem:s31+$0x10400]  }
0x66a: {  	v7 =	vadd.f32 v8, v7  }
0x66b: {  	s1 =	sadd.s32 $0x80, s1  }
0x66c: {  	_ =	sdelay $0x1  }
0x66d: {  	v3 =	vmul.f32 v5, v3;
	v4 =	vmul.f32 v6, v4;
	_ =	sdelay $0x1  }
0x66e: {  	v3 =	vadd.f32 v4, v3  }
0x66f: {  	[tilespmem:s30+$0x18400] =	vst v7  }
0x670: {  	s29 =	sadd.s32 $0x1, s29;
	[tilespmem:s31+$0x18400] =	vst v3  }
0x671: {  	[hbm4b:s14+s2] =	stream.linear.scatter [tilespmem:s25], [sflag:$0x4], $0x4000, $0x38;
	[tilespmem:$0x1C400] =	vst v63  }
0x672: {  	p0 =	sne.s32 s29, s15;
	_ =	swait.ge [sflag:s26], $0x4000  }
.Ltmp64:
0x673: {  	[sflag:s26] =	ssyncset.done $0x0;
	(pc) =	sbr.rel @p0 .LBB2_1-.Ltmp64, $4  }
0x674: {  	[sflag:s26] =	ssyncadd.s32 $0xFFFFC000  }
0x675: {  	_ =	swait.ge [sflag:s28], $0x4000  }
0x676: {  	[sflag:s28] =	ssyncset.done $0x0  }
0x677: {  	[sflag:s28] =	ssyncadd.s32 $0xFFFFC000  }
0x678: {  	_ =	sfence.sel $0x180000  }
0x679: {  	[bflag:$0x0] =	sbarrier.arrive $0xFFFF  }
0x67a: {  	_ =	strace $0x9000004A  }
0x67b: {  	s0 =	stileid.u32;
	[bflag:$0x2] =	sbarrier.arrive $0xFFFF  }
0x67c: {  	p0 =	sne.s32 s0, $0x0;
	s0 =	rddreg [dreg:$0x2]  }
0x67d: {  	s0 =	sadd.s32 @!p0 $0x100000, s0  }
0x67e: {  	[sflag:s0] =	ssyncadd.tile.s32 @!p0 $0x1;
	_ =	shalt  }
.Lfunc_end2:
_tile_overlayer_lowered:
.L_overlay_start_2:
0x67f: {  	(tag) =	ssettag $0x2  }
0x680: {  	s0 =	rddreg [dreg:$0x0];
	s2 =	stileid.u32  }
0x681: {  	s1 =	rddreg [dreg:$0x1];
	p0 =	sne.s32 s2, $0x0  }
0x682: {  	s3 =	rddreg [dreg:$0x2];
	[bflag:$0x3] =	sbarrier.arrive $0xFFFF;
	s2 =	simm.s32 @!p0 $0x1C05  }
0x683: {  	[timem:s3], [sflag:s2] =	dma.local @!p0 [hbm:s0], s1  }
0x684: {  	s0 =	simm.s32 @!p0 $0x5  }
0x685: {  	_ =	swait.ge @!p0 [sflag:s0], s1  }
0x686: {  	s1 =	ssub.s32 @!p0 $0x0, s1;
	[sflag:s0] =	ssyncset.done @!p0 $0x0  }
0x687: {  	[sflag:s0] =	ssyncadd.s32 @!p0 s1  }
0x688: {  	[bflag:$0x3] =	sbarrier.arrive $0xFFFF  }
0x689: {  	_ =	shalt  }

</sc_bundles>
